<compile_context>
chip_gen: v7x
topology: tpu7x:2x2x1
jax: 0.10.2.dev20260603
libtpu: 0.0.44.dev20260713+nightly
codegen_flags: <defaults>
</compile_context>

<pallas_src>
import jax
import jax.numpy as jnp
from jax import lax
from jax.experimental import pallas as pl
from jax.experimental.pallas import tpu as pltpu
from jax.experimental.pallas import tpu_sc as plsc

L_SEQ, B_SZ = 200, 1024
NC, NS = 2, 16
NW = NC * NS
CHUNK = 128
NBB = B_SZ // CHUNK
NCH = L_SEQ * NBB // NW
WIDTHS = (64, 64, 32, 32, 32, 32, 32)
COLS = (0, 64, 128, 160, 192, 224, 256)
OUT_D = 288
NT = 7
NFT = OUT_D // 8


def _body(*refs):
    tables = refs[0:NT]
    idx_hbm = refs[NT:2 * NT]
    out = refs[2 * NT]
    p = 2 * NT + 1
    idxb = (refs[p:p + NT], refs[p + NT:p + 2 * NT])
    p += 2 * NT
    rows = (refs[p:p + NT], refs[p + NT:p + 2 * NT])
    p += 2 * NT
    tbufs = refs[p:p + NT]
    p += NT
    sem_g = (refs[p], refs[p + 1])
    sem_w = refs[p + 2]

    wid = lax.axis_index("s") * NC + lax.axis_index("c")
    l0 = (wid // NBB) * NCH
    bt = wid % NBB
    b0 = bt * CHUNK

    lane = jax.lax.broadcasted_iota(jnp.int32, (16,), 0)
    ftv = [(c * 16 + lane) // 8 for c in range(4)]
    fsv = [(c * 16 + lane) % 8 for c in range(4)]

    def load_idx(chunk, par):
        for t in range(NT):
            pltpu.sync_copy(idx_hbm[t].at[l0 + chunk, pl.ds(b0, CHUNK)],
                            idxb[par][t])

    def fire_gathers(par):
        for t in range(NT):
            pltpu.async_copy(tables[t].at[idxb[par][t]], rows[par][t],
                             sem_g[par])

    def wait_gathers(par):
        for t in range(NT):
            pltpu.make_async_copy(tables[t].at[idxb[par][t]], rows[par][t],
                                  sem_g[par]).wait()

    def transpose_t(t, par):
        src = rows[par][t]
        dst = tbufs[t]
        ncg = WIDTHS[t] // 16

        def tok_body(i, tokvec):
            for u in range(2):
                tok = i * 2 + u
                tv = tokvec + u
                for c in range(ncg):
                    v = src[tok, pl.ds(c * 16, 16)]
                    plsc.store_scatter(dst, [ftv[c], fsv[c], tv], v)
            return tokvec + 2

        lax.fori_loop(0, CHUNK // 2, tok_body, jnp.zeros((16,), jnp.int32))

    def fire_writes(chunk):
        for t in range(NT):
            pltpu.async_copy(
                tbufs[t].at[slice(None), slice(None), pl.ds(0, 128)],
                out.at[l0 + chunk, pl.ds(COLS[t] // 8, WIDTHS[t] // 8), bt],
                sem_w)

    def wait_writes():
        for t in range(NT):
            pltpu.make_async_copy(
                tbufs[t].at[slice(None), slice(None), pl.ds(0, 128)],
                out.at[l0, pl.ds(COLS[t] // 8, WIDTHS[t] // 8), bt],
                sem_w).wait()

    load_idx(0, 0)
    fire_gathers(0)
    load_idx(1, 1)

    n_iter = NCH // 2


    def body(j, carry):
        a = 2 * j
        wait_gathers(0)
        fire_gathers(1)

        @pl.when(j > 0)
        def _():
            wait_writes()

        for t in range(NT):
            transpose_t(t, 0)
        fire_writes(a)

        wait_gathers(1)

        @pl.when(j < n_iter - 1)
        def _():
            load_idx(a + 2, 0)
            fire_gathers(0)
            load_idx(a + 3, 1)

        wait_writes()
        for t in range(NT):
            transpose_t(t, 1)
        fire_writes(a + 1)
        return carry

    lax.fori_loop(0, n_iter, body, 0)
    wait_writes()


def kernel(attribute_key, attribute_word, attribute_word_local_fw_pos,
           attribute_word_local_bw_pos, attribute_kv_pos, attribute_kw_pos,
           attribute_word_tag, field_key_table, field_word_table,
           local_pos_fw_table, local_pos_bw_table, kv_pos_table,
           kw_pos_table, field_tag_table):
    field_word_table = jnp.pad(field_word_table, ((0, 0), (0, 64)))
    tables = (field_word_table, field_key_table, local_pos_fw_table,
              local_pos_bw_table, kv_pos_table, kw_pos_table, field_tag_table)
    idxs = (attribute_word, attribute_key, attribute_word_local_fw_pos,
            attribute_word_local_bw_pos, attribute_kv_pos,
            attribute_kw_pos, attribute_word_tag)

    mesh = plsc.VectorSubcoreMesh(core_axis_name="c", subcore_axis_name="s")
    scratch = (
        [pltpu.VMEM((CHUNK,), jnp.int32) for _ in range(2 * NT)]
        + [pltpu.VMEM((CHUNK, 128 if i == 0 else w), jnp.float32)
           for i, w in enumerate(WIDTHS)]
        + [pltpu.VMEM((CHUNK, 128 if i == 0 else w), jnp.float32)
           for i, w in enumerate(WIDTHS)]
        + [pltpu.VMEM((w // 8, 8, 129), jnp.float32) for w in WIDTHS]
        + [pltpu.SemaphoreType.DMA for _ in range(3)]
    )
    out5 = pl.kernel(
        _body,
        out_type=jax.ShapeDtypeStruct((L_SEQ, NFT, NBB, 8, 128), jnp.float32),
        mesh=mesh,
        scratch_types=scratch,
        compiler_params=pltpu.CompilerParams(use_tc_tiling_on_sc=False,
                                             needs_layout_passes=False),
    )(*tables, *idxs)
    return out5.transpose(0, 2, 4, 1, 3).reshape(L_SEQ, B_SZ, OUT_D)

# --- scband reference (transcript-rebuilt; emitter-appended) ---
"""Pipeline reference for scband-infobox-table-encoder-34351148434170 (READ-ONLY COPY).

The authoritative reference and input builder live on the scoring server;
editing this copy changes nothing except your own understanding.
"""

import jax, jax.numpy as jnp
import numpy as np

L, B = 200, 1024
FIELD_VOCAB = 100000
WORD_VOCAB = 1000000
KEY_DIM = 64
EMBED = 64
POS_DIM = 32
MAX_INTRA = 50
MAX_KV = 200
MAX_KW = 200
TAG_VOCAB = 50
TAG_DIM = 32


def setup_inputs(seed: int = 0) -> dict:
    key = jax.random.key(seed)
    ks = jax.random.split(key, 14)
    inp = {}
    inp['attribute_key'] = jax.random.randint(ks[0], (L, B), 0, FIELD_VOCAB, dtype=jnp.int32)
    inp['attribute_word'] = jax.random.randint(ks[1], (L, B), 0, WORD_VOCAB, dtype=jnp.int32)
    inp['attribute_word_local_fw_pos'] = jax.random.randint(ks[2], (L, B), 0, MAX_INTRA, dtype=jnp.int32)
    inp['attribute_word_local_bw_pos'] = jax.random.randint(ks[3], (L, B), 0, MAX_INTRA, dtype=jnp.int32)
    inp['attribute_kv_pos'] = jax.random.randint(ks[4], (L, B), 0, MAX_KV, dtype=jnp.int32)
    inp['attribute_kw_pos'] = jax.random.randint(ks[5], (L, B), 0, MAX_KW, dtype=jnp.int32)
    inp['attribute_word_tag'] = jax.random.randint(ks[6], (L, B), 0, TAG_VOCAB, dtype=jnp.int32)
    inp['field_key_table'] = jax.random.normal(ks[7], (FIELD_VOCAB, KEY_DIM), dtype=jnp.float32) * 0.02
    inp['field_word_table'] = jax.random.normal(ks[8], (WORD_VOCAB, EMBED), dtype=jnp.float32) * 0.02
    inp['local_pos_fw_table'] = jax.random.normal(ks[9], (MAX_INTRA, POS_DIM), dtype=jnp.float32) * 0.02
    inp['local_pos_bw_table'] = jax.random.normal(ks[10], (MAX_INTRA, POS_DIM), dtype=jnp.float32) * 0.02
    inp['kv_pos_table'] = jax.random.normal(ks[11], (MAX_KV, POS_DIM), dtype=jnp.float32) * 0.02
    inp['kw_pos_table'] = jax.random.normal(ks[12], (MAX_KW, POS_DIM), dtype=jnp.float32) * 0.02
    inp['field_tag_table'] = jax.random.normal(ks[13], (TAG_VOCAB, TAG_DIM), dtype=jnp.float32) * 0.02
    return inp


def reference(attribute_key, attribute_word, attribute_word_local_fw_pos,
              attribute_word_local_bw_pos, attribute_kv_pos, attribute_kw_pos,
              attribute_word_tag, field_key_table, field_word_table,
              local_pos_fw_table, local_pos_bw_table, kv_pos_table,
              kw_pos_table, field_tag_table):
    # _represent_infobox: pure embedding lookups (char encoders disabled,
    # dual_field_word_embedding=False, field_tag_usage='general')
    field_key = jnp.take(field_key_table, attribute_key, axis=0)            # [L,B,64]
    field_word = jnp.take(field_word_table, attribute_word, axis=0)         # [L,B,64]
    field_pos_st = jnp.take(local_pos_fw_table, attribute_word_local_fw_pos, axis=0)
    field_pos_ed = jnp.take(local_pos_bw_table, attribute_word_local_bw_pos, axis=0)
    field_kv_pos = jnp.take(kv_pos_table, attribute_kv_pos, axis=0)
    field_kw_pos = jnp.take(kw_pos_table, attribute_kw_pos, axis=0)
    field_pos = jnp.concatenate([field_pos_st, field_pos_ed, field_kv_pos, field_kw_pos], axis=-1)  # [L,B,128]
    field_tag = jnp.take(field_tag_table, attribute_word_tag, axis=0)       # [L,B,32]
    # Full table-token representation fed to the downstream encoder:
    # [field_word | field_key | field_pos | field_tag]
    field_repr = jnp.concatenate([field_word, field_key, field_pos, field_tag], axis=-1)  # [L,B,288]
    return field_repr

if __name__ == "__main__":
    import jax
    _d = setup_inputs()
    print(jax.jit(kernel)(*tuple(_d.values())))

</pallas_src>

<mosaic_0001>
#map = affine_map<(d0, d1) -> (0, 0)>
#map1 = affine_map<(d0, d1) -> (0, 0, 0, 0, 0)>
module attributes {stable_mosaic.version = 14 : i64} {
  func.func @_body(%arg0: i32, %arg1: i32, %arg2: memref<1000000x128xf32, #tpu.memory_space<hbm>>, %arg3: memref<100000x64xf32, #tpu.memory_space<hbm>>, %arg4: memref<50x32xf32, #tpu.memory_space<hbm>>, %arg5: memref<50x32xf32, #tpu.memory_space<hbm>>, %arg6: memref<200x32xf32, #tpu.memory_space<hbm>>, %arg7: memref<200x32xf32, #tpu.memory_space<hbm>>, %arg8: memref<50x32xf32, #tpu.memory_space<hbm>>, %arg9: memref<200x1024xi32, #tpu.memory_space<hbm>>, %arg10: memref<200x1024xi32, #tpu.memory_space<hbm>>, %arg11: memref<200x1024xi32, #tpu.memory_space<hbm>>, %arg12: memref<200x1024xi32, #tpu.memory_space<hbm>>, %arg13: memref<200x1024xi32, #tpu.memory_space<hbm>>, %arg14: memref<200x1024xi32, #tpu.memory_space<hbm>>, %arg15: memref<200x1024xi32, #tpu.memory_space<hbm>>, %arg16: memref<200x36x8x8x128xf32, #tpu.memory_space<hbm>>, %arg17: memref<128xi32, #tpu.memory_space<vmem>>, %arg18: memref<128xi32, #tpu.memory_space<vmem>>, %arg19: memref<128xi32, #tpu.memory_space<vmem>>, %arg20: memref<128xi32, #tpu.memory_space<vmem>>, %arg21: memref<128xi32, #tpu.memory_space<vmem>>, %arg22: memref<128xi32, #tpu.memory_space<vmem>>, %arg23: memref<128xi32, #tpu.memory_space<vmem>>, %arg24: memref<128xi32, #tpu.memory_space<vmem>>, %arg25: memref<128xi32, #tpu.memory_space<vmem>>, %arg26: memref<128xi32, #tpu.memory_space<vmem>>, %arg27: memref<128xi32, #tpu.memory_space<vmem>>, %arg28: memref<128xi32, #tpu.memory_space<vmem>>, %arg29: memref<128xi32, #tpu.memory_space<vmem>>, %arg30: memref<128xi32, #tpu.memory_space<vmem>>, %arg31: memref<128x128xf32, #tpu.memory_space<vmem>>, %arg32: memref<128x64xf32, #tpu.memory_space<vmem>>, %arg33: memref<128x32xf32, #tpu.memory_space<vmem>>, %arg34: memref<128x32xf32, #tpu.memory_space<vmem>>, %arg35: memref<128x32xf32, #tpu.memory_space<vmem>>, %arg36: memref<128x32xf32, #tpu.memory_space<vmem>>, %arg37: memref<128x32xf32, #tpu.memory_space<vmem>>, %arg38: memref<128x128xf32, #tpu.memory_space<vmem>>, %arg39: memref<128x64xf32, #tpu.memory_space<vmem>>, %arg40: memref<128x32xf32, #tpu.memory_space<vmem>>, %arg41: memref<128x32xf32, #tpu.memory_space<vmem>>, %arg42: memref<128x32xf32, #tpu.memory_space<vmem>>, %arg43: memref<128x32xf32, #tpu.memory_space<vmem>>, %arg44: memref<128x32xf32, #tpu.memory_space<vmem>>, %arg45: memref<8x8x129xf32, #tpu.memory_space<vmem>>, %arg46: memref<8x8x129xf32, #tpu.memory_space<vmem>>, %arg47: memref<4x8x129xf32, #tpu.memory_space<vmem>>, %arg48: memref<4x8x129xf32, #tpu.memory_space<vmem>>, %arg49: memref<4x8x129xf32, #tpu.memory_space<vmem>>, %arg50: memref<4x8x129xf32, #tpu.memory_space<vmem>>, %arg51: memref<4x8x129xf32, #tpu.memory_space<vmem>>, %arg52: memref<!tpu.dma_semaphore, #tpu.memory_space<semaphore_mem>>, %arg53: memref<!tpu.dma_semaphore, #tpu.memory_space<semaphore_mem>>, %arg54: memref<!tpu.dma_semaphore, #tpu.memory_space<semaphore_mem>>) attributes {dimension_semantics = [#tpu.dimension_semantics<core_parallel>, #tpu.dimension_semantics<subcore_parallel>], iteration_bounds = array<i64: 2, 16>, scalar_prefetch = 0 : i64, scratch_operands = 38 : i64, tpu.core_type = #tpu.core_type<sc_vector_subcore>, window_params = [{transform_indices = #map}, {transform_indices = #map}, {transform_indices = #map}, {transform_indices = #map}, {transform_indices = #map}, {transform_indices = #map}, {transform_indices = #map}, {transform_indices = #map}, {transform_indices = #map}, {transform_indices = #map}, {transform_indices = #map}, {transform_indices = #map}, {transform_indices = #map}, {transform_indices = #map}, {transform_indices = #map1}]} {
    %mul3A = arith.constant 2 : i32
    %mul3A_0 = arith.muli %arg1, %mul3A : i32
    %add3A = arith.addi %mul3A_0, %arg0 : i32
    %jit3A = arith.constant 8 : i32
    %div3A = arith.divsi %add3A, %jit3A : i32
    %sign3A = arith.constant 0 : i32
    %sign3A_1 = arith.cmpi sgt, %add3A, %sign3A : i32
    %sign3A_2 = arith.extui %sign3A_1 : i1 to i32
    %sign3A_3 = arith.constant 0 : i32
    %sign3A_4 = arith.cmpi slt, %add3A, %sign3A_3 : i32
    %sign3A_5 = arith.extui %sign3A_4 : i1 to i32
    %sign3A_6 = arith.subi %sign3A_2, %sign3A_5 : i32
    %sign3A_7 = arith.constant 0 : i32
    %sign3A_8 = arith.cmpi sgt, %jit3A, %sign3A_7 : i32
    %sign3A_9 = arith.extui %sign3A_8 : i1 to i32
    %sign3A_10 = arith.constant 0 : i32
    %sign3A_11 = arith.cmpi slt, %jit3A, %sign3A_10 : i32
    %sign3A_12 = arith.extui %sign3A_11 : i1 to i32
    %sign3A_13 = arith.subi %sign3A_9, %sign3A_12 : i32
    %ne3A = arith.cmpi ne, %sign3A_6, %sign3A_13 : i32
    %rem3A = arith.remsi %add3A, %jit3A : i32
    %ne3A_14 = arith.constant 0 : i32
    %ne3A_15 = arith.cmpi ne, %rem3A, %ne3A_14 : i32
    %and3A = arith.andi %ne3A, %ne3A_15 : i1
    %sub3A = arith.constant 1 : i32
    %sub3A_16 = arith.subi %div3A, %sub3A : i32
    %select_n3A = arith.select %and3A, %sub3A_16, %div3A : i32
    %mul3A_17 = arith.constant 50 : i32
    %mul3A_18 = arith.muli %select_n3A, %mul3A_17 : i32
    %jit3A_19 = arith.constant 8 : i32
    %eq3A = arith.constant 0 : i32
    %eq3A_20 = arith.cmpi eq, %jit3A_19, %eq3A : i32
    %jit3A_21 = arith.constant 1 : i32
    %select_n3A_22 = arith.select %eq3A_20, %jit3A_21, %jit3A_19 : i32
    %rem3A_23 = arith.remsi %add3A, %select_n3A_22 : i32
    %ne3A_24 = arith.constant 0 : i32
    %ne3A_25 = arith.cmpi ne, %rem3A_23, %ne3A_24 : i32
    %lt3A = arith.constant 0 : i32
    %lt3A_26 = arith.cmpi slt, %rem3A_23, %lt3A : i32
    %lt3A_27 = arith.constant 0 : i32
    %lt3A_28 = arith.cmpi slt, %select_n3A_22, %lt3A_27 : i32
    %ne3A_29 = arith.xori %lt3A_26, %lt3A_28 : i1
    %and3A_30 = arith.andi %ne3A_29, %ne3A_25 : i1
    %add3A_31 = arith.addi %rem3A_23, %select_n3A_22 : i32
    %select_n3A_32 = arith.select %and3A_30, %add3A_31, %rem3A_23 : i32
    %mul3A_33 = arith.constant 128 : i32
    %mul3A_34 = arith.muli %select_n3A_32, %mul3A_33 : i32
    %iota3A = tpu.iota {dimensions = array<i32: 0>} : vector<16xi32>
    %add3A_35 = arith.constant 0 : i32
    %add3A_36 = vector.broadcast %add3A_35 : i32 to vector<16xi32>
    %add3A_37 = arith.addi %add3A_36, %iota3A : vector<16xi32>
    %jit3A_38 = arith.constant 8 : i32
    %div3A_39 = vector.broadcast %jit3A_38 : i32 to vector<16xi32>
    %div3A_40 = arith.divsi %add3A_37, %div3A_39 : vector<16xi32>
    %sign3A_41 = arith.constant 0 : i32
    %sign3A_42 = vector.broadcast %sign3A_41 : i32 to vector<16xi32>
    %sign3A_43 = arith.cmpi sgt, %add3A_37, %sign3A_42 : vector<16xi32>
    %sign3A_44 = arith.extui %sign3A_43 : vector<16xi1> to vector<16xi32>
    %sign3A_45 = arith.constant 0 : i32
    %sign3A_46 = vector.broadcast %sign3A_45 : i32 to vector<16xi32>
    %sign3A_47 = arith.cmpi slt, %add3A_37, %sign3A_46 : vector<16xi32>
    %sign3A_48 = arith.extui %sign3A_47 : vector<16xi1> to vector<16xi32>
    %sign3A_49 = arith.subi %sign3A_44, %sign3A_48 : vector<16xi32>
    %sign3A_50 = arith.constant 0 : i32
    %sign3A_51 = arith.cmpi sgt, %jit3A_38, %sign3A_50 : i32
    %sign3A_52 = arith.extui %sign3A_51 : i1 to i32
    %sign3A_53 = arith.constant 0 : i32
    %sign3A_54 = arith.cmpi slt, %jit3A_38, %sign3A_53 : i32
    %sign3A_55 = arith.extui %sign3A_54 : i1 to i32
    %sign3A_56 = arith.subi %sign3A_52, %sign3A_55 : i32
    %ne3A_57 = vector.broadcast %sign3A_56 : i32 to vector<16xi32>
    %ne3A_58 = arith.cmpi ne, %sign3A_49, %ne3A_57 : vector<16xi32>
    %rem3A_59 = vector.broadcast %jit3A_38 : i32 to vector<16xi32>
    %rem3A_60 = arith.remsi %add3A_37, %rem3A_59 : vector<16xi32>
    %ne3A_61 = arith.constant 0 : i32
    %ne3A_62 = vector.broadcast %ne3A_61 : i32 to vector<16xi32>
    %ne3A_63 = arith.cmpi ne, %rem3A_60, %ne3A_62 : vector<16xi32>
    %and3A_64 = arith.andi %ne3A_58, %ne3A_63 : vector<16xi1>
    %sub3A_65 = arith.constant 1 : i32
    %sub3A_66 = vector.broadcast %sub3A_65 : i32 to vector<16xi32>
    %sub3A_67 = arith.subi %div3A_40, %sub3A_66 : vector<16xi32>
    %select_n3A_68 = arith.select %and3A_64, %sub3A_67, %div3A_40 : vector<16xi1>, vector<16xi32>
    %add3A_69 = arith.constant 16 : i32
    %add3A_70 = vector.broadcast %add3A_69 : i32 to vector<16xi32>
    %add3A_71 = arith.addi %add3A_70, %iota3A : vector<16xi32>
    %jit3A_72 = arith.constant 8 : i32
    %div3A_73 = vector.broadcast %jit3A_72 : i32 to vector<16xi32>
    %div3A_74 = arith.divsi %add3A_71, %div3A_73 : vector<16xi32>
    %sign3A_75 = arith.constant 0 : i32
    %sign3A_76 = vector.broadcast %sign3A_75 : i32 to vector<16xi32>
    %sign3A_77 = arith.cmpi sgt, %add3A_71, %sign3A_76 : vector<16xi32>
    %sign3A_78 = arith.extui %sign3A_77 : vector<16xi1> to vector<16xi32>
    %sign3A_79 = arith.constant 0 : i32
    %sign3A_80 = vector.broadcast %sign3A_79 : i32 to vector<16xi32>
    %sign3A_81 = arith.cmpi slt, %add3A_71, %sign3A_80 : vector<16xi32>
    %sign3A_82 = arith.extui %sign3A_81 : vector<16xi1> to vector<16xi32>
    %sign3A_83 = arith.subi %sign3A_78, %sign3A_82 : vector<16xi32>
    %sign3A_84 = arith.constant 0 : i32
    %sign3A_85 = arith.cmpi sgt, %jit3A_72, %sign3A_84 : i32
    %sign3A_86 = arith.extui %sign3A_85 : i1 to i32
    %sign3A_87 = arith.constant 0 : i32
    %sign3A_88 = arith.cmpi slt, %jit3A_72, %sign3A_87 : i32
    %sign3A_89 = arith.extui %sign3A_88 : i1 to i32
    %sign3A_90 = arith.subi %sign3A_86, %sign3A_89 : i32
    %ne3A_91 = vector.broadcast %sign3A_90 : i32 to vector<16xi32>
    %ne3A_92 = arith.cmpi ne, %sign3A_83, %ne3A_91 : vector<16xi32>
    %rem3A_93 = vector.broadcast %jit3A_72 : i32 to vector<16xi32>
    %rem3A_94 = arith.remsi %add3A_71, %rem3A_93 : vector<16xi32>
    %ne3A_95 = arith.constant 0 : i32
    %ne3A_96 = vector.broadcast %ne3A_95 : i32 to vector<16xi32>
    %ne3A_97 = arith.cmpi ne, %rem3A_94, %ne3A_96 : vector<16xi32>
    %and3A_98 = arith.andi %ne3A_92, %ne3A_97 : vector<16xi1>
    %sub3A_99 = arith.constant 1 : i32
    %sub3A_100 = vector.broadcast %sub3A_99 : i32 to vector<16xi32>
    %sub3A_101 = arith.subi %div3A_74, %sub3A_100 : vector<16xi32>
    %select_n3A_102 = arith.select %and3A_98, %sub3A_101, %div3A_74 : vector<16xi1>, vector<16xi32>
    %add3A_103 = arith.constant 32 : i32
    %add3A_104 = vector.broadcast %add3A_103 : i32 to vector<16xi32>
    %add3A_105 = arith.addi %add3A_104, %iota3A : vector<16xi32>
    %jit3A_106 = arith.constant 8 : i32
    %div3A_107 = vector.broadcast %jit3A_106 : i32 to vector<16xi32>
    %div3A_108 = arith.divsi %add3A_105, %div3A_107 : vector<16xi32>
    %sign3A_109 = arith.constant 0 : i32
    %sign3A_110 = vector.broadcast %sign3A_109 : i32 to vector<16xi32>
    %sign3A_111 = arith.cmpi sgt, %add3A_105, %sign3A_110 : vector<16xi32>
    %sign3A_112 = arith.extui %sign3A_111 : vector<16xi1> to vector<16xi32>
    %sign3A_113 = arith.constant 0 : i32
    %sign3A_114 = vector.broadcast %sign3A_113 : i32 to vector<16xi32>
    %sign3A_115 = arith.cmpi slt, %add3A_105, %sign3A_114 : vector<16xi32>
    %sign3A_116 = arith.extui %sign3A_115 : vector<16xi1> to vector<16xi32>
    %sign3A_117 = arith.subi %sign3A_112, %sign3A_116 : vector<16xi32>
    %sign3A_118 = arith.constant 0 : i32
    %sign3A_119 = arith.cmpi sgt, %jit3A_106, %sign3A_118 : i32
    %sign3A_120 = arith.extui %sign3A_119 : i1 to i32
    %sign3A_121 = arith.constant 0 : i32
    %sign3A_122 = arith.cmpi slt, %jit3A_106, %sign3A_121 : i32
    %sign3A_123 = arith.extui %sign3A_122 : i1 to i32
    %sign3A_124 = arith.subi %sign3A_120, %sign3A_123 : i32
    %ne3A_125 = vector.broadcast %sign3A_124 : i32 to vector<16xi32>
    %ne3A_126 = arith.cmpi ne, %sign3A_117, %ne3A_125 : vector<16xi32>
    %rem3A_127 = vector.broadcast %jit3A_106 : i32 to vector<16xi32>
    %rem3A_128 = arith.remsi %add3A_105, %rem3A_127 : vector<16xi32>
    %ne3A_129 = arith.constant 0 : i32
    %ne3A_130 = vector.broadcast %ne3A_129 : i32 to vector<16xi32>
    %ne3A_131 = arith.cmpi ne, %rem3A_128, %ne3A_130 : vector<16xi32>
    %and3A_132 = arith.andi %ne3A_126, %ne3A_131 : vector<16xi1>
    %sub3A_133 = arith.constant 1 : i32
    %sub3A_134 = vector.broadcast %sub3A_133 : i32 to vector<16xi32>
    %sub3A_135 = arith.subi %div3A_108, %sub3A_134 : vector<16xi32>
    %select_n3A_136 = arith.select %and3A_132, %sub3A_135, %div3A_108 : vector<16xi1>, vector<16xi32>
    %add3A_137 = arith.constant 48 : i32
    %add3A_138 = vector.broadcast %add3A_137 : i32 to vector<16xi32>
    %add3A_139 = arith.addi %add3A_138, %iota3A : vector<16xi32>
    %jit3A_140 = arith.constant 8 : i32
    %div3A_141 = vector.broadcast %jit3A_140 : i32 to vector<16xi32>
    %div3A_142 = arith.divsi %add3A_139, %div3A_141 : vector<16xi32>
    %sign3A_143 = arith.constant 0 : i32
    %sign3A_144 = vector.broadcast %sign3A_143 : i32 to vector<16xi32>
    %sign3A_145 = arith.cmpi sgt, %add3A_139, %sign3A_144 : vector<16xi32>
    %sign3A_146 = arith.extui %sign3A_145 : vector<16xi1> to vector<16xi32>
    %sign3A_147 = arith.constant 0 : i32
    %sign3A_148 = vector.broadcast %sign3A_147 : i32 to vector<16xi32>
    %sign3A_149 = arith.cmpi slt, %add3A_139, %sign3A_148 : vector<16xi32>
    %sign3A_150 = arith.extui %sign3A_149 : vector<16xi1> to vector<16xi32>
    %sign3A_151 = arith.subi %sign3A_146, %sign3A_150 : vector<16xi32>
    %sign3A_152 = arith.constant 0 : i32
    %sign3A_153 = arith.cmpi sgt, %jit3A_140, %sign3A_152 : i32
    %sign3A_154 = arith.extui %sign3A_153 : i1 to i32
    %sign3A_155 = arith.constant 0 : i32
    %sign3A_156 = arith.cmpi slt, %jit3A_140, %sign3A_155 : i32
    %sign3A_157 = arith.extui %sign3A_156 : i1 to i32
    %sign3A_158 = arith.subi %sign3A_154, %sign3A_157 : i32
    %ne3A_159 = vector.broadcast %sign3A_158 : i32 to vector<16xi32>
    %ne3A_160 = arith.cmpi ne, %sign3A_151, %ne3A_159 : vector<16xi32>
    %rem3A_161 = vector.broadcast %jit3A_140 : i32 to vector<16xi32>
    %rem3A_162 = arith.remsi %add3A_139, %rem3A_161 : vector<16xi32>
    %ne3A_163 = arith.constant 0 : i32
    %ne3A_164 = vector.broadcast %ne3A_163 : i32 to vector<16xi32>
    %ne3A_165 = arith.cmpi ne, %rem3A_162, %ne3A_164 : vector<16xi32>
    %and3A_166 = arith.andi %ne3A_160, %ne3A_165 : vector<16xi1>
    %sub3A_167 = arith.constant 1 : i32
    %sub3A_168 = vector.broadcast %sub3A_167 : i32 to vector<16xi32>
    %sub3A_169 = arith.subi %div3A_142, %sub3A_168 : vector<16xi32>
    %select_n3A_170 = arith.select %and3A_166, %sub3A_169, %div3A_142 : vector<16xi1>, vector<16xi32>
    %add3A_171 = arith.constant 0 : i32
    %add3A_172 = vector.broadcast %add3A_171 : i32 to vector<16xi32>
    %add3A_173 = arith.addi %add3A_172, %iota3A : vector<16xi32>
    %jit3A_174 = arith.constant 8 : i32
    %eq3A_175 = arith.constant 0 : i32
    %eq3A_176 = arith.cmpi eq, %jit3A_174, %eq3A_175 : i32
    %jit3A_177 = arith.constant 1 : i32
    %select_n3A_178 = arith.select %eq3A_176, %jit3A_177, %jit3A_174 : i32
    %rem3A_179 = vector.broadcast %select_n3A_178 : i32 to vector<16xi32>
    %rem3A_180 = arith.remsi %add3A_173, %rem3A_179 : vector<16xi32>
    %ne3A_181 = arith.constant 0 : i32
    %ne3A_182 = vector.broadcast %ne3A_181 : i32 to vector<16xi32>
    %ne3A_183 = arith.cmpi ne, %rem3A_180, %ne3A_182 : vector<16xi32>
    %lt3A_184 = arith.constant 0 : i32
    %lt3A_185 = vector.broadcast %lt3A_184 : i32 to vector<16xi32>
    %lt3A_186 = arith.cmpi slt, %rem3A_180, %lt3A_185 : vector<16xi32>
    %lt3A_187 = arith.constant 0 : i32
    %lt3A_188 = arith.cmpi slt, %select_n3A_178, %lt3A_187 : i32
    %ne3A_189 = vector.broadcast %lt3A_188 : i1 to vector<16xi1>
    %ne3A_190 = vector.broadcast %ne3A_189 : vector<16xi1> to vector<16xi1>
    %ne3A_191 = arith.xori %lt3A_186, %ne3A_190 : vector<16xi1>
    %and3A_192 = arith.andi %ne3A_191, %ne3A_183 : vector<16xi1>
    %add3A_193 = vector.broadcast %select_n3A_178 : i32 to vector<16xi32>
    %add3A_194 = arith.addi %rem3A_180, %add3A_193 : vector<16xi32>
    %select_n3A_195 = arith.select %and3A_192, %add3A_194, %rem3A_180 : vector<16xi1>, vector<16xi32>
    %add3A_196 = arith.constant 16 : i32
    %add3A_197 = vector.broadcast %add3A_196 : i32 to vector<16xi32>
    %add3A_198 = arith.addi %add3A_197, %iota3A : vector<16xi32>
    %jit3A_199 = arith.constant 8 : i32
    %eq3A_200 = arith.constant 0 : i32
    %eq3A_201 = arith.cmpi eq, %jit3A_199, %eq3A_200 : i32
    %jit3A_202 = arith.constant 1 : i32
    %select_n3A_203 = arith.select %eq3A_201, %jit3A_202, %jit3A_199 : i32
    %rem3A_204 = vector.broadcast %select_n3A_203 : i32 to vector<16xi32>
    %rem3A_205 = arith.remsi %add3A_198, %rem3A_204 : vector<16xi32>
    %ne3A_206 = arith.constant 0 : i32
    %ne3A_207 = vector.broadcast %ne3A_206 : i32 to vector<16xi32>
    %ne3A_208 = arith.cmpi ne, %rem3A_205, %ne3A_207 : vector<16xi32>
    %lt3A_209 = arith.constant 0 : i32
    %lt3A_210 = vector.broadcast %lt3A_209 : i32 to vector<16xi32>
    %lt3A_211 = arith.cmpi slt, %rem3A_205, %lt3A_210 : vector<16xi32>
    %lt3A_212 = arith.constant 0 : i32
    %lt3A_213 = arith.cmpi slt, %select_n3A_203, %lt3A_212 : i32
    %ne3A_214 = vector.broadcast %lt3A_213 : i1 to vector<16xi1>
    %ne3A_215 = vector.broadcast %ne3A_214 : vector<16xi1> to vector<16xi1>
    %ne3A_216 = arith.xori %lt3A_211, %ne3A_215 : vector<16xi1>
    %and3A_217 = arith.andi %ne3A_216, %ne3A_208 : vector<16xi1>
    %add3A_218 = vector.broadcast %select_n3A_203 : i32 to vector<16xi32>
    %add3A_219 = arith.addi %rem3A_205, %add3A_218 : vector<16xi32>
    %select_n3A_220 = arith.select %and3A_217, %add3A_219, %rem3A_205 : vector<16xi1>, vector<16xi32>
    %add3A_221 = arith.constant 32 : i32
    %add3A_222 = vector.broadcast %add3A_221 : i32 to vector<16xi32>
    %add3A_223 = arith.addi %add3A_222, %iota3A : vector<16xi32>
    %jit3A_224 = arith.constant 8 : i32
    %eq3A_225 = arith.constant 0 : i32
    %eq3A_226 = arith.cmpi eq, %jit3A_224, %eq3A_225 : i32
    %jit3A_227 = arith.constant 1 : i32
    %select_n3A_228 = arith.select %eq3A_226, %jit3A_227, %jit3A_224 : i32
    %rem3A_229 = vector.broadcast %select_n3A_228 : i32 to vector<16xi32>
    %rem3A_230 = arith.remsi %add3A_223, %rem3A_229 : vector<16xi32>
    %ne3A_231 = arith.constant 0 : i32
    %ne3A_232 = vector.broadcast %ne3A_231 : i32 to vector<16xi32>
    %ne3A_233 = arith.cmpi ne, %rem3A_230, %ne3A_232 : vector<16xi32>
    %lt3A_234 = arith.constant 0 : i32
    %lt3A_235 = vector.broadcast %lt3A_234 : i32 to vector<16xi32>
    %lt3A_236 = arith.cmpi slt, %rem3A_230, %lt3A_235 : vector<16xi32>
    %lt3A_237 = arith.constant 0 : i32
    %lt3A_238 = arith.cmpi slt, %select_n3A_228, %lt3A_237 : i32
    %ne3A_239 = vector.broadcast %lt3A_238 : i1 to vector<16xi1>
    %ne3A_240 = vector.broadcast %ne3A_239 : vector<16xi1> to vector<16xi1>
    %ne3A_241 = arith.xori %lt3A_236, %ne3A_240 : vector<16xi1>
    %and3A_242 = arith.andi %ne3A_241, %ne3A_233 : vector<16xi1>
    %add3A_243 = vector.broadcast %select_n3A_228 : i32 to vector<16xi32>
    %add3A_244 = arith.addi %rem3A_230, %add3A_243 : vector<16xi32>
    %select_n3A_245 = arith.select %and3A_242, %add3A_244, %rem3A_230 : vector<16xi1>, vector<16xi32>
    %add3A_246 = arith.constant 48 : i32
    %add3A_247 = vector.broadcast %add3A_246 : i32 to vector<16xi32>
    %add3A_248 = arith.addi %add3A_247, %iota3A : vector<16xi32>
    %jit3A_249 = arith.constant 8 : i32
    %eq3A_250 = arith.constant 0 : i32
    %eq3A_251 = arith.cmpi eq, %jit3A_249, %eq3A_250 : i32
    %jit3A_252 = arith.constant 1 : i32
    %select_n3A_253 = arith.select %eq3A_251, %jit3A_252, %jit3A_249 : i32
    %rem3A_254 = vector.broadcast %select_n3A_253 : i32 to vector<16xi32>
    %rem3A_255 = arith.remsi %add3A_248, %rem3A_254 : vector<16xi32>
    %ne3A_256 = arith.constant 0 : i32
    %ne3A_257 = vector.broadcast %ne3A_256 : i32 to vector<16xi32>
    %ne3A_258 = arith.cmpi ne, %rem3A_255, %ne3A_257 : vector<16xi32>
    %lt3A_259 = arith.constant 0 : i32
    %lt3A_260 = vector.broadcast %lt3A_259 : i32 to vector<16xi32>
    %lt3A_261 = arith.cmpi slt, %rem3A_255, %lt3A_260 : vector<16xi32>
    %lt3A_262 = arith.constant 0 : i32
    %lt3A_263 = arith.cmpi slt, %select_n3A_253, %lt3A_262 : i32
    %ne3A_264 = vector.broadcast %lt3A_263 : i1 to vector<16xi1>
    %ne3A_265 = vector.broadcast %ne3A_264 : vector<16xi1> to vector<16xi1>
    %ne3A_266 = arith.xori %lt3A_261, %ne3A_265 : vector<16xi1>
    %and3A_267 = arith.andi %ne3A_266, %ne3A_258 : vector<16xi1>
    %add3A_268 = vector.broadcast %select_n3A_253 : i32 to vector<16xi32>
    %add3A_269 = arith.addi %rem3A_255, %add3A_268 : vector<16xi32>
    %select_n3A_270 = arith.select %and3A_267, %add3A_269, %rem3A_255 : vector<16xi1>, vector<16xi32>
    %add3A_271 = arith.constant 0 : i32
    %add3A_272 = arith.addi %mul3A_18, %add3A_271 : i32
    "tpu.region"() ({
      %run_scoped3A = tpu.sem_alloc : memref<!tpu.dma_semaphore, #tpu.memory_space<semaphore_mem>>
      %dma_start3A_449 = tpu.memref_slice %arg9[%add3A_272, %mul3A_34] : memref<200x1024xi32, #tpu.memory_space<hbm>> -> memref<1x128xi32, #tpu.memory_space<hbm>>
      %dma_start3A_450 = tpu.memref_squeeze %dma_start3A_449 : memref<1x128xi32, #tpu.memory_space<hbm>> -> memref<128xi32, #tpu.memory_space<hbm>>
      %dma_start3A_451 = tpu.memref_slice %arg9[%add3A_272, %mul3A_34] : memref<200x1024xi32, #tpu.memory_space<hbm>> -> memref<1x128xi32, #tpu.memory_space<hbm>>
      %dma_start3A_452 = tpu.memref_squeeze %dma_start3A_451 : memref<1x128xi32, #tpu.memory_space<hbm>> -> memref<128xi32, #tpu.memory_space<hbm>>
      tpu.enqueue_dma source(%dma_start3A_452 : memref<128xi32, #tpu.memory_space<hbm>>) target(%arg17 : memref<128xi32, #tpu.memory_space<vmem>>) target_semaphore(%run_scoped3A : memref<!tpu.dma_semaphore, #tpu.memory_space<semaphore_mem>>)
      %dma_wait3A_453 = tpu.memref_slice %arg9[%add3A_272, %mul3A_34] : memref<200x1024xi32, #tpu.memory_space<hbm>> -> memref<1x128xi32, #tpu.memory_space<hbm>>
      %dma_wait3A_454 = tpu.memref_squeeze %dma_wait3A_453 : memref<1x128xi32, #tpu.memory_space<hbm>> -> memref<128xi32, #tpu.memory_space<hbm>>
      %dma_wait3A_455 = tpu.memref_slice %arg9[%add3A_272, %mul3A_34] : memref<200x1024xi32, #tpu.memory_space<hbm>> -> memref<1x128xi32, #tpu.memory_space<hbm>>
      %dma_wait3A_456 = tpu.memref_squeeze %dma_wait3A_455 : memref<1x128xi32, #tpu.memory_space<hbm>> -> memref<128xi32, #tpu.memory_space<hbm>>
      tpu.wait_dma2 semaphore(%run_scoped3A : memref<!tpu.dma_semaphore, #tpu.memory_space<semaphore_mem>>) src(%dma_wait3A_456 : memref<128xi32, #tpu.memory_space<hbm>>) dst(%arg17 : memref<128xi32, #tpu.memory_space<vmem>>)
      tpu.yield
    }) : () -> ()
    %add3A_273 = arith.constant 0 : i32
    %add3A_274 = arith.addi %mul3A_18, %add3A_273 : i32
    "tpu.region"() ({
      %run_scoped3A = tpu.sem_alloc : memref<!tpu.dma_semaphore, #tpu.memory_space<semaphore_mem>>
      %dma_start3A_449 = tpu.memref_slice %arg10[%add3A_274, %mul3A_34] : memref<200x1024xi32, #tpu.memory_space<hbm>> -> memref<1x128xi32, #tpu.memory_space<hbm>>
      %dma_start3A_450 = tpu.memref_squeeze %dma_start3A_449 : memref<1x128xi32, #tpu.memory_space<hbm>> -> memref<128xi32, #tpu.memory_space<hbm>>
      %dma_start3A_451 = tpu.memref_slice %arg10[%add3A_274, %mul3A_34] : memref<200x1024xi32, #tpu.memory_space<hbm>> -> memref<1x128xi32, #tpu.memory_space<hbm>>
      %dma_start3A_452 = tpu.memref_squeeze %dma_start3A_451 : memref<1x128xi32, #tpu.memory_space<hbm>> -> memref<128xi32, #tpu.memory_space<hbm>>
      tpu.enqueue_dma source(%dma_start3A_452 : memref<128xi32, #tpu.memory_space<hbm>>) target(%arg18 : memref<128xi32, #tpu.memory_space<vmem>>) target_semaphore(%run_scoped3A : memref<!tpu.dma_semaphore, #tpu.memory_space<semaphore_mem>>)
      %dma_wait3A_453 = tpu.memref_slice %arg10[%add3A_274, %mul3A_34] : memref<200x1024xi32, #tpu.memory_space<hbm>> -> memref<1x128xi32, #tpu.memory_space<hbm>>
      %dma_wait3A_454 = tpu.memref_squeeze %dma_wait3A_453 : memref<1x128xi32, #tpu.memory_space<hbm>> -> memref<128xi32, #tpu.memory_space<hbm>>
      %dma_wait3A_455 = tpu.memref_slice %arg10[%add3A_274, %mul3A_34] : memref<200x1024xi32, #tpu.memory_space<hbm>> -> memref<1x128xi32, #tpu.memory_space<hbm>>
      %dma_wait3A_456 = tpu.memref_squeeze %dma_wait3A_455 : memref<1x128xi32, #tpu.memory_space<hbm>> -> memref<128xi32, #tpu.memory_space<hbm>>
      tpu.wait_dma2 semaphore(%run_scoped3A : memref<!tpu.dma_semaphore, #tpu.memory_space<semaphore_mem>>) src(%dma_wait3A_456 : memref<128xi32, #tpu.memory_space<hbm>>) dst(%arg18 : memref<128xi32, #tpu.memory_space<vmem>>)
      tpu.yield
    }) : () -> ()
    %add3A_275 = arith.constant 0 : i32
    %add3A_276 = arith.addi %mul3A_18, %add3A_275 : i32
    "tpu.region"() ({
      %run_scoped3A = tpu.sem_alloc : memref<!tpu.dma_semaphore, #tpu.memory_space<semaphore_mem>>
      %dma_start3A_449 = tpu.memref_slice %arg11[%add3A_276, %mul3A_34] : memref<200x1024xi32, #tpu.memory_space<hbm>> -> memref<1x128xi32, #tpu.memory_space<hbm>>
      %dma_start3A_450 = tpu.memref_squeeze %dma_start3A_449 : memref<1x128xi32, #tpu.memory_space<hbm>> -> memref<128xi32, #tpu.memory_space<hbm>>
      %dma_start3A_451 = tpu.memref_slice %arg11[%add3A_276, %mul3A_34] : memref<200x1024xi32, #tpu.memory_space<hbm>> -> memref<1x128xi32, #tpu.memory_space<hbm>>
      %dma_start3A_452 = tpu.memref_squeeze %dma_start3A_451 : memref<1x128xi32, #tpu.memory_space<hbm>> -> memref<128xi32, #tpu.memory_space<hbm>>
      tpu.enqueue_dma source(%dma_start3A_452 : memref<128xi32, #tpu.memory_space<hbm>>) target(%arg19 : memref<128xi32, #tpu.memory_space<vmem>>) target_semaphore(%run_scoped3A : memref<!tpu.dma_semaphore, #tpu.memory_space<semaphore_mem>>)
      %dma_wait3A_453 = tpu.memref_slice %arg11[%add3A_276, %mul3A_34] : memref<200x1024xi32, #tpu.memory_space<hbm>> -> memref<1x128xi32, #tpu.memory_space<hbm>>
      %dma_wait3A_454 = tpu.memref_squeeze %dma_wait3A_453 : memref<1x128xi32, #tpu.memory_space<hbm>> -> memref<128xi32, #tpu.memory_space<hbm>>
      %dma_wait3A_455 = tpu.memref_slice %arg11[%add3A_276, %mul3A_34] : memref<200x1024xi32, #tpu.memory_space<hbm>> -> memref<1x128xi32, #tpu.memory_space<hbm>>
      %dma_wait3A_456 = tpu.memref_squeeze %dma_wait3A_455 : memref<1x128xi32, #tpu.memory_space<hbm>> -> memref<128xi32, #tpu.memory_space<hbm>>
      tpu.wait_dma2 semaphore(%run_scoped3A : memref<!tpu.dma_semaphore, #tpu.memory_space<semaphore_mem>>) src(%dma_wait3A_456 : memref<128xi32, #tpu.memory_space<hbm>>) dst(%arg19 : memref<128xi32, #tpu.memory_space<vmem>>)
      tpu.yield
    }) : () -> ()
    %add3A_277 = arith.constant 0 : i32
    %add3A_278 = arith.addi %mul3A_18, %add3A_277 : i32
    "tpu.region"() ({
      %run_scoped3A = tpu.sem_alloc : memref<!tpu.dma_semaphore, #tpu.memory_space<semaphore_mem>>
      %dma_start3A_449 = tpu.memref_slice %arg12[%add3A_278, %mul3A_34] : memref<200x1024xi32, #tpu.memory_space<hbm>> -> memref<1x128xi32, #tpu.memory_space<hbm>>
      %dma_start3A_450 = tpu.memref_squeeze %dma_start3A_449 : memref<1x128xi32, #tpu.memory_space<hbm>> -> memref<128xi32, #tpu.memory_space<hbm>>
      %dma_start3A_451 = tpu.memref_slice %arg12[%add3A_278, %mul3A_34] : memref<200x1024xi32, #tpu.memory_space<hbm>> -> memref<1x128xi32, #tpu.memory_space<hbm>>
      %dma_start3A_452 = tpu.memref_squeeze %dma_start3A_451 : memref<1x128xi32, #tpu.memory_space<hbm>> -> memref<128xi32, #tpu.memory_space<hbm>>
      tpu.enqueue_dma source(%dma_start3A_452 : memref<128xi32, #tpu.memory_space<hbm>>) target(%arg20 : memref<128xi32, #tpu.memory_space<vmem>>) target_semaphore(%run_scoped3A : memref<!tpu.dma_semaphore, #tpu.memory_space<semaphore_mem>>)
      %dma_wait3A_453 = tpu.memref_slice %arg12[%add3A_278, %mul3A_34] : memref<200x1024xi32, #tpu.memory_space<hbm>> -> memref<1x128xi32, #tpu.memory_space<hbm>>
      %dma_wait3A_454 = tpu.memref_squeeze %dma_wait3A_453 : memref<1x128xi32, #tpu.memory_space<hbm>> -> memref<128xi32, #tpu.memory_space<hbm>>
      %dma_wait3A_455 = tpu.memref_slice %arg12[%add3A_278, %mul3A_34] : memref<200x1024xi32, #tpu.memory_space<hbm>> -> memref<1x128xi32, #tpu.memory_space<hbm>>
      %dma_wait3A_456 = tpu.memref_squeeze %dma_wait3A_455 : memref<1x128xi32, #tpu.memory_space<hbm>> -> memref<128xi32, #tpu.memory_space<hbm>>
      tpu.wait_dma2 semaphore(%run_scoped3A : memref<!tpu.dma_semaphore, #tpu.memory_space<semaphore_mem>>) src(%dma_wait3A_456 : memref<128xi32, #tpu.memory_space<hbm>>) dst(%arg20 : memref<128xi32, #tpu.memory_space<vmem>>)
      tpu.yield
    }) : () -> ()
    %add3A_279 = arith.constant 0 : i32
    %add3A_280 = arith.addi %mul3A_18, %add3A_279 : i32
    "tpu.region"() ({
      %run_scoped3A = tpu.sem_alloc : memref<!tpu.dma_semaphore, #tpu.memory_space<semaphore_mem>>
      %dma_start3A_449 = tpu.memref_slice %arg13[%add3A_280, %mul3A_34] : memref<200x1024xi32, #tpu.memory_space<hbm>> -> memref<1x128xi32, #tpu.memory_space<hbm>>
      %dma_start3A_450 = tpu.memref_squeeze %dma_start3A_449 : memref<1x128xi32, #tpu.memory_space<hbm>> -> memref<128xi32, #tpu.memory_space<hbm>>
      %dma_start3A_451 = tpu.memref_slice %arg13[%add3A_280, %mul3A_34] : memref<200x1024xi32, #tpu.memory_space<hbm>> -> memref<1x128xi32, #tpu.memory_space<hbm>>
      %dma_start3A_452 = tpu.memref_squeeze %dma_start3A_451 : memref<1x128xi32, #tpu.memory_space<hbm>> -> memref<128xi32, #tpu.memory_space<hbm>>
      tpu.enqueue_dma source(%dma_start3A_452 : memref<128xi32, #tpu.memory_space<hbm>>) target(%arg21 : memref<128xi32, #tpu.memory_space<vmem>>) target_semaphore(%run_scoped3A : memref<!tpu.dma_semaphore, #tpu.memory_space<semaphore_mem>>)
      %dma_wait3A_453 = tpu.memref_slice %arg13[%add3A_280, %mul3A_34] : memref<200x1024xi32, #tpu.memory_space<hbm>> -> memref<1x128xi32, #tpu.memory_space<hbm>>
      %dma_wait3A_454 = tpu.memref_squeeze %dma_wait3A_453 : memref<1x128xi32, #tpu.memory_space<hbm>> -> memref<128xi32, #tpu.memory_space<hbm>>
      %dma_wait3A_455 = tpu.memref_slice %arg13[%add3A_280, %mul3A_34] : memref<200x1024xi32, #tpu.memory_space<hbm>> -> memref<1x128xi32, #tpu.memory_space<hbm>>
      %dma_wait3A_456 = tpu.memref_squeeze %dma_wait3A_455 : memref<1x128xi32, #tpu.memory_space<hbm>> -> memref<128xi32, #tpu.memory_space<hbm>>
      tpu.wait_dma2 semaphore(%run_scoped3A : memref<!tpu.dma_semaphore, #tpu.memory_space<semaphore_mem>>) src(%dma_wait3A_456 : memref<128xi32, #tpu.memory_space<hbm>>) dst(%arg21 : memref<128xi32, #tpu.memory_space<vmem>>)
      tpu.yield
    }) : () -> ()
    %add3A_281 = arith.constant 0 : i32
    %add3A_282 = arith.addi %mul3A_18, %add3A_281 : i32
    "tpu.region"() ({
      %run_scoped3A = tpu.sem_alloc : memref<!tpu.dma_semaphore, #tpu.memory_space<semaphore_mem>>
      %dma_start3A_449 = tpu.memref_slice %arg14[%add3A_282, %mul3A_34] : memref<200x1024xi32, #tpu.memory_space<hbm>> -> memref<1x128xi32, #tpu.memory_space<hbm>>
      %dma_start3A_450 = tpu.memref_squeeze %dma_start3A_449 : memref<1x128xi32, #tpu.memory_space<hbm>> -> memref<128xi32, #tpu.memory_space<hbm>>
      %dma_start3A_451 = tpu.memref_slice %arg14[%add3A_282, %mul3A_34] : memref<200x1024xi32, #tpu.memory_space<hbm>> -> memref<1x128xi32, #tpu.memory_space<hbm>>
      %dma_start3A_452 = tpu.memref_squeeze %dma_start3A_451 : memref<1x128xi32, #tpu.memory_space<hbm>> -> memref<128xi32, #tpu.memory_space<hbm>>
      tpu.enqueue_dma source(%dma_start3A_452 : memref<128xi32, #tpu.memory_space<hbm>>) target(%arg22 : memref<128xi32, #tpu.memory_space<vmem>>) target_semaphore(%run_scoped3A : memref<!tpu.dma_semaphore, #tpu.memory_space<semaphore_mem>>)
      %dma_wait3A_453 = tpu.memref_slice %arg14[%add3A_282, %mul3A_34] : memref<200x1024xi32, #tpu.memory_space<hbm>> -> memref<1x128xi32, #tpu.memory_space<hbm>>
      %dma_wait3A_454 = tpu.memref_squeeze %dma_wait3A_453 : memref<1x128xi32, #tpu.memory_space<hbm>> -> memref<128xi32, #tpu.memory_space<hbm>>
      %dma_wait3A_455 = tpu.memref_slice %arg14[%add3A_282, %mul3A_34] : memref<200x1024xi32, #tpu.memory_space<hbm>> -> memref<1x128xi32, #tpu.memory_space<hbm>>
      %dma_wait3A_456 = tpu.memref_squeeze %dma_wait3A_455 : memref<1x128xi32, #tpu.memory_space<hbm>> -> memref<128xi32, #tpu.memory_space<hbm>>
      tpu.wait_dma2 semaphore(%run_scoped3A : memref<!tpu.dma_semaphore, #tpu.memory_space<semaphore_mem>>) src(%dma_wait3A_456 : memref<128xi32, #tpu.memory_space<hbm>>) dst(%arg22 : memref<128xi32, #tpu.memory_space<vmem>>)
      tpu.yield
    }) : () -> ()
    %add3A_283 = arith.constant 0 : i32
    %add3A_284 = arith.addi %mul3A_18, %add3A_283 : i32
    "tpu.region"() ({
      %run_scoped3A = tpu.sem_alloc : memref<!tpu.dma_semaphore, #tpu.memory_space<semaphore_mem>>
      %dma_start3A_449 = tpu.memref_slice %arg15[%add3A_284, %mul3A_34] : memref<200x1024xi32, #tpu.memory_space<hbm>> -> memref<1x128xi32, #tpu.memory_space<hbm>>
      %dma_start3A_450 = tpu.memref_squeeze %dma_start3A_449 : memref<1x128xi32, #tpu.memory_space<hbm>> -> memref<128xi32, #tpu.memory_space<hbm>>
      %dma_start3A_451 = tpu.memref_slice %arg15[%add3A_284, %mul3A_34] : memref<200x1024xi32, #tpu.memory_space<hbm>> -> memref<1x128xi32, #tpu.memory_space<hbm>>
      %dma_start3A_452 = tpu.memref_squeeze %dma_start3A_451 : memref<1x128xi32, #tpu.memory_space<hbm>> -> memref<128xi32, #tpu.memory_space<hbm>>
      tpu.enqueue_dma source(%dma_start3A_452 : memref<128xi32, #tpu.memory_space<hbm>>) target(%arg23 : memref<128xi32, #tpu.memory_space<vmem>>) target_semaphore(%run_scoped3A : memref<!tpu.dma_semaphore, #tpu.memory_space<semaphore_mem>>)
      %dma_wait3A_453 = tpu.memref_slice %arg15[%add3A_284, %mul3A_34] : memref<200x1024xi32, #tpu.memory_space<hbm>> -> memref<1x128xi32, #tpu.memory_space<hbm>>
      %dma_wait3A_454 = tpu.memref_squeeze %dma_wait3A_453 : memref<1x128xi32, #tpu.memory_space<hbm>> -> memref<128xi32, #tpu.memory_space<hbm>>
      %dma_wait3A_455 = tpu.memref_slice %arg15[%add3A_284, %mul3A_34] : memref<200x1024xi32, #tpu.memory_space<hbm>> -> memref<1x128xi32, #tpu.memory_space<hbm>>
      %dma_wait3A_456 = tpu.memref_squeeze %dma_wait3A_455 : memref<1x128xi32, #tpu.memory_space<hbm>> -> memref<128xi32, #tpu.memory_space<hbm>>
      tpu.wait_dma2 semaphore(%run_scoped3A : memref<!tpu.dma_semaphore, #tpu.memory_space<semaphore_mem>>) src(%dma_wait3A_456 : memref<128xi32, #tpu.memory_space<hbm>>) dst(%arg23 : memref<128xi32, #tpu.memory_space<vmem>>)
      tpu.yield
    }) : () -> ()
    %dma_start3A = arith.constant 0 : i32
    %dma_start3A_285 = arith.constant 0 : i32
    %dma_start3A_286 = tpu.memref_slice %arg2[%dma_start3A, %dma_start3A_285] : memref<1000000x128xf32, #tpu.memory_space<hbm>> -> memref<1000000x128xf32, #tpu.memory_space<hbm>>
    tpu.enqueue_indirect_dma source(%dma_start3A_286 : memref<1000000x128xf32, #tpu.memory_space<hbm>>) target(%arg31 : memref<128x128xf32, #tpu.memory_space<vmem>>) offsets(%arg17 : memref<128xi32, #tpu.memory_space<vmem>>) semaphore(%arg52 : memref<!tpu.dma_semaphore, #tpu.memory_space<semaphore_mem>>)
    %dma_start3A_287 = arith.constant 0 : i32
    %dma_start3A_288 = arith.constant 0 : i32
    %dma_start3A_289 = tpu.memref_slice %arg3[%dma_start3A_287, %dma_start3A_288] : memref<100000x64xf32, #tpu.memory_space<hbm>> -> memref<100000x64xf32, #tpu.memory_space<hbm>>
    tpu.enqueue_indirect_dma source(%dma_start3A_289 : memref<100000x64xf32, #tpu.memory_space<hbm>>) target(%arg32 : memref<128x64xf32, #tpu.memory_space<vmem>>) offsets(%arg18 : memref<128xi32, #tpu.memory_space<vmem>>) semaphore(%arg52 : memref<!tpu.dma_semaphore, #tpu.memory_space<semaphore_mem>>)
    %dma_start3A_290 = arith.constant 0 : i32
    %dma_start3A_291 = arith.constant 0 : i32
    %dma_start3A_292 = tpu.memref_slice %arg4[%dma_start3A_290, %dma_start3A_291] : memref<50x32xf32, #tpu.memory_space<hbm>> -> memref<50x32xf32, #tpu.memory_space<hbm>>
    tpu.enqueue_indirect_dma source(%dma_start3A_292 : memref<50x32xf32, #tpu.memory_space<hbm>>) target(%arg33 : memref<128x32xf32, #tpu.memory_space<vmem>>) offsets(%arg19 : memref<128xi32, #tpu.memory_space<vmem>>) semaphore(%arg52 : memref<!tpu.dma_semaphore, #tpu.memory_space<semaphore_mem>>)
    %dma_start3A_293 = arith.constant 0 : i32
    %dma_start3A_294 = arith.constant 0 : i32
    %dma_start3A_295 = tpu.memref_slice %arg5[%dma_start3A_293, %dma_start3A_294] : memref<50x32xf32, #tpu.memory_space<hbm>> -> memref<50x32xf32, #tpu.memory_space<hbm>>
    tpu.enqueue_indirect_dma source(%dma_start3A_295 : memref<50x32xf32, #tpu.memory_space<hbm>>) target(%arg34 : memref<128x32xf32, #tpu.memory_space<vmem>>) offsets(%arg20 : memref<128xi32, #tpu.memory_space<vmem>>) semaphore(%arg52 : memref<!tpu.dma_semaphore, #tpu.memory_space<semaphore_mem>>)
    %dma_start3A_296 = arith.constant 0 : i32
    %dma_start3A_297 = arith.constant 0 : i32
    %dma_start3A_298 = tpu.memref_slice %arg6[%dma_start3A_296, %dma_start3A_297] : memref<200x32xf32, #tpu.memory_space<hbm>> -> memref<200x32xf32, #tpu.memory_space<hbm>>
    tpu.enqueue_indirect_dma source(%dma_start3A_298 : memref<200x32xf32, #tpu.memory_space<hbm>>) target(%arg35 : memref<128x32xf32, #tpu.memory_space<vmem>>) offsets(%arg21 : memref<128xi32, #tpu.memory_space<vmem>>) semaphore(%arg52 : memref<!tpu.dma_semaphore, #tpu.memory_space<semaphore_mem>>)
    %dma_start3A_299 = arith.constant 0 : i32
    %dma_start3A_300 = arith.constant 0 : i32
    %dma_start3A_301 = tpu.memref_slice %arg7[%dma_start3A_299, %dma_start3A_300] : memref<200x32xf32, #tpu.memory_space<hbm>> -> memref<200x32xf32, #tpu.memory_space<hbm>>
    tpu.enqueue_indirect_dma source(%dma_start3A_301 : memref<200x32xf32, #tpu.memory_space<hbm>>) target(%arg36 : memref<128x32xf32, #tpu.memory_space<vmem>>) offsets(%arg22 : memref<128xi32, #tpu.memory_space<vmem>>) semaphore(%arg52 : memref<!tpu.dma_semaphore, #tpu.memory_space<semaphore_mem>>)
    %dma_start3A_302 = arith.constant 0 : i32
    %dma_start3A_303 = arith.constant 0 : i32
    %dma_start3A_304 = tpu.memref_slice %arg8[%dma_start3A_302, %dma_start3A_303] : memref<50x32xf32, #tpu.memory_space<hbm>> -> memref<50x32xf32, #tpu.memory_space<hbm>>
    tpu.enqueue_indirect_dma source(%dma_start3A_304 : memref<50x32xf32, #tpu.memory_space<hbm>>) target(%arg37 : memref<128x32xf32, #tpu.memory_space<vmem>>) offsets(%arg23 : memref<128xi32, #tpu.memory_space<vmem>>) semaphore(%arg52 : memref<!tpu.dma_semaphore, #tpu.memory_space<semaphore_mem>>)
    %add3A_305 = arith.constant 1 : i32
    %add3A_306 = arith.addi %mul3A_18, %add3A_305 : i32
    "tpu.region"() ({
      %run_scoped3A = tpu.sem_alloc : memref<!tpu.dma_semaphore, #tpu.memory_space<semaphore_mem>>
      %dma_start3A_449 = tpu.memref_slice %arg9[%add3A_306, %mul3A_34] : memref<200x1024xi32, #tpu.memory_space<hbm>> -> memref<1x128xi32, #tpu.memory_space<hbm>>
      %dma_start3A_450 = tpu.memref_squeeze %dma_start3A_449 : memref<1x128xi32, #tpu.memory_space<hbm>> -> memref<128xi32, #tpu.memory_space<hbm>>
      %dma_start3A_451 = tpu.memref_slice %arg9[%add3A_306, %mul3A_34] : memref<200x1024xi32, #tpu.memory_space<hbm>> -> memref<1x128xi32, #tpu.memory_space<hbm>>
      %dma_start3A_452 = tpu.memref_squeeze %dma_start3A_451 : memref<1x128xi32, #tpu.memory_space<hbm>> -> memref<128xi32, #tpu.memory_space<hbm>>
      tpu.enqueue_dma source(%dma_start3A_452 : memref<128xi32, #tpu.memory_space<hbm>>) target(%arg24 : memref<128xi32, #tpu.memory_space<vmem>>) target_semaphore(%run_scoped3A : memref<!tpu.dma_semaphore, #tpu.memory_space<semaphore_mem>>)
      %dma_wait3A_453 = tpu.memref_slice %arg9[%add3A_306, %mul3A_34] : memref<200x1024xi32, #tpu.memory_space<hbm>> -> memref<1x128xi32, #tpu.memory_space<hbm>>
      %dma_wait3A_454 = tpu.memref_squeeze %dma_wait3A_453 : memref<1x128xi32, #tpu.memory_space<hbm>> -> memref<128xi32, #tpu.memory_space<hbm>>
      %dma_wait3A_455 = tpu.memref_slice %arg9[%add3A_306, %mul3A_34] : memref<200x1024xi32, #tpu.memory_space<hbm>> -> memref<1x128xi32, #tpu.memory_space<hbm>>
      %dma_wait3A_456 = tpu.memref_squeeze %dma_wait3A_455 : memref<1x128xi32, #tpu.memory_space<hbm>> -> memref<128xi32, #tpu.memory_space<hbm>>
      tpu.wait_dma2 semaphore(%run_scoped3A : memref<!tpu.dma_semaphore, #tpu.memory_space<semaphore_mem>>) src(%dma_wait3A_456 : memref<128xi32, #tpu.memory_space<hbm>>) dst(%arg24 : memref<128xi32, #tpu.memory_space<vmem>>)
      tpu.yield
    }) : () -> ()
    %add3A_307 = arith.constant 1 : i32
    %add3A_308 = arith.addi %mul3A_18, %add3A_307 : i32
    "tpu.region"() ({
      %run_scoped3A = tpu.sem_alloc : memref<!tpu.dma_semaphore, #tpu.memory_space<semaphore_mem>>
      %dma_start3A_449 = tpu.memref_slice %arg10[%add3A_308, %mul3A_34] : memref<200x1024xi32, #tpu.memory_space<hbm>> -> memref<1x128xi32, #tpu.memory_space<hbm>>
      %dma_start3A_450 = tpu.memref_squeeze %dma_start3A_449 : memref<1x128xi32, #tpu.memory_space<hbm>> -> memref<128xi32, #tpu.memory_space<hbm>>
      %dma_start3A_451 = tpu.memref_slice %arg10[%add3A_308, %mul3A_34] : memref<200x1024xi32, #tpu.memory_space<hbm>> -> memref<1x128xi32, #tpu.memory_space<hbm>>
      %dma_start3A_452 = tpu.memref_squeeze %dma_start3A_451 : memref<1x128xi32, #tpu.memory_space<hbm>> -> memref<128xi32, #tpu.memory_space<hbm>>
      tpu.enqueue_dma source(%dma_start3A_452 : memref<128xi32, #tpu.memory_space<hbm>>) target(%arg25 : memref<128xi32, #tpu.memory_space<vmem>>) target_semaphore(%run_scoped3A : memref<!tpu.dma_semaphore, #tpu.memory_space<semaphore_mem>>)
      %dma_wait3A_453 = tpu.memref_slice %arg10[%add3A_308, %mul3A_34] : memref<200x1024xi32, #tpu.memory_space<hbm>> -> memref<1x128xi32, #tpu.memory_space<hbm>>
      %dma_wait3A_454 = tpu.memref_squeeze %dma_wait3A_453 : memref<1x128xi32, #tpu.memory_space<hbm>> -> memref<128xi32, #tpu.memory_space<hbm>>
      %dma_wait3A_455 = tpu.memref_slice %arg10[%add3A_308, %mul3A_34] : memref<200x1024xi32, #tpu.memory_space<hbm>> -> memref<1x128xi32, #tpu.memory_space<hbm>>
      %dma_wait3A_456 = tpu.memref_squeeze %dma_wait3A_455 : memref<1x128xi32, #tpu.memory_space<hbm>> -> memref<128xi32, #tpu.memory_space<hbm>>
      tpu.wait_dma2 semaphore(%run_scoped3A : memref<!tpu.dma_semaphore, #tpu.memory_space<semaphore_mem>>) src(%dma_wait3A_456 : memref<128xi32, #tpu.memory_space<hbm>>) dst(%arg25 : memref<128xi32, #tpu.memory_space<vmem>>)
      tpu.yield
    }) : () -> ()
    %add3A_309 = arith.constant 1 : i32
    %add3A_310 = arith.addi %mul3A_18, %add3A_309 : i32
    "tpu.region"() ({
      %run_scoped3A = tpu.sem_alloc : memref<!tpu.dma_semaphore, #tpu.memory_space<semaphore_mem>>
      %dma_start3A_449 = tpu.memref_slice %arg11[%add3A_310, %mul3A_34] : memref<200x1024xi32, #tpu.memory_space<hbm>> -> memref<1x128xi32, #tpu.memory_space<hbm>>
      %dma_start3A_450 = tpu.memref_squeeze %dma_start3A_449 : memref<1x128xi32, #tpu.memory_space<hbm>> -> memref<128xi32, #tpu.memory_space<hbm>>
      %dma_start3A_451 = tpu.memref_slice %arg11[%add3A_310, %mul3A_34] : memref<200x1024xi32, #tpu.memory_space<hbm>> -> memref<1x128xi32, #tpu.memory_space<hbm>>
      %dma_start3A_452 = tpu.memref_squeeze %dma_start3A_451 : memref<1x128xi32, #tpu.memory_space<hbm>> -> memref<128xi32, #tpu.memory_space<hbm>>
      tpu.enqueue_dma source(%dma_start3A_452 : memref<128xi32, #tpu.memory_space<hbm>>) target(%arg26 : memref<128xi32, #tpu.memory_space<vmem>>) target_semaphore(%run_scoped3A : memref<!tpu.dma_semaphore, #tpu.memory_space<semaphore_mem>>)
      %dma_wait3A_453 = tpu.memref_slice %arg11[%add3A_310, %mul3A_34] : memref<200x1024xi32, #tpu.memory_space<hbm>> -> memref<1x128xi32, #tpu.memory_space<hbm>>
      %dma_wait3A_454 = tpu.memref_squeeze %dma_wait3A_453 : memref<1x128xi32, #tpu.memory_space<hbm>> -> memref<128xi32, #tpu.memory_space<hbm>>
      %dma_wait3A_455 = tpu.memref_slice %arg11[%add3A_310, %mul3A_34] : memref<200x1024xi32, #tpu.memory_space<hbm>> -> memref<1x128xi32, #tpu.memory_space<hbm>>
      %dma_wait3A_456 = tpu.memref_squeeze %dma_wait3A_455 : memref<1x128xi32, #tpu.memory_space<hbm>> -> memref<128xi32, #tpu.memory_space<hbm>>
      tpu.wait_dma2 semaphore(%run_scoped3A : memref<!tpu.dma_semaphore, #tpu.memory_space<semaphore_mem>>) src(%dma_wait3A_456 : memref<128xi32, #tpu.memory_space<hbm>>) dst(%arg26 : memref<128xi32, #tpu.memory_space<vmem>>)
      tpu.yield
    }) : () -> ()
    %add3A_311 = arith.constant 1 : i32
    %add3A_312 = arith.addi %mul3A_18, %add3A_311 : i32
    "tpu.region"() ({
      %run_scoped3A = tpu.sem_alloc : memref<!tpu.dma_semaphore, #tpu.memory_space<semaphore_mem>>
      %dma_start3A_449 = tpu.memref_slice %arg12[%add3A_312, %mul3A_34] : memref<200x1024xi32, #tpu.memory_space<hbm>> -> memref<1x128xi32, #tpu.memory_space<hbm>>
      %dma_start3A_450 = tpu.memref_squeeze %dma_start3A_449 : memref<1x128xi32, #tpu.memory_space<hbm>> -> memref<128xi32, #tpu.memory_space<hbm>>
      %dma_start3A_451 = tpu.memref_slice %arg12[%add3A_312, %mul3A_34] : memref<200x1024xi32, #tpu.memory_space<hbm>> -> memref<1x128xi32, #tpu.memory_space<hbm>>
      %dma_start3A_452 = tpu.memref_squeeze %dma_start3A_451 : memref<1x128xi32, #tpu.memory_space<hbm>> -> memref<128xi32, #tpu.memory_space<hbm>>
      tpu.enqueue_dma source(%dma_start3A_452 : memref<128xi32, #tpu.memory_space<hbm>>) target(%arg27 : memref<128xi32, #tpu.memory_space<vmem>>) target_semaphore(%run_scoped3A : memref<!tpu.dma_semaphore, #tpu.memory_space<semaphore_mem>>)
      %dma_wait3A_453 = tpu.memref_slice %arg12[%add3A_312, %mul3A_34] : memref<200x1024xi32, #tpu.memory_space<hbm>> -> memref<1x128xi32, #tpu.memory_space<hbm>>
      %dma_wait3A_454 = tpu.memref_squeeze %dma_wait3A_453 : memref<1x128xi32, #tpu.memory_space<hbm>> -> memref<128xi32, #tpu.memory_space<hbm>>
      %dma_wait3A_455 = tpu.memref_slice %arg12[%add3A_312, %mul3A_34] : memref<200x1024xi32, #tpu.memory_space<hbm>> -> memref<1x128xi32, #tpu.memory_space<hbm>>
      %dma_wait3A_456 = tpu.memref_squeeze %dma_wait3A_455 : memref<1x128xi32, #tpu.memory_space<hbm>> -> memref<128xi32, #tpu.memory_space<hbm>>
      tpu.wait_dma2 semaphore(%run_scoped3A : memref<!tpu.dma_semaphore, #tpu.memory_space<semaphore_mem>>) src(%dma_wait3A_456 : memref<128xi32, #tpu.memory_space<hbm>>) dst(%arg27 : memref<128xi32, #tpu.memory_space<vmem>>)
      tpu.yield
    }) : () -> ()
    %add3A_313 = arith.constant 1 : i32
    %add3A_314 = arith.addi %mul3A_18, %add3A_313 : i32
    "tpu.region"() ({
      %run_scoped3A = tpu.sem_alloc : memref<!tpu.dma_semaphore, #tpu.memory_space<semaphore_mem>>
      %dma_start3A_449 = tpu.memref_slice %arg13[%add3A_314, %mul3A_34] : memref<200x1024xi32, #tpu.memory_space<hbm>> -> memref<1x128xi32, #tpu.memory_space<hbm>>
      %dma_start3A_450 = tpu.memref_squeeze %dma_start3A_449 : memref<1x128xi32, #tpu.memory_space<hbm>> -> memref<128xi32, #tpu.memory_space<hbm>>
      %dma_start3A_451 = tpu.memref_slice %arg13[%add3A_314, %mul3A_34] : memref<200x1024xi32, #tpu.memory_space<hbm>> -> memref<1x128xi32, #tpu.memory_space<hbm>>
      %dma_start3A_452 = tpu.memref_squeeze %dma_start3A_451 : memref<1x128xi32, #tpu.memory_space<hbm>> -> memref<128xi32, #tpu.memory_space<hbm>>
      tpu.enqueue_dma source(%dma_start3A_452 : memref<128xi32, #tpu.memory_space<hbm>>) target(%arg28 : memref<128xi32, #tpu.memory_space<vmem>>) target_semaphore(%run_scoped3A : memref<!tpu.dma_semaphore, #tpu.memory_space<semaphore_mem>>)
      %dma_wait3A_453 = tpu.memref_slice %arg13[%add3A_314, %mul3A_34] : memref<200x1024xi32, #tpu.memory_space<hbm>> -> memref<1x128xi32, #tpu.memory_space<hbm>>
      %dma_wait3A_454 = tpu.memref_squeeze %dma_wait3A_453 : memref<1x128xi32, #tpu.memory_space<hbm>> -> memref<128xi32, #tpu.memory_space<hbm>>
      %dma_wait3A_455 = tpu.memref_slice %arg13[%add3A_314, %mul3A_34] : memref<200x1024xi32, #tpu.memory_space<hbm>> -> memref<1x128xi32, #tpu.memory_space<hbm>>
      %dma_wait3A_456 = tpu.memref_squeeze %dma_wait3A_455 : memref<1x128xi32, #tpu.memory_space<hbm>> -> memref<128xi32, #tpu.memory_space<hbm>>
      tpu.wait_dma2 semaphore(%run_scoped3A : memref<!tpu.dma_semaphore, #tpu.memory_space<semaphore_mem>>) src(%dma_wait3A_456 : memref<128xi32, #tpu.memory_space<hbm>>) dst(%arg28 : memref<128xi32, #tpu.memory_space<vmem>>)
      tpu.yield
    }) : () -> ()
    %add3A_315 = arith.constant 1 : i32
    %add3A_316 = arith.addi %mul3A_18, %add3A_315 : i32
    "tpu.region"() ({
      %run_scoped3A = tpu.sem_alloc : memref<!tpu.dma_semaphore, #tpu.memory_space<semaphore_mem>>
      %dma_start3A_449 = tpu.memref_slice %arg14[%add3A_316, %mul3A_34] : memref<200x1024xi32, #tpu.memory_space<hbm>> -> memref<1x128xi32, #tpu.memory_space<hbm>>
      %dma_start3A_450 = tpu.memref_squeeze %dma_start3A_449 : memref<1x128xi32, #tpu.memory_space<hbm>> -> memref<128xi32, #tpu.memory_space<hbm>>
      %dma_start3A_451 = tpu.memref_slice %arg14[%add3A_316, %mul3A_34] : memref<200x1024xi32, #tpu.memory_space<hbm>> -> memref<1x128xi32, #tpu.memory_space<hbm>>
      %dma_start3A_452 = tpu.memref_squeeze %dma_start3A_451 : memref<1x128xi32, #tpu.memory_space<hbm>> -> memref<128xi32, #tpu.memory_space<hbm>>
      tpu.enqueue_dma source(%dma_start3A_452 : memref<128xi32, #tpu.memory_space<hbm>>) target(%arg29 : memref<128xi32, #tpu.memory_space<vmem>>) target_semaphore(%run_scoped3A : memref<!tpu.dma_semaphore, #tpu.memory_space<semaphore_mem>>)
      %dma_wait3A_453 = tpu.memref_slice %arg14[%add3A_316, %mul3A_34] : memref<200x1024xi32, #tpu.memory_space<hbm>> -> memref<1x128xi32, #tpu.memory_space<hbm>>
      %dma_wait3A_454 = tpu.memref_squeeze %dma_wait3A_453 : memref<1x128xi32, #tpu.memory_space<hbm>> -> memref<128xi32, #tpu.memory_space<hbm>>
      %dma_wait3A_455 = tpu.memref_slice %arg14[%add3A_316, %mul3A_34] : memref<200x1024xi32, #tpu.memory_space<hbm>> -> memref<1x128xi32, #tpu.memory_space<hbm>>
      %dma_wait3A_456 = tpu.memref_squeeze %dma_wait3A_455 : memref<1x128xi32, #tpu.memory_space<hbm>> -> memref<128xi32, #tpu.memory_space<hbm>>
      tpu.wait_dma2 semaphore(%run_scoped3A : memref<!tpu.dma_semaphore, #tpu.memory_space<semaphore_mem>>) src(%dma_wait3A_456 : memref<128xi32, #tpu.memory_space<hbm>>) dst(%arg29 : memref<128xi32, #tpu.memory_space<vmem>>)
      tpu.yield
    }) : () -> ()
    %add3A_317 = arith.constant 1 : i32
    %add3A_318 = arith.addi %mul3A_18, %add3A_317 : i32
    "tpu.region"() ({
      %run_scoped3A = tpu.sem_alloc : memref<!tpu.dma_semaphore, #tpu.memory_space<semaphore_mem>>
      %dma_start3A_449 = tpu.memref_slice %arg15[%add3A_318, %mul3A_34] : memref<200x1024xi32, #tpu.memory_space<hbm>> -> memref<1x128xi32, #tpu.memory_space<hbm>>
      %dma_start3A_450 = tpu.memref_squeeze %dma_start3A_449 : memref<1x128xi32, #tpu.memory_space<hbm>> -> memref<128xi32, #tpu.memory_space<hbm>>
      %dma_start3A_451 = tpu.memref_slice %arg15[%add3A_318, %mul3A_34] : memref<200x1024xi32, #tpu.memory_space<hbm>> -> memref<1x128xi32, #tpu.memory_space<hbm>>
      %dma_start3A_452 = tpu.memref_squeeze %dma_start3A_451 : memref<1x128xi32, #tpu.memory_space<hbm>> -> memref<128xi32, #tpu.memory_space<hbm>>
      tpu.enqueue_dma source(%dma_start3A_452 : memref<128xi32, #tpu.memory_space<hbm>>) target(%arg30 : memref<128xi32, #tpu.memory_space<vmem>>) target_semaphore(%run_scoped3A : memref<!tpu.dma_semaphore, #tpu.memory_space<semaphore_mem>>)
      %dma_wait3A_453 = tpu.memref_slice %arg15[%add3A_318, %mul3A_34] : memref<200x1024xi32, #tpu.memory_space<hbm>> -> memref<1x128xi32, #tpu.memory_space<hbm>>
      %dma_wait3A_454 = tpu.memref_squeeze %dma_wait3A_453 : memref<1x128xi32, #tpu.memory_space<hbm>> -> memref<128xi32, #tpu.memory_space<hbm>>
      %dma_wait3A_455 = tpu.memref_slice %arg15[%add3A_318, %mul3A_34] : memref<200x1024xi32, #tpu.memory_space<hbm>> -> memref<1x128xi32, #tpu.memory_space<hbm>>
      %dma_wait3A_456 = tpu.memref_squeeze %dma_wait3A_455 : memref<1x128xi32, #tpu.memory_space<hbm>> -> memref<128xi32, #tpu.memory_space<hbm>>
      tpu.wait_dma2 semaphore(%run_scoped3A : memref<!tpu.dma_semaphore, #tpu.memory_space<semaphore_mem>>) src(%dma_wait3A_456 : memref<128xi32, #tpu.memory_space<hbm>>) dst(%arg30 : memref<128xi32, #tpu.memory_space<vmem>>)
      tpu.yield
    }) : () -> ()
    %scan3A = arith.constant 0 : i32
    %scan3A_319 = arith.constant 0 : i32
    %scan3A_320 = arith.constant 25 : i32
    %scan3A_321 = arith.addi %scan3A_319, %scan3A_320 : i32
    %scan3A_322 = arith.constant 1 : i32
    scf.for %scan3A_449 = %scan3A_319 to %scan3A_321 step %scan3A_322  : i32 {
      %mul3A_450 = arith.constant 2 : i32
      %mul3A_451 = arith.muli %mul3A_450, %scan3A_449 : i32
      %dma_wait3A_452 = arith.constant 0 : i32
      %dma_wait3A_453 = arith.constant 0 : i32
      %dma_wait3A_454 = tpu.memref_slice %arg2[%dma_wait3A_452, %dma_wait3A_453] : memref<1000000x128xf32, #tpu.memory_space<hbm>> -> memref<1000000x128xf32, #tpu.memory_space<hbm>>
      tpu.wait_indirect_dma semaphore(%arg52 : memref<!tpu.dma_semaphore, #tpu.memory_space<semaphore_mem>>) src(%dma_wait3A_454 : memref<1000000x128xf32, #tpu.memory_space<hbm>>) dst(%arg31 : memref<128x128xf32, #tpu.memory_space<vmem>>)
      %dma_wait3A_455 = arith.constant 0 : i32
      %dma_wait3A_456 = arith.constant 0 : i32
      %dma_wait3A_457 = tpu.memref_slice %arg3[%dma_wait3A_455, %dma_wait3A_456] : memref<100000x64xf32, #tpu.memory_space<hbm>> -> memref<100000x64xf32, #tpu.memory_space<hbm>>
      tpu.wait_indirect_dma semaphore(%arg52 : memref<!tpu.dma_semaphore, #tpu.memory_space<semaphore_mem>>) src(%dma_wait3A_457 : memref<100000x64xf32, #tpu.memory_space<hbm>>) dst(%arg32 : memref<128x64xf32, #tpu.memory_space<vmem>>)
      %dma_wait3A_458 = arith.constant 0 : i32
      %dma_wait3A_459 = arith.constant 0 : i32
      %dma_wait3A_460 = tpu.memref_slice %arg4[%dma_wait3A_458, %dma_wait3A_459] : memref<50x32xf32, #tpu.memory_space<hbm>> -> memref<50x32xf32, #tpu.memory_space<hbm>>
      tpu.wait_indirect_dma semaphore(%arg52 : memref<!tpu.dma_semaphore, #tpu.memory_space<semaphore_mem>>) src(%dma_wait3A_460 : memref<50x32xf32, #tpu.memory_space<hbm>>) dst(%arg33 : memref<128x32xf32, #tpu.memory_space<vmem>>)
      %dma_wait3A_461 = arith.constant 0 : i32
      %dma_wait3A_462 = arith.constant 0 : i32
      %dma_wait3A_463 = tpu.memref_slice %arg5[%dma_wait3A_461, %dma_wait3A_462] : memref<50x32xf32, #tpu.memory_space<hbm>> -> memref<50x32xf32, #tpu.memory_space<hbm>>
      tpu.wait_indirect_dma semaphore(%arg52 : memref<!tpu.dma_semaphore, #tpu.memory_space<semaphore_mem>>) src(%dma_wait3A_463 : memref<50x32xf32, #tpu.memory_space<hbm>>) dst(%arg34 : memref<128x32xf32, #tpu.memory_space<vmem>>)
      %dma_wait3A_464 = arith.constant 0 : i32
      %dma_wait3A_465 = arith.constant 0 : i32
      %dma_wait3A_466 = tpu.memref_slice %arg6[%dma_wait3A_464, %dma_wait3A_465] : memref<200x32xf32, #tpu.memory_space<hbm>> -> memref<200x32xf32, #tpu.memory_space<hbm>>
      tpu.wait_indirect_dma semaphore(%arg52 : memref<!tpu.dma_semaphore, #tpu.memory_space<semaphore_mem>>) src(%dma_wait3A_466 : memref<200x32xf32, #tpu.memory_space<hbm>>) dst(%arg35 : memref<128x32xf32, #tpu.memory_space<vmem>>)
      %dma_wait3A_467 = arith.constant 0 : i32
      %dma_wait3A_468 = arith.constant 0 : i32
      %dma_wait3A_469 = tpu.memref_slice %arg7[%dma_wait3A_467, %dma_wait3A_468] : memref<200x32xf32, #tpu.memory_space<hbm>> -> memref<200x32xf32, #tpu.memory_space<hbm>>
      tpu.wait_indirect_dma semaphore(%arg52 : memref<!tpu.dma_semaphore, #tpu.memory_space<semaphore_mem>>) src(%dma_wait3A_469 : memref<200x32xf32, #tpu.memory_space<hbm>>) dst(%arg36 : memref<128x32xf32, #tpu.memory_space<vmem>>)
      %dma_wait3A_470 = arith.constant 0 : i32
      %dma_wait3A_471 = arith.constant 0 : i32
      %dma_wait3A_472 = tpu.memref_slice %arg8[%dma_wait3A_470, %dma_wait3A_471] : memref<50x32xf32, #tpu.memory_space<hbm>> -> memref<50x32xf32, #tpu.memory_space<hbm>>
      tpu.wait_indirect_dma semaphore(%arg52 : memref<!tpu.dma_semaphore, #tpu.memory_space<semaphore_mem>>) src(%dma_wait3A_472 : memref<50x32xf32, #tpu.memory_space<hbm>>) dst(%arg37 : memref<128x32xf32, #tpu.memory_space<vmem>>)
      %dma_start3A_473 = arith.constant 0 : i32
      %dma_start3A_474 = arith.constant 0 : i32
      %dma_start3A_475 = tpu.memref_slice %arg2[%dma_start3A_473, %dma_start3A_474] : memref<1000000x128xf32, #tpu.memory_space<hbm>> -> memref<1000000x128xf32, #tpu.memory_space<hbm>>
      tpu.enqueue_indirect_dma source(%dma_start3A_475 : memref<1000000x128xf32, #tpu.memory_space<hbm>>) target(%arg38 : memref<128x128xf32, #tpu.memory_space<vmem>>) offsets(%arg24 : memref<128xi32, #tpu.memory_space<vmem>>) semaphore(%arg53 : memref<!tpu.dma_semaphore, #tpu.memory_space<semaphore_mem>>)
      %dma_start3A_476 = arith.constant 0 : i32
      %dma_start3A_477 = arith.constant 0 : i32
      %dma_start3A_478 = tpu.memref_slice %arg3[%dma_start3A_476, %dma_start3A_477] : memref<100000x64xf32, #tpu.memory_space<hbm>> -> memref<100000x64xf32, #tpu.memory_space<hbm>>
      tpu.enqueue_indirect_dma source(%dma_start3A_478 : memref<100000x64xf32, #tpu.memory_space<hbm>>) target(%arg39 : memref<128x64xf32, #tpu.memory_space<vmem>>) offsets(%arg25 : memref<128xi32, #tpu.memory_space<vmem>>) semaphore(%arg53 : memref<!tpu.dma_semaphore, #tpu.memory_space<semaphore_mem>>)
      %dma_start3A_479 = arith.constant 0 : i32
      %dma_start3A_480 = arith.constant 0 : i32
      %dma_start3A_481 = tpu.memref_slice %arg4[%dma_start3A_479, %dma_start3A_480] : memref<50x32xf32, #tpu.memory_space<hbm>> -> memref<50x32xf32, #tpu.memory_space<hbm>>
      tpu.enqueue_indirect_dma source(%dma_start3A_481 : memref<50x32xf32, #tpu.memory_space<hbm>>) target(%arg40 : memref<128x32xf32, #tpu.memory_space<vmem>>) offsets(%arg26 : memref<128xi32, #tpu.memory_space<vmem>>) semaphore(%arg53 : memref<!tpu.dma_semaphore, #tpu.memory_space<semaphore_mem>>)
      %dma_start3A_482 = arith.constant 0 : i32
      %dma_start3A_483 = arith.constant 0 : i32
      %dma_start3A_484 = tpu.memref_slice %arg5[%dma_start3A_482, %dma_start3A_483] : memref<50x32xf32, #tpu.memory_space<hbm>> -> memref<50x32xf32, #tpu.memory_space<hbm>>
      tpu.enqueue_indirect_dma source(%dma_start3A_484 : memref<50x32xf32, #tpu.memory_space<hbm>>) target(%arg41 : memref<128x32xf32, #tpu.memory_space<vmem>>) offsets(%arg27 : memref<128xi32, #tpu.memory_space<vmem>>) semaphore(%arg53 : memref<!tpu.dma_semaphore, #tpu.memory_space<semaphore_mem>>)
      %dma_start3A_485 = arith.constant 0 : i32
      %dma_start3A_486 = arith.constant 0 : i32
      %dma_start3A_487 = tpu.memref_slice %arg6[%dma_start3A_485, %dma_start3A_486] : memref<200x32xf32, #tpu.memory_space<hbm>> -> memref<200x32xf32, #tpu.memory_space<hbm>>
      tpu.enqueue_indirect_dma source(%dma_start3A_487 : memref<200x32xf32, #tpu.memory_space<hbm>>) target(%arg42 : memref<128x32xf32, #tpu.memory_space<vmem>>) offsets(%arg28 : memref<128xi32, #tpu.memory_space<vmem>>) semaphore(%arg53 : memref<!tpu.dma_semaphore, #tpu.memory_space<semaphore_mem>>)
      %dma_start3A_488 = arith.constant 0 : i32
      %dma_start3A_489 = arith.constant 0 : i32
      %dma_start3A_490 = tpu.memref_slice %arg7[%dma_start3A_488, %dma_start3A_489] : memref<200x32xf32, #tpu.memory_space<hbm>> -> memref<200x32xf32, #tpu.memory_space<hbm>>
      tpu.enqueue_indirect_dma source(%dma_start3A_490 : memref<200x32xf32, #tpu.memory_space<hbm>>) target(%arg43 : memref<128x32xf32, #tpu.memory_space<vmem>>) offsets(%arg29 : memref<128xi32, #tpu.memory_space<vmem>>) semaphore(%arg53 : memref<!tpu.dma_semaphore, #tpu.memory_space<semaphore_mem>>)
      %dma_start3A_491 = arith.constant 0 : i32
      %dma_start3A_492 = arith.constant 0 : i32
      %dma_start3A_493 = tpu.memref_slice %arg8[%dma_start3A_491, %dma_start3A_492] : memref<50x32xf32, #tpu.memory_space<hbm>> -> memref<50x32xf32, #tpu.memory_space<hbm>>
      tpu.enqueue_indirect_dma source(%dma_start3A_493 : memref<50x32xf32, #tpu.memory_space<hbm>>) target(%arg44 : memref<128x32xf32, #tpu.memory_space<vmem>>) offsets(%arg30 : memref<128xi32, #tpu.memory_space<vmem>>) semaphore(%arg53 : memref<!tpu.dma_semaphore, #tpu.memory_space<semaphore_mem>>)
      %gt3A = arith.constant 0 : i32
      %gt3A_494 = arith.cmpi sgt, %scan3A_449, %gt3A : i32
      %convert_element_type3A = arith.extui %gt3A_494 : i1 to i32
      %cond3A = arith.constant 0 : i32
      %cond3A_495 = arith.cmpi ne, %convert_element_type3A, %cond3A : i32
      scf.if %cond3A_495 {
        %dma_wait3A_1027 = arith.constant 0 : i32
        %dma_wait3A_1028 = arith.constant 0 : i32
        %dma_wait3A_1029 = arith.constant 0 : i32
        %dma_wait3A_1030 = tpu.memref_slice %arg45[%dma_wait3A_1027, %dma_wait3A_1028, %dma_wait3A_1029] : memref<8x8x129xf32, #tpu.memory_space<vmem>> -> memref<8x8x128xf32, #tpu.memory_space<vmem>>
        %dma_wait3A_1031 = arith.constant 0 : i32
        %dma_wait3A_1032 = arith.constant 0 : i32
        %dma_wait3A_1033 = arith.constant 0 : i32
        %dma_wait3A_1034 = tpu.memref_slice %arg16[%mul3A_18, %dma_wait3A_1031, %select_n3A_32, %dma_wait3A_1032, %dma_wait3A_1033] : memref<200x36x8x8x128xf32, #tpu.memory_space<hbm>> -> memref<1x8x1x8x128xf32, #tpu.memory_space<hbm>>
        %dma_wait3A_1035 = tpu.memref_squeeze %dma_wait3A_1034 : memref<1x8x1x8x128xf32, #tpu.memory_space<hbm>> -> memref<8x8x128xf32, #tpu.memory_space<hbm>>
        %dma_wait3A_1036 = arith.constant 0 : i32
        %dma_wait3A_1037 = arith.constant 0 : i32
        %dma_wait3A_1038 = arith.constant 0 : i32
        %dma_wait3A_1039 = tpu.memref_slice %arg16[%mul3A_18, %dma_wait3A_1036, %select_n3A_32, %dma_wait3A_1037, %dma_wait3A_1038] : memref<200x36x8x8x128xf32, #tpu.memory_space<hbm>> -> memref<1x8x1x8x128xf32, #tpu.memory_space<hbm>>
        %dma_wait3A_1040 = tpu.memref_squeeze %dma_wait3A_1039 : memref<1x8x1x8x128xf32, #tpu.memory_space<hbm>> -> memref<8x8x128xf32, #tpu.memory_space<hbm>>
        %dma_wait3A_1041 = arith.constant 0 : i32
        %dma_wait3A_1042 = arith.constant 0 : i32
        %dma_wait3A_1043 = arith.constant 0 : i32
        %dma_wait3A_1044 = tpu.memref_slice %arg45[%dma_wait3A_1041, %dma_wait3A_1042, %dma_wait3A_1043] : memref<8x8x129xf32, #tpu.memory_space<vmem>> -> memref<8x8x128xf32, #tpu.memory_space<vmem>>
        tpu.wait_dma2 semaphore(%arg54 : memref<!tpu.dma_semaphore, #tpu.memory_space<semaphore_mem>>) src(%dma_wait3A_1044 : memref<8x8x128xf32, #tpu.memory_space<vmem>>) dst(%dma_wait3A_1040 : memref<8x8x128xf32, #tpu.memory_space<hbm>>)
        %dma_wait3A_1045 = arith.constant 0 : i32
        %dma_wait3A_1046 = arith.constant 0 : i32
        %dma_wait3A_1047 = arith.constant 0 : i32
        %dma_wait3A_1048 = tpu.memref_slice %arg46[%dma_wait3A_1045, %dma_wait3A_1046, %dma_wait3A_1047] : memref<8x8x129xf32, #tpu.memory_space<vmem>> -> memref<8x8x128xf32, #tpu.memory_space<vmem>>
        %dma_wait3A_1049 = arith.constant 8 : i32
        %dma_wait3A_1050 = arith.constant 0 : i32
        %dma_wait3A_1051 = arith.constant 0 : i32
        %dma_wait3A_1052 = tpu.memref_slice %arg16[%mul3A_18, %dma_wait3A_1049, %select_n3A_32, %dma_wait3A_1050, %dma_wait3A_1051] : memref<200x36x8x8x128xf32, #tpu.memory_space<hbm>> -> memref<1x8x1x8x128xf32, #tpu.memory_space<hbm>>
        %dma_wait3A_1053 = tpu.memref_squeeze %dma_wait3A_1052 : memref<1x8x1x8x128xf32, #tpu.memory_space<hbm>> -> memref<8x8x128xf32, #tpu.memory_space<hbm>>
        %dma_wait3A_1054 = arith.constant 8 : i32
        %dma_wait3A_1055 = arith.constant 0 : i32
        %dma_wait3A_1056 = arith.constant 0 : i32
        %dma_wait3A_1057 = tpu.memref_slice %arg16[%mul3A_18, %dma_wait3A_1054, %select_n3A_32, %dma_wait3A_1055, %dma_wait3A_1056] : memref<200x36x8x8x128xf32, #tpu.memory_space<hbm>> -> memref<1x8x1x8x128xf32, #tpu.memory_space<hbm>>
        %dma_wait3A_1058 = tpu.memref_squeeze %dma_wait3A_1057 : memref<1x8x1x8x128xf32, #tpu.memory_space<hbm>> -> memref<8x8x128xf32, #tpu.memory_space<hbm>>
        %dma_wait3A_1059 = arith.constant 0 : i32
        %dma_wait3A_1060 = arith.constant 0 : i32
        %dma_wait3A_1061 = arith.constant 0 : i32
        %dma_wait3A_1062 = tpu.memref_slice %arg46[%dma_wait3A_1059, %dma_wait3A_1060, %dma_wait3A_1061] : memref<8x8x129xf32, #tpu.memory_space<vmem>> -> memref<8x8x128xf32, #tpu.memory_space<vmem>>
        tpu.wait_dma2 semaphore(%arg54 : memref<!tpu.dma_semaphore, #tpu.memory_space<semaphore_mem>>) src(%dma_wait3A_1062 : memref<8x8x128xf32, #tpu.memory_space<vmem>>) dst(%dma_wait3A_1058 : memref<8x8x128xf32, #tpu.memory_space<hbm>>)
        %dma_wait3A_1063 = arith.constant 0 : i32
        %dma_wait3A_1064 = arith.constant 0 : i32
        %dma_wait3A_1065 = arith.constant 0 : i32
        %dma_wait3A_1066 = tpu.memref_slice %arg47[%dma_wait3A_1063, %dma_wait3A_1064, %dma_wait3A_1065] : memref<4x8x129xf32, #tpu.memory_space<vmem>> -> memref<4x8x128xf32, #tpu.memory_space<vmem>>
        %dma_wait3A_1067 = arith.constant 16 : i32
        %dma_wait3A_1068 = arith.constant 0 : i32
        %dma_wait3A_1069 = arith.constant 0 : i32
        %dma_wait3A_1070 = tpu.memref_slice %arg16[%mul3A_18, %dma_wait3A_1067, %select_n3A_32, %dma_wait3A_1068, %dma_wait3A_1069] : memref<200x36x8x8x128xf32, #tpu.memory_space<hbm>> -> memref<1x4x1x8x128xf32, #tpu.memory_space<hbm>>
        %dma_wait3A_1071 = tpu.memref_squeeze %dma_wait3A_1070 : memref<1x4x1x8x128xf32, #tpu.memory_space<hbm>> -> memref<4x8x128xf32, #tpu.memory_space<hbm>>
        %dma_wait3A_1072 = arith.constant 16 : i32
        %dma_wait3A_1073 = arith.constant 0 : i32
        %dma_wait3A_1074 = arith.constant 0 : i32
        %dma_wait3A_1075 = tpu.memref_slice %arg16[%mul3A_18, %dma_wait3A_1072, %select_n3A_32, %dma_wait3A_1073, %dma_wait3A_1074] : memref<200x36x8x8x128xf32, #tpu.memory_space<hbm>> -> memref<1x4x1x8x128xf32, #tpu.memory_space<hbm>>
        %dma_wait3A_1076 = tpu.memref_squeeze %dma_wait3A_1075 : memref<1x4x1x8x128xf32, #tpu.memory_space<hbm>> -> memref<4x8x128xf32, #tpu.memory_space<hbm>>
        %dma_wait3A_1077 = arith.constant 0 : i32
        %dma_wait3A_1078 = arith.constant 0 : i32
        %dma_wait3A_1079 = arith.constant 0 : i32
        %dma_wait3A_1080 = tpu.memref_slice %arg47[%dma_wait3A_1077, %dma_wait3A_1078, %dma_wait3A_1079] : memref<4x8x129xf32, #tpu.memory_space<vmem>> -> memref<4x8x128xf32, #tpu.memory_space<vmem>>
        tpu.wait_dma2 semaphore(%arg54 : memref<!tpu.dma_semaphore, #tpu.memory_space<semaphore_mem>>) src(%dma_wait3A_1080 : memref<4x8x128xf32, #tpu.memory_space<vmem>>) dst(%dma_wait3A_1076 : memref<4x8x128xf32, #tpu.memory_space<hbm>>)
        %dma_wait3A_1081 = arith.constant 0 : i32
        %dma_wait3A_1082 = arith.constant 0 : i32
        %dma_wait3A_1083 = arith.constant 0 : i32
        %dma_wait3A_1084 = tpu.memref_slice %arg48[%dma_wait3A_1081, %dma_wait3A_1082, %dma_wait3A_1083] : memref<4x8x129xf32, #tpu.memory_space<vmem>> -> memref<4x8x128xf32, #tpu.memory_space<vmem>>
        %dma_wait3A_1085 = arith.constant 20 : i32
        %dma_wait3A_1086 = arith.constant 0 : i32
        %dma_wait3A_1087 = arith.constant 0 : i32
        %dma_wait3A_1088 = tpu.memref_slice %arg16[%mul3A_18, %dma_wait3A_1085, %select_n3A_32, %dma_wait3A_1086, %dma_wait3A_1087] : memref<200x36x8x8x128xf32, #tpu.memory_space<hbm>> -> memref<1x4x1x8x128xf32, #tpu.memory_space<hbm>>
        %dma_wait3A_1089 = tpu.memref_squeeze %dma_wait3A_1088 : memref<1x4x1x8x128xf32, #tpu.memory_space<hbm>> -> memref<4x8x128xf32, #tpu.memory_space<hbm>>
        %dma_wait3A_1090 = arith.constant 20 : i32
        %dma_wait3A_1091 = arith.constant 0 : i32
        %dma_wait3A_1092 = arith.constant 0 : i32
        %dma_wait3A_1093 = tpu.memref_slice %arg16[%mul3A_18, %dma_wait3A_1090, %select_n3A_32, %dma_wait3A_1091, %dma_wait3A_1092] : memref<200x36x8x8x128xf32, #tpu.memory_space<hbm>> -> memref<1x4x1x8x128xf32, #tpu.memory_space<hbm>>
        %dma_wait3A_1094 = tpu.memref_squeeze %dma_wait3A_1093 : memref<1x4x1x8x128xf32, #tpu.memory_space<hbm>> -> memref<4x8x128xf32, #tpu.memory_space<hbm>>
        %dma_wait3A_1095 = arith.constant 0 : i32
        %dma_wait3A_1096 = arith.constant 0 : i32
        %dma_wait3A_1097 = arith.constant 0 : i32
        %dma_wait3A_1098 = tpu.memref_slice %arg48[%dma_wait3A_1095, %dma_wait3A_1096, %dma_wait3A_1097] : memref<4x8x129xf32, #tpu.memory_space<vmem>> -> memref<4x8x128xf32, #tpu.memory_space<vmem>>
        tpu.wait_dma2 semaphore(%arg54 : memref<!tpu.dma_semaphore, #tpu.memory_space<semaphore_mem>>) src(%dma_wait3A_1098 : memref<4x8x128xf32, #tpu.memory_space<vmem>>) dst(%dma_wait3A_1094 : memref<4x8x128xf32, #tpu.memory_space<hbm>>)
        %dma_wait3A_1099 = arith.constant 0 : i32
        %dma_wait3A_1100 = arith.constant 0 : i32
        %dma_wait3A_1101 = arith.constant 0 : i32
        %dma_wait3A_1102 = tpu.memref_slice %arg49[%dma_wait3A_1099, %dma_wait3A_1100, %dma_wait3A_1101] : memref<4x8x129xf32, #tpu.memory_space<vmem>> -> memref<4x8x128xf32, #tpu.memory_space<vmem>>
        %dma_wait3A_1103 = arith.constant 24 : i32
        %dma_wait3A_1104 = arith.constant 0 : i32
        %dma_wait3A_1105 = arith.constant 0 : i32
        %dma_wait3A_1106 = tpu.memref_slice %arg16[%mul3A_18, %dma_wait3A_1103, %select_n3A_32, %dma_wait3A_1104, %dma_wait3A_1105] : memref<200x36x8x8x128xf32, #tpu.memory_space<hbm>> -> memref<1x4x1x8x128xf32, #tpu.memory_space<hbm>>
        %dma_wait3A_1107 = tpu.memref_squeeze %dma_wait3A_1106 : memref<1x4x1x8x128xf32, #tpu.memory_space<hbm>> -> memref<4x8x128xf32, #tpu.memory_space<hbm>>
        %dma_wait3A_1108 = arith.constant 24 : i32
        %dma_wait3A_1109 = arith.constant 0 : i32
        %dma_wait3A_1110 = arith.constant 0 : i32
        %dma_wait3A_1111 = tpu.memref_slice %arg16[%mul3A_18, %dma_wait3A_1108, %select_n3A_32, %dma_wait3A_1109, %dma_wait3A_1110] : memref<200x36x8x8x128xf32, #tpu.memory_space<hbm>> -> memref<1x4x1x8x128xf32, #tpu.memory_space<hbm>>
        %dma_wait3A_1112 = tpu.memref_squeeze %dma_wait3A_1111 : memref<1x4x1x8x128xf32, #tpu.memory_space<hbm>> -> memref<4x8x128xf32, #tpu.memory_space<hbm>>
        %dma_wait3A_1113 = arith.constant 0 : i32
        %dma_wait3A_1114 = arith.constant 0 : i32
        %dma_wait3A_1115 = arith.constant 0 : i32
        %dma_wait3A_1116 = tpu.memref_slice %arg49[%dma_wait3A_1113, %dma_wait3A_1114, %dma_wait3A_1115] : memref<4x8x129xf32, #tpu.memory_space<vmem>> -> memref<4x8x128xf32, #tpu.memory_space<vmem>>
        tpu.wait_dma2 semaphore(%arg54 : memref<!tpu.dma_semaphore, #tpu.memory_space<semaphore_mem>>) src(%dma_wait3A_1116 : memref<4x8x128xf32, #tpu.memory_space<vmem>>) dst(%dma_wait3A_1112 : memref<4x8x128xf32, #tpu.memory_space<hbm>>)
        %dma_wait3A_1117 = arith.constant 0 : i32
        %dma_wait3A_1118 = arith.constant 0 : i32
        %dma_wait3A_1119 = arith.constant 0 : i32
        %dma_wait3A_1120 = tpu.memref_slice %arg50[%dma_wait3A_1117, %dma_wait3A_1118, %dma_wait3A_1119] : memref<4x8x129xf32, #tpu.memory_space<vmem>> -> memref<4x8x128xf32, #tpu.memory_space<vmem>>
        %dma_wait3A_1121 = arith.constant 28 : i32
        %dma_wait3A_1122 = arith.constant 0 : i32
        %dma_wait3A_1123 = arith.constant 0 : i32
        %dma_wait3A_1124 = tpu.memref_slice %arg16[%mul3A_18, %dma_wait3A_1121, %select_n3A_32, %dma_wait3A_1122, %dma_wait3A_1123] : memref<200x36x8x8x128xf32, #tpu.memory_space<hbm>> -> memref<1x4x1x8x128xf32, #tpu.memory_space<hbm>>
        %dma_wait3A_1125 = tpu.memref_squeeze %dma_wait3A_1124 : memref<1x4x1x8x128xf32, #tpu.memory_space<hbm>> -> memref<4x8x128xf32, #tpu.memory_space<hbm>>
        %dma_wait3A_1126 = arith.constant 28 : i32
        %dma_wait3A_1127 = arith.constant 0 : i32
        %dma_wait3A_1128 = arith.constant 0 : i32
        %dma_wait3A_1129 = tpu.memref_slice %arg16[%mul3A_18, %dma_wait3A_1126, %select_n3A_32, %dma_wait3A_1127, %dma_wait3A_1128] : memref<200x36x8x8x128xf32, #tpu.memory_space<hbm>> -> memref<1x4x1x8x128xf32, #tpu.memory_space<hbm>>
        %dma_wait3A_1130 = tpu.memref_squeeze %dma_wait3A_1129 : memref<1x4x1x8x128xf32, #tpu.memory_space<hbm>> -> memref<4x8x128xf32, #tpu.memory_space<hbm>>
        %dma_wait3A_1131 = arith.constant 0 : i32
        %dma_wait3A_1132 = arith.constant 0 : i32
        %dma_wait3A_1133 = arith.constant 0 : i32
        %dma_wait3A_1134 = tpu.memref_slice %arg50[%dma_wait3A_1131, %dma_wait3A_1132, %dma_wait3A_1133] : memref<4x8x129xf32, #tpu.memory_space<vmem>> -> memref<4x8x128xf32, #tpu.memory_space<vmem>>
        tpu.wait_dma2 semaphore(%arg54 : memref<!tpu.dma_semaphore, #tpu.memory_space<semaphore_mem>>) src(%dma_wait3A_1134 : memref<4x8x128xf32, #tpu.memory_space<vmem>>) dst(%dma_wait3A_1130 : memref<4x8x128xf32, #tpu.memory_space<hbm>>)
        %dma_wait3A_1135 = arith.constant 0 : i32
        %dma_wait3A_1136 = arith.constant 0 : i32
        %dma_wait3A_1137 = arith.constant 0 : i32
        %dma_wait3A_1138 = tpu.memref_slice %arg51[%dma_wait3A_1135, %dma_wait3A_1136, %dma_wait3A_1137] : memref<4x8x129xf32, #tpu.memory_space<vmem>> -> memref<4x8x128xf32, #tpu.memory_space<vmem>>
        %dma_wait3A_1139 = arith.constant 32 : i32
        %dma_wait3A_1140 = arith.constant 0 : i32
        %dma_wait3A_1141 = arith.constant 0 : i32
        %dma_wait3A_1142 = tpu.memref_slice %arg16[%mul3A_18, %dma_wait3A_1139, %select_n3A_32, %dma_wait3A_1140, %dma_wait3A_1141] : memref<200x36x8x8x128xf32, #tpu.memory_space<hbm>> -> memref<1x4x1x8x128xf32, #tpu.memory_space<hbm>>
        %dma_wait3A_1143 = tpu.memref_squeeze %dma_wait3A_1142 : memref<1x4x1x8x128xf32, #tpu.memory_space<hbm>> -> memref<4x8x128xf32, #tpu.memory_space<hbm>>
        %dma_wait3A_1144 = arith.constant 32 : i32
        %dma_wait3A_1145 = arith.constant 0 : i32
        %dma_wait3A_1146 = arith.constant 0 : i32
        %dma_wait3A_1147 = tpu.memref_slice %arg16[%mul3A_18, %dma_wait3A_1144, %select_n3A_32, %dma_wait3A_1145, %dma_wait3A_1146] : memref<200x36x8x8x128xf32, #tpu.memory_space<hbm>> -> memref<1x4x1x8x128xf32, #tpu.memory_space<hbm>>
        %dma_wait3A_1148 = tpu.memref_squeeze %dma_wait3A_1147 : memref<1x4x1x8x128xf32, #tpu.memory_space<hbm>> -> memref<4x8x128xf32, #tpu.memory_space<hbm>>
        %dma_wait3A_1149 = arith.constant 0 : i32
        %dma_wait3A_1150 = arith.constant 0 : i32
        %dma_wait3A_1151 = arith.constant 0 : i32
        %dma_wait3A_1152 = tpu.memref_slice %arg51[%dma_wait3A_1149, %dma_wait3A_1150, %dma_wait3A_1151] : memref<4x8x129xf32, #tpu.memory_space<vmem>> -> memref<4x8x128xf32, #tpu.memory_space<vmem>>
        tpu.wait_dma2 semaphore(%arg54 : memref<!tpu.dma_semaphore, #tpu.memory_space<semaphore_mem>>) src(%dma_wait3A_1152 : memref<4x8x128xf32, #tpu.memory_space<vmem>>) dst(%dma_wait3A_1148 : memref<4x8x128xf32, #tpu.memory_space<hbm>>)
      } else {
      }
      %broadcast_in_dim3A = arith.constant 0 : i32
      %broadcast_in_dim3A_496 = vector.broadcast %broadcast_in_dim3A : i32 to vector<16xi32>
      %scan3A_497 = arith.constant 0 : i32
      %scan3A_498 = arith.constant 64 : i32
      %scan3A_499 = arith.addi %scan3A_497, %scan3A_498 : i32
      %scan3A_500 = arith.constant 1 : i32
      %scan3A_501 = scf.for %scan3A_1027 = %scan3A_497 to %scan3A_499 step %scan3A_500 iter_args(%scan3A_1028 = %broadcast_in_dim3A_496) -> (vector<16xi32>)  : i32 {
        %mul3A_1029 = arith.constant 2 : i32
        %mul3A_1030 = arith.muli %scan3A_1027, %mul3A_1029 : i32
        %add3A_1031 = arith.constant 0 : i32
        %add3A_1032 = arith.addi %mul3A_1030, %add3A_1031 : i32
        %add3A_1033 = arith.constant 0 : i32
        %add3A_1034 = vector.broadcast %add3A_1033 : i32 to vector<16xi32>
        %add3A_1035 = arith.addi %scan3A_1028, %add3A_1034 : vector<16xi32>
        %get3A = arith.index_cast %add3A_1032 : i32 to index
        %get3A_1036 = arith.constant 0 : index
        %get3A_1037 = tpu.vector_load %arg31[%get3A, %get3A_1036] {strides = array<i32>} : memref<128x128xf32, #tpu.memory_space<vmem>>, vector<16xf32>,
        tpu.vector_store_idx %arg45[%select_n3A_68, %select_n3A_195, %add3A_1035], %get3A_1037 : memref<8x8x129xf32, #tpu.memory_space<vmem>>[vector<16xi32>, vector<16xi32>, vector<16xi32>], vector<16xf32>,
        %get3A_1038 = arith.index_cast %add3A_1032 : i32 to index
        %get3A_1039 = arith.constant 16 : index
        %get3A_1040 = tpu.vector_load %arg31[%get3A_1038, %get3A_1039] {strides = array<i32>} : memref<128x128xf32, #tpu.memory_space<vmem>>, vector<16xf32>,
        tpu.vector_store_idx %arg45[%select_n3A_102, %select_n3A_220, %add3A_1035], %get3A_1040 : memref<8x8x129xf32, #tpu.memory_space<vmem>>[vector<16xi32>, vector<16xi32>, vector<16xi32>], vector<16xf32>,
        %get3A_1041 = arith.index_cast %add3A_1032 : i32 to index
        %get3A_1042 = arith.constant 32 : index
        %get3A_1043 = tpu.vector_load %arg31[%get3A_1041, %get3A_1042] {strides = array<i32>} : memref<128x128xf32, #tpu.memory_space<vmem>>, vector<16xf32>,
        tpu.vector_store_idx %arg45[%select_n3A_136, %select_n3A_245, %add3A_1035], %get3A_1043 : memref<8x8x129xf32, #tpu.memory_space<vmem>>[vector<16xi32>, vector<16xi32>, vector<16xi32>], vector<16xf32>,
        %get3A_1044 = arith.index_cast %add3A_1032 : i32 to index
        %get3A_1045 = arith.constant 48 : index
        %get3A_1046 = tpu.vector_load %arg31[%get3A_1044, %get3A_1045] {strides = array<i32>} : memref<128x128xf32, #tpu.memory_space<vmem>>, vector<16xf32>,
        tpu.vector_store_idx %arg45[%select_n3A_170, %select_n3A_270, %add3A_1035], %get3A_1046 : memref<8x8x129xf32, #tpu.memory_space<vmem>>[vector<16xi32>, vector<16xi32>, vector<16xi32>], vector<16xf32>,
        %mul3A_1047 = arith.constant 2 : i32
        %mul3A_1048 = arith.muli %scan3A_1027, %mul3A_1047 : i32
        %add3A_1049 = arith.constant 1 : i32
        %add3A_1050 = arith.addi %mul3A_1048, %add3A_1049 : i32
        %add3A_1051 = arith.constant 1 : i32
        %add3A_1052 = vector.broadcast %add3A_1051 : i32 to vector<16xi32>
        %add3A_1053 = arith.addi %scan3A_1028, %add3A_1052 : vector<16xi32>
        %get3A_1054 = arith.index_cast %add3A_1050 : i32 to index
        %get3A_1055 = arith.constant 0 : index
        %get3A_1056 = tpu.vector_load %arg31[%get3A_1054, %get3A_1055] {strides = array<i32>} : memref<128x128xf32, #tpu.memory_space<vmem>>, vector<16xf32>,
        tpu.vector_store_idx %arg45[%select_n3A_68, %select_n3A_195, %add3A_1053], %get3A_1056 : memref<8x8x129xf32, #tpu.memory_space<vmem>>[vector<16xi32>, vector<16xi32>, vector<16xi32>], vector<16xf32>,
        %get3A_1057 = arith.index_cast %add3A_1050 : i32 to index
        %get3A_1058 = arith.constant 16 : index
        %get3A_1059 = tpu.vector_load %arg31[%get3A_1057, %get3A_1058] {strides = array<i32>} : memref<128x128xf32, #tpu.memory_space<vmem>>, vector<16xf32>,
        tpu.vector_store_idx %arg45[%select_n3A_102, %select_n3A_220, %add3A_1053], %get3A_1059 : memref<8x8x129xf32, #tpu.memory_space<vmem>>[vector<16xi32>, vector<16xi32>, vector<16xi32>], vector<16xf32>,
        %get3A_1060 = arith.index_cast %add3A_1050 : i32 to index
        %get3A_1061 = arith.constant 32 : index
        %get3A_1062 = tpu.vector_load %arg31[%get3A_1060, %get3A_1061] {strides = array<i32>} : memref<128x128xf32, #tpu.memory_space<vmem>>, vector<16xf32>,
        tpu.vector_store_idx %arg45[%select_n3A_136, %select_n3A_245, %add3A_1053], %get3A_1062 : memref<8x8x129xf32, #tpu.memory_space<vmem>>[vector<16xi32>, vector<16xi32>, vector<16xi32>], vector<16xf32>,
        %get3A_1063 = arith.index_cast %add3A_1050 : i32 to index
        %get3A_1064 = arith.constant 48 : index
        %get3A_1065 = tpu.vector_load %arg31[%get3A_1063, %get3A_1064] {strides = array<i32>} : memref<128x128xf32, #tpu.memory_space<vmem>>, vector<16xf32>,
        tpu.vector_store_idx %arg45[%select_n3A_170, %select_n3A_270, %add3A_1053], %get3A_1065 : memref<8x8x129xf32, #tpu.memory_space<vmem>>[vector<16xi32>, vector<16xi32>, vector<16xi32>], vector<16xf32>,
        %add3A_1066 = arith.constant 2 : i32
        %add3A_1067 = vector.broadcast %add3A_1066 : i32 to vector<16xi32>
        %add3A_1068 = arith.addi %scan3A_1028, %add3A_1067 : vector<16xi32>
        scf.yield %add3A_1068 : vector<16xi32>
      }
      %scan3A_502 = arith.constant 64 : i32
      %broadcast_in_dim3A_503 = arith.constant 0 : i32
      %broadcast_in_dim3A_504 = vector.broadcast %broadcast_in_dim3A_503 : i32 to vector<16xi32>
      %scan3A_505 = arith.constant 0 : i32
      %scan3A_506 = arith.constant 64 : i32
      %scan3A_507 = arith.addi %scan3A_505, %scan3A_506 : i32
      %scan3A_508 = arith.constant 1 : i32
      %scan3A_509 = scf.for %scan3A_1027 = %scan3A_505 to %scan3A_507 step %scan3A_508 iter_args(%scan3A_1028 = %broadcast_in_dim3A_504) -> (vector<16xi32>)  : i32 {
        %mul3A_1029 = arith.constant 2 : i32
        %mul3A_1030 = arith.muli %scan3A_1027, %mul3A_1029 : i32
        %add3A_1031 = arith.constant 0 : i32
        %add3A_1032 = arith.addi %mul3A_1030, %add3A_1031 : i32
        %add3A_1033 = arith.constant 0 : i32
        %add3A_1034 = vector.broadcast %add3A_1033 : i32 to vector<16xi32>
        %add3A_1035 = arith.addi %scan3A_1028, %add3A_1034 : vector<16xi32>
        %get3A = arith.index_cast %add3A_1032 : i32 to index
        %get3A_1036 = arith.constant 0 : index
        %get3A_1037 = tpu.vector_load %arg32[%get3A, %get3A_1036] {strides = array<i32>} : memref<128x64xf32, #tpu.memory_space<vmem>>, vector<16xf32>,
        tpu.vector_store_idx %arg46[%select_n3A_68, %select_n3A_195, %add3A_1035], %get3A_1037 : memref<8x8x129xf32, #tpu.memory_space<vmem>>[vector<16xi32>, vector<16xi32>, vector<16xi32>], vector<16xf32>,
        %get3A_1038 = arith.index_cast %add3A_1032 : i32 to index
        %get3A_1039 = arith.constant 16 : index
        %get3A_1040 = tpu.vector_load %arg32[%get3A_1038, %get3A_1039] {strides = array<i32>} : memref<128x64xf32, #tpu.memory_space<vmem>>, vector<16xf32>,
        tpu.vector_store_idx %arg46[%select_n3A_102, %select_n3A_220, %add3A_1035], %get3A_1040 : memref<8x8x129xf32, #tpu.memory_space<vmem>>[vector<16xi32>, vector<16xi32>, vector<16xi32>], vector<16xf32>,
        %get3A_1041 = arith.index_cast %add3A_1032 : i32 to index
        %get3A_1042 = arith.constant 32 : index
        %get3A_1043 = tpu.vector_load %arg32[%get3A_1041, %get3A_1042] {strides = array<i32>} : memref<128x64xf32, #tpu.memory_space<vmem>>, vector<16xf32>,
        tpu.vector_store_idx %arg46[%select_n3A_136, %select_n3A_245, %add3A_1035], %get3A_1043 : memref<8x8x129xf32, #tpu.memory_space<vmem>>[vector<16xi32>, vector<16xi32>, vector<16xi32>], vector<16xf32>,
        %get3A_1044 = arith.index_cast %add3A_1032 : i32 to index
        %get3A_1045 = arith.constant 48 : index
        %get3A_1046 = tpu.vector_load %arg32[%get3A_1044, %get3A_1045] {strides = array<i32>} : memref<128x64xf32, #tpu.memory_space<vmem>>, vector<16xf32>,
        tpu.vector_store_idx %arg46[%select_n3A_170, %select_n3A_270, %add3A_1035], %get3A_1046 : memref<8x8x129xf32, #tpu.memory_space<vmem>>[vector<16xi32>, vector<16xi32>, vector<16xi32>], vector<16xf32>,
        %mul3A_1047 = arith.constant 2 : i32
        %mul3A_1048 = arith.muli %scan3A_1027, %mul3A_1047 : i32
        %add3A_1049 = arith.constant 1 : i32
        %add3A_1050 = arith.addi %mul3A_1048, %add3A_1049 : i32
        %add3A_1051 = arith.constant 1 : i32
        %add3A_1052 = vector.broadcast %add3A_1051 : i32 to vector<16xi32>
        %add3A_1053 = arith.addi %scan3A_1028, %add3A_1052 : vector<16xi32>
        %get3A_1054 = arith.index_cast %add3A_1050 : i32 to index
        %get3A_1055 = arith.constant 0 : index
        %get3A_1056 = tpu.vector_load %arg32[%get3A_1054, %get3A_1055] {strides = array<i32>} : memref<128x64xf32, #tpu.memory_space<vmem>>, vector<16xf32>,
        tpu.vector_store_idx %arg46[%select_n3A_68, %select_n3A_195, %add3A_1053], %get3A_1056 : memref<8x8x129xf32, #tpu.memory_space<vmem>>[vector<16xi32>, vector<16xi32>, vector<16xi32>], vector<16xf32>,
        %get3A_1057 = arith.index_cast %add3A_1050 : i32 to index
        %get3A_1058 = arith.constant 16 : index
        %get3A_1059 = tpu.vector_load %arg32[%get3A_1057, %get3A_1058] {strides = array<i32>} : memref<128x64xf32, #tpu.memory_space<vmem>>, vector<16xf32>,
        tpu.vector_store_idx %arg46[%select_n3A_102, %select_n3A_220, %add3A_1053], %get3A_1059 : memref<8x8x129xf32, #tpu.memory_space<vmem>>[vector<16xi32>, vector<16xi32>, vector<16xi32>], vector<16xf32>,
        %get3A_1060 = arith.index_cast %add3A_1050 : i32 to index
        %get3A_1061 = arith.constant 32 : index
        %get3A_1062 = tpu.vector_load %arg32[%get3A_1060, %get3A_1061] {strides = array<i32>} : memref<128x64xf32, #tpu.memory_space<vmem>>, vector<16xf32>,
        tpu.vector_store_idx %arg46[%select_n3A_136, %select_n3A_245, %add3A_1053], %get3A_1062 : memref<8x8x129xf32, #tpu.memory_space<vmem>>[vector<16xi32>, vector<16xi32>, vector<16xi32>], vector<16xf32>,
        %get3A_1063 = arith.index_cast %add3A_1050 : i32 to index
        %get3A_1064 = arith.constant 48 : index
        %get3A_1065 = tpu.vector_load %arg32[%get3A_1063, %get3A_1064] {strides = array<i32>} : memref<128x64xf32, #tpu.memory_space<vmem>>, vector<16xf32>,
        tpu.vector_store_idx %arg46[%select_n3A_170, %select_n3A_270, %add3A_1053], %get3A_1065 : memref<8x8x129xf32, #tpu.memory_space<vmem>>[vector<16xi32>, vector<16xi32>, vector<16xi32>], vector<16xf32>,
        %add3A_1066 = arith.constant 2 : i32
        %add3A_1067 = vector.broadcast %add3A_1066 : i32 to vector<16xi32>
        %add3A_1068 = arith.addi %scan3A_1028, %add3A_1067 : vector<16xi32>
        scf.yield %add3A_1068 : vector<16xi32>
      }
      %scan3A_510 = arith.constant 64 : i32
      %broadcast_in_dim3A_511 = arith.constant 0 : i32
      %broadcast_in_dim3A_512 = vector.broadcast %broadcast_in_dim3A_511 : i32 to vector<16xi32>
      %scan3A_513 = arith.constant 0 : i32
      %scan3A_514 = arith.constant 64 : i32
      %scan3A_515 = arith.addi %scan3A_513, %scan3A_514 : i32
      %scan3A_516 = arith.constant 1 : i32
      %scan3A_517 = scf.for %scan3A_1027 = %scan3A_513 to %scan3A_515 step %scan3A_516 iter_args(%scan3A_1028 = %broadcast_in_dim3A_512) -> (vector<16xi32>)  : i32 {
        %mul3A_1029 = arith.constant 2 : i32
        %mul3A_1030 = arith.muli %scan3A_1027, %mul3A_1029 : i32
        %add3A_1031 = arith.constant 0 : i32
        %add3A_1032 = arith.addi %mul3A_1030, %add3A_1031 : i32
        %add3A_1033 = arith.constant 0 : i32
        %add3A_1034 = vector.broadcast %add3A_1033 : i32 to vector<16xi32>
        %add3A_1035 = arith.addi %scan3A_1028, %add3A_1034 : vector<16xi32>
        %get3A = arith.index_cast %add3A_1032 : i32 to index
        %get3A_1036 = arith.constant 0 : index
        %get3A_1037 = tpu.vector_load %arg33[%get3A, %get3A_1036] {strides = array<i32>} : memref<128x32xf32, #tpu.memory_space<vmem>>, vector<16xf32>,
        tpu.vector_store_idx %arg47[%select_n3A_68, %select_n3A_195, %add3A_1035], %get3A_1037 : memref<4x8x129xf32, #tpu.memory_space<vmem>>[vector<16xi32>, vector<16xi32>, vector<16xi32>], vector<16xf32>,
        %get3A_1038 = arith.index_cast %add3A_1032 : i32 to index
        %get3A_1039 = arith.constant 16 : index
        %get3A_1040 = tpu.vector_load %arg33[%get3A_1038, %get3A_1039] {strides = array<i32>} : memref<128x32xf32, #tpu.memory_space<vmem>>, vector<16xf32>,
        tpu.vector_store_idx %arg47[%select_n3A_102, %select_n3A_220, %add3A_1035], %get3A_1040 : memref<4x8x129xf32, #tpu.memory_space<vmem>>[vector<16xi32>, vector<16xi32>, vector<16xi32>], vector<16xf32>,
        %mul3A_1041 = arith.constant 2 : i32
        %mul3A_1042 = arith.muli %scan3A_1027, %mul3A_1041 : i32
        %add3A_1043 = arith.constant 1 : i32
        %add3A_1044 = arith.addi %mul3A_1042, %add3A_1043 : i32
        %add3A_1045 = arith.constant 1 : i32
        %add3A_1046 = vector.broadcast %add3A_1045 : i32 to vector<16xi32>
        %add3A_1047 = arith.addi %scan3A_1028, %add3A_1046 : vector<16xi32>
        %get3A_1048 = arith.index_cast %add3A_1044 : i32 to index
        %get3A_1049 = arith.constant 0 : index
        %get3A_1050 = tpu.vector_load %arg33[%get3A_1048, %get3A_1049] {strides = array<i32>} : memref<128x32xf32, #tpu.memory_space<vmem>>, vector<16xf32>,
        tpu.vector_store_idx %arg47[%select_n3A_68, %select_n3A_195, %add3A_1047], %get3A_1050 : memref<4x8x129xf32, #tpu.memory_space<vmem>>[vector<16xi32>, vector<16xi32>, vector<16xi32>], vector<16xf32>,
        %get3A_1051 = arith.index_cast %add3A_1044 : i32 to index
        %get3A_1052 = arith.constant 16 : index
        %get3A_1053 = tpu.vector_load %arg33[%get3A_1051, %get3A_1052] {strides = array<i32>} : memref<128x32xf32, #tpu.memory_space<vmem>>, vector<16xf32>,
        tpu.vector_store_idx %arg47[%select_n3A_102, %select_n3A_220, %add3A_1047], %get3A_1053 : memref<4x8x129xf32, #tpu.memory_space<vmem>>[vector<16xi32>, vector<16xi32>, vector<16xi32>], vector<16xf32>,
        %add3A_1054 = arith.constant 2 : i32
        %add3A_1055 = vector.broadcast %add3A_1054 : i32 to vector<16xi32>
        %add3A_1056 = arith.addi %scan3A_1028, %add3A_1055 : vector<16xi32>
        scf.yield %add3A_1056 : vector<16xi32>
      }
      %scan3A_518 = arith.constant 64 : i32
      %broadcast_in_dim3A_519 = arith.constant 0 : i32
      %broadcast_in_dim3A_520 = vector.broadcast %broadcast_in_dim3A_519 : i32 to vector<16xi32>
      %scan3A_521 = arith.constant 0 : i32
      %scan3A_522 = arith.constant 64 : i32
      %scan3A_523 = arith.addi %scan3A_521, %scan3A_522 : i32
      %scan3A_524 = arith.constant 1 : i32
      %scan3A_525 = scf.for %scan3A_1027 = %scan3A_521 to %scan3A_523 step %scan3A_524 iter_args(%scan3A_1028 = %broadcast_in_dim3A_520) -> (vector<16xi32>)  : i32 {
        %mul3A_1029 = arith.constant 2 : i32
        %mul3A_1030 = arith.muli %scan3A_1027, %mul3A_1029 : i32
        %add3A_1031 = arith.constant 0 : i32
        %add3A_1032 = arith.addi %mul3A_1030, %add3A_1031 : i32
        %add3A_1033 = arith.constant 0 : i32
        %add3A_1034 = vector.broadcast %add3A_1033 : i32 to vector<16xi32>
        %add3A_1035 = arith.addi %scan3A_1028, %add3A_1034 : vector<16xi32>
        %get3A = arith.index_cast %add3A_1032 : i32 to index
        %get3A_1036 = arith.constant 0 : index
        %get3A_1037 = tpu.vector_load %arg34[%get3A, %get3A_1036] {strides = array<i32>} : memref<128x32xf32, #tpu.memory_space<vmem>>, vector<16xf32>,
        tpu.vector_store_idx %arg48[%select_n3A_68, %select_n3A_195, %add3A_1035], %get3A_1037 : memref<4x8x129xf32, #tpu.memory_space<vmem>>[vector<16xi32>, vector<16xi32>, vector<16xi32>], vector<16xf32>,
        %get3A_1038 = arith.index_cast %add3A_1032 : i32 to index
        %get3A_1039 = arith.constant 16 : index
        %get3A_1040 = tpu.vector_load %arg34[%get3A_1038, %get3A_1039] {strides = array<i32>} : memref<128x32xf32, #tpu.memory_space<vmem>>, vector<16xf32>,
        tpu.vector_store_idx %arg48[%select_n3A_102, %select_n3A_220, %add3A_1035], %get3A_1040 : memref<4x8x129xf32, #tpu.memory_space<vmem>>[vector<16xi32>, vector<16xi32>, vector<16xi32>], vector<16xf32>,
        %mul3A_1041 = arith.constant 2 : i32
        %mul3A_1042 = arith.muli %scan3A_1027, %mul3A_1041 : i32
        %add3A_1043 = arith.constant 1 : i32
        %add3A_1044 = arith.addi %mul3A_1042, %add3A_1043 : i32
        %add3A_1045 = arith.constant 1 : i32
        %add3A_1046 = vector.broadcast %add3A_1045 : i32 to vector<16xi32>
        %add3A_1047 = arith.addi %scan3A_1028, %add3A_1046 : vector<16xi32>
        %get3A_1048 = arith.index_cast %add3A_1044 : i32 to index
        %get3A_1049 = arith.constant 0 : index
        %get3A_1050 = tpu.vector_load %arg34[%get3A_1048, %get3A_1049] {strides = array<i32>} : memref<128x32xf32, #tpu.memory_space<vmem>>, vector<16xf32>,
        tpu.vector_store_idx %arg48[%select_n3A_68, %select_n3A_195, %add3A_1047], %get3A_1050 : memref<4x8x129xf32, #tpu.memory_space<vmem>>[vector<16xi32>, vector<16xi32>, vector<16xi32>], vector<16xf32>,
        %get3A_1051 = arith.index_cast %add3A_1044 : i32 to index
        %get3A_1052 = arith.constant 16 : index
        %get3A_1053 = tpu.vector_load %arg34[%get3A_1051, %get3A_1052] {strides = array<i32>} : memref<128x32xf32, #tpu.memory_space<vmem>>, vector<16xf32>,
        tpu.vector_store_idx %arg48[%select_n3A_102, %select_n3A_220, %add3A_1047], %get3A_1053 : memref<4x8x129xf32, #tpu.memory_space<vmem>>[vector<16xi32>, vector<16xi32>, vector<16xi32>], vector<16xf32>,
        %add3A_1054 = arith.constant 2 : i32
        %add3A_1055 = vector.broadcast %add3A_1054 : i32 to vector<16xi32>
        %add3A_1056 = arith.addi %scan3A_1028, %add3A_1055 : vector<16xi32>
        scf.yield %add3A_1056 : vector<16xi32>
      }
      %scan3A_526 = arith.constant 64 : i32
      %broadcast_in_dim3A_527 = arith.constant 0 : i32
      %broadcast_in_dim3A_528 = vector.broadcast %broadcast_in_dim3A_527 : i32 to vector<16xi32>
      %scan3A_529 = arith.constant 0 : i32
      %scan3A_530 = arith.constant 64 : i32
      %scan3A_531 = arith.addi %scan3A_529, %scan3A_530 : i32
      %scan3A_532 = arith.constant 1 : i32
      %scan3A_533 = scf.for %scan3A_1027 = %scan3A_529 to %scan3A_531 step %scan3A_532 iter_args(%scan3A_1028 = %broadcast_in_dim3A_528) -> (vector<16xi32>)  : i32 {
        %mul3A_1029 = arith.constant 2 : i32
        %mul3A_1030 = arith.muli %scan3A_1027, %mul3A_1029 : i32
        %add3A_1031 = arith.constant 0 : i32
        %add3A_1032 = arith.addi %mul3A_1030, %add3A_1031 : i32
        %add3A_1033 = arith.constant 0 : i32
        %add3A_1034 = vector.broadcast %add3A_1033 : i32 to vector<16xi32>
        %add3A_1035 = arith.addi %scan3A_1028, %add3A_1034 : vector<16xi32>
        %get3A = arith.index_cast %add3A_1032 : i32 to index
        %get3A_1036 = arith.constant 0 : index
        %get3A_1037 = tpu.vector_load %arg35[%get3A, %get3A_1036] {strides = array<i32>} : memref<128x32xf32, #tpu.memory_space<vmem>>, vector<16xf32>,
        tpu.vector_store_idx %arg49[%select_n3A_68, %select_n3A_195, %add3A_1035], %get3A_1037 : memref<4x8x129xf32, #tpu.memory_space<vmem>>[vector<16xi32>, vector<16xi32>, vector<16xi32>], vector<16xf32>,
        %get3A_1038 = arith.index_cast %add3A_1032 : i32 to index
        %get3A_1039 = arith.constant 16 : index
        %get3A_1040 = tpu.vector_load %arg35[%get3A_1038, %get3A_1039] {strides = array<i32>} : memref<128x32xf32, #tpu.memory_space<vmem>>, vector<16xf32>,
        tpu.vector_store_idx %arg49[%select_n3A_102, %select_n3A_220, %add3A_1035], %get3A_1040 : memref<4x8x129xf32, #tpu.memory_space<vmem>>[vector<16xi32>, vector<16xi32>, vector<16xi32>], vector<16xf32>,
        %mul3A_1041 = arith.constant 2 : i32
        %mul3A_1042 = arith.muli %scan3A_1027, %mul3A_1041 : i32
        %add3A_1043 = arith.constant 1 : i32
        %add3A_1044 = arith.addi %mul3A_1042, %add3A_1043 : i32
        %add3A_1045 = arith.constant 1 : i32
        %add3A_1046 = vector.broadcast %add3A_1045 : i32 to vector<16xi32>
        %add3A_1047 = arith.addi %scan3A_1028, %add3A_1046 : vector<16xi32>
        %get3A_1048 = arith.index_cast %add3A_1044 : i32 to index
        %get3A_1049 = arith.constant 0 : index
        %get3A_1050 = tpu.vector_load %arg35[%get3A_1048, %get3A_1049] {strides = array<i32>} : memref<128x32xf32, #tpu.memory_space<vmem>>, vector<16xf32>,
        tpu.vector_store_idx %arg49[%select_n3A_68, %select_n3A_195, %add3A_1047], %get3A_1050 : memref<4x8x129xf32, #tpu.memory_space<vmem>>[vector<16xi32>, vector<16xi32>, vector<16xi32>], vector<16xf32>,
        %get3A_1051 = arith.index_cast %add3A_1044 : i32 to index
        %get3A_1052 = arith.constant 16 : index
        %get3A_1053 = tpu.vector_load %arg35[%get3A_1051, %get3A_1052] {strides = array<i32>} : memref<128x32xf32, #tpu.memory_space<vmem>>, vector<16xf32>,
        tpu.vector_store_idx %arg49[%select_n3A_102, %select_n3A_220, %add3A_1047], %get3A_1053 : memref<4x8x129xf32, #tpu.memory_space<vmem>>[vector<16xi32>, vector<16xi32>, vector<16xi32>], vector<16xf32>,
        %add3A_1054 = arith.constant 2 : i32
        %add3A_1055 = vector.broadcast %add3A_1054 : i32 to vector<16xi32>
        %add3A_1056 = arith.addi %scan3A_1028, %add3A_1055 : vector<16xi32>
        scf.yield %add3A_1056 : vector<16xi32>
      }
      %scan3A_534 = arith.constant 64 : i32
      %broadcast_in_dim3A_535 = arith.constant 0 : i32
      %broadcast_in_dim3A_536 = vector.broadcast %broadcast_in_dim3A_535 : i32 to vector<16xi32>
      %scan3A_537 = arith.constant 0 : i32
      %scan3A_538 = arith.constant 64 : i32
      %scan3A_539 = arith.addi %scan3A_537, %scan3A_538 : i32
      %scan3A_540 = arith.constant 1 : i32
      %scan3A_541 = scf.for %scan3A_1027 = %scan3A_537 to %scan3A_539 step %scan3A_540 iter_args(%scan3A_1028 = %broadcast_in_dim3A_536) -> (vector<16xi32>)  : i32 {
        %mul3A_1029 = arith.constant 2 : i32
        %mul3A_1030 = arith.muli %scan3A_1027, %mul3A_1029 : i32
        %add3A_1031 = arith.constant 0 : i32
        %add3A_1032 = arith.addi %mul3A_1030, %add3A_1031 : i32
        %add3A_1033 = arith.constant 0 : i32
        %add3A_1034 = vector.broadcast %add3A_1033 : i32 to vector<16xi32>
        %add3A_1035 = arith.addi %scan3A_1028, %add3A_1034 : vector<16xi32>
        %get3A = arith.index_cast %add3A_1032 : i32 to index
        %get3A_1036 = arith.constant 0 : index
        %get3A_1037 = tpu.vector_load %arg36[%get3A, %get3A_1036] {strides = array<i32>} : memref<128x32xf32, #tpu.memory_space<vmem>>, vector<16xf32>,
        tpu.vector_store_idx %arg50[%select_n3A_68, %select_n3A_195, %add3A_1035], %get3A_1037 : memref<4x8x129xf32, #tpu.memory_space<vmem>>[vector<16xi32>, vector<16xi32>, vector<16xi32>], vector<16xf32>,
        %get3A_1038 = arith.index_cast %add3A_1032 : i32 to index
        %get3A_1039 = arith.constant 16 : index
        %get3A_1040 = tpu.vector_load %arg36[%get3A_1038, %get3A_1039] {strides = array<i32>} : memref<128x32xf32, #tpu.memory_space<vmem>>, vector<16xf32>,
        tpu.vector_store_idx %arg50[%select_n3A_102, %select_n3A_220, %add3A_1035], %get3A_1040 : memref<4x8x129xf32, #tpu.memory_space<vmem>>[vector<16xi32>, vector<16xi32>, vector<16xi32>], vector<16xf32>,
        %mul3A_1041 = arith.constant 2 : i32
        %mul3A_1042 = arith.muli %scan3A_1027, %mul3A_1041 : i32
        %add3A_1043 = arith.constant 1 : i32
        %add3A_1044 = arith.addi %mul3A_1042, %add3A_1043 : i32
        %add3A_1045 = arith.constant 1 : i32
        %add3A_1046 = vector.broadcast %add3A_1045 : i32 to vector<16xi32>
        %add3A_1047 = arith.addi %scan3A_1028, %add3A_1046 : vector<16xi32>
        %get3A_1048 = arith.index_cast %add3A_1044 : i32 to index
        %get3A_1049 = arith.constant 0 : index
        %get3A_1050 = tpu.vector_load %arg36[%get3A_1048, %get3A_1049] {strides = array<i32>} : memref<128x32xf32, #tpu.memory_space<vmem>>, vector<16xf32>,
        tpu.vector_store_idx %arg50[%select_n3A_68, %select_n3A_195, %add3A_1047], %get3A_1050 : memref<4x8x129xf32, #tpu.memory_space<vmem>>[vector<16xi32>, vector<16xi32>, vector<16xi32>], vector<16xf32>,
        %get3A_1051 = arith.index_cast %add3A_1044 : i32 to index
        %get3A_1052 = arith.constant 16 : index
        %get3A_1053 = tpu.vector_load %arg36[%get3A_1051, %get3A_1052] {strides = array<i32>} : memref<128x32xf32, #tpu.memory_space<vmem>>, vector<16xf32>,
        tpu.vector_store_idx %arg50[%select_n3A_102, %select_n3A_220, %add3A_1047], %get3A_1053 : memref<4x8x129xf32, #tpu.memory_space<vmem>>[vector<16xi32>, vector<16xi32>, vector<16xi32>], vector<16xf32>,
        %add3A_1054 = arith.constant 2 : i32
        %add3A_1055 = vector.broadcast %add3A_1054 : i32 to vector<16xi32>
        %add3A_1056 = arith.addi %scan3A_1028, %add3A_1055 : vector<16xi32>
        scf.yield %add3A_1056 : vector<16xi32>
      }
      %scan3A_542 = arith.constant 64 : i32
      %broadcast_in_dim3A_543 = arith.constant 0 : i32
      %broadcast_in_dim3A_544 = vector.broadcast %broadcast_in_dim3A_543 : i32 to vector<16xi32>
      %scan3A_545 = arith.constant 0 : i32
      %scan3A_546 = arith.constant 64 : i32
      %scan3A_547 = arith.addi %scan3A_545, %scan3A_546 : i32
      %scan3A_548 = arith.constant 1 : i32
      %scan3A_549 = scf.for %scan3A_1027 = %scan3A_545 to %scan3A_547 step %scan3A_548 iter_args(%scan3A_1028 = %broadcast_in_dim3A_544) -> (vector<16xi32>)  : i32 {
        %mul3A_1029 = arith.constant 2 : i32
        %mul3A_1030 = arith.muli %scan3A_1027, %mul3A_1029 : i32
        %add3A_1031 = arith.constant 0 : i32
        %add3A_1032 = arith.addi %mul3A_1030, %add3A_1031 : i32
        %add3A_1033 = arith.constant 0 : i32
        %add3A_1034 = vector.broadcast %add3A_1033 : i32 to vector<16xi32>
        %add3A_1035 = arith.addi %scan3A_1028, %add3A_1034 : vector<16xi32>
        %get3A = arith.index_cast %add3A_1032 : i32 to index
        %get3A_1036 = arith.constant 0 : index
        %get3A_1037 = tpu.vector_load %arg37[%get3A, %get3A_1036] {strides = array<i32>} : memref<128x32xf32, #tpu.memory_space<vmem>>, vector<16xf32>,
        tpu.vector_store_idx %arg51[%select_n3A_68, %select_n3A_195, %add3A_1035], %get3A_1037 : memref<4x8x129xf32, #tpu.memory_space<vmem>>[vector<16xi32>, vector<16xi32>, vector<16xi32>], vector<16xf32>,
        %get3A_1038 = arith.index_cast %add3A_1032 : i32 to index
        %get3A_1039 = arith.constant 16 : index
        %get3A_1040 = tpu.vector_load %arg37[%get3A_1038, %get3A_1039] {strides = array<i32>} : memref<128x32xf32, #tpu.memory_space<vmem>>, vector<16xf32>,
        tpu.vector_store_idx %arg51[%select_n3A_102, %select_n3A_220, %add3A_1035], %get3A_1040 : memref<4x8x129xf32, #tpu.memory_space<vmem>>[vector<16xi32>, vector<16xi32>, vector<16xi32>], vector<16xf32>,
        %mul3A_1041 = arith.constant 2 : i32
        %mul3A_1042 = arith.muli %scan3A_1027, %mul3A_1041 : i32
        %add3A_1043 = arith.constant 1 : i32
        %add3A_1044 = arith.addi %mul3A_1042, %add3A_1043 : i32
        %add3A_1045 = arith.constant 1 : i32
        %add3A_1046 = vector.broadcast %add3A_1045 : i32 to vector<16xi32>
        %add3A_1047 = arith.addi %scan3A_1028, %add3A_1046 : vector<16xi32>
        %get3A_1048 = arith.index_cast %add3A_1044 : i32 to index
        %get3A_1049 = arith.constant 0 : index
        %get3A_1050 = tpu.vector_load %arg37[%get3A_1048, %get3A_1049] {strides = array<i32>} : memref<128x32xf32, #tpu.memory_space<vmem>>, vector<16xf32>,
        tpu.vector_store_idx %arg51[%select_n3A_68, %select_n3A_195, %add3A_1047], %get3A_1050 : memref<4x8x129xf32, #tpu.memory_space<vmem>>[vector<16xi32>, vector<16xi32>, vector<16xi32>], vector<16xf32>,
        %get3A_1051 = arith.index_cast %add3A_1044 : i32 to index
        %get3A_1052 = arith.constant 16 : index
        %get3A_1053 = tpu.vector_load %arg37[%get3A_1051, %get3A_1052] {strides = array<i32>} : memref<128x32xf32, #tpu.memory_space<vmem>>, vector<16xf32>,
        tpu.vector_store_idx %arg51[%select_n3A_102, %select_n3A_220, %add3A_1047], %get3A_1053 : memref<4x8x129xf32, #tpu.memory_space<vmem>>[vector<16xi32>, vector<16xi32>, vector<16xi32>], vector<16xf32>,
        %add3A_1054 = arith.constant 2 : i32
        %add3A_1055 = vector.broadcast %add3A_1054 : i32 to vector<16xi32>
        %add3A_1056 = arith.addi %scan3A_1028, %add3A_1055 : vector<16xi32>
        scf.yield %add3A_1056 : vector<16xi32>
      }
      %scan3A_550 = arith.constant 64 : i32
      %add3A_551 = arith.addi %mul3A_18, %mul3A_451 : i32
      %dma_start3A_552 = arith.constant 0 : i32
      %dma_start3A_553 = arith.constant 0 : i32
      %dma_start3A_554 = arith.constant 0 : i32
      %dma_start3A_555 = tpu.memref_slice %arg45[%dma_start3A_552, %dma_start3A_553, %dma_start3A_554] : memref<8x8x129xf32, #tpu.memory_space<vmem>> -> memref<8x8x128xf32, #tpu.memory_space<vmem>>
      %dma_start3A_556 = arith.constant 0 : i32
      %dma_start3A_557 = arith.constant 0 : i32
      %dma_start3A_558 = arith.constant 0 : i32
      %dma_start3A_559 = tpu.memref_slice %arg16[%add3A_551, %dma_start3A_556, %select_n3A_32, %dma_start3A_557, %dma_start3A_558] : memref<200x36x8x8x128xf32, #tpu.memory_space<hbm>> -> memref<1x8x1x8x128xf32, #tpu.memory_space<hbm>>
      %dma_start3A_560 = tpu.memref_squeeze %dma_start3A_559 : memref<1x8x1x8x128xf32, #tpu.memory_space<hbm>> -> memref<8x8x128xf32, #tpu.memory_space<hbm>>
      %dma_start3A_561 = arith.constant 0 : i32
      %dma_start3A_562 = arith.constant 0 : i32
      %dma_start3A_563 = arith.constant 0 : i32
      %dma_start3A_564 = tpu.memref_slice %arg16[%add3A_551, %dma_start3A_561, %select_n3A_32, %dma_start3A_562, %dma_start3A_563] : memref<200x36x8x8x128xf32, #tpu.memory_space<hbm>> -> memref<1x8x1x8x128xf32, #tpu.memory_space<hbm>>
      %dma_start3A_565 = tpu.memref_squeeze %dma_start3A_564 : memref<1x8x1x8x128xf32, #tpu.memory_space<hbm>> -> memref<8x8x128xf32, #tpu.memory_space<hbm>>
      %dma_start3A_566 = arith.constant 0 : i32
      %dma_start3A_567 = arith.constant 0 : i32
      %dma_start3A_568 = arith.constant 0 : i32
      %dma_start3A_569 = tpu.memref_slice %arg45[%dma_start3A_566, %dma_start3A_567, %dma_start3A_568] : memref<8x8x129xf32, #tpu.memory_space<vmem>> -> memref<8x8x128xf32, #tpu.memory_space<vmem>>
      tpu.enqueue_dma source(%dma_start3A_569 : memref<8x8x128xf32, #tpu.memory_space<vmem>>) target(%dma_start3A_565 : memref<8x8x128xf32, #tpu.memory_space<hbm>>) target_semaphore(%arg54 : memref<!tpu.dma_semaphore, #tpu.memory_space<semaphore_mem>>)
      %add3A_570 = arith.addi %mul3A_18, %mul3A_451 : i32
      %dma_start3A_571 = arith.constant 0 : i32
      %dma_start3A_572 = arith.constant 0 : i32
      %dma_start3A_573 = arith.constant 0 : i32
      %dma_start3A_574 = tpu.memref_slice %arg46[%dma_start3A_571, %dma_start3A_572, %dma_start3A_573] : memref<8x8x129xf32, #tpu.memory_space<vmem>> -> memref<8x8x128xf32, #tpu.memory_space<vmem>>
      %dma_start3A_575 = arith.constant 8 : i32
      %dma_start3A_576 = arith.constant 0 : i32
      %dma_start3A_577 = arith.constant 0 : i32
      %dma_start3A_578 = tpu.memref_slice %arg16[%add3A_570, %dma_start3A_575, %select_n3A_32, %dma_start3A_576, %dma_start3A_577] : memref<200x36x8x8x128xf32, #tpu.memory_space<hbm>> -> memref<1x8x1x8x128xf32, #tpu.memory_space<hbm>>
      %dma_start3A_579 = tpu.memref_squeeze %dma_start3A_578 : memref<1x8x1x8x128xf32, #tpu.memory_space<hbm>> -> memref<8x8x128xf32, #tpu.memory_space<hbm>>
      %dma_start3A_580 = arith.constant 8 : i32
      %dma_start3A_581 = arith.constant 0 : i32
      %dma_start3A_582 = arith.constant 0 : i32
      %dma_start3A_583 = tpu.memref_slice %arg16[%add3A_570, %dma_start3A_580, %select_n3A_32, %dma_start3A_581, %dma_start3A_582] : memref<200x36x8x8x128xf32, #tpu.memory_space<hbm>> -> memref<1x8x1x8x128xf32, #tpu.memory_space<hbm>>
      %dma_start3A_584 = tpu.memref_squeeze %dma_start3A_583 : memref<1x8x1x8x128xf32, #tpu.memory_space<hbm>> -> memref<8x8x128xf32, #tpu.memory_space<hbm>>
      %dma_start3A_585 = arith.constant 0 : i32
      %dma_start3A_586 = arith.constant 0 : i32
      %dma_start3A_587 = arith.constant 0 : i32
      %dma_start3A_588 = tpu.memref_slice %arg46[%dma_start3A_585, %dma_start3A_586, %dma_start3A_587] : memref<8x8x129xf32, #tpu.memory_space<vmem>> -> memref<8x8x128xf32, #tpu.memory_space<vmem>>
      tpu.enqueue_dma source(%dma_start3A_588 : memref<8x8x128xf32, #tpu.memory_space<vmem>>) target(%dma_start3A_584 : memref<8x8x128xf32, #tpu.memory_space<hbm>>) target_semaphore(%arg54 : memref<!tpu.dma_semaphore, #tpu.memory_space<semaphore_mem>>)
      %add3A_589 = arith.addi %mul3A_18, %mul3A_451 : i32
      %dma_start3A_590 = arith.constant 0 : i32
      %dma_start3A_591 = arith.constant 0 : i32
      %dma_start3A_592 = arith.constant 0 : i32
      %dma_start3A_593 = tpu.memref_slice %arg47[%dma_start3A_590, %dma_start3A_591, %dma_start3A_592] : memref<4x8x129xf32, #tpu.memory_space<vmem>> -> memref<4x8x128xf32, #tpu.memory_space<vmem>>
      %dma_start3A_594 = arith.constant 16 : i32
      %dma_start3A_595 = arith.constant 0 : i32
      %dma_start3A_596 = arith.constant 0 : i32
      %dma_start3A_597 = tpu.memref_slice %arg16[%add3A_589, %dma_start3A_594, %select_n3A_32, %dma_start3A_595, %dma_start3A_596] : memref<200x36x8x8x128xf32, #tpu.memory_space<hbm>> -> memref<1x4x1x8x128xf32, #tpu.memory_space<hbm>>
      %dma_start3A_598 = tpu.memref_squeeze %dma_start3A_597 : memref<1x4x1x8x128xf32, #tpu.memory_space<hbm>> -> memref<4x8x128xf32, #tpu.memory_space<hbm>>
      %dma_start3A_599 = arith.constant 16 : i32
      %dma_start3A_600 = arith.constant 0 : i32
      %dma_start3A_601 = arith.constant 0 : i32
      %dma_start3A_602 = tpu.memref_slice %arg16[%add3A_589, %dma_start3A_599, %select_n3A_32, %dma_start3A_600, %dma_start3A_601] : memref<200x36x8x8x128xf32, #tpu.memory_space<hbm>> -> memref<1x4x1x8x128xf32, #tpu.memory_space<hbm>>
      %dma_start3A_603 = tpu.memref_squeeze %dma_start3A_602 : memref<1x4x1x8x128xf32, #tpu.memory_space<hbm>> -> memref<4x8x128xf32, #tpu.memory_space<hbm>>
      %dma_start3A_604 = arith.constant 0 : i32
      %dma_start3A_605 = arith.constant 0 : i32
      %dma_start3A_606 = arith.constant 0 : i32
      %dma_start3A_607 = tpu.memref_slice %arg47[%dma_start3A_604, %dma_start3A_605, %dma_start3A_606] : memref<4x8x129xf32, #tpu.memory_space<vmem>> -> memref<4x8x128xf32, #tpu.memory_space<vmem>>
      tpu.enqueue_dma source(%dma_start3A_607 : memref<4x8x128xf32, #tpu.memory_space<vmem>>) target(%dma_start3A_603 : memref<4x8x128xf32, #tpu.memory_space<hbm>>) target_semaphore(%arg54 : memref<!tpu.dma_semaphore, #tpu.memory_space<semaphore_mem>>)
      %add3A_608 = arith.addi %mul3A_18, %mul3A_451 : i32
      %dma_start3A_609 = arith.constant 0 : i32
      %dma_start3A_610 = arith.constant 0 : i32
      %dma_start3A_611 = arith.constant 0 : i32
      %dma_start3A_612 = tpu.memref_slice %arg48[%dma_start3A_609, %dma_start3A_610, %dma_start3A_611] : memref<4x8x129xf32, #tpu.memory_space<vmem>> -> memref<4x8x128xf32, #tpu.memory_space<vmem>>
      %dma_start3A_613 = arith.constant 20 : i32
      %dma_start3A_614 = arith.constant 0 : i32
      %dma_start3A_615 = arith.constant 0 : i32
      %dma_start3A_616 = tpu.memref_slice %arg16[%add3A_608, %dma_start3A_613, %select_n3A_32, %dma_start3A_614, %dma_start3A_615] : memref<200x36x8x8x128xf32, #tpu.memory_space<hbm>> -> memref<1x4x1x8x128xf32, #tpu.memory_space<hbm>>
      %dma_start3A_617 = tpu.memref_squeeze %dma_start3A_616 : memref<1x4x1x8x128xf32, #tpu.memory_space<hbm>> -> memref<4x8x128xf32, #tpu.memory_space<hbm>>
      %dma_start3A_618 = arith.constant 20 : i32
      %dma_start3A_619 = arith.constant 0 : i32
      %dma_start3A_620 = arith.constant 0 : i32
      %dma_start3A_621 = tpu.memref_slice %arg16[%add3A_608, %dma_start3A_618, %select_n3A_32, %dma_start3A_619, %dma_start3A_620] : memref<200x36x8x8x128xf32, #tpu.memory_space<hbm>> -> memref<1x4x1x8x128xf32, #tpu.memory_space<hbm>>
      %dma_start3A_622 = tpu.memref_squeeze %dma_start3A_621 : memref<1x4x1x8x128xf32, #tpu.memory_space<hbm>> -> memref<4x8x128xf32, #tpu.memory_space<hbm>>
      %dma_start3A_623 = arith.constant 0 : i32
      %dma_start3A_624 = arith.constant 0 : i32
      %dma_start3A_625 = arith.constant 0 : i32
      %dma_start3A_626 = tpu.memref_slice %arg48[%dma_start3A_623, %dma_start3A_624, %dma_start3A_625] : memref<4x8x129xf32, #tpu.memory_space<vmem>> -> memref<4x8x128xf32, #tpu.memory_space<vmem>>
      tpu.enqueue_dma source(%dma_start3A_626 : memref<4x8x128xf32, #tpu.memory_space<vmem>>) target(%dma_start3A_622 : memref<4x8x128xf32, #tpu.memory_space<hbm>>) target_semaphore(%arg54 : memref<!tpu.dma_semaphore, #tpu.memory_space<semaphore_mem>>)
      %add3A_627 = arith.addi %mul3A_18, %mul3A_451 : i32
      %dma_start3A_628 = arith.constant 0 : i32
      %dma_start3A_629 = arith.constant 0 : i32
      %dma_start3A_630 = arith.constant 0 : i32
      %dma_start3A_631 = tpu.memref_slice %arg49[%dma_start3A_628, %dma_start3A_629, %dma_start3A_630] : memref<4x8x129xf32, #tpu.memory_space<vmem>> -> memref<4x8x128xf32, #tpu.memory_space<vmem>>
      %dma_start3A_632 = arith.constant 24 : i32
      %dma_start3A_633 = arith.constant 0 : i32
      %dma_start3A_634 = arith.constant 0 : i32
      %dma_start3A_635 = tpu.memref_slice %arg16[%add3A_627, %dma_start3A_632, %select_n3A_32, %dma_start3A_633, %dma_start3A_634] : memref<200x36x8x8x128xf32, #tpu.memory_space<hbm>> -> memref<1x4x1x8x128xf32, #tpu.memory_space<hbm>>
      %dma_start3A_636 = tpu.memref_squeeze %dma_start3A_635 : memref<1x4x1x8x128xf32, #tpu.memory_space<hbm>> -> memref<4x8x128xf32, #tpu.memory_space<hbm>>
      %dma_start3A_637 = arith.constant 24 : i32
      %dma_start3A_638 = arith.constant 0 : i32
      %dma_start3A_639 = arith.constant 0 : i32
      %dma_start3A_640 = tpu.memref_slice %arg16[%add3A_627, %dma_start3A_637, %select_n3A_32, %dma_start3A_638, %dma_start3A_639] : memref<200x36x8x8x128xf32, #tpu.memory_space<hbm>> -> memref<1x4x1x8x128xf32, #tpu.memory_space<hbm>>
      %dma_start3A_641 = tpu.memref_squeeze %dma_start3A_640 : memref<1x4x1x8x128xf32, #tpu.memory_space<hbm>> -> memref<4x8x128xf32, #tpu.memory_space<hbm>>
      %dma_start3A_642 = arith.constant 0 : i32
      %dma_start3A_643 = arith.constant 0 : i32
      %dma_start3A_644 = arith.constant 0 : i32
      %dma_start3A_645 = tpu.memref_slice %arg49[%dma_start3A_642, %dma_start3A_643, %dma_start3A_644] : memref<4x8x129xf32, #tpu.memory_space<vmem>> -> memref<4x8x128xf32, #tpu.memory_space<vmem>>
      tpu.enqueue_dma source(%dma_start3A_645 : memref<4x8x128xf32, #tpu.memory_space<vmem>>) target(%dma_start3A_641 : memref<4x8x128xf32, #tpu.memory_space<hbm>>) target_semaphore(%arg54 : memref<!tpu.dma_semaphore, #tpu.memory_space<semaphore_mem>>)
      %add3A_646 = arith.addi %mul3A_18, %mul3A_451 : i32
      %dma_start3A_647 = arith.constant 0 : i32
      %dma_start3A_648 = arith.constant 0 : i32
      %dma_start3A_649 = arith.constant 0 : i32
      %dma_start3A_650 = tpu.memref_slice %arg50[%dma_start3A_647, %dma_start3A_648, %dma_start3A_649] : memref<4x8x129xf32, #tpu.memory_space<vmem>> -> memref<4x8x128xf32, #tpu.memory_space<vmem>>
      %dma_start3A_651 = arith.constant 28 : i32
      %dma_start3A_652 = arith.constant 0 : i32
      %dma_start3A_653 = arith.constant 0 : i32
      %dma_start3A_654 = tpu.memref_slice %arg16[%add3A_646, %dma_start3A_651, %select_n3A_32, %dma_start3A_652, %dma_start3A_653] : memref<200x36x8x8x128xf32, #tpu.memory_space<hbm>> -> memref<1x4x1x8x128xf32, #tpu.memory_space<hbm>>
      %dma_start3A_655 = tpu.memref_squeeze %dma_start3A_654 : memref<1x4x1x8x128xf32, #tpu.memory_space<hbm>> -> memref<4x8x128xf32, #tpu.memory_space<hbm>>
      %dma_start3A_656 = arith.constant 28 : i32
      %dma_start3A_657 = arith.constant 0 : i32
      %dma_start3A_658 = arith.constant 0 : i32
      %dma_start3A_659 = tpu.memref_slice %arg16[%add3A_646, %dma_start3A_656, %select_n3A_32, %dma_start3A_657, %dma_start3A_658] : memref<200x36x8x8x128xf32, #tpu.memory_space<hbm>> -> memref<1x4x1x8x128xf32, #tpu.memory_space<hbm>>
      %dma_start3A_660 = tpu.memref_squeeze %dma_start3A_659 : memref<1x4x1x8x128xf32, #tpu.memory_space<hbm>> -> memref<4x8x128xf32, #tpu.memory_space<hbm>>
      %dma_start3A_661 = arith.constant 0 : i32
      %dma_start3A_662 = arith.constant 0 : i32
      %dma_start3A_663 = arith.constant 0 : i32
      %dma_start3A_664 = tpu.memref_slice %arg50[%dma_start3A_661, %dma_start3A_662, %dma_start3A_663] : memref<4x8x129xf32, #tpu.memory_space<vmem>> -> memref<4x8x128xf32, #tpu.memory_space<vmem>>
      tpu.enqueue_dma source(%dma_start3A_664 : memref<4x8x128xf32, #tpu.memory_space<vmem>>) target(%dma_start3A_660 : memref<4x8x128xf32, #tpu.memory_space<hbm>>) target_semaphore(%arg54 : memref<!tpu.dma_semaphore, #tpu.memory_space<semaphore_mem>>)
      %add3A_665 = arith.addi %mul3A_18, %mul3A_451 : i32
      %dma_start3A_666 = arith.constant 0 : i32
      %dma_start3A_667 = arith.constant 0 : i32
      %dma_start3A_668 = arith.constant 0 : i32
      %dma_start3A_669 = tpu.memref_slice %arg51[%dma_start3A_666, %dma_start3A_667, %dma_start3A_668] : memref<4x8x129xf32, #tpu.memory_space<vmem>> -> memref<4x8x128xf32, #tpu.memory_space<vmem>>
      %dma_start3A_670 = arith.constant 32 : i32
      %dma_start3A_671 = arith.constant 0 : i32
      %dma_start3A_672 = arith.constant 0 : i32
      %dma_start3A_673 = tpu.memref_slice %arg16[%add3A_665, %dma_start3A_670, %select_n3A_32, %dma_start3A_671, %dma_start3A_672] : memref<200x36x8x8x128xf32, #tpu.memory_space<hbm>> -> memref<1x4x1x8x128xf32, #tpu.memory_space<hbm>>
      %dma_start3A_674 = tpu.memref_squeeze %dma_start3A_673 : memref<1x4x1x8x128xf32, #tpu.memory_space<hbm>> -> memref<4x8x128xf32, #tpu.memory_space<hbm>>
      %dma_start3A_675 = arith.constant 32 : i32
      %dma_start3A_676 = arith.constant 0 : i32
      %dma_start3A_677 = arith.constant 0 : i32
      %dma_start3A_678 = tpu.memref_slice %arg16[%add3A_665, %dma_start3A_675, %select_n3A_32, %dma_start3A_676, %dma_start3A_677] : memref<200x36x8x8x128xf32, #tpu.memory_space<hbm>> -> memref<1x4x1x8x128xf32, #tpu.memory_space<hbm>>
      %dma_start3A_679 = tpu.memref_squeeze %dma_start3A_678 : memref<1x4x1x8x128xf32, #tpu.memory_space<hbm>> -> memref<4x8x128xf32, #tpu.memory_space<hbm>>
      %dma_start3A_680 = arith.constant 0 : i32
      %dma_start3A_681 = arith.constant 0 : i32
      %dma_start3A_682 = arith.constant 0 : i32
      %dma_start3A_683 = tpu.memref_slice %arg51[%dma_start3A_680, %dma_start3A_681, %dma_start3A_682] : memref<4x8x129xf32, #tpu.memory_space<vmem>> -> memref<4x8x128xf32, #tpu.memory_space<vmem>>
      tpu.enqueue_dma source(%dma_start3A_683 : memref<4x8x128xf32, #tpu.memory_space<vmem>>) target(%dma_start3A_679 : memref<4x8x128xf32, #tpu.memory_space<hbm>>) target_semaphore(%arg54 : memref<!tpu.dma_semaphore, #tpu.memory_space<semaphore_mem>>)
      %dma_wait3A_684 = arith.constant 0 : i32
      %dma_wait3A_685 = arith.constant 0 : i32
      %dma_wait3A_686 = tpu.memref_slice %arg2[%dma_wait3A_684, %dma_wait3A_685] : memref<1000000x128xf32, #tpu.memory_space<hbm>> -> memref<1000000x128xf32, #tpu.memory_space<hbm>>
      tpu.wait_indirect_dma semaphore(%arg53 : memref<!tpu.dma_semaphore, #tpu.memory_space<semaphore_mem>>) src(%dma_wait3A_686 : memref<1000000x128xf32, #tpu.memory_space<hbm>>) dst(%arg38 : memref<128x128xf32, #tpu.memory_space<vmem>>)
      %dma_wait3A_687 = arith.constant 0 : i32
      %dma_wait3A_688 = arith.constant 0 : i32
      %dma_wait3A_689 = tpu.memref_slice %arg3[%dma_wait3A_687, %dma_wait3A_688] : memref<100000x64xf32, #tpu.memory_space<hbm>> -> memref<100000x64xf32, #tpu.memory_space<hbm>>
      tpu.wait_indirect_dma semaphore(%arg53 : memref<!tpu.dma_semaphore, #tpu.memory_space<semaphore_mem>>) src(%dma_wait3A_689 : memref<100000x64xf32, #tpu.memory_space<hbm>>) dst(%arg39 : memref<128x64xf32, #tpu.memory_space<vmem>>)
      %dma_wait3A_690 = arith.constant 0 : i32
      %dma_wait3A_691 = arith.constant 0 : i32
      %dma_wait3A_692 = tpu.memref_slice %arg4[%dma_wait3A_690, %dma_wait3A_691] : memref<50x32xf32, #tpu.memory_space<hbm>> -> memref<50x32xf32, #tpu.memory_space<hbm>>
      tpu.wait_indirect_dma semaphore(%arg53 : memref<!tpu.dma_semaphore, #tpu.memory_space<semaphore_mem>>) src(%dma_wait3A_692 : memref<50x32xf32, #tpu.memory_space<hbm>>) dst(%arg40 : memref<128x32xf32, #tpu.memory_space<vmem>>)
      %dma_wait3A_693 = arith.constant 0 : i32
      %dma_wait3A_694 = arith.constant 0 : i32
      %dma_wait3A_695 = tpu.memref_slice %arg5[%dma_wait3A_693, %dma_wait3A_694] : memref<50x32xf32, #tpu.memory_space<hbm>> -> memref<50x32xf32, #tpu.memory_space<hbm>>
      tpu.wait_indirect_dma semaphore(%arg53 : memref<!tpu.dma_semaphore, #tpu.memory_space<semaphore_mem>>) src(%dma_wait3A_695 : memref<50x32xf32, #tpu.memory_space<hbm>>) dst(%arg41 : memref<128x32xf32, #tpu.memory_space<vmem>>)
      %dma_wait3A_696 = arith.constant 0 : i32
      %dma_wait3A_697 = arith.constant 0 : i32
      %dma_wait3A_698 = tpu.memref_slice %arg6[%dma_wait3A_696, %dma_wait3A_697] : memref<200x32xf32, #tpu.memory_space<hbm>> -> memref<200x32xf32, #tpu.memory_space<hbm>>
      tpu.wait_indirect_dma semaphore(%arg53 : memref<!tpu.dma_semaphore, #tpu.memory_space<semaphore_mem>>) src(%dma_wait3A_698 : memref<200x32xf32, #tpu.memory_space<hbm>>) dst(%arg42 : memref<128x32xf32, #tpu.memory_space<vmem>>)
      %dma_wait3A_699 = arith.constant 0 : i32
      %dma_wait3A_700 = arith.constant 0 : i32
      %dma_wait3A_701 = tpu.memref_slice %arg7[%dma_wait3A_699, %dma_wait3A_700] : memref<200x32xf32, #tpu.memory_space<hbm>> -> memref<200x32xf32, #tpu.memory_space<hbm>>
      tpu.wait_indirect_dma semaphore(%arg53 : memref<!tpu.dma_semaphore, #tpu.memory_space<semaphore_mem>>) src(%dma_wait3A_701 : memref<200x32xf32, #tpu.memory_space<hbm>>) dst(%arg43 : memref<128x32xf32, #tpu.memory_space<vmem>>)
      %dma_wait3A_702 = arith.constant 0 : i32
      %dma_wait3A_703 = arith.constant 0 : i32
      %dma_wait3A_704 = tpu.memref_slice %arg8[%dma_wait3A_702, %dma_wait3A_703] : memref<50x32xf32, #tpu.memory_space<hbm>> -> memref<50x32xf32, #tpu.memory_space<hbm>>
      tpu.wait_indirect_dma semaphore(%arg53 : memref<!tpu.dma_semaphore, #tpu.memory_space<semaphore_mem>>) src(%dma_wait3A_704 : memref<50x32xf32, #tpu.memory_space<hbm>>) dst(%arg44 : memref<128x32xf32, #tpu.memory_space<vmem>>)
      %lt3A_705 = arith.constant 24 : i32
      %lt3A_706 = arith.cmpi slt, %scan3A_449, %lt3A_705 : i32
      %convert_element_type3A_707 = arith.extui %lt3A_706 : i1 to i32
      %cond3A_708 = arith.constant 0 : i32
      %cond3A_709 = arith.cmpi ne, %convert_element_type3A_707, %cond3A_708 : i32
      scf.if %cond3A_709 {
        %add3A_1027 = arith.constant 2 : i32
        %add3A_1028 = arith.addi %mul3A_451, %add3A_1027 : i32
        %add3A_1029 = arith.addi %mul3A_18, %add3A_1028 : i32
        "tpu.region"() ({
          %run_scoped3A = tpu.sem_alloc : memref<!tpu.dma_semaphore, #tpu.memory_space<semaphore_mem>>
          %dma_start3A_1066 = tpu.memref_slice %arg9[%add3A_1029, %mul3A_34] : memref<200x1024xi32, #tpu.memory_space<hbm>> -> memref<1x128xi32, #tpu.memory_space<hbm>>
          %dma_start3A_1067 = tpu.memref_squeeze %dma_start3A_1066 : memref<1x128xi32, #tpu.memory_space<hbm>> -> memref<128xi32, #tpu.memory_space<hbm>>
          %dma_start3A_1068 = tpu.memref_slice %arg9[%add3A_1029, %mul3A_34] : memref<200x1024xi32, #tpu.memory_space<hbm>> -> memref<1x128xi32, #tpu.memory_space<hbm>>
          %dma_start3A_1069 = tpu.memref_squeeze %dma_start3A_1068 : memref<1x128xi32, #tpu.memory_space<hbm>> -> memref<128xi32, #tpu.memory_space<hbm>>
          tpu.enqueue_dma source(%dma_start3A_1069 : memref<128xi32, #tpu.memory_space<hbm>>) target(%arg17 : memref<128xi32, #tpu.memory_space<vmem>>) target_semaphore(%run_scoped3A : memref<!tpu.dma_semaphore, #tpu.memory_space<semaphore_mem>>)
          %dma_wait3A_1070 = tpu.memref_slice %arg9[%add3A_1029, %mul3A_34] : memref<200x1024xi32, #tpu.memory_space<hbm>> -> memref<1x128xi32, #tpu.memory_space<hbm>>
          %dma_wait3A_1071 = tpu.memref_squeeze %dma_wait3A_1070 : memref<1x128xi32, #tpu.memory_space<hbm>> -> memref<128xi32, #tpu.memory_space<hbm>>
          %dma_wait3A_1072 = tpu.memref_slice %arg9[%add3A_1029, %mul3A_34] : memref<200x1024xi32, #tpu.memory_space<hbm>> -> memref<1x128xi32, #tpu.memory_space<hbm>>
          %dma_wait3A_1073 = tpu.memref_squeeze %dma_wait3A_1072 : memref<1x128xi32, #tpu.memory_space<hbm>> -> memref<128xi32, #tpu.memory_space<hbm>>
          tpu.wait_dma2 semaphore(%run_scoped3A : memref<!tpu.dma_semaphore, #tpu.memory_space<semaphore_mem>>) src(%dma_wait3A_1073 : memref<128xi32, #tpu.memory_space<hbm>>) dst(%arg17 : memref<128xi32, #tpu.memory_space<vmem>>)
          tpu.yield
        }) : () -> ()
        %add3A_1030 = arith.addi %mul3A_18, %add3A_1028 : i32
        "tpu.region"() ({
          %run_scoped3A = tpu.sem_alloc : memref<!tpu.dma_semaphore, #tpu.memory_space<semaphore_mem>>
          %dma_start3A_1066 = tpu.memref_slice %arg10[%add3A_1030, %mul3A_34] : memref<200x1024xi32, #tpu.memory_space<hbm>> -> memref<1x128xi32, #tpu.memory_space<hbm>>
          %dma_start3A_1067 = tpu.memref_squeeze %dma_start3A_1066 : memref<1x128xi32, #tpu.memory_space<hbm>> -> memref<128xi32, #tpu.memory_space<hbm>>
          %dma_start3A_1068 = tpu.memref_slice %arg10[%add3A_1030, %mul3A_34] : memref<200x1024xi32, #tpu.memory_space<hbm>> -> memref<1x128xi32, #tpu.memory_space<hbm>>
          %dma_start3A_1069 = tpu.memref_squeeze %dma_start3A_1068 : memref<1x128xi32, #tpu.memory_space<hbm>> -> memref<128xi32, #tpu.memory_space<hbm>>
          tpu.enqueue_dma source(%dma_start3A_1069 : memref<128xi32, #tpu.memory_space<hbm>>) target(%arg18 : memref<128xi32, #tpu.memory_space<vmem>>) target_semaphore(%run_scoped3A : memref<!tpu.dma_semaphore, #tpu.memory_space<semaphore_mem>>)
          %dma_wait3A_1070 = tpu.memref_slice %arg10[%add3A_1030, %mul3A_34] : memref<200x1024xi32, #tpu.memory_space<hbm>> -> memref<1x128xi32, #tpu.memory_space<hbm>>
          %dma_wait3A_1071 = tpu.memref_squeeze %dma_wait3A_1070 : memref<1x128xi32, #tpu.memory_space<hbm>> -> memref<128xi32, #tpu.memory_space<hbm>>
          %dma_wait3A_1072 = tpu.memref_slice %arg10[%add3A_1030, %mul3A_34] : memref<200x1024xi32, #tpu.memory_space<hbm>> -> memref<1x128xi32, #tpu.memory_space<hbm>>
          %dma_wait3A_1073 = tpu.memref_squeeze %dma_wait3A_1072 : memref<1x128xi32, #tpu.memory_space<hbm>> -> memref<128xi32, #tpu.memory_space<hbm>>
          tpu.wait_dma2 semaphore(%run_scoped3A : memref<!tpu.dma_semaphore, #tpu.memory_space<semaphore_mem>>) src(%dma_wait3A_1073 : memref<128xi32, #tpu.memory_space<hbm>>) dst(%arg18 : memref<128xi32, #tpu.memory_space<vmem>>)
          tpu.yield
        }) : () -> ()
        %add3A_1031 = arith.addi %mul3A_18, %add3A_1028 : i32
        "tpu.region"() ({
          %run_scoped3A = tpu.sem_alloc : memref<!tpu.dma_semaphore, #tpu.memory_space<semaphore_mem>>
          %dma_start3A_1066 = tpu.memref_slice %arg11[%add3A_1031, %mul3A_34] : memref<200x1024xi32, #tpu.memory_space<hbm>> -> memref<1x128xi32, #tpu.memory_space<hbm>>
          %dma_start3A_1067 = tpu.memref_squeeze %dma_start3A_1066 : memref<1x128xi32, #tpu.memory_space<hbm>> -> memref<128xi32, #tpu.memory_space<hbm>>
          %dma_start3A_1068 = tpu.memref_slice %arg11[%add3A_1031, %mul3A_34] : memref<200x1024xi32, #tpu.memory_space<hbm>> -> memref<1x128xi32, #tpu.memory_space<hbm>>
          %dma_start3A_1069 = tpu.memref_squeeze %dma_start3A_1068 : memref<1x128xi32, #tpu.memory_space<hbm>> -> memref<128xi32, #tpu.memory_space<hbm>>
          tpu.enqueue_dma source(%dma_start3A_1069 : memref<128xi32, #tpu.memory_space<hbm>>) target(%arg19 : memref<128xi32, #tpu.memory_space<vmem>>) target_semaphore(%run_scoped3A : memref<!tpu.dma_semaphore, #tpu.memory_space<semaphore_mem>>)
          %dma_wait3A_1070 = tpu.memref_slice %arg11[%add3A_1031, %mul3A_34] : memref<200x1024xi32, #tpu.memory_space<hbm>> -> memref<1x128xi32, #tpu.memory_space<hbm>>
          %dma_wait3A_1071 = tpu.memref_squeeze %dma_wait3A_1070 : memref<1x128xi32, #tpu.memory_space<hbm>> -> memref<128xi32, #tpu.memory_space<hbm>>
          %dma_wait3A_1072 = tpu.memref_slice %arg11[%add3A_1031, %mul3A_34] : memref<200x1024xi32, #tpu.memory_space<hbm>> -> memref<1x128xi32, #tpu.memory_space<hbm>>
          %dma_wait3A_1073 = tpu.memref_squeeze %dma_wait3A_1072 : memref<1x128xi32, #tpu.memory_space<hbm>> -> memref<128xi32, #tpu.memory_space<hbm>>
          tpu.wait_dma2 semaphore(%run_scoped3A : memref<!tpu.dma_semaphore, #tpu.memory_space<semaphore_mem>>) src(%dma_wait3A_1073 : memref<128xi32, #tpu.memory_space<hbm>>) dst(%arg19 : memref<128xi32, #tpu.memory_space<vmem>>)
          tpu.yield
        }) : () -> ()
        %add3A_1032 = arith.addi %mul3A_18, %add3A_1028 : i32
        "tpu.region"() ({
          %run_scoped3A = tpu.sem_alloc : memref<!tpu.dma_semaphore, #tpu.memory_space<semaphore_mem>>
          %dma_start3A_1066 = tpu.memref_slice %arg12[%add3A_1032, %mul3A_34] : memref<200x1024xi32, #tpu.memory_space<hbm>> -> memref<1x128xi32, #tpu.memory_space<hbm>>
          %dma_start3A_1067 = tpu.memref_squeeze %dma_start3A_1066 : memref<1x128xi32, #tpu.memory_space<hbm>> -> memref<128xi32, #tpu.memory_space<hbm>>
          %dma_start3A_1068 = tpu.memref_slice %arg12[%add3A_1032, %mul3A_34] : memref<200x1024xi32, #tpu.memory_space<hbm>> -> memref<1x128xi32, #tpu.memory_space<hbm>>
          %dma_start3A_1069 = tpu.memref_squeeze %dma_start3A_1068 : memref<1x128xi32, #tpu.memory_space<hbm>> -> memref<128xi32, #tpu.memory_space<hbm>>
          tpu.enqueue_dma source(%dma_start3A_1069 : memref<128xi32, #tpu.memory_space<hbm>>) target(%arg20 : memref<128xi32, #tpu.memory_space<vmem>>) target_semaphore(%run_scoped3A : memref<!tpu.dma_semaphore, #tpu.memory_space<semaphore_mem>>)
          %dma_wait3A_1070 = tpu.memref_slice %arg12[%add3A_1032, %mul3A_34] : memref<200x1024xi32, #tpu.memory_space<hbm>> -> memref<1x128xi32, #tpu.memory_space<hbm>>
          %dma_wait3A_1071 = tpu.memref_squeeze %dma_wait3A_1070 : memref<1x128xi32, #tpu.memory_space<hbm>> -> memref<128xi32, #tpu.memory_space<hbm>>
          %dma_wait3A_1072 = tpu.memref_slice %arg12[%add3A_1032, %mul3A_34] : memref<200x1024xi32, #tpu.memory_space<hbm>> -> memref<1x128xi32, #tpu.memory_space<hbm>>
          %dma_wait3A_1073 = tpu.memref_squeeze %dma_wait3A_1072 : memref<1x128xi32, #tpu.memory_space<hbm>> -> memref<128xi32, #tpu.memory_space<hbm>>
          tpu.wait_dma2 semaphore(%run_scoped3A : memref<!tpu.dma_semaphore, #tpu.memory_space<semaphore_mem>>) src(%dma_wait3A_1073 : memref<128xi32, #tpu.memory_space<hbm>>) dst(%arg20 : memref<128xi32, #tpu.memory_space<vmem>>)
          tpu.yield
        }) : () -> ()
        %add3A_1033 = arith.addi %mul3A_18, %add3A_1028 : i32
        "tpu.region"() ({
          %run_scoped3A = tpu.sem_alloc : memref<!tpu.dma_semaphore, #tpu.memory_space<semaphore_mem>>
          %dma_start3A_1066 = tpu.memref_slice %arg13[%add3A_1033, %mul3A_34] : memref<200x1024xi32, #tpu.memory_space<hbm>> -> memref<1x128xi32, #tpu.memory_space<hbm>>
          %dma_start3A_1067 = tpu.memref_squeeze %dma_start3A_1066 : memref<1x128xi32, #tpu.memory_space<hbm>> -> memref<128xi32, #tpu.memory_space<hbm>>
          %dma_start3A_1068 = tpu.memref_slice %arg13[%add3A_1033, %mul3A_34] : memref<200x1024xi32, #tpu.memory_space<hbm>> -> memref<1x128xi32, #tpu.memory_space<hbm>>
          %dma_start3A_1069 = tpu.memref_squeeze %dma_start3A_1068 : memref<1x128xi32, #tpu.memory_space<hbm>> -> memref<128xi32, #tpu.memory_space<hbm>>
          tpu.enqueue_dma source(%dma_start3A_1069 : memref<128xi32, #tpu.memory_space<hbm>>) target(%arg21 : memref<128xi32, #tpu.memory_space<vmem>>) target_semaphore(%run_scoped3A : memref<!tpu.dma_semaphore, #tpu.memory_space<semaphore_mem>>)
          %dma_wait3A_1070 = tpu.memref_slice %arg13[%add3A_1033, %mul3A_34] : memref<200x1024xi32, #tpu.memory_space<hbm>> -> memref<1x128xi32, #tpu.memory_space<hbm>>
          %dma_wait3A_1071 = tpu.memref_squeeze %dma_wait3A_1070 : memref<1x128xi32, #tpu.memory_space<hbm>> -> memref<128xi32, #tpu.memory_space<hbm>>
          %dma_wait3A_1072 = tpu.memref_slice %arg13[%add3A_1033, %mul3A_34] : memref<200x1024xi32, #tpu.memory_space<hbm>> -> memref<1x128xi32, #tpu.memory_space<hbm>>
          %dma_wait3A_1073 = tpu.memref_squeeze %dma_wait3A_1072 : memref<1x128xi32, #tpu.memory_space<hbm>> -> memref<128xi32, #tpu.memory_space<hbm>>
          tpu.wait_dma2 semaphore(%run_scoped3A : memref<!tpu.dma_semaphore, #tpu.memory_space<semaphore_mem>>) src(%dma_wait3A_1073 : memref<128xi32, #tpu.memory_space<hbm>>) dst(%arg21 : memref<128xi32, #tpu.memory_space<vmem>>)
          tpu.yield
        }) : () -> ()
        %add3A_1034 = arith.addi %mul3A_18, %add3A_1028 : i32
        "tpu.region"() ({
          %run_scoped3A = tpu.sem_alloc : memref<!tpu.dma_semaphore, #tpu.memory_space<semaphore_mem>>
          %dma_start3A_1066 = tpu.memref_slice %arg14[%add3A_1034, %mul3A_34] : memref<200x1024xi32, #tpu.memory_space<hbm>> -> memref<1x128xi32, #tpu.memory_space<hbm>>
          %dma_start3A_1067 = tpu.memref_squeeze %dma_start3A_1066 : memref<1x128xi32, #tpu.memory_space<hbm>> -> memref<128xi32, #tpu.memory_space<hbm>>
          %dma_start3A_1068 = tpu.memref_slice %arg14[%add3A_1034, %mul3A_34] : memref<200x1024xi32, #tpu.memory_space<hbm>> -> memref<1x128xi32, #tpu.memory_space<hbm>>
          %dma_start3A_1069 = tpu.memref_squeeze %dma_start3A_1068 : memref<1x128xi32, #tpu.memory_space<hbm>> -> memref<128xi32, #tpu.memory_space<hbm>>
          tpu.enqueue_dma source(%dma_start3A_1069 : memref<128xi32, #tpu.memory_space<hbm>>) target(%arg22 : memref<128xi32, #tpu.memory_space<vmem>>) target_semaphore(%run_scoped3A : memref<!tpu.dma_semaphore, #tpu.memory_space<semaphore_mem>>)
          %dma_wait3A_1070 = tpu.memref_slice %arg14[%add3A_1034, %mul3A_34] : memref<200x1024xi32, #tpu.memory_space<hbm>> -> memref<1x128xi32, #tpu.memory_space<hbm>>
          %dma_wait3A_1071 = tpu.memref_squeeze %dma_wait3A_1070 : memref<1x128xi32, #tpu.memory_space<hbm>> -> memref<128xi32, #tpu.memory_space<hbm>>
          %dma_wait3A_1072 = tpu.memref_slice %arg14[%add3A_1034, %mul3A_34] : memref<200x1024xi32, #tpu.memory_space<hbm>> -> memref<1x128xi32, #tpu.memory_space<hbm>>
          %dma_wait3A_1073 = tpu.memref_squeeze %dma_wait3A_1072 : memref<1x128xi32, #tpu.memory_space<hbm>> -> memref<128xi32, #tpu.memory_space<hbm>>
          tpu.wait_dma2 semaphore(%run_scoped3A : memref<!tpu.dma_semaphore, #tpu.memory_space<semaphore_mem>>) src(%dma_wait3A_1073 : memref<128xi32, #tpu.memory_space<hbm>>) dst(%arg22 : memref<128xi32, #tpu.memory_space<vmem>>)
          tpu.yield
        }) : () -> ()
        %add3A_1035 = arith.addi %mul3A_18, %add3A_1028 : i32
        "tpu.region"() ({
          %run_scoped3A = tpu.sem_alloc : memref<!tpu.dma_semaphore, #tpu.memory_space<semaphore_mem>>
          %dma_start3A_1066 = tpu.memref_slice %arg15[%add3A_1035, %mul3A_34] : memref<200x1024xi32, #tpu.memory_space<hbm>> -> memref<1x128xi32, #tpu.memory_space<hbm>>
          %dma_start3A_1067 = tpu.memref_squeeze %dma_start3A_1066 : memref<1x128xi32, #tpu.memory_space<hbm>> -> memref<128xi32, #tpu.memory_space<hbm>>
          %dma_start3A_1068 = tpu.memref_slice %arg15[%add3A_1035, %mul3A_34] : memref<200x1024xi32, #tpu.memory_space<hbm>> -> memref<1x128xi32, #tpu.memory_space<hbm>>
          %dma_start3A_1069 = tpu.memref_squeeze %dma_start3A_1068 : memref<1x128xi32, #tpu.memory_space<hbm>> -> memref<128xi32, #tpu.memory_space<hbm>>
          tpu.enqueue_dma source(%dma_start3A_1069 : memref<128xi32, #tpu.memory_space<hbm>>) target(%arg23 : memref<128xi32, #tpu.memory_space<vmem>>) target_semaphore(%run_scoped3A : memref<!tpu.dma_semaphore, #tpu.memory_space<semaphore_mem>>)
          %dma_wait3A_1070 = tpu.memref_slice %arg15[%add3A_1035, %mul3A_34] : memref<200x1024xi32, #tpu.memory_space<hbm>> -> memref<1x128xi32, #tpu.memory_space<hbm>>
          %dma_wait3A_1071 = tpu.memref_squeeze %dma_wait3A_1070 : memref<1x128xi32, #tpu.memory_space<hbm>> -> memref<128xi32, #tpu.memory_space<hbm>>
          %dma_wait3A_1072 = tpu.memref_slice %arg15[%add3A_1035, %mul3A_34] : memref<200x1024xi32, #tpu.memory_space<hbm>> -> memref<1x128xi32, #tpu.memory_space<hbm>>
          %dma_wait3A_1073 = tpu.memref_squeeze %dma_wait3A_1072 : memref<1x128xi32, #tpu.memory_space<hbm>> -> memref<128xi32, #tpu.memory_space<hbm>>
          tpu.wait_dma2 semaphore(%run_scoped3A : memref<!tpu.dma_semaphore, #tpu.memory_space<semaphore_mem>>) src(%dma_wait3A_1073 : memref<128xi32, #tpu.memory_space<hbm>>) dst(%arg23 : memref<128xi32, #tpu.memory_space<vmem>>)
          tpu.yield
        }) : () -> ()
        %dma_start3A_1036 = arith.constant 0 : i32
        %dma_start3A_1037 = arith.constant 0 : i32
        %dma_start3A_1038 = tpu.memref_slice %arg2[%dma_start3A_1036, %dma_start3A_1037] : memref<1000000x128xf32, #tpu.memory_space<hbm>> -> memref<1000000x128xf32, #tpu.memory_space<hbm>>
        tpu.enqueue_indirect_dma source(%dma_start3A_1038 : memref<1000000x128xf32, #tpu.memory_space<hbm>>) target(%arg31 : memref<128x128xf32, #tpu.memory_space<vmem>>) offsets(%arg17 : memref<128xi32, #tpu.memory_space<vmem>>) semaphore(%arg52 : memref<!tpu.dma_semaphore, #tpu.memory_space<semaphore_mem>>)
        %dma_start3A_1039 = arith.constant 0 : i32
        %dma_start3A_1040 = arith.constant 0 : i32
        %dma_start3A_1041 = tpu.memref_slice %arg3[%dma_start3A_1039, %dma_start3A_1040] : memref<100000x64xf32, #tpu.memory_space<hbm>> -> memref<100000x64xf32, #tpu.memory_space<hbm>>
        tpu.enqueue_indirect_dma source(%dma_start3A_1041 : memref<100000x64xf32, #tpu.memory_space<hbm>>) target(%arg32 : memref<128x64xf32, #tpu.memory_space<vmem>>) offsets(%arg18 : memref<128xi32, #tpu.memory_space<vmem>>) semaphore(%arg52 : memref<!tpu.dma_semaphore, #tpu.memory_space<semaphore_mem>>)
        %dma_start3A_1042 = arith.constant 0 : i32
        %dma_start3A_1043 = arith.constant 0 : i32
        %dma_start3A_1044 = tpu.memref_slice %arg4[%dma_start3A_1042, %dma_start3A_1043] : memref<50x32xf32, #tpu.memory_space<hbm>> -> memref<50x32xf32, #tpu.memory_space<hbm>>
        tpu.enqueue_indirect_dma source(%dma_start3A_1044 : memref<50x32xf32, #tpu.memory_space<hbm>>) target(%arg33 : memref<128x32xf32, #tpu.memory_space<vmem>>) offsets(%arg19 : memref<128xi32, #tpu.memory_space<vmem>>) semaphore(%arg52 : memref<!tpu.dma_semaphore, #tpu.memory_space<semaphore_mem>>)
        %dma_start3A_1045 = arith.constant 0 : i32
        %dma_start3A_1046 = arith.constant 0 : i32
        %dma_start3A_1047 = tpu.memref_slice %arg5[%dma_start3A_1045, %dma_start3A_1046] : memref<50x32xf32, #tpu.memory_space<hbm>> -> memref<50x32xf32, #tpu.memory_space<hbm>>
        tpu.enqueue_indirect_dma source(%dma_start3A_1047 : memref<50x32xf32, #tpu.memory_space<hbm>>) target(%arg34 : memref<128x32xf32, #tpu.memory_space<vmem>>) offsets(%arg20 : memref<128xi32, #tpu.memory_space<vmem>>) semaphore(%arg52 : memref<!tpu.dma_semaphore, #tpu.memory_space<semaphore_mem>>)
        %dma_start3A_1048 = arith.constant 0 : i32
        %dma_start3A_1049 = arith.constant 0 : i32
        %dma_start3A_1050 = tpu.memref_slice %arg6[%dma_start3A_1048, %dma_start3A_1049] : memref<200x32xf32, #tpu.memory_space<hbm>> -> memref<200x32xf32, #tpu.memory_space<hbm>>
        tpu.enqueue_indirect_dma source(%dma_start3A_1050 : memref<200x32xf32, #tpu.memory_space<hbm>>) target(%arg35 : memref<128x32xf32, #tpu.memory_space<vmem>>) offsets(%arg21 : memref<128xi32, #tpu.memory_space<vmem>>) semaphore(%arg52 : memref<!tpu.dma_semaphore, #tpu.memory_space<semaphore_mem>>)
        %dma_start3A_1051 = arith.constant 0 : i32
        %dma_start3A_1052 = arith.constant 0 : i32
        %dma_start3A_1053 = tpu.memref_slice %arg7[%dma_start3A_1051, %dma_start3A_1052] : memref<200x32xf32, #tpu.memory_space<hbm>> -> memref<200x32xf32, #tpu.memory_space<hbm>>
        tpu.enqueue_indirect_dma source(%dma_start3A_1053 : memref<200x32xf32, #tpu.memory_space<hbm>>) target(%arg36 : memref<128x32xf32, #tpu.memory_space<vmem>>) offsets(%arg22 : memref<128xi32, #tpu.memory_space<vmem>>) semaphore(%arg52 : memref<!tpu.dma_semaphore, #tpu.memory_space<semaphore_mem>>)
        %dma_start3A_1054 = arith.constant 0 : i32
        %dma_start3A_1055 = arith.constant 0 : i32
        %dma_start3A_1056 = tpu.memref_slice %arg8[%dma_start3A_1054, %dma_start3A_1055] : memref<50x32xf32, #tpu.memory_space<hbm>> -> memref<50x32xf32, #tpu.memory_space<hbm>>
        tpu.enqueue_indirect_dma source(%dma_start3A_1056 : memref<50x32xf32, #tpu.memory_space<hbm>>) target(%arg37 : memref<128x32xf32, #tpu.memory_space<vmem>>) offsets(%arg23 : memref<128xi32, #tpu.memory_space<vmem>>) semaphore(%arg52 : memref<!tpu.dma_semaphore, #tpu.memory_space<semaphore_mem>>)
        %add3A_1057 = arith.constant 3 : i32
        %add3A_1058 = arith.addi %mul3A_451, %add3A_1057 : i32
        %add3A_1059 = arith.addi %mul3A_18, %add3A_1058 : i32
        "tpu.region"() ({
          %run_scoped3A = tpu.sem_alloc : memref<!tpu.dma_semaphore, #tpu.memory_space<semaphore_mem>>
          %dma_start3A_1066 = tpu.memref_slice %arg9[%add3A_1059, %mul3A_34] : memref<200x1024xi32, #tpu.memory_space<hbm>> -> memref<1x128xi32, #tpu.memory_space<hbm>>
          %dma_start3A_1067 = tpu.memref_squeeze %dma_start3A_1066 : memref<1x128xi32, #tpu.memory_space<hbm>> -> memref<128xi32, #tpu.memory_space<hbm>>
          %dma_start3A_1068 = tpu.memref_slice %arg9[%add3A_1059, %mul3A_34] : memref<200x1024xi32, #tpu.memory_space<hbm>> -> memref<1x128xi32, #tpu.memory_space<hbm>>
          %dma_start3A_1069 = tpu.memref_squeeze %dma_start3A_1068 : memref<1x128xi32, #tpu.memory_space<hbm>> -> memref<128xi32, #tpu.memory_space<hbm>>
          tpu.enqueue_dma source(%dma_start3A_1069 : memref<128xi32, #tpu.memory_space<hbm>>) target(%arg24 : memref<128xi32, #tpu.memory_space<vmem>>) target_semaphore(%run_scoped3A : memref<!tpu.dma_semaphore, #tpu.memory_space<semaphore_mem>>)
          %dma_wait3A_1070 = tpu.memref_slice %arg9[%add3A_1059, %mul3A_34] : memref<200x1024xi32, #tpu.memory_space<hbm>> -> memref<1x128xi32, #tpu.memory_space<hbm>>
          %dma_wait3A_1071 = tpu.memref_squeeze %dma_wait3A_1070 : memref<1x128xi32, #tpu.memory_space<hbm>> -> memref<128xi32, #tpu.memory_space<hbm>>
          %dma_wait3A_1072 = tpu.memref_slice %arg9[%add3A_1059, %mul3A_34] : memref<200x1024xi32, #tpu.memory_space<hbm>> -> memref<1x128xi32, #tpu.memory_space<hbm>>
          %dma_wait3A_1073 = tpu.memref_squeeze %dma_wait3A_1072 : memref<1x128xi32, #tpu.memory_space<hbm>> -> memref<128xi32, #tpu.memory_space<hbm>>
          tpu.wait_dma2 semaphore(%run_scoped3A : memref<!tpu.dma_semaphore, #tpu.memory_space<semaphore_mem>>) src(%dma_wait3A_1073 : memref<128xi32, #tpu.memory_space<hbm>>) dst(%arg24 : memref<128xi32, #tpu.memory_space<vmem>>)
          tpu.yield
        }) : () -> ()
        %add3A_1060 = arith.addi %mul3A_18, %add3A_1058 : i32
        "tpu.region"() ({
          %run_scoped3A = tpu.sem_alloc : memref<!tpu.dma_semaphore, #tpu.memory_space<semaphore_mem>>
          %dma_start3A_1066 = tpu.memref_slice %arg10[%add3A_1060, %mul3A_34] : memref<200x1024xi32, #tpu.memory_space<hbm>> -> memref<1x128xi32, #tpu.memory_space<hbm>>
          %dma_start3A_1067 = tpu.memref_squeeze %dma_start3A_1066 : memref<1x128xi32, #tpu.memory_space<hbm>> -> memref<128xi32, #tpu.memory_space<hbm>>
          %dma_start3A_1068 = tpu.memref_slice %arg10[%add3A_1060, %mul3A_34] : memref<200x1024xi32, #tpu.memory_space<hbm>> -> memref<1x128xi32, #tpu.memory_space<hbm>>
          %dma_start3A_1069 = tpu.memref_squeeze %dma_start3A_1068 : memref<1x128xi32, #tpu.memory_space<hbm>> -> memref<128xi32, #tpu.memory_space<hbm>>
          tpu.enqueue_dma source(%dma_start3A_1069 : memref<128xi32, #tpu.memory_space<hbm>>) target(%arg25 : memref<128xi32, #tpu.memory_space<vmem>>) target_semaphore(%run_scoped3A : memref<!tpu.dma_semaphore, #tpu.memory_space<semaphore_mem>>)
          %dma_wait3A_1070 = tpu.memref_slice %arg10[%add3A_1060, %mul3A_34] : memref<200x1024xi32, #tpu.memory_space<hbm>> -> memref<1x128xi32, #tpu.memory_space<hbm>>
          %dma_wait3A_1071 = tpu.memref_squeeze %dma_wait3A_1070 : memref<1x128xi32, #tpu.memory_space<hbm>> -> memref<128xi32, #tpu.memory_space<hbm>>
          %dma_wait3A_1072 = tpu.memref_slice %arg10[%add3A_1060, %mul3A_34] : memref<200x1024xi32, #tpu.memory_space<hbm>> -> memref<1x128xi32, #tpu.memory_space<hbm>>
          %dma_wait3A_1073 = tpu.memref_squeeze %dma_wait3A_1072 : memref<1x128xi32, #tpu.memory_space<hbm>> -> memref<128xi32, #tpu.memory_space<hbm>>
          tpu.wait_dma2 semaphore(%run_scoped3A : memref<!tpu.dma_semaphore, #tpu.memory_space<semaphore_mem>>) src(%dma_wait3A_1073 : memref<128xi32, #tpu.memory_space<hbm>>) dst(%arg25 : memref<128xi32, #tpu.memory_space<vmem>>)
          tpu.yield
        }) : () -> ()
        %add3A_1061 = arith.addi %mul3A_18, %add3A_1058 : i32
        "tpu.region"() ({
          %run_scoped3A = tpu.sem_alloc : memref<!tpu.dma_semaphore, #tpu.memory_space<semaphore_mem>>
          %dma_start3A_1066 = tpu.memref_slice %arg11[%add3A_1061, %mul3A_34] : memref<200x1024xi32, #tpu.memory_space<hbm>> -> memref<1x128xi32, #tpu.memory_space<hbm>>
          %dma_start3A_1067 = tpu.memref_squeeze %dma_start3A_1066 : memref<1x128xi32, #tpu.memory_space<hbm>> -> memref<128xi32, #tpu.memory_space<hbm>>
          %dma_start3A_1068 = tpu.memref_slice %arg11[%add3A_1061, %mul3A_34] : memref<200x1024xi32, #tpu.memory_space<hbm>> -> memref<1x128xi32, #tpu.memory_space<hbm>>
          %dma_start3A_1069 = tpu.memref_squeeze %dma_start3A_1068 : memref<1x128xi32, #tpu.memory_space<hbm>> -> memref<128xi32, #tpu.memory_space<hbm>>
          tpu.enqueue_dma source(%dma_start3A_1069 : memref<128xi32, #tpu.memory_space<hbm>>) target(%arg26 : memref<128xi32, #tpu.memory_space<vmem>>) target_semaphore(%run_scoped3A : memref<!tpu.dma_semaphore, #tpu.memory_space<semaphore_mem>>)
          %dma_wait3A_1070 = tpu.memref_slice %arg11[%add3A_1061, %mul3A_34] : memref<200x1024xi32, #tpu.memory_space<hbm>> -> memref<1x128xi32, #tpu.memory_space<hbm>>
          %dma_wait3A_1071 = tpu.memref_squeeze %dma_wait3A_1070 : memref<1x128xi32, #tpu.memory_space<hbm>> -> memref<128xi32, #tpu.memory_space<hbm>>
          %dma_wait3A_1072 = tpu.memref_slice %arg11[%add3A_1061, %mul3A_34] : memref<200x1024xi32, #tpu.memory_space<hbm>> -> memref<1x128xi32, #tpu.memory_space<hbm>>
          %dma_wait3A_1073 = tpu.memref_squeeze %dma_wait3A_1072 : memref<1x128xi32, #tpu.memory_space<hbm>> -> memref<128xi32, #tpu.memory_space<hbm>>
          tpu.wait_dma2 semaphore(%run_scoped3A : memref<!tpu.dma_semaphore, #tpu.memory_space<semaphore_mem>>) src(%dma_wait3A_1073 : memref<128xi32, #tpu.memory_space<hbm>>) dst(%arg26 : memref<128xi32, #tpu.memory_space<vmem>>)
          tpu.yield
        }) : () -> ()
        %add3A_1062 = arith.addi %mul3A_18, %add3A_1058 : i32
        "tpu.region"() ({
          %run_scoped3A = tpu.sem_alloc : memref<!tpu.dma_semaphore, #tpu.memory_space<semaphore_mem>>
          %dma_start3A_1066 = tpu.memref_slice %arg12[%add3A_1062, %mul3A_34] : memref<200x1024xi32, #tpu.memory_space<hbm>> -> memref<1x128xi32, #tpu.memory_space<hbm>>
          %dma_start3A_1067 = tpu.memref_squeeze %dma_start3A_1066 : memref<1x128xi32, #tpu.memory_space<hbm>> -> memref<128xi32, #tpu.memory_space<hbm>>
          %dma_start3A_1068 = tpu.memref_slice %arg12[%add3A_1062, %mul3A_34] : memref<200x1024xi32, #tpu.memory_space<hbm>> -> memref<1x128xi32, #tpu.memory_space<hbm>>
          %dma_start3A_1069 = tpu.memref_squeeze %dma_start3A_1068 : memref<1x128xi32, #tpu.memory_space<hbm>> -> memref<128xi32, #tpu.memory_space<hbm>>
          tpu.enqueue_dma source(%dma_start3A_1069 : memref<128xi32, #tpu.memory_space<hbm>>) target(%arg27 : memref<128xi32, #tpu.memory_space<vmem>>) target_semaphore(%run_scoped3A : memref<!tpu.dma_semaphore, #tpu.memory_space<semaphore_mem>>)
          %dma_wait3A_1070 = tpu.memref_slice %arg12[%add3A_1062, %mul3A_34] : memref<200x1024xi32, #tpu.memory_space<hbm>> -> memref<1x128xi32, #tpu.memory_space<hbm>>
          %dma_wait3A_1071 = tpu.memref_squeeze %dma_wait3A_1070 : memref<1x128xi32, #tpu.memory_space<hbm>> -> memref<128xi32, #tpu.memory_space<hbm>>
          %dma_wait3A_1072 = tpu.memref_slice %arg12[%add3A_1062, %mul3A_34] : memref<200x1024xi32, #tpu.memory_space<hbm>> -> memref<1x128xi32, #tpu.memory_space<hbm>>
          %dma_wait3A_1073 = tpu.memref_squeeze %dma_wait3A_1072 : memref<1x128xi32, #tpu.memory_space<hbm>> -> memref<128xi32, #tpu.memory_space<hbm>>
          tpu.wait_dma2 semaphore(%run_scoped3A : memref<!tpu.dma_semaphore, #tpu.memory_space<semaphore_mem>>) src(%dma_wait3A_1073 : memref<128xi32, #tpu.memory_space<hbm>>) dst(%arg27 : memref<128xi32, #tpu.memory_space<vmem>>)
          tpu.yield
        }) : () -> ()
        %add3A_1063 = arith.addi %mul3A_18, %add3A_1058 : i32
        "tpu.region"() ({
          %run_scoped3A = tpu.sem_alloc : memref<!tpu.dma_semaphore, #tpu.memory_space<semaphore_mem>>
          %dma_start3A_1066 = tpu.memref_slice %arg13[%add3A_1063, %mul3A_34] : memref<200x1024xi32, #tpu.memory_space<hbm>> -> memref<1x128xi32, #tpu.memory_space<hbm>>
          %dma_start3A_1067 = tpu.memref_squeeze %dma_start3A_1066 : memref<1x128xi32, #tpu.memory_space<hbm>> -> memref<128xi32, #tpu.memory_space<hbm>>
          %dma_start3A_1068 = tpu.memref_slice %arg13[%add3A_1063, %mul3A_34] : memref<200x1024xi32, #tpu.memory_space<hbm>> -> memref<1x128xi32, #tpu.memory_space<hbm>>
          %dma_start3A_1069 = tpu.memref_squeeze %dma_start3A_1068 : memref<1x128xi32, #tpu.memory_space<hbm>> -> memref<128xi32, #tpu.memory_space<hbm>>
          tpu.enqueue_dma source(%dma_start3A_1069 : memref<128xi32, #tpu.memory_space<hbm>>) target(%arg28 : memref<128xi32, #tpu.memory_space<vmem>>) target_semaphore(%run_scoped3A : memref<!tpu.dma_semaphore, #tpu.memory_space<semaphore_mem>>)
          %dma_wait3A_1070 = tpu.memref_slice %arg13[%add3A_1063, %mul3A_34] : memref<200x1024xi32, #tpu.memory_space<hbm>> -> memref<1x128xi32, #tpu.memory_space<hbm>>
          %dma_wait3A_1071 = tpu.memref_squeeze %dma_wait3A_1070 : memref<1x128xi32, #tpu.memory_space<hbm>> -> memref<128xi32, #tpu.memory_space<hbm>>
          %dma_wait3A_1072 = tpu.memref_slice %arg13[%add3A_1063, %mul3A_34] : memref<200x1024xi32, #tpu.memory_space<hbm>> -> memref<1x128xi32, #tpu.memory_space<hbm>>
          %dma_wait3A_1073 = tpu.memref_squeeze %dma_wait3A_1072 : memref<1x128xi32, #tpu.memory_space<hbm>> -> memref<128xi32, #tpu.memory_space<hbm>>
          tpu.wait_dma2 semaphore(%run_scoped3A : memref<!tpu.dma_semaphore, #tpu.memory_space<semaphore_mem>>) src(%dma_wait3A_1073 : memref<128xi32, #tpu.memory_space<hbm>>) dst(%arg28 : memref<128xi32, #tpu.memory_space<vmem>>)
          tpu.yield
        }) : () -> ()
        %add3A_1064 = arith.addi %mul3A_18, %add3A_1058 : i32
        "tpu.region"() ({
          %run_scoped3A = tpu.sem_alloc : memref<!tpu.dma_semaphore, #tpu.memory_space<semaphore_mem>>
          %dma_start3A_1066 = tpu.memref_slice %arg14[%add3A_1064, %mul3A_34] : memref<200x1024xi32, #tpu.memory_space<hbm>> -> memref<1x128xi32, #tpu.memory_space<hbm>>
          %dma_start3A_1067 = tpu.memref_squeeze %dma_start3A_1066 : memref<1x128xi32, #tpu.memory_space<hbm>> -> memref<128xi32, #tpu.memory_space<hbm>>
          %dma_start3A_1068 = tpu.memref_slice %arg14[%add3A_1064, %mul3A_34] : memref<200x1024xi32, #tpu.memory_space<hbm>> -> memref<1x128xi32, #tpu.memory_space<hbm>>
          %dma_start3A_1069 = tpu.memref_squeeze %dma_start3A_1068 : memref<1x128xi32, #tpu.memory_space<hbm>> -> memref<128xi32, #tpu.memory_space<hbm>>
          tpu.enqueue_dma source(%dma_start3A_1069 : memref<128xi32, #tpu.memory_space<hbm>>) target(%arg29 : memref<128xi32, #tpu.memory_space<vmem>>) target_semaphore(%run_scoped3A : memref<!tpu.dma_semaphore, #tpu.memory_space<semaphore_mem>>)
          %dma_wait3A_1070 = tpu.memref_slice %arg14[%add3A_1064, %mul3A_34] : memref<200x1024xi32, #tpu.memory_space<hbm>> -> memref<1x128xi32, #tpu.memory_space<hbm>>
          %dma_wait3A_1071 = tpu.memref_squeeze %dma_wait3A_1070 : memref<1x128xi32, #tpu.memory_space<hbm>> -> memref<128xi32, #tpu.memory_space<hbm>>
          %dma_wait3A_1072 = tpu.memref_slice %arg14[%add3A_1064, %mul3A_34] : memref<200x1024xi32, #tpu.memory_space<hbm>> -> memref<1x128xi32, #tpu.memory_space<hbm>>
          %dma_wait3A_1073 = tpu.memref_squeeze %dma_wait3A_1072 : memref<1x128xi32, #tpu.memory_space<hbm>> -> memref<128xi32, #tpu.memory_space<hbm>>
          tpu.wait_dma2 semaphore(%run_scoped3A : memref<!tpu.dma_semaphore, #tpu.memory_space<semaphore_mem>>) src(%dma_wait3A_1073 : memref<128xi32, #tpu.memory_space<hbm>>) dst(%arg29 : memref<128xi32, #tpu.memory_space<vmem>>)
          tpu.yield
        }) : () -> ()
        %add3A_1065 = arith.addi %mul3A_18, %add3A_1058 : i32
        "tpu.region"() ({
          %run_scoped3A = tpu.sem_alloc : memref<!tpu.dma_semaphore, #tpu.memory_space<semaphore_mem>>
          %dma_start3A_1066 = tpu.memref_slice %arg15[%add3A_1065, %mul3A_34] : memref<200x1024xi32, #tpu.memory_space<hbm>> -> memref<1x128xi32, #tpu.memory_space<hbm>>
          %dma_start3A_1067 = tpu.memref_squeeze %dma_start3A_1066 : memref<1x128xi32, #tpu.memory_space<hbm>> -> memref<128xi32, #tpu.memory_space<hbm>>
          %dma_start3A_1068 = tpu.memref_slice %arg15[%add3A_1065, %mul3A_34] : memref<200x1024xi32, #tpu.memory_space<hbm>> -> memref<1x128xi32, #tpu.memory_space<hbm>>
          %dma_start3A_1069 = tpu.memref_squeeze %dma_start3A_1068 : memref<1x128xi32, #tpu.memory_space<hbm>> -> memref<128xi32, #tpu.memory_space<hbm>>
          tpu.enqueue_dma source(%dma_start3A_1069 : memref<128xi32, #tpu.memory_space<hbm>>) target(%arg30 : memref<128xi32, #tpu.memory_space<vmem>>) target_semaphore(%run_scoped3A : memref<!tpu.dma_semaphore, #tpu.memory_space<semaphore_mem>>)
          %dma_wait3A_1070 = tpu.memref_slice %arg15[%add3A_1065, %mul3A_34] : memref<200x1024xi32, #tpu.memory_space<hbm>> -> memref<1x128xi32, #tpu.memory_space<hbm>>
          %dma_wait3A_1071 = tpu.memref_squeeze %dma_wait3A_1070 : memref<1x128xi32, #tpu.memory_space<hbm>> -> memref<128xi32, #tpu.memory_space<hbm>>
          %dma_wait3A_1072 = tpu.memref_slice %arg15[%add3A_1065, %mul3A_34] : memref<200x1024xi32, #tpu.memory_space<hbm>> -> memref<1x128xi32, #tpu.memory_space<hbm>>
          %dma_wait3A_1073 = tpu.memref_squeeze %dma_wait3A_1072 : memref<1x128xi32, #tpu.memory_space<hbm>> -> memref<128xi32, #tpu.memory_space<hbm>>
          tpu.wait_dma2 semaphore(%run_scoped3A : memref<!tpu.dma_semaphore, #tpu.memory_space<semaphore_mem>>) src(%dma_wait3A_1073 : memref<128xi32, #tpu.memory_space<hbm>>) dst(%arg30 : memref<128xi32, #tpu.memory_space<vmem>>)
          tpu.yield
        }) : () -> ()
      } else {
      }
      %dma_wait3A_710 = arith.constant 0 : i32
      %dma_wait3A_711 = arith.constant 0 : i32
      %dma_wait3A_712 = arith.constant 0 : i32
      %dma_wait3A_713 = tpu.memref_slice %arg45[%dma_wait3A_710, %dma_wait3A_711, %dma_wait3A_712] : memref<8x8x129xf32, #tpu.memory_space<vmem>> -> memref<8x8x128xf32, #tpu.memory_space<vmem>>
      %dma_wait3A_714 = arith.constant 0 : i32
      %dma_wait3A_715 = arith.constant 0 : i32
      %dma_wait3A_716 = arith.constant 0 : i32
      %dma_wait3A_717 = tpu.memref_slice %arg16[%mul3A_18, %dma_wait3A_714, %select_n3A_32, %dma_wait3A_715, %dma_wait3A_716] : memref<200x36x8x8x128xf32, #tpu.memory_space<hbm>> -> memref<1x8x1x8x128xf32, #tpu.memory_space<hbm>>
      %dma_wait3A_718 = tpu.memref_squeeze %dma_wait3A_717 : memref<1x8x1x8x128xf32, #tpu.memory_space<hbm>> -> memref<8x8x128xf32, #tpu.memory_space<hbm>>
      %dma_wait3A_719 = arith.constant 0 : i32
      %dma_wait3A_720 = arith.constant 0 : i32
      %dma_wait3A_721 = arith.constant 0 : i32
      %dma_wait3A_722 = tpu.memref_slice %arg16[%mul3A_18, %dma_wait3A_719, %select_n3A_32, %dma_wait3A_720, %dma_wait3A_721] : memref<200x36x8x8x128xf32, #tpu.memory_space<hbm>> -> memref<1x8x1x8x128xf32, #tpu.memory_space<hbm>>
      %dma_wait3A_723 = tpu.memref_squeeze %dma_wait3A_722 : memref<1x8x1x8x128xf32, #tpu.memory_space<hbm>> -> memref<8x8x128xf32, #tpu.memory_space<hbm>>
      %dma_wait3A_724 = arith.constant 0 : i32
      %dma_wait3A_725 = arith.constant 0 : i32
      %dma_wait3A_726 = arith.constant 0 : i32
      %dma_wait3A_727 = tpu.memref_slice %arg45[%dma_wait3A_724, %dma_wait3A_725, %dma_wait3A_726] : memref<8x8x129xf32, #tpu.memory_space<vmem>> -> memref<8x8x128xf32, #tpu.memory_space<vmem>>
      tpu.wait_dma2 semaphore(%arg54 : memref<!tpu.dma_semaphore, #tpu.memory_space<semaphore_mem>>) src(%dma_wait3A_727 : memref<8x8x128xf32, #tpu.memory_space<vmem>>) dst(%dma_wait3A_723 : memref<8x8x128xf32, #tpu.memory_space<hbm>>)
      %dma_wait3A_728 = arith.constant 0 : i32
      %dma_wait3A_729 = arith.constant 0 : i32
      %dma_wait3A_730 = arith.constant 0 : i32
      %dma_wait3A_731 = tpu.memref_slice %arg46[%dma_wait3A_728, %dma_wait3A_729, %dma_wait3A_730] : memref<8x8x129xf32, #tpu.memory_space<vmem>> -> memref<8x8x128xf32, #tpu.memory_space<vmem>>
      %dma_wait3A_732 = arith.constant 8 : i32
      %dma_wait3A_733 = arith.constant 0 : i32
      %dma_wait3A_734 = arith.constant 0 : i32
      %dma_wait3A_735 = tpu.memref_slice %arg16[%mul3A_18, %dma_wait3A_732, %select_n3A_32, %dma_wait3A_733, %dma_wait3A_734] : memref<200x36x8x8x128xf32, #tpu.memory_space<hbm>> -> memref<1x8x1x8x128xf32, #tpu.memory_space<hbm>>
      %dma_wait3A_736 = tpu.memref_squeeze %dma_wait3A_735 : memref<1x8x1x8x128xf32, #tpu.memory_space<hbm>> -> memref<8x8x128xf32, #tpu.memory_space<hbm>>
      %dma_wait3A_737 = arith.constant 8 : i32
      %dma_wait3A_738 = arith.constant 0 : i32
      %dma_wait3A_739 = arith.constant 0 : i32
      %dma_wait3A_740 = tpu.memref_slice %arg16[%mul3A_18, %dma_wait3A_737, %select_n3A_32, %dma_wait3A_738, %dma_wait3A_739] : memref<200x36x8x8x128xf32, #tpu.memory_space<hbm>> -> memref<1x8x1x8x128xf32, #tpu.memory_space<hbm>>
      %dma_wait3A_741 = tpu.memref_squeeze %dma_wait3A_740 : memref<1x8x1x8x128xf32, #tpu.memory_space<hbm>> -> memref<8x8x128xf32, #tpu.memory_space<hbm>>
      %dma_wait3A_742 = arith.constant 0 : i32
      %dma_wait3A_743 = arith.constant 0 : i32
      %dma_wait3A_744 = arith.constant 0 : i32
      %dma_wait3A_745 = tpu.memref_slice %arg46[%dma_wait3A_742, %dma_wait3A_743, %dma_wait3A_744] : memref<8x8x129xf32, #tpu.memory_space<vmem>> -> memref<8x8x128xf32, #tpu.memory_space<vmem>>
      tpu.wait_dma2 semaphore(%arg54 : memref<!tpu.dma_semaphore, #tpu.memory_space<semaphore_mem>>) src(%dma_wait3A_745 : memref<8x8x128xf32, #tpu.memory_space<vmem>>) dst(%dma_wait3A_741 : memref<8x8x128xf32, #tpu.memory_space<hbm>>)
      %dma_wait3A_746 = arith.constant 0 : i32
      %dma_wait3A_747 = arith.constant 0 : i32
      %dma_wait3A_748 = arith.constant 0 : i32
      %dma_wait3A_749 = tpu.memref_slice %arg47[%dma_wait3A_746, %dma_wait3A_747, %dma_wait3A_748] : memref<4x8x129xf32, #tpu.memory_space<vmem>> -> memref<4x8x128xf32, #tpu.memory_space<vmem>>
      %dma_wait3A_750 = arith.constant 16 : i32
      %dma_wait3A_751 = arith.constant 0 : i32
      %dma_wait3A_752 = arith.constant 0 : i32
      %dma_wait3A_753 = tpu.memref_slice %arg16[%mul3A_18, %dma_wait3A_750, %select_n3A_32, %dma_wait3A_751, %dma_wait3A_752] : memref<200x36x8x8x128xf32, #tpu.memory_space<hbm>> -> memref<1x4x1x8x128xf32, #tpu.memory_space<hbm>>
      %dma_wait3A_754 = tpu.memref_squeeze %dma_wait3A_753 : memref<1x4x1x8x128xf32, #tpu.memory_space<hbm>> -> memref<4x8x128xf32, #tpu.memory_space<hbm>>
      %dma_wait3A_755 = arith.constant 16 : i32
      %dma_wait3A_756 = arith.constant 0 : i32
      %dma_wait3A_757 = arith.constant 0 : i32
      %dma_wait3A_758 = tpu.memref_slice %arg16[%mul3A_18, %dma_wait3A_755, %select_n3A_32, %dma_wait3A_756, %dma_wait3A_757] : memref<200x36x8x8x128xf32, #tpu.memory_space<hbm>> -> memref<1x4x1x8x128xf32, #tpu.memory_space<hbm>>
      %dma_wait3A_759 = tpu.memref_squeeze %dma_wait3A_758 : memref<1x4x1x8x128xf32, #tpu.memory_space<hbm>> -> memref<4x8x128xf32, #tpu.memory_space<hbm>>
      %dma_wait3A_760 = arith.constant 0 : i32
      %dma_wait3A_761 = arith.constant 0 : i32
      %dma_wait3A_762 = arith.constant 0 : i32
      %dma_wait3A_763 = tpu.memref_slice %arg47[%dma_wait3A_760, %dma_wait3A_761, %dma_wait3A_762] : memref<4x8x129xf32, #tpu.memory_space<vmem>> -> memref<4x8x128xf32, #tpu.memory_space<vmem>>
      tpu.wait_dma2 semaphore(%arg54 : memref<!tpu.dma_semaphore, #tpu.memory_space<semaphore_mem>>) src(%dma_wait3A_763 : memref<4x8x128xf32, #tpu.memory_space<vmem>>) dst(%dma_wait3A_759 : memref<4x8x128xf32, #tpu.memory_space<hbm>>)
      %dma_wait3A_764 = arith.constant 0 : i32
      %dma_wait3A_765 = arith.constant 0 : i32
      %dma_wait3A_766 = arith.constant 0 : i32
      %dma_wait3A_767 = tpu.memref_slice %arg48[%dma_wait3A_764, %dma_wait3A_765, %dma_wait3A_766] : memref<4x8x129xf32, #tpu.memory_space<vmem>> -> memref<4x8x128xf32, #tpu.memory_space<vmem>>
      %dma_wait3A_768 = arith.constant 20 : i32
      %dma_wait3A_769 = arith.constant 0 : i32
      %dma_wait3A_770 = arith.constant 0 : i32
      %dma_wait3A_771 = tpu.memref_slice %arg16[%mul3A_18, %dma_wait3A_768, %select_n3A_32, %dma_wait3A_769, %dma_wait3A_770] : memref<200x36x8x8x128xf32, #tpu.memory_space<hbm>> -> memref<1x4x1x8x128xf32, #tpu.memory_space<hbm>>
      %dma_wait3A_772 = tpu.memref_squeeze %dma_wait3A_771 : memref<1x4x1x8x128xf32, #tpu.memory_space<hbm>> -> memref<4x8x128xf32, #tpu.memory_space<hbm>>
      %dma_wait3A_773 = arith.constant 20 : i32
      %dma_wait3A_774 = arith.constant 0 : i32
      %dma_wait3A_775 = arith.constant 0 : i32
      %dma_wait3A_776 = tpu.memref_slice %arg16[%mul3A_18, %dma_wait3A_773, %select_n3A_32, %dma_wait3A_774, %dma_wait3A_775] : memref<200x36x8x8x128xf32, #tpu.memory_space<hbm>> -> memref<1x4x1x8x128xf32, #tpu.memory_space<hbm>>
      %dma_wait3A_777 = tpu.memref_squeeze %dma_wait3A_776 : memref<1x4x1x8x128xf32, #tpu.memory_space<hbm>> -> memref<4x8x128xf32, #tpu.memory_space<hbm>>
      %dma_wait3A_778 = arith.constant 0 : i32
      %dma_wait3A_779 = arith.constant 0 : i32
      %dma_wait3A_780 = arith.constant 0 : i32
      %dma_wait3A_781 = tpu.memref_slice %arg48[%dma_wait3A_778, %dma_wait3A_779, %dma_wait3A_780] : memref<4x8x129xf32, #tpu.memory_space<vmem>> -> memref<4x8x128xf32, #tpu.memory_space<vmem>>
      tpu.wait_dma2 semaphore(%arg54 : memref<!tpu.dma_semaphore, #tpu.memory_space<semaphore_mem>>) src(%dma_wait3A_781 : memref<4x8x128xf32, #tpu.memory_space<vmem>>) dst(%dma_wait3A_777 : memref<4x8x128xf32, #tpu.memory_space<hbm>>)
      %dma_wait3A_782 = arith.constant 0 : i32
      %dma_wait3A_783 = arith.constant 0 : i32
      %dma_wait3A_784 = arith.constant 0 : i32
      %dma_wait3A_785 = tpu.memref_slice %arg49[%dma_wait3A_782, %dma_wait3A_783, %dma_wait3A_784] : memref<4x8x129xf32, #tpu.memory_space<vmem>> -> memref<4x8x128xf32, #tpu.memory_space<vmem>>
      %dma_wait3A_786 = arith.constant 24 : i32
      %dma_wait3A_787 = arith.constant 0 : i32
      %dma_wait3A_788 = arith.constant 0 : i32
      %dma_wait3A_789 = tpu.memref_slice %arg16[%mul3A_18, %dma_wait3A_786, %select_n3A_32, %dma_wait3A_787, %dma_wait3A_788] : memref<200x36x8x8x128xf32, #tpu.memory_space<hbm>> -> memref<1x4x1x8x128xf32, #tpu.memory_space<hbm>>
      %dma_wait3A_790 = tpu.memref_squeeze %dma_wait3A_789 : memref<1x4x1x8x128xf32, #tpu.memory_space<hbm>> -> memref<4x8x128xf32, #tpu.memory_space<hbm>>
      %dma_wait3A_791 = arith.constant 24 : i32
      %dma_wait3A_792 = arith.constant 0 : i32
      %dma_wait3A_793 = arith.constant 0 : i32
      %dma_wait3A_794 = tpu.memref_slice %arg16[%mul3A_18, %dma_wait3A_791, %select_n3A_32, %dma_wait3A_792, %dma_wait3A_793] : memref<200x36x8x8x128xf32, #tpu.memory_space<hbm>> -> memref<1x4x1x8x128xf32, #tpu.memory_space<hbm>>
      %dma_wait3A_795 = tpu.memref_squeeze %dma_wait3A_794 : memref<1x4x1x8x128xf32, #tpu.memory_space<hbm>> -> memref<4x8x128xf32, #tpu.memory_space<hbm>>
      %dma_wait3A_796 = arith.constant 0 : i32
      %dma_wait3A_797 = arith.constant 0 : i32
      %dma_wait3A_798 = arith.constant 0 : i32
      %dma_wait3A_799 = tpu.memref_slice %arg49[%dma_wait3A_796, %dma_wait3A_797, %dma_wait3A_798] : memref<4x8x129xf32, #tpu.memory_space<vmem>> -> memref<4x8x128xf32, #tpu.memory_space<vmem>>
      tpu.wait_dma2 semaphore(%arg54 : memref<!tpu.dma_semaphore, #tpu.memory_space<semaphore_mem>>) src(%dma_wait3A_799 : memref<4x8x128xf32, #tpu.memory_space<vmem>>) dst(%dma_wait3A_795 : memref<4x8x128xf32, #tpu.memory_space<hbm>>)
      %dma_wait3A_800 = arith.constant 0 : i32
      %dma_wait3A_801 = arith.constant 0 : i32
      %dma_wait3A_802 = arith.constant 0 : i32
      %dma_wait3A_803 = tpu.memref_slice %arg50[%dma_wait3A_800, %dma_wait3A_801, %dma_wait3A_802] : memref<4x8x129xf32, #tpu.memory_space<vmem>> -> memref<4x8x128xf32, #tpu.memory_space<vmem>>
      %dma_wait3A_804 = arith.constant 28 : i32
      %dma_wait3A_805 = arith.constant 0 : i32
      %dma_wait3A_806 = arith.constant 0 : i32
      %dma_wait3A_807 = tpu.memref_slice %arg16[%mul3A_18, %dma_wait3A_804, %select_n3A_32, %dma_wait3A_805, %dma_wait3A_806] : memref<200x36x8x8x128xf32, #tpu.memory_space<hbm>> -> memref<1x4x1x8x128xf32, #tpu.memory_space<hbm>>
      %dma_wait3A_808 = tpu.memref_squeeze %dma_wait3A_807 : memref<1x4x1x8x128xf32, #tpu.memory_space<hbm>> -> memref<4x8x128xf32, #tpu.memory_space<hbm>>
      %dma_wait3A_809 = arith.constant 28 : i32
      %dma_wait3A_810 = arith.constant 0 : i32
      %dma_wait3A_811 = arith.constant 0 : i32
      %dma_wait3A_812 = tpu.memref_slice %arg16[%mul3A_18, %dma_wait3A_809, %select_n3A_32, %dma_wait3A_810, %dma_wait3A_811] : memref<200x36x8x8x128xf32, #tpu.memory_space<hbm>> -> memref<1x4x1x8x128xf32, #tpu.memory_space<hbm>>
      %dma_wait3A_813 = tpu.memref_squeeze %dma_wait3A_812 : memref<1x4x1x8x128xf32, #tpu.memory_space<hbm>> -> memref<4x8x128xf32, #tpu.memory_space<hbm>>
      %dma_wait3A_814 = arith.constant 0 : i32
      %dma_wait3A_815 = arith.constant 0 : i32
      %dma_wait3A_816 = arith.constant 0 : i32
      %dma_wait3A_817 = tpu.memref_slice %arg50[%dma_wait3A_814, %dma_wait3A_815, %dma_wait3A_816] : memref<4x8x129xf32, #tpu.memory_space<vmem>> -> memref<4x8x128xf32, #tpu.memory_space<vmem>>
      tpu.wait_dma2 semaphore(%arg54 : memref<!tpu.dma_semaphore, #tpu.memory_space<semaphore_mem>>) src(%dma_wait3A_817 : memref<4x8x128xf32, #tpu.memory_space<vmem>>) dst(%dma_wait3A_813 : memref<4x8x128xf32, #tpu.memory_space<hbm>>)
      %dma_wait3A_818 = arith.constant 0 : i32
      %dma_wait3A_819 = arith.constant 0 : i32
      %dma_wait3A_820 = arith.constant 0 : i32
      %dma_wait3A_821 = tpu.memref_slice %arg51[%dma_wait3A_818, %dma_wait3A_819, %dma_wait3A_820] : memref<4x8x129xf32, #tpu.memory_space<vmem>> -> memref<4x8x128xf32, #tpu.memory_space<vmem>>
      %dma_wait3A_822 = arith.constant 32 : i32
      %dma_wait3A_823 = arith.constant 0 : i32
      %dma_wait3A_824 = arith.constant 0 : i32
      %dma_wait3A_825 = tpu.memref_slice %arg16[%mul3A_18, %dma_wait3A_822, %select_n3A_32, %dma_wait3A_823, %dma_wait3A_824] : memref<200x36x8x8x128xf32, #tpu.memory_space<hbm>> -> memref<1x4x1x8x128xf32, #tpu.memory_space<hbm>>
      %dma_wait3A_826 = tpu.memref_squeeze %dma_wait3A_825 : memref<1x4x1x8x128xf32, #tpu.memory_space<hbm>> -> memref<4x8x128xf32, #tpu.memory_space<hbm>>
      %dma_wait3A_827 = arith.constant 32 : i32
      %dma_wait3A_828 = arith.constant 0 : i32
      %dma_wait3A_829 = arith.constant 0 : i32
      %dma_wait3A_830 = tpu.memref_slice %arg16[%mul3A_18, %dma_wait3A_827, %select_n3A_32, %dma_wait3A_828, %dma_wait3A_829] : memref<200x36x8x8x128xf32, #tpu.memory_space<hbm>> -> memref<1x4x1x8x128xf32, #tpu.memory_space<hbm>>
      %dma_wait3A_831 = tpu.memref_squeeze %dma_wait3A_830 : memref<1x4x1x8x128xf32, #tpu.memory_space<hbm>> -> memref<4x8x128xf32, #tpu.memory_space<hbm>>
      %dma_wait3A_832 = arith.constant 0 : i32
      %dma_wait3A_833 = arith.constant 0 : i32
      %dma_wait3A_834 = arith.constant 0 : i32
      %dma_wait3A_835 = tpu.memref_slice %arg51[%dma_wait3A_832, %dma_wait3A_833, %dma_wait3A_834] : memref<4x8x129xf32, #tpu.memory_space<vmem>> -> memref<4x8x128xf32, #tpu.memory_space<vmem>>
      tpu.wait_dma2 semaphore(%arg54 : memref<!tpu.dma_semaphore, #tpu.memory_space<semaphore_mem>>) src(%dma_wait3A_835 : memref<4x8x128xf32, #tpu.memory_space<vmem>>) dst(%dma_wait3A_831 : memref<4x8x128xf32, #tpu.memory_space<hbm>>)
      %broadcast_in_dim3A_836 = arith.constant 0 : i32
      %broadcast_in_dim3A_837 = vector.broadcast %broadcast_in_dim3A_836 : i32 to vector<16xi32>
      %scan3A_838 = arith.constant 0 : i32
      %scan3A_839 = arith.constant 64 : i32
      %scan3A_840 = arith.addi %scan3A_838, %scan3A_839 : i32
      %scan3A_841 = arith.constant 1 : i32
      %scan3A_842 = scf.for %scan3A_1027 = %scan3A_838 to %scan3A_840 step %scan3A_841 iter_args(%scan3A_1028 = %broadcast_in_dim3A_837) -> (vector<16xi32>)  : i32 {
        %mul3A_1029 = arith.constant 2 : i32
        %mul3A_1030 = arith.muli %scan3A_1027, %mul3A_1029 : i32
        %add3A_1031 = arith.constant 0 : i32
        %add3A_1032 = arith.addi %mul3A_1030, %add3A_1031 : i32
        %add3A_1033 = arith.constant 0 : i32
        %add3A_1034 = vector.broadcast %add3A_1033 : i32 to vector<16xi32>
        %add3A_1035 = arith.addi %scan3A_1028, %add3A_1034 : vector<16xi32>
        %get3A = arith.index_cast %add3A_1032 : i32 to index
        %get3A_1036 = arith.constant 0 : index
        %get3A_1037 = tpu.vector_load %arg38[%get3A, %get3A_1036] {strides = array<i32>} : memref<128x128xf32, #tpu.memory_space<vmem>>, vector<16xf32>,
        tpu.vector_store_idx %arg45[%select_n3A_68, %select_n3A_195, %add3A_1035], %get3A_1037 : memref<8x8x129xf32, #tpu.memory_space<vmem>>[vector<16xi32>, vector<16xi32>, vector<16xi32>], vector<16xf32>,
        %get3A_1038 = arith.index_cast %add3A_1032 : i32 to index
        %get3A_1039 = arith.constant 16 : index
        %get3A_1040 = tpu.vector_load %arg38[%get3A_1038, %get3A_1039] {strides = array<i32>} : memref<128x128xf32, #tpu.memory_space<vmem>>, vector<16xf32>,
        tpu.vector_store_idx %arg45[%select_n3A_102, %select_n3A_220, %add3A_1035], %get3A_1040 : memref<8x8x129xf32, #tpu.memory_space<vmem>>[vector<16xi32>, vector<16xi32>, vector<16xi32>], vector<16xf32>,
        %get3A_1041 = arith.index_cast %add3A_1032 : i32 to index
        %get3A_1042 = arith.constant 32 : index
        %get3A_1043 = tpu.vector_load %arg38[%get3A_1041, %get3A_1042] {strides = array<i32>} : memref<128x128xf32, #tpu.memory_space<vmem>>, vector<16xf32>,
        tpu.vector_store_idx %arg45[%select_n3A_136, %select_n3A_245, %add3A_1035], %get3A_1043 : memref<8x8x129xf32, #tpu.memory_space<vmem>>[vector<16xi32>, vector<16xi32>, vector<16xi32>], vector<16xf32>,
        %get3A_1044 = arith.index_cast %add3A_1032 : i32 to index
        %get3A_1045 = arith.constant 48 : index
        %get3A_1046 = tpu.vector_load %arg38[%get3A_1044, %get3A_1045] {strides = array<i32>} : memref<128x128xf32, #tpu.memory_space<vmem>>, vector<16xf32>,
        tpu.vector_store_idx %arg45[%select_n3A_170, %select_n3A_270, %add3A_1035], %get3A_1046 : memref<8x8x129xf32, #tpu.memory_space<vmem>>[vector<16xi32>, vector<16xi32>, vector<16xi32>], vector<16xf32>,
        %mul3A_1047 = arith.constant 2 : i32
        %mul3A_1048 = arith.muli %scan3A_1027, %mul3A_1047 : i32
        %add3A_1049 = arith.constant 1 : i32
        %add3A_1050 = arith.addi %mul3A_1048, %add3A_1049 : i32
        %add3A_1051 = arith.constant 1 : i32
        %add3A_1052 = vector.broadcast %add3A_1051 : i32 to vector<16xi32>
        %add3A_1053 = arith.addi %scan3A_1028, %add3A_1052 : vector<16xi32>
        %get3A_1054 = arith.index_cast %add3A_1050 : i32 to index
        %get3A_1055 = arith.constant 0 : index
        %get3A_1056 = tpu.vector_load %arg38[%get3A_1054, %get3A_1055] {strides = array<i32>} : memref<128x128xf32, #tpu.memory_space<vmem>>, vector<16xf32>,
        tpu.vector_store_idx %arg45[%select_n3A_68, %select_n3A_195, %add3A_1053], %get3A_1056 : memref<8x8x129xf32, #tpu.memory_space<vmem>>[vector<16xi32>, vector<16xi32>, vector<16xi32>], vector<16xf32>,
        %get3A_1057 = arith.index_cast %add3A_1050 : i32 to index
        %get3A_1058 = arith.constant 16 : index
        %get3A_1059 = tpu.vector_load %arg38[%get3A_1057, %get3A_1058] {strides = array<i32>} : memref<128x128xf32, #tpu.memory_space<vmem>>, vector<16xf32>,
        tpu.vector_store_idx %arg45[%select_n3A_102, %select_n3A_220, %add3A_1053], %get3A_1059 : memref<8x8x129xf32, #tpu.memory_space<vmem>>[vector<16xi32>, vector<16xi32>, vector<16xi32>], vector<16xf32>,
        %get3A_1060 = arith.index_cast %add3A_1050 : i32 to index
        %get3A_1061 = arith.constant 32 : index
        %get3A_1062 = tpu.vector_load %arg38[%get3A_1060, %get3A_1061] {strides = array<i32>} : memref<128x128xf32, #tpu.memory_space<vmem>>, vector<16xf32>,
        tpu.vector_store_idx %arg45[%select_n3A_136, %select_n3A_245, %add3A_1053], %get3A_1062 : memref<8x8x129xf32, #tpu.memory_space<vmem>>[vector<16xi32>, vector<16xi32>, vector<16xi32>], vector<16xf32>,
        %get3A_1063 = arith.index_cast %add3A_1050 : i32 to index
        %get3A_1064 = arith.constant 48 : index
        %get3A_1065 = tpu.vector_load %arg38[%get3A_1063, %get3A_1064] {strides = array<i32>} : memref<128x128xf32, #tpu.memory_space<vmem>>, vector<16xf32>,
        tpu.vector_store_idx %arg45[%select_n3A_170, %select_n3A_270, %add3A_1053], %get3A_1065 : memref<8x8x129xf32, #tpu.memory_space<vmem>>[vector<16xi32>, vector<16xi32>, vector<16xi32>], vector<16xf32>,
        %add3A_1066 = arith.constant 2 : i32
        %add3A_1067 = vector.broadcast %add3A_1066 : i32 to vector<16xi32>
        %add3A_1068 = arith.addi %scan3A_1028, %add3A_1067 : vector<16xi32>
        scf.yield %add3A_1068 : vector<16xi32>
      }
      %scan3A_843 = arith.constant 64 : i32
      %broadcast_in_dim3A_844 = arith.constant 0 : i32
      %broadcast_in_dim3A_845 = vector.broadcast %broadcast_in_dim3A_844 : i32 to vector<16xi32>
      %scan3A_846 = arith.constant 0 : i32
      %scan3A_847 = arith.constant 64 : i32
      %scan3A_848 = arith.addi %scan3A_846, %scan3A_847 : i32
      %scan3A_849 = arith.constant 1 : i32
      %scan3A_850 = scf.for %scan3A_1027 = %scan3A_846 to %scan3A_848 step %scan3A_849 iter_args(%scan3A_1028 = %broadcast_in_dim3A_845) -> (vector<16xi32>)  : i32 {
        %mul3A_1029 = arith.constant 2 : i32
        %mul3A_1030 = arith.muli %scan3A_1027, %mul3A_1029 : i32
        %add3A_1031 = arith.constant 0 : i32
        %add3A_1032 = arith.addi %mul3A_1030, %add3A_1031 : i32
        %add3A_1033 = arith.constant 0 : i32
        %add3A_1034 = vector.broadcast %add3A_1033 : i32 to vector<16xi32>
        %add3A_1035 = arith.addi %scan3A_1028, %add3A_1034 : vector<16xi32>
        %get3A = arith.index_cast %add3A_1032 : i32 to index
        %get3A_1036 = arith.constant 0 : index
        %get3A_1037 = tpu.vector_load %arg39[%get3A, %get3A_1036] {strides = array<i32>} : memref<128x64xf32, #tpu.memory_space<vmem>>, vector<16xf32>,
        tpu.vector_store_idx %arg46[%select_n3A_68, %select_n3A_195, %add3A_1035], %get3A_1037 : memref<8x8x129xf32, #tpu.memory_space<vmem>>[vector<16xi32>, vector<16xi32>, vector<16xi32>], vector<16xf32>,
        %get3A_1038 = arith.index_cast %add3A_1032 : i32 to index
        %get3A_1039 = arith.constant 16 : index
        %get3A_1040 = tpu.vector_load %arg39[%get3A_1038, %get3A_1039] {strides = array<i32>} : memref<128x64xf32, #tpu.memory_space<vmem>>, vector<16xf32>,
        tpu.vector_store_idx %arg46[%select_n3A_102, %select_n3A_220, %add3A_1035], %get3A_1040 : memref<8x8x129xf32, #tpu.memory_space<vmem>>[vector<16xi32>, vector<16xi32>, vector<16xi32>], vector<16xf32>,
        %get3A_1041 = arith.index_cast %add3A_1032 : i32 to index
        %get3A_1042 = arith.constant 32 : index
        %get3A_1043 = tpu.vector_load %arg39[%get3A_1041, %get3A_1042] {strides = array<i32>} : memref<128x64xf32, #tpu.memory_space<vmem>>, vector<16xf32>,
        tpu.vector_store_idx %arg46[%select_n3A_136, %select_n3A_245, %add3A_1035], %get3A_1043 : memref<8x8x129xf32, #tpu.memory_space<vmem>>[vector<16xi32>, vector<16xi32>, vector<16xi32>], vector<16xf32>,
        %get3A_1044 = arith.index_cast %add3A_1032 : i32 to index
        %get3A_1045 = arith.constant 48 : index
        %get3A_1046 = tpu.vector_load %arg39[%get3A_1044, %get3A_1045] {strides = array<i32>} : memref<128x64xf32, #tpu.memory_space<vmem>>, vector<16xf32>,
        tpu.vector_store_idx %arg46[%select_n3A_170, %select_n3A_270, %add3A_1035], %get3A_1046 : memref<8x8x129xf32, #tpu.memory_space<vmem>>[vector<16xi32>, vector<16xi32>, vector<16xi32>], vector<16xf32>,
        %mul3A_1047 = arith.constant 2 : i32
        %mul3A_1048 = arith.muli %scan3A_1027, %mul3A_1047 : i32
        %add3A_1049 = arith.constant 1 : i32
        %add3A_1050 = arith.addi %mul3A_1048, %add3A_1049 : i32
        %add3A_1051 = arith.constant 1 : i32
        %add3A_1052 = vector.broadcast %add3A_1051 : i32 to vector<16xi32>
        %add3A_1053 = arith.addi %scan3A_1028, %add3A_1052 : vector<16xi32>
        %get3A_1054 = arith.index_cast %add3A_1050 : i32 to index
        %get3A_1055 = arith.constant 0 : index
        %get3A_1056 = tpu.vector_load %arg39[%get3A_1054, %get3A_1055] {strides = array<i32>} : memref<128x64xf32, #tpu.memory_space<vmem>>, vector<16xf32>,
        tpu.vector_store_idx %arg46[%select_n3A_68, %select_n3A_195, %add3A_1053], %get3A_1056 : memref<8x8x129xf32, #tpu.memory_space<vmem>>[vector<16xi32>, vector<16xi32>, vector<16xi32>], vector<16xf32>,
        %get3A_1057 = arith.index_cast %add3A_1050 : i32 to index
        %get3A_1058 = arith.constant 16 : index
        %get3A_1059 = tpu.vector_load %arg39[%get3A_1057, %get3A_1058] {strides = array<i32>} : memref<128x64xf32, #tpu.memory_space<vmem>>, vector<16xf32>,
        tpu.vector_store_idx %arg46[%select_n3A_102, %select_n3A_220, %add3A_1053], %get3A_1059 : memref<8x8x129xf32, #tpu.memory_space<vmem>>[vector<16xi32>, vector<16xi32>, vector<16xi32>], vector<16xf32>,
        %get3A_1060 = arith.index_cast %add3A_1050 : i32 to index
        %get3A_1061 = arith.constant 32 : index
        %get3A_1062 = tpu.vector_load %arg39[%get3A_1060, %get3A_1061] {strides = array<i32>} : memref<128x64xf32, #tpu.memory_space<vmem>>, vector<16xf32>,
        tpu.vector_store_idx %arg46[%select_n3A_136, %select_n3A_245, %add3A_1053], %get3A_1062 : memref<8x8x129xf32, #tpu.memory_space<vmem>>[vector<16xi32>, vector<16xi32>, vector<16xi32>], vector<16xf32>,
        %get3A_1063 = arith.index_cast %add3A_1050 : i32 to index
        %get3A_1064 = arith.constant 48 : index
        %get3A_1065 = tpu.vector_load %arg39[%get3A_1063, %get3A_1064] {strides = array<i32>} : memref<128x64xf32, #tpu.memory_space<vmem>>, vector<16xf32>,
        tpu.vector_store_idx %arg46[%select_n3A_170, %select_n3A_270, %add3A_1053], %get3A_1065 : memref<8x8x129xf32, #tpu.memory_space<vmem>>[vector<16xi32>, vector<16xi32>, vector<16xi32>], vector<16xf32>,
        %add3A_1066 = arith.constant 2 : i32
        %add3A_1067 = vector.broadcast %add3A_1066 : i32 to vector<16xi32>
        %add3A_1068 = arith.addi %scan3A_1028, %add3A_1067 : vector<16xi32>
        scf.yield %add3A_1068 : vector<16xi32>
      }
      %scan3A_851 = arith.constant 64 : i32
      %broadcast_in_dim3A_852 = arith.constant 0 : i32
      %broadcast_in_dim3A_853 = vector.broadcast %broadcast_in_dim3A_852 : i32 to vector<16xi32>
      %scan3A_854 = arith.constant 0 : i32
      %scan3A_855 = arith.constant 64 : i32
      %scan3A_856 = arith.addi %scan3A_854, %scan3A_855 : i32
      %scan3A_857 = arith.constant 1 : i32
      %scan3A_858 = scf.for %scan3A_1027 = %scan3A_854 to %scan3A_856 step %scan3A_857 iter_args(%scan3A_1028 = %broadcast_in_dim3A_853) -> (vector<16xi32>)  : i32 {
        %mul3A_1029 = arith.constant 2 : i32
        %mul3A_1030 = arith.muli %scan3A_1027, %mul3A_1029 : i32
        %add3A_1031 = arith.constant 0 : i32
        %add3A_1032 = arith.addi %mul3A_1030, %add3A_1031 : i32
        %add3A_1033 = arith.constant 0 : i32
        %add3A_1034 = vector.broadcast %add3A_1033 : i32 to vector<16xi32>
        %add3A_1035 = arith.addi %scan3A_1028, %add3A_1034 : vector<16xi32>
        %get3A = arith.index_cast %add3A_1032 : i32 to index
        %get3A_1036 = arith.constant 0 : index
        %get3A_1037 = tpu.vector_load %arg40[%get3A, %get3A_1036] {strides = array<i32>} : memref<128x32xf32, #tpu.memory_space<vmem>>, vector<16xf32>,
        tpu.vector_store_idx %arg47[%select_n3A_68, %select_n3A_195, %add3A_1035], %get3A_1037 : memref<4x8x129xf32, #tpu.memory_space<vmem>>[vector<16xi32>, vector<16xi32>, vector<16xi32>], vector<16xf32>,
        %get3A_1038 = arith.index_cast %add3A_1032 : i32 to index
        %get3A_1039 = arith.constant 16 : index
        %get3A_1040 = tpu.vector_load %arg40[%get3A_1038, %get3A_1039] {strides = array<i32>} : memref<128x32xf32, #tpu.memory_space<vmem>>, vector<16xf32>,
        tpu.vector_store_idx %arg47[%select_n3A_102, %select_n3A_220, %add3A_1035], %get3A_1040 : memref<4x8x129xf32, #tpu.memory_space<vmem>>[vector<16xi32>, vector<16xi32>, vector<16xi32>], vector<16xf32>,
        %mul3A_1041 = arith.constant 2 : i32
        %mul3A_1042 = arith.muli %scan3A_1027, %mul3A_1041 : i32
        %add3A_1043 = arith.constant 1 : i32
        %add3A_1044 = arith.addi %mul3A_1042, %add3A_1043 : i32
        %add3A_1045 = arith.constant 1 : i32
        %add3A_1046 = vector.broadcast %add3A_1045 : i32 to vector<16xi32>
        %add3A_1047 = arith.addi %scan3A_1028, %add3A_1046 : vector<16xi32>
        %get3A_1048 = arith.index_cast %add3A_1044 : i32 to index
        %get3A_1049 = arith.constant 0 : index
        %get3A_1050 = tpu.vector_load %arg40[%get3A_1048, %get3A_1049] {strides = array<i32>} : memref<128x32xf32, #tpu.memory_space<vmem>>, vector<16xf32>,
        tpu.vector_store_idx %arg47[%select_n3A_68, %select_n3A_195, %add3A_1047], %get3A_1050 : memref<4x8x129xf32, #tpu.memory_space<vmem>>[vector<16xi32>, vector<16xi32>, vector<16xi32>], vector<16xf32>,
        %get3A_1051 = arith.index_cast %add3A_1044 : i32 to index
        %get3A_1052 = arith.constant 16 : index
        %get3A_1053 = tpu.vector_load %arg40[%get3A_1051, %get3A_1052] {strides = array<i32>} : memref<128x32xf32, #tpu.memory_space<vmem>>, vector<16xf32>,
        tpu.vector_store_idx %arg47[%select_n3A_102, %select_n3A_220, %add3A_1047], %get3A_1053 : memref<4x8x129xf32, #tpu.memory_space<vmem>>[vector<16xi32>, vector<16xi32>, vector<16xi32>], vector<16xf32>,
        %add3A_1054 = arith.constant 2 : i32
        %add3A_1055 = vector.broadcast %add3A_1054 : i32 to vector<16xi32>
        %add3A_1056 = arith.addi %scan3A_1028, %add3A_1055 : vector<16xi32>
        scf.yield %add3A_1056 : vector<16xi32>
      }
      %scan3A_859 = arith.constant 64 : i32
      %broadcast_in_dim3A_860 = arith.constant 0 : i32
      %broadcast_in_dim3A_861 = vector.broadcast %broadcast_in_dim3A_860 : i32 to vector<16xi32>
      %scan3A_862 = arith.constant 0 : i32
      %scan3A_863 = arith.constant 64 : i32
      %scan3A_864 = arith.addi %scan3A_862, %scan3A_863 : i32
      %scan3A_865 = arith.constant 1 : i32
      %scan3A_866 = scf.for %scan3A_1027 = %scan3A_862 to %scan3A_864 step %scan3A_865 iter_args(%scan3A_1028 = %broadcast_in_dim3A_861) -> (vector<16xi32>)  : i32 {
        %mul3A_1029 = arith.constant 2 : i32
        %mul3A_1030 = arith.muli %scan3A_1027, %mul3A_1029 : i32
        %add3A_1031 = arith.constant 0 : i32
        %add3A_1032 = arith.addi %mul3A_1030, %add3A_1031 : i32
        %add3A_1033 = arith.constant 0 : i32
        %add3A_1034 = vector.broadcast %add3A_1033 : i32 to vector<16xi32>
        %add3A_1035 = arith.addi %scan3A_1028, %add3A_1034 : vector<16xi32>
        %get3A = arith.index_cast %add3A_1032 : i32 to index
        %get3A_1036 = arith.constant 0 : index
        %get3A_1037 = tpu.vector_load %arg41[%get3A, %get3A_1036] {strides = array<i32>} : memref<128x32xf32, #tpu.memory_space<vmem>>, vector<16xf32>,
        tpu.vector_store_idx %arg48[%select_n3A_68, %select_n3A_195, %add3A_1035], %get3A_1037 : memref<4x8x129xf32, #tpu.memory_space<vmem>>[vector<16xi32>, vector<16xi32>, vector<16xi32>], vector<16xf32>,
        %get3A_1038 = arith.index_cast %add3A_1032 : i32 to index
        %get3A_1039 = arith.constant 16 : index
        %get3A_1040 = tpu.vector_load %arg41[%get3A_1038, %get3A_1039] {strides = array<i32>} : memref<128x32xf32, #tpu.memory_space<vmem>>, vector<16xf32>,
        tpu.vector_store_idx %arg48[%select_n3A_102, %select_n3A_220, %add3A_1035], %get3A_1040 : memref<4x8x129xf32, #tpu.memory_space<vmem>>[vector<16xi32>, vector<16xi32>, vector<16xi32>], vector<16xf32>,
        %mul3A_1041 = arith.constant 2 : i32
        %mul3A_1042 = arith.muli %scan3A_1027, %mul3A_1041 : i32
        %add3A_1043 = arith.constant 1 : i32
        %add3A_1044 = arith.addi %mul3A_1042, %add3A_1043 : i32
        %add3A_1045 = arith.constant 1 : i32
        %add3A_1046 = vector.broadcast %add3A_1045 : i32 to vector<16xi32>
        %add3A_1047 = arith.addi %scan3A_1028, %add3A_1046 : vector<16xi32>
        %get3A_1048 = arith.index_cast %add3A_1044 : i32 to index
        %get3A_1049 = arith.constant 0 : index
        %get3A_1050 = tpu.vector_load %arg41[%get3A_1048, %get3A_1049] {strides = array<i32>} : memref<128x32xf32, #tpu.memory_space<vmem>>, vector<16xf32>,
        tpu.vector_store_idx %arg48[%select_n3A_68, %select_n3A_195, %add3A_1047], %get3A_1050 : memref<4x8x129xf32, #tpu.memory_space<vmem>>[vector<16xi32>, vector<16xi32>, vector<16xi32>], vector<16xf32>,
        %get3A_1051 = arith.index_cast %add3A_1044 : i32 to index
        %get3A_1052 = arith.constant 16 : index
        %get3A_1053 = tpu.vector_load %arg41[%get3A_1051, %get3A_1052] {strides = array<i32>} : memref<128x32xf32, #tpu.memory_space<vmem>>, vector<16xf32>,
        tpu.vector_store_idx %arg48[%select_n3A_102, %select_n3A_220, %add3A_1047], %get3A_1053 : memref<4x8x129xf32, #tpu.memory_space<vmem>>[vector<16xi32>, vector<16xi32>, vector<16xi32>], vector<16xf32>,
        %add3A_1054 = arith.constant 2 : i32
        %add3A_1055 = vector.broadcast %add3A_1054 : i32 to vector<16xi32>
        %add3A_1056 = arith.addi %scan3A_1028, %add3A_1055 : vector<16xi32>
        scf.yield %add3A_1056 : vector<16xi32>
      }
      %scan3A_867 = arith.constant 64 : i32
      %broadcast_in_dim3A_868 = arith.constant 0 : i32
      %broadcast_in_dim3A_869 = vector.broadcast %broadcast_in_dim3A_868 : i32 to vector<16xi32>
      %scan3A_870 = arith.constant 0 : i32
      %scan3A_871 = arith.constant 64 : i32
      %scan3A_872 = arith.addi %scan3A_870, %scan3A_871 : i32
      %scan3A_873 = arith.constant 1 : i32
      %scan3A_874 = scf.for %scan3A_1027 = %scan3A_870 to %scan3A_872 step %scan3A_873 iter_args(%scan3A_1028 = %broadcast_in_dim3A_869) -> (vector<16xi32>)  : i32 {
        %mul3A_1029 = arith.constant 2 : i32
        %mul3A_1030 = arith.muli %scan3A_1027, %mul3A_1029 : i32
        %add3A_1031 = arith.constant 0 : i32
        %add3A_1032 = arith.addi %mul3A_1030, %add3A_1031 : i32
        %add3A_1033 = arith.constant 0 : i32
        %add3A_1034 = vector.broadcast %add3A_1033 : i32 to vector<16xi32>
        %add3A_1035 = arith.addi %scan3A_1028, %add3A_1034 : vector<16xi32>
        %get3A = arith.index_cast %add3A_1032 : i32 to index
        %get3A_1036 = arith.constant 0 : index
        %get3A_1037 = tpu.vector_load %arg42[%get3A, %get3A_1036] {strides = array<i32>} : memref<128x32xf32, #tpu.memory_space<vmem>>, vector<16xf32>,
        tpu.vector_store_idx %arg49[%select_n3A_68, %select_n3A_195, %add3A_1035], %get3A_1037 : memref<4x8x129xf32, #tpu.memory_space<vmem>>[vector<16xi32>, vector<16xi32>, vector<16xi32>], vector<16xf32>,
        %get3A_1038 = arith.index_cast %add3A_1032 : i32 to index
        %get3A_1039 = arith.constant 16 : index
        %get3A_1040 = tpu.vector_load %arg42[%get3A_1038, %get3A_1039] {strides = array<i32>} : memref<128x32xf32, #tpu.memory_space<vmem>>, vector<16xf32>,
        tpu.vector_store_idx %arg49[%select_n3A_102, %select_n3A_220, %add3A_1035], %get3A_1040 : memref<4x8x129xf32, #tpu.memory_space<vmem>>[vector<16xi32>, vector<16xi32>, vector<16xi32>], vector<16xf32>,
        %mul3A_1041 = arith.constant 2 : i32
        %mul3A_1042 = arith.muli %scan3A_1027, %mul3A_1041 : i32
        %add3A_1043 = arith.constant 1 : i32
        %add3A_1044 = arith.addi %mul3A_1042, %add3A_1043 : i32
        %add3A_1045 = arith.constant 1 : i32
        %add3A_1046 = vector.broadcast %add3A_1045 : i32 to vector<16xi32>
        %add3A_1047 = arith.addi %scan3A_1028, %add3A_1046 : vector<16xi32>
        %get3A_1048 = arith.index_cast %add3A_1044 : i32 to index
        %get3A_1049 = arith.constant 0 : index
        %get3A_1050 = tpu.vector_load %arg42[%get3A_1048, %get3A_1049] {strides = array<i32>} : memref<128x32xf32, #tpu.memory_space<vmem>>, vector<16xf32>,
        tpu.vector_store_idx %arg49[%select_n3A_68, %select_n3A_195, %add3A_1047], %get3A_1050 : memref<4x8x129xf32, #tpu.memory_space<vmem>>[vector<16xi32>, vector<16xi32>, vector<16xi32>], vector<16xf32>,
        %get3A_1051 = arith.index_cast %add3A_1044 : i32 to index
        %get3A_1052 = arith.constant 16 : index
        %get3A_1053 = tpu.vector_load %arg42[%get3A_1051, %get3A_1052] {strides = array<i32>} : memref<128x32xf32, #tpu.memory_space<vmem>>, vector<16xf32>,
        tpu.vector_store_idx %arg49[%select_n3A_102, %select_n3A_220, %add3A_1047], %get3A_1053 : memref<4x8x129xf32, #tpu.memory_space<vmem>>[vector<16xi32>, vector<16xi32>, vector<16xi32>], vector<16xf32>,
        %add3A_1054 = arith.constant 2 : i32
        %add3A_1055 = vector.broadcast %add3A_1054 : i32 to vector<16xi32>
        %add3A_1056 = arith.addi %scan3A_1028, %add3A_1055 : vector<16xi32>
        scf.yield %add3A_1056 : vector<16xi32>
      }
      %scan3A_875 = arith.constant 64 : i32
      %broadcast_in_dim3A_876 = arith.constant 0 : i32
      %broadcast_in_dim3A_877 = vector.broadcast %broadcast_in_dim3A_876 : i32 to vector<16xi32>
      %scan3A_878 = arith.constant 0 : i32
      %scan3A_879 = arith.constant 64 : i32
      %scan3A_880 = arith.addi %scan3A_878, %scan3A_879 : i32
      %scan3A_881 = arith.constant 1 : i32
      %scan3A_882 = scf.for %scan3A_1027 = %scan3A_878 to %scan3A_880 step %scan3A_881 iter_args(%scan3A_1028 = %broadcast_in_dim3A_877) -> (vector<16xi32>)  : i32 {
        %mul3A_1029 = arith.constant 2 : i32
        %mul3A_1030 = arith.muli %scan3A_1027, %mul3A_1029 : i32
        %add3A_1031 = arith.constant 0 : i32
        %add3A_1032 = arith.addi %mul3A_1030, %add3A_1031 : i32
        %add3A_1033 = arith.constant 0 : i32
        %add3A_1034 = vector.broadcast %add3A_1033 : i32 to vector<16xi32>
        %add3A_1035 = arith.addi %scan3A_1028, %add3A_1034 : vector<16xi32>
        %get3A = arith.index_cast %add3A_1032 : i32 to index
        %get3A_1036 = arith.constant 0 : index
        %get3A_1037 = tpu.vector_load %arg43[%get3A, %get3A_1036] {strides = array<i32>} : memref<128x32xf32, #tpu.memory_space<vmem>>, vector<16xf32>,
        tpu.vector_store_idx %arg50[%select_n3A_68, %select_n3A_195, %add3A_1035], %get3A_1037 : memref<4x8x129xf32, #tpu.memory_space<vmem>>[vector<16xi32>, vector<16xi32>, vector<16xi32>], vector<16xf32>,
        %get3A_1038 = arith.index_cast %add3A_1032 : i32 to index
        %get3A_1039 = arith.constant 16 : index
        %get3A_1040 = tpu.vector_load %arg43[%get3A_1038, %get3A_1039] {strides = array<i32>} : memref<128x32xf32, #tpu.memory_space<vmem>>, vector<16xf32>,
        tpu.vector_store_idx %arg50[%select_n3A_102, %select_n3A_220, %add3A_1035], %get3A_1040 : memref<4x8x129xf32, #tpu.memory_space<vmem>>[vector<16xi32>, vector<16xi32>, vector<16xi32>], vector<16xf32>,
        %mul3A_1041 = arith.constant 2 : i32
        %mul3A_1042 = arith.muli %scan3A_1027, %mul3A_1041 : i32
        %add3A_1043 = arith.constant 1 : i32
        %add3A_1044 = arith.addi %mul3A_1042, %add3A_1043 : i32
        %add3A_1045 = arith.constant 1 : i32
        %add3A_1046 = vector.broadcast %add3A_1045 : i32 to vector<16xi32>
        %add3A_1047 = arith.addi %scan3A_1028, %add3A_1046 : vector<16xi32>
        %get3A_1048 = arith.index_cast %add3A_1044 : i32 to index
        %get3A_1049 = arith.constant 0 : index
        %get3A_1050 = tpu.vector_load %arg43[%get3A_1048, %get3A_1049] {strides = array<i32>} : memref<128x32xf32, #tpu.memory_space<vmem>>, vector<16xf32>,
        tpu.vector_store_idx %arg50[%select_n3A_68, %select_n3A_195, %add3A_1047], %get3A_1050 : memref<4x8x129xf32, #tpu.memory_space<vmem>>[vector<16xi32>, vector<16xi32>, vector<16xi32>], vector<16xf32>,
        %get3A_1051 = arith.index_cast %add3A_1044 : i32 to index
        %get3A_1052 = arith.constant 16 : index
        %get3A_1053 = tpu.vector_load %arg43[%get3A_1051, %get3A_1052] {strides = array<i32>} : memref<128x32xf32, #tpu.memory_space<vmem>>, vector<16xf32>,
        tpu.vector_store_idx %arg50[%select_n3A_102, %select_n3A_220, %add3A_1047], %get3A_1053 : memref<4x8x129xf32, #tpu.memory_space<vmem>>[vector<16xi32>, vector<16xi32>, vector<16xi32>], vector<16xf32>,
        %add3A_1054 = arith.constant 2 : i32
        %add3A_1055 = vector.broadcast %add3A_1054 : i32 to vector<16xi32>
        %add3A_1056 = arith.addi %scan3A_1028, %add3A_1055 : vector<16xi32>
        scf.yield %add3A_1056 : vector<16xi32>
      }
      %scan3A_883 = arith.constant 64 : i32
      %broadcast_in_dim3A_884 = arith.constant 0 : i32
      %broadcast_in_dim3A_885 = vector.broadcast %broadcast_in_dim3A_884 : i32 to vector<16xi32>
      %scan3A_886 = arith.constant 0 : i32
      %scan3A_887 = arith.constant 64 : i32
      %scan3A_888 = arith.addi %scan3A_886, %scan3A_887 : i32
      %scan3A_889 = arith.constant 1 : i32
      %scan3A_890 = scf.for %scan3A_1027 = %scan3A_886 to %scan3A_888 step %scan3A_889 iter_args(%scan3A_1028 = %broadcast_in_dim3A_885) -> (vector<16xi32>)  : i32 {
        %mul3A_1029 = arith.constant 2 : i32
        %mul3A_1030 = arith.muli %scan3A_1027, %mul3A_1029 : i32
        %add3A_1031 = arith.constant 0 : i32
        %add3A_1032 = arith.addi %mul3A_1030, %add3A_1031 : i32
        %add3A_1033 = arith.constant 0 : i32
        %add3A_1034 = vector.broadcast %add3A_1033 : i32 to vector<16xi32>
        %add3A_1035 = arith.addi %scan3A_1028, %add3A_1034 : vector<16xi32>
        %get3A = arith.index_cast %add3A_1032 : i32 to index
        %get3A_1036 = arith.constant 0 : index
        %get3A_1037 = tpu.vector_load %arg44[%get3A, %get3A_1036] {strides = array<i32>} : memref<128x32xf32, #tpu.memory_space<vmem>>, vector<16xf32>,
        tpu.vector_store_idx %arg51[%select_n3A_68, %select_n3A_195, %add3A_1035], %get3A_1037 : memref<4x8x129xf32, #tpu.memory_space<vmem>>[vector<16xi32>, vector<16xi32>, vector<16xi32>], vector<16xf32>,
        %get3A_1038 = arith.index_cast %add3A_1032 : i32 to index
        %get3A_1039 = arith.constant 16 : index
        %get3A_1040 = tpu.vector_load %arg44[%get3A_1038, %get3A_1039] {strides = array<i32>} : memref<128x32xf32, #tpu.memory_space<vmem>>, vector<16xf32>,
        tpu.vector_store_idx %arg51[%select_n3A_102, %select_n3A_220, %add3A_1035], %get3A_1040 : memref<4x8x129xf32, #tpu.memory_space<vmem>>[vector<16xi32>, vector<16xi32>, vector<16xi32>], vector<16xf32>,
        %mul3A_1041 = arith.constant 2 : i32
        %mul3A_1042 = arith.muli %scan3A_1027, %mul3A_1041 : i32
        %add3A_1043 = arith.constant 1 : i32
        %add3A_1044 = arith.addi %mul3A_1042, %add3A_1043 : i32
        %add3A_1045 = arith.constant 1 : i32
        %add3A_1046 = vector.broadcast %add3A_1045 : i32 to vector<16xi32>
        %add3A_1047 = arith.addi %scan3A_1028, %add3A_1046 : vector<16xi32>
        %get3A_1048 = arith.index_cast %add3A_1044 : i32 to index
        %get3A_1049 = arith.constant 0 : index
        %get3A_1050 = tpu.vector_load %arg44[%get3A_1048, %get3A_1049] {strides = array<i32>} : memref<128x32xf32, #tpu.memory_space<vmem>>, vector<16xf32>,
        tpu.vector_store_idx %arg51[%select_n3A_68, %select_n3A_195, %add3A_1047], %get3A_1050 : memref<4x8x129xf32, #tpu.memory_space<vmem>>[vector<16xi32>, vector<16xi32>, vector<16xi32>], vector<16xf32>,
        %get3A_1051 = arith.index_cast %add3A_1044 : i32 to index
        %get3A_1052 = arith.constant 16 : index
        %get3A_1053 = tpu.vector_load %arg44[%get3A_1051, %get3A_1052] {strides = array<i32>} : memref<128x32xf32, #tpu.memory_space<vmem>>, vector<16xf32>,
        tpu.vector_store_idx %arg51[%select_n3A_102, %select_n3A_220, %add3A_1047], %get3A_1053 : memref<4x8x129xf32, #tpu.memory_space<vmem>>[vector<16xi32>, vector<16xi32>, vector<16xi32>], vector<16xf32>,
        %add3A_1054 = arith.constant 2 : i32
        %add3A_1055 = vector.broadcast %add3A_1054 : i32 to vector<16xi32>
        %add3A_1056 = arith.addi %scan3A_1028, %add3A_1055 : vector<16xi32>
        scf.yield %add3A_1056 : vector<16xi32>
      }
      %scan3A_891 = arith.constant 64 : i32
      %add3A_892 = arith.constant 1 : i32
      %add3A_893 = arith.addi %mul3A_451, %add3A_892 : i32
      %add3A_894 = arith.addi %mul3A_18, %add3A_893 : i32
      %dma_start3A_895 = arith.constant 0 : i32
      %dma_start3A_896 = arith.constant 0 : i32
      %dma_start3A_897 = arith.constant 0 : i32
      %dma_start3A_898 = tpu.memref_slice %arg45[%dma_start3A_895, %dma_start3A_896, %dma_start3A_897] : memref<8x8x129xf32, #tpu.memory_space<vmem>> -> memref<8x8x128xf32, #tpu.memory_space<vmem>>
      %dma_start3A_899 = arith.constant 0 : i32
      %dma_start3A_900 = arith.constant 0 : i32
      %dma_start3A_901 = arith.constant 0 : i32
      %dma_start3A_902 = tpu.memref_slice %arg16[%add3A_894, %dma_start3A_899, %select_n3A_32, %dma_start3A_900, %dma_start3A_901] : memref<200x36x8x8x128xf32, #tpu.memory_space<hbm>> -> memref<1x8x1x8x128xf32, #tpu.memory_space<hbm>>
      %dma_start3A_903 = tpu.memref_squeeze %dma_start3A_902 : memref<1x8x1x8x128xf32, #tpu.memory_space<hbm>> -> memref<8x8x128xf32, #tpu.memory_space<hbm>>
      %dma_start3A_904 = arith.constant 0 : i32
      %dma_start3A_905 = arith.constant 0 : i32
      %dma_start3A_906 = arith.constant 0 : i32
      %dma_start3A_907 = tpu.memref_slice %arg16[%add3A_894, %dma_start3A_904, %select_n3A_32, %dma_start3A_905, %dma_start3A_906] : memref<200x36x8x8x128xf32, #tpu.memory_space<hbm>> -> memref<1x8x1x8x128xf32, #tpu.memory_space<hbm>>
      %dma_start3A_908 = tpu.memref_squeeze %dma_start3A_907 : memref<1x8x1x8x128xf32, #tpu.memory_space<hbm>> -> memref<8x8x128xf32, #tpu.memory_space<hbm>>
      %dma_start3A_909 = arith.constant 0 : i32
      %dma_start3A_910 = arith.constant 0 : i32
      %dma_start3A_911 = arith.constant 0 : i32
      %dma_start3A_912 = tpu.memref_slice %arg45[%dma_start3A_909, %dma_start3A_910, %dma_start3A_911] : memref<8x8x129xf32, #tpu.memory_space<vmem>> -> memref<8x8x128xf32, #tpu.memory_space<vmem>>
      tpu.enqueue_dma source(%dma_start3A_912 : memref<8x8x128xf32, #tpu.memory_space<vmem>>) target(%dma_start3A_908 : memref<8x8x128xf32, #tpu.memory_space<hbm>>) target_semaphore(%arg54 : memref<!tpu.dma_semaphore, #tpu.memory_space<semaphore_mem>>)
      %add3A_913 = arith.addi %mul3A_18, %add3A_893 : i32
      %dma_start3A_914 = arith.constant 0 : i32
      %dma_start3A_915 = arith.constant 0 : i32
      %dma_start3A_916 = arith.constant 0 : i32
      %dma_start3A_917 = tpu.memref_slice %arg46[%dma_start3A_914, %dma_start3A_915, %dma_start3A_916] : memref<8x8x129xf32, #tpu.memory_space<vmem>> -> memref<8x8x128xf32, #tpu.memory_space<vmem>>
      %dma_start3A_918 = arith.constant 8 : i32
      %dma_start3A_919 = arith.constant 0 : i32
      %dma_start3A_920 = arith.constant 0 : i32
      %dma_start3A_921 = tpu.memref_slice %arg16[%add3A_913, %dma_start3A_918, %select_n3A_32, %dma_start3A_919, %dma_start3A_920] : memref<200x36x8x8x128xf32, #tpu.memory_space<hbm>> -> memref<1x8x1x8x128xf32, #tpu.memory_space<hbm>>
      %dma_start3A_922 = tpu.memref_squeeze %dma_start3A_921 : memref<1x8x1x8x128xf32, #tpu.memory_space<hbm>> -> memref<8x8x128xf32, #tpu.memory_space<hbm>>
      %dma_start3A_923 = arith.constant 8 : i32
      %dma_start3A_924 = arith.constant 0 : i32
      %dma_start3A_925 = arith.constant 0 : i32
      %dma_start3A_926 = tpu.memref_slice %arg16[%add3A_913, %dma_start3A_923, %select_n3A_32, %dma_start3A_924, %dma_start3A_925] : memref<200x36x8x8x128xf32, #tpu.memory_space<hbm>> -> memref<1x8x1x8x128xf32, #tpu.memory_space<hbm>>
      %dma_start3A_927 = tpu.memref_squeeze %dma_start3A_926 : memref<1x8x1x8x128xf32, #tpu.memory_space<hbm>> -> memref<8x8x128xf32, #tpu.memory_space<hbm>>
      %dma_start3A_928 = arith.constant 0 : i32
      %dma_start3A_929 = arith.constant 0 : i32
      %dma_start3A_930 = arith.constant 0 : i32
      %dma_start3A_931 = tpu.memref_slice %arg46[%dma_start3A_928, %dma_start3A_929, %dma_start3A_930] : memref<8x8x129xf32, #tpu.memory_space<vmem>> -> memref<8x8x128xf32, #tpu.memory_space<vmem>>
      tpu.enqueue_dma source(%dma_start3A_931 : memref<8x8x128xf32, #tpu.memory_space<vmem>>) target(%dma_start3A_927 : memref<8x8x128xf32, #tpu.memory_space<hbm>>) target_semaphore(%arg54 : memref<!tpu.dma_semaphore, #tpu.memory_space<semaphore_mem>>)
      %add3A_932 = arith.addi %mul3A_18, %add3A_893 : i32
      %dma_start3A_933 = arith.constant 0 : i32
      %dma_start3A_934 = arith.constant 0 : i32
      %dma_start3A_935 = arith.constant 0 : i32
      %dma_start3A_936 = tpu.memref_slice %arg47[%dma_start3A_933, %dma_start3A_934, %dma_start3A_935] : memref<4x8x129xf32, #tpu.memory_space<vmem>> -> memref<4x8x128xf32, #tpu.memory_space<vmem>>
      %dma_start3A_937 = arith.constant 16 : i32
      %dma_start3A_938 = arith.constant 0 : i32
      %dma_start3A_939 = arith.constant 0 : i32
      %dma_start3A_940 = tpu.memref_slice %arg16[%add3A_932, %dma_start3A_937, %select_n3A_32, %dma_start3A_938, %dma_start3A_939] : memref<200x36x8x8x128xf32, #tpu.memory_space<hbm>> -> memref<1x4x1x8x128xf32, #tpu.memory_space<hbm>>
      %dma_start3A_941 = tpu.memref_squeeze %dma_start3A_940 : memref<1x4x1x8x128xf32, #tpu.memory_space<hbm>> -> memref<4x8x128xf32, #tpu.memory_space<hbm>>
      %dma_start3A_942 = arith.constant 16 : i32
      %dma_start3A_943 = arith.constant 0 : i32
      %dma_start3A_944 = arith.constant 0 : i32
      %dma_start3A_945 = tpu.memref_slice %arg16[%add3A_932, %dma_start3A_942, %select_n3A_32, %dma_start3A_943, %dma_start3A_944] : memref<200x36x8x8x128xf32, #tpu.memory_space<hbm>> -> memref<1x4x1x8x128xf32, #tpu.memory_space<hbm>>
      %dma_start3A_946 = tpu.memref_squeeze %dma_start3A_945 : memref<1x4x1x8x128xf32, #tpu.memory_space<hbm>> -> memref<4x8x128xf32, #tpu.memory_space<hbm>>
      %dma_start3A_947 = arith.constant 0 : i32
      %dma_start3A_948 = arith.constant 0 : i32
      %dma_start3A_949 = arith.constant 0 : i32
      %dma_start3A_950 = tpu.memref_slice %arg47[%dma_start3A_947, %dma_start3A_948, %dma_start3A_949] : memref<4x8x129xf32, #tpu.memory_space<vmem>> -> memref<4x8x128xf32, #tpu.memory_space<vmem>>
      tpu.enqueue_dma source(%dma_start3A_950 : memref<4x8x128xf32, #tpu.memory_space<vmem>>) target(%dma_start3A_946 : memref<4x8x128xf32, #tpu.memory_space<hbm>>) target_semaphore(%arg54 : memref<!tpu.dma_semaphore, #tpu.memory_space<semaphore_mem>>)
      %add3A_951 = arith.addi %mul3A_18, %add3A_893 : i32
      %dma_start3A_952 = arith.constant 0 : i32
      %dma_start3A_953 = arith.constant 0 : i32
      %dma_start3A_954 = arith.constant 0 : i32
      %dma_start3A_955 = tpu.memref_slice %arg48[%dma_start3A_952, %dma_start3A_953, %dma_start3A_954] : memref<4x8x129xf32, #tpu.memory_space<vmem>> -> memref<4x8x128xf32, #tpu.memory_space<vmem>>
      %dma_start3A_956 = arith.constant 20 : i32
      %dma_start3A_957 = arith.constant 0 : i32
      %dma_start3A_958 = arith.constant 0 : i32
      %dma_start3A_959 = tpu.memref_slice %arg16[%add3A_951, %dma_start3A_956, %select_n3A_32, %dma_start3A_957, %dma_start3A_958] : memref<200x36x8x8x128xf32, #tpu.memory_space<hbm>> -> memref<1x4x1x8x128xf32, #tpu.memory_space<hbm>>
      %dma_start3A_960 = tpu.memref_squeeze %dma_start3A_959 : memref<1x4x1x8x128xf32, #tpu.memory_space<hbm>> -> memref<4x8x128xf32, #tpu.memory_space<hbm>>
      %dma_start3A_961 = arith.constant 20 : i32
      %dma_start3A_962 = arith.constant 0 : i32
      %dma_start3A_963 = arith.constant 0 : i32
      %dma_start3A_964 = tpu.memref_slice %arg16[%add3A_951, %dma_start3A_961, %select_n3A_32, %dma_start3A_962, %dma_start3A_963] : memref<200x36x8x8x128xf32, #tpu.memory_space<hbm>> -> memref<1x4x1x8x128xf32, #tpu.memory_space<hbm>>
      %dma_start3A_965 = tpu.memref_squeeze %dma_start3A_964 : memref<1x4x1x8x128xf32, #tpu.memory_space<hbm>> -> memref<4x8x128xf32, #tpu.memory_space<hbm>>
      %dma_start3A_966 = arith.constant 0 : i32
      %dma_start3A_967 = arith.constant 0 : i32
      %dma_start3A_968 = arith.constant 0 : i32
      %dma_start3A_969 = tpu.memref_slice %arg48[%dma_start3A_966, %dma_start3A_967, %dma_start3A_968] : memref<4x8x129xf32, #tpu.memory_space<vmem>> -> memref<4x8x128xf32, #tpu.memory_space<vmem>>
      tpu.enqueue_dma source(%dma_start3A_969 : memref<4x8x128xf32, #tpu.memory_space<vmem>>) target(%dma_start3A_965 : memref<4x8x128xf32, #tpu.memory_space<hbm>>) target_semaphore(%arg54 : memref<!tpu.dma_semaphore, #tpu.memory_space<semaphore_mem>>)
      %add3A_970 = arith.addi %mul3A_18, %add3A_893 : i32
      %dma_start3A_971 = arith.constant 0 : i32
      %dma_start3A_972 = arith.constant 0 : i32
      %dma_start3A_973 = arith.constant 0 : i32
      %dma_start3A_974 = tpu.memref_slice %arg49[%dma_start3A_971, %dma_start3A_972, %dma_start3A_973] : memref<4x8x129xf32, #tpu.memory_space<vmem>> -> memref<4x8x128xf32, #tpu.memory_space<vmem>>
      %dma_start3A_975 = arith.constant 24 : i32
      %dma_start3A_976 = arith.constant 0 : i32
      %dma_start3A_977 = arith.constant 0 : i32
      %dma_start3A_978 = tpu.memref_slice %arg16[%add3A_970, %dma_start3A_975, %select_n3A_32, %dma_start3A_976, %dma_start3A_977] : memref<200x36x8x8x128xf32, #tpu.memory_space<hbm>> -> memref<1x4x1x8x128xf32, #tpu.memory_space<hbm>>
      %dma_start3A_979 = tpu.memref_squeeze %dma_start3A_978 : memref<1x4x1x8x128xf32, #tpu.memory_space<hbm>> -> memref<4x8x128xf32, #tpu.memory_space<hbm>>
      %dma_start3A_980 = arith.constant 24 : i32
      %dma_start3A_981 = arith.constant 0 : i32
      %dma_start3A_982 = arith.constant 0 : i32
      %dma_start3A_983 = tpu.memref_slice %arg16[%add3A_970, %dma_start3A_980, %select_n3A_32, %dma_start3A_981, %dma_start3A_982] : memref<200x36x8x8x128xf32, #tpu.memory_space<hbm>> -> memref<1x4x1x8x128xf32, #tpu.memory_space<hbm>>
      %dma_start3A_984 = tpu.memref_squeeze %dma_start3A_983 : memref<1x4x1x8x128xf32, #tpu.memory_space<hbm>> -> memref<4x8x128xf32, #tpu.memory_space<hbm>>
      %dma_start3A_985 = arith.constant 0 : i32
      %dma_start3A_986 = arith.constant 0 : i32
      %dma_start3A_987 = arith.constant 0 : i32
      %dma_start3A_988 = tpu.memref_slice %arg49[%dma_start3A_985, %dma_start3A_986, %dma_start3A_987] : memref<4x8x129xf32, #tpu.memory_space<vmem>> -> memref<4x8x128xf32, #tpu.memory_space<vmem>>
      tpu.enqueue_dma source(%dma_start3A_988 : memref<4x8x128xf32, #tpu.memory_space<vmem>>) target(%dma_start3A_984 : memref<4x8x128xf32, #tpu.memory_space<hbm>>) target_semaphore(%arg54 : memref<!tpu.dma_semaphore, #tpu.memory_space<semaphore_mem>>)
      %add3A_989 = arith.addi %mul3A_18, %add3A_893 : i32
      %dma_start3A_990 = arith.constant 0 : i32
      %dma_start3A_991 = arith.constant 0 : i32
      %dma_start3A_992 = arith.constant 0 : i32
      %dma_start3A_993 = tpu.memref_slice %arg50[%dma_start3A_990, %dma_start3A_991, %dma_start3A_992] : memref<4x8x129xf32, #tpu.memory_space<vmem>> -> memref<4x8x128xf32, #tpu.memory_space<vmem>>
      %dma_start3A_994 = arith.constant 28 : i32
      %dma_start3A_995 = arith.constant 0 : i32
      %dma_start3A_996 = arith.constant 0 : i32
      %dma_start3A_997 = tpu.memref_slice %arg16[%add3A_989, %dma_start3A_994, %select_n3A_32, %dma_start3A_995, %dma_start3A_996] : memref<200x36x8x8x128xf32, #tpu.memory_space<hbm>> -> memref<1x4x1x8x128xf32, #tpu.memory_space<hbm>>
      %dma_start3A_998 = tpu.memref_squeeze %dma_start3A_997 : memref<1x4x1x8x128xf32, #tpu.memory_space<hbm>> -> memref<4x8x128xf32, #tpu.memory_space<hbm>>
      %dma_start3A_999 = arith.constant 28 : i32
      %dma_start3A_1000 = arith.constant 0 : i32
      %dma_start3A_1001 = arith.constant 0 : i32
      %dma_start3A_1002 = tpu.memref_slice %arg16[%add3A_989, %dma_start3A_999, %select_n3A_32, %dma_start3A_1000, %dma_start3A_1001] : memref<200x36x8x8x128xf32, #tpu.memory_space<hbm>> -> memref<1x4x1x8x128xf32, #tpu.memory_space<hbm>>
      %dma_start3A_1003 = tpu.memref_squeeze %dma_start3A_1002 : memref<1x4x1x8x128xf32, #tpu.memory_space<hbm>> -> memref<4x8x128xf32, #tpu.memory_space<hbm>>
      %dma_start3A_1004 = arith.constant 0 : i32
      %dma_start3A_1005 = arith.constant 0 : i32
      %dma_start3A_1006 = arith.constant 0 : i32
      %dma_start3A_1007 = tpu.memref_slice %arg50[%dma_start3A_1004, %dma_start3A_1005, %dma_start3A_1006] : memref<4x8x129xf32, #tpu.memory_space<vmem>> -> memref<4x8x128xf32, #tpu.memory_space<vmem>>
      tpu.enqueue_dma source(%dma_start3A_1007 : memref<4x8x128xf32, #tpu.memory_space<vmem>>) target(%dma_start3A_1003 : memref<4x8x128xf32, #tpu.memory_space<hbm>>) target_semaphore(%arg54 : memref<!tpu.dma_semaphore, #tpu.memory_space<semaphore_mem>>)
      %add3A_1008 = arith.addi %mul3A_18, %add3A_893 : i32
      %dma_start3A_1009 = arith.constant 0 : i32
      %dma_start3A_1010 = arith.constant 0 : i32
      %dma_start3A_1011 = arith.constant 0 : i32
      %dma_start3A_1012 = tpu.memref_slice %arg51[%dma_start3A_1009, %dma_start3A_1010, %dma_start3A_1011] : memref<4x8x129xf32, #tpu.memory_space<vmem>> -> memref<4x8x128xf32, #tpu.memory_space<vmem>>
      %dma_start3A_1013 = arith.constant 32 : i32
      %dma_start3A_1014 = arith.constant 0 : i32
      %dma_start3A_1015 = arith.constant 0 : i32
      %dma_start3A_1016 = tpu.memref_slice %arg16[%add3A_1008, %dma_start3A_1013, %select_n3A_32, %dma_start3A_1014, %dma_start3A_1015] : memref<200x36x8x8x128xf32, #tpu.memory_space<hbm>> -> memref<1x4x1x8x128xf32, #tpu.memory_space<hbm>>
      %dma_start3A_1017 = tpu.memref_squeeze %dma_start3A_1016 : memref<1x4x1x8x128xf32, #tpu.memory_space<hbm>> -> memref<4x8x128xf32, #tpu.memory_space<hbm>>
      %dma_start3A_1018 = arith.constant 32 : i32
      %dma_start3A_1019 = arith.constant 0 : i32
      %dma_start3A_1020 = arith.constant 0 : i32
      %dma_start3A_1021 = tpu.memref_slice %arg16[%add3A_1008, %dma_start3A_1018, %select_n3A_32, %dma_start3A_1019, %dma_start3A_1020] : memref<200x36x8x8x128xf32, #tpu.memory_space<hbm>> -> memref<1x4x1x8x128xf32, #tpu.memory_space<hbm>>
      %dma_start3A_1022 = tpu.memref_squeeze %dma_start3A_1021 : memref<1x4x1x8x128xf32, #tpu.memory_space<hbm>> -> memref<4x8x128xf32, #tpu.memory_space<hbm>>
      %dma_start3A_1023 = arith.constant 0 : i32
      %dma_start3A_1024 = arith.constant 0 : i32
      %dma_start3A_1025 = arith.constant 0 : i32
      %dma_start3A_1026 = tpu.memref_slice %arg51[%dma_start3A_1023, %dma_start3A_1024, %dma_start3A_1025] : memref<4x8x129xf32, #tpu.memory_space<vmem>> -> memref<4x8x128xf32, #tpu.memory_space<vmem>>
      tpu.enqueue_dma source(%dma_start3A_1026 : memref<4x8x128xf32, #tpu.memory_space<vmem>>) target(%dma_start3A_1022 : memref<4x8x128xf32, #tpu.memory_space<hbm>>) target_semaphore(%arg54 : memref<!tpu.dma_semaphore, #tpu.memory_space<semaphore_mem>>)
    }
    %scan3A_323 = arith.constant 25 : i32
    %dma_wait3A = arith.constant 0 : i32
    %dma_wait3A_324 = arith.constant 0 : i32
    %dma_wait3A_325 = arith.constant 0 : i32
    %dma_wait3A_326 = tpu.memref_slice %arg45[%dma_wait3A, %dma_wait3A_324, %dma_wait3A_325] : memref<8x8x129xf32, #tpu.memory_space<vmem>> -> memref<8x8x128xf32, #tpu.memory_space<vmem>>
    %dma_wait3A_327 = arith.constant 0 : i32
    %dma_wait3A_328 = arith.constant 0 : i32
    %dma_wait3A_329 = arith.constant 0 : i32
    %dma_wait3A_330 = tpu.memref_slice %arg16[%mul3A_18, %dma_wait3A_327, %select_n3A_32, %dma_wait3A_328, %dma_wait3A_329] : memref<200x36x8x8x128xf32, #tpu.memory_space<hbm>> -> memref<1x8x1x8x128xf32, #tpu.memory_space<hbm>>
    %dma_wait3A_331 = tpu.memref_squeeze %dma_wait3A_330 : memref<1x8x1x8x128xf32, #tpu.memory_space<hbm>> -> memref<8x8x128xf32, #tpu.memory_space<hbm>>
    %dma_wait3A_332 = arith.constant 0 : i32
    %dma_wait3A_333 = arith.constant 0 : i32
    %dma_wait3A_334 = arith.constant 0 : i32
    %dma_wait3A_335 = tpu.memref_slice %arg16[%mul3A_18, %dma_wait3A_332, %select_n3A_32, %dma_wait3A_333, %dma_wait3A_334] : memref<200x36x8x8x128xf32, #tpu.memory_space<hbm>> -> memref<1x8x1x8x128xf32, #tpu.memory_space<hbm>>
    %dma_wait3A_336 = tpu.memref_squeeze %dma_wait3A_335 : memref<1x8x1x8x128xf32, #tpu.memory_space<hbm>> -> memref<8x8x128xf32, #tpu.memory_space<hbm>>
    %dma_wait3A_337 = arith.constant 0 : i32
    %dma_wait3A_338 = arith.constant 0 : i32
    %dma_wait3A_339 = arith.constant 0 : i32
    %dma_wait3A_340 = tpu.memref_slice %arg45[%dma_wait3A_337, %dma_wait3A_338, %dma_wait3A_339] : memref<8x8x129xf32, #tpu.memory_space<vmem>> -> memref<8x8x128xf32, #tpu.memory_space<vmem>>
    tpu.wait_dma2 semaphore(%arg54 : memref<!tpu.dma_semaphore, #tpu.memory_space<semaphore_mem>>) src(%dma_wait3A_340 : memref<8x8x128xf32, #tpu.memory_space<vmem>>) dst(%dma_wait3A_336 : memref<8x8x128xf32, #tpu.memory_space<hbm>>)
    %dma_wait3A_341 = arith.constant 0 : i32
    %dma_wait3A_342 = arith.constant 0 : i32
    %dma_wait3A_343 = arith.constant 0 : i32
    %dma_wait3A_344 = tpu.memref_slice %arg46[%dma_wait3A_341, %dma_wait3A_342, %dma_wait3A_343] : memref<8x8x129xf32, #tpu.memory_space<vmem>> -> memref<8x8x128xf32, #tpu.memory_space<vmem>>
    %dma_wait3A_345 = arith.constant 8 : i32
    %dma_wait3A_346 = arith.constant 0 : i32
    %dma_wait3A_347 = arith.constant 0 : i32
    %dma_wait3A_348 = tpu.memref_slice %arg16[%mul3A_18, %dma_wait3A_345, %select_n3A_32, %dma_wait3A_346, %dma_wait3A_347] : memref<200x36x8x8x128xf32, #tpu.memory_space<hbm>> -> memref<1x8x1x8x128xf32, #tpu.memory_space<hbm>>
    %dma_wait3A_349 = tpu.memref_squeeze %dma_wait3A_348 : memref<1x8x1x8x128xf32, #tpu.memory_space<hbm>> -> memref<8x8x128xf32, #tpu.memory_space<hbm>>
    %dma_wait3A_350 = arith.constant 8 : i32
    %dma_wait3A_351 = arith.constant 0 : i32
    %dma_wait3A_352 = arith.constant 0 : i32
    %dma_wait3A_353 = tpu.memref_slice %arg16[%mul3A_18, %dma_wait3A_350, %select_n3A_32, %dma_wait3A_351, %dma_wait3A_352] : memref<200x36x8x8x128xf32, #tpu.memory_space<hbm>> -> memref<1x8x1x8x128xf32, #tpu.memory_space<hbm>>
    %dma_wait3A_354 = tpu.memref_squeeze %dma_wait3A_353 : memref<1x8x1x8x128xf32, #tpu.memory_space<hbm>> -> memref<8x8x128xf32, #tpu.memory_space<hbm>>
    %dma_wait3A_355 = arith.constant 0 : i32
    %dma_wait3A_356 = arith.constant 0 : i32
    %dma_wait3A_357 = arith.constant 0 : i32
    %dma_wait3A_358 = tpu.memref_slice %arg46[%dma_wait3A_355, %dma_wait3A_356, %dma_wait3A_357] : memref<8x8x129xf32, #tpu.memory_space<vmem>> -> memref<8x8x128xf32, #tpu.memory_space<vmem>>
    tpu.wait_dma2 semaphore(%arg54 : memref<!tpu.dma_semaphore, #tpu.memory_space<semaphore_mem>>) src(%dma_wait3A_358 : memref<8x8x128xf32, #tpu.memory_space<vmem>>) dst(%dma_wait3A_354 : memref<8x8x128xf32, #tpu.memory_space<hbm>>)
    %dma_wait3A_359 = arith.constant 0 : i32
    %dma_wait3A_360 = arith.constant 0 : i32
    %dma_wait3A_361 = arith.constant 0 : i32
    %dma_wait3A_362 = tpu.memref_slice %arg47[%dma_wait3A_359, %dma_wait3A_360, %dma_wait3A_361] : memref<4x8x129xf32, #tpu.memory_space<vmem>> -> memref<4x8x128xf32, #tpu.memory_space<vmem>>
    %dma_wait3A_363 = arith.constant 16 : i32
    %dma_wait3A_364 = arith.constant 0 : i32
    %dma_wait3A_365 = arith.constant 0 : i32
    %dma_wait3A_366 = tpu.memref_slice %arg16[%mul3A_18, %dma_wait3A_363, %select_n3A_32, %dma_wait3A_364, %dma_wait3A_365] : memref<200x36x8x8x128xf32, #tpu.memory_space<hbm>> -> memref<1x4x1x8x128xf32, #tpu.memory_space<hbm>>
    %dma_wait3A_367 = tpu.memref_squeeze %dma_wait3A_366 : memref<1x4x1x8x128xf32, #tpu.memory_space<hbm>> -> memref<4x8x128xf32, #tpu.memory_space<hbm>>
    %dma_wait3A_368 = arith.constant 16 : i32
    %dma_wait3A_369 = arith.constant 0 : i32
    %dma_wait3A_370 = arith.constant 0 : i32
    %dma_wait3A_371 = tpu.memref_slice %arg16[%mul3A_18, %dma_wait3A_368, %select_n3A_32, %dma_wait3A_369, %dma_wait3A_370] : memref<200x36x8x8x128xf32, #tpu.memory_space<hbm>> -> memref<1x4x1x8x128xf32, #tpu.memory_space<hbm>>
    %dma_wait3A_372 = tpu.memref_squeeze %dma_wait3A_371 : memref<1x4x1x8x128xf32, #tpu.memory_space<hbm>> -> memref<4x8x128xf32, #tpu.memory_space<hbm>>
    %dma_wait3A_373 = arith.constant 0 : i32
    %dma_wait3A_374 = arith.constant 0 : i32
    %dma_wait3A_375 = arith.constant 0 : i32
    %dma_wait3A_376 = tpu.memref_slice %arg47[%dma_wait3A_373, %dma_wait3A_374, %dma_wait3A_375] : memref<4x8x129xf32, #tpu.memory_space<vmem>> -> memref<4x8x128xf32, #tpu.memory_space<vmem>>
    tpu.wait_dma2 semaphore(%arg54 : memref<!tpu.dma_semaphore, #tpu.memory_space<semaphore_mem>>) src(%dma_wait3A_376 : memref<4x8x128xf32, #tpu.memory_space<vmem>>) dst(%dma_wait3A_372 : memref<4x8x128xf32, #tpu.memory_space<hbm>>)
    %dma_wait3A_377 = arith.constant 0 : i32
    %dma_wait3A_378 = arith.constant 0 : i32
    %dma_wait3A_379 = arith.constant 0 : i32
    %dma_wait3A_380 = tpu.memref_slice %arg48[%dma_wait3A_377, %dma_wait3A_378, %dma_wait3A_379] : memref<4x8x129xf32, #tpu.memory_space<vmem>> -> memref<4x8x128xf32, #tpu.memory_space<vmem>>
    %dma_wait3A_381 = arith.constant 20 : i32
    %dma_wait3A_382 = arith.constant 0 : i32
    %dma_wait3A_383 = arith.constant 0 : i32
    %dma_wait3A_384 = tpu.memref_slice %arg16[%mul3A_18, %dma_wait3A_381, %select_n3A_32, %dma_wait3A_382, %dma_wait3A_383] : memref<200x36x8x8x128xf32, #tpu.memory_space<hbm>> -> memref<1x4x1x8x128xf32, #tpu.memory_space<hbm>>
    %dma_wait3A_385 = tpu.memref_squeeze %dma_wait3A_384 : memref<1x4x1x8x128xf32, #tpu.memory_space<hbm>> -> memref<4x8x128xf32, #tpu.memory_space<hbm>>
    %dma_wait3A_386 = arith.constant 20 : i32
    %dma_wait3A_387 = arith.constant 0 : i32
    %dma_wait3A_388 = arith.constant 0 : i32
    %dma_wait3A_389 = tpu.memref_slice %arg16[%mul3A_18, %dma_wait3A_386, %select_n3A_32, %dma_wait3A_387, %dma_wait3A_388] : memref<200x36x8x8x128xf32, #tpu.memory_space<hbm>> -> memref<1x4x1x8x128xf32, #tpu.memory_space<hbm>>
    %dma_wait3A_390 = tpu.memref_squeeze %dma_wait3A_389 : memref<1x4x1x8x128xf32, #tpu.memory_space<hbm>> -> memref<4x8x128xf32, #tpu.memory_space<hbm>>
    %dma_wait3A_391 = arith.constant 0 : i32
    %dma_wait3A_392 = arith.constant 0 : i32
    %dma_wait3A_393 = arith.constant 0 : i32
    %dma_wait3A_394 = tpu.memref_slice %arg48[%dma_wait3A_391, %dma_wait3A_392, %dma_wait3A_393] : memref<4x8x129xf32, #tpu.memory_space<vmem>> -> memref<4x8x128xf32, #tpu.memory_space<vmem>>
    tpu.wait_dma2 semaphore(%arg54 : memref<!tpu.dma_semaphore, #tpu.memory_space<semaphore_mem>>) src(%dma_wait3A_394 : memref<4x8x128xf32, #tpu.memory_space<vmem>>) dst(%dma_wait3A_390 : memref<4x8x128xf32, #tpu.memory_space<hbm>>)
    %dma_wait3A_395 = arith.constant 0 : i32
    %dma_wait3A_396 = arith.constant 0 : i32
    %dma_wait3A_397 = arith.constant 0 : i32
    %dma_wait3A_398 = tpu.memref_slice %arg49[%dma_wait3A_395, %dma_wait3A_396, %dma_wait3A_397] : memref<4x8x129xf32, #tpu.memory_space<vmem>> -> memref<4x8x128xf32, #tpu.memory_space<vmem>>
    %dma_wait3A_399 = arith.constant 24 : i32
    %dma_wait3A_400 = arith.constant 0 : i32
    %dma_wait3A_401 = arith.constant 0 : i32
    %dma_wait3A_402 = tpu.memref_slice %arg16[%mul3A_18, %dma_wait3A_399, %select_n3A_32, %dma_wait3A_400, %dma_wait3A_401] : memref<200x36x8x8x128xf32, #tpu.memory_space<hbm>> -> memref<1x4x1x8x128xf32, #tpu.memory_space<hbm>>
    %dma_wait3A_403 = tpu.memref_squeeze %dma_wait3A_402 : memref<1x4x1x8x128xf32, #tpu.memory_space<hbm>> -> memref<4x8x128xf32, #tpu.memory_space<hbm>>
    %dma_wait3A_404 = arith.constant 24 : i32
    %dma_wait3A_405 = arith.constant 0 : i32
    %dma_wait3A_406 = arith.constant 0 : i32
    %dma_wait3A_407 = tpu.memref_slice %arg16[%mul3A_18, %dma_wait3A_404, %select_n3A_32, %dma_wait3A_405, %dma_wait3A_406] : memref<200x36x8x8x128xf32, #tpu.memory_space<hbm>> -> memref<1x4x1x8x128xf32, #tpu.memory_space<hbm>>
    %dma_wait3A_408 = tpu.memref_squeeze %dma_wait3A_407 : memref<1x4x1x8x128xf32, #tpu.memory_space<hbm>> -> memref<4x8x128xf32, #tpu.memory_space<hbm>>
    %dma_wait3A_409 = arith.constant 0 : i32
    %dma_wait3A_410 = arith.constant 0 : i32
    %dma_wait3A_411 = arith.constant 0 : i32
    %dma_wait3A_412 = tpu.memref_slice %arg49[%dma_wait3A_409, %dma_wait3A_410, %dma_wait3A_411] : memref<4x8x129xf32, #tpu.memory_space<vmem>> -> memref<4x8x128xf32, #tpu.memory_space<vmem>>
    tpu.wait_dma2 semaphore(%arg54 : memref<!tpu.dma_semaphore, #tpu.memory_space<semaphore_mem>>) src(%dma_wait3A_412 : memref<4x8x128xf32, #tpu.memory_space<vmem>>) dst(%dma_wait3A_408 : memref<4x8x128xf32, #tpu.memory_space<hbm>>)
    %dma_wait3A_413 = arith.constant 0 : i32
    %dma_wait3A_414 = arith.constant 0 : i32
    %dma_wait3A_415 = arith.constant 0 : i32
    %dma_wait3A_416 = tpu.memref_slice %arg50[%dma_wait3A_413, %dma_wait3A_414, %dma_wait3A_415] : memref<4x8x129xf32, #tpu.memory_space<vmem>> -> memref<4x8x128xf32, #tpu.memory_space<vmem>>
    %dma_wait3A_417 = arith.constant 28 : i32
    %dma_wait3A_418 = arith.constant 0 : i32
    %dma_wait3A_419 = arith.constant 0 : i32
    %dma_wait3A_420 = tpu.memref_slice %arg16[%mul3A_18, %dma_wait3A_417, %select_n3A_32, %dma_wait3A_418, %dma_wait3A_419] : memref<200x36x8x8x128xf32, #tpu.memory_space<hbm>> -> memref<1x4x1x8x128xf32, #tpu.memory_space<hbm>>
    %dma_wait3A_421 = tpu.memref_squeeze %dma_wait3A_420 : memref<1x4x1x8x128xf32, #tpu.memory_space<hbm>> -> memref<4x8x128xf32, #tpu.memory_space<hbm>>
    %dma_wait3A_422 = arith.constant 28 : i32
    %dma_wait3A_423 = arith.constant 0 : i32
    %dma_wait3A_424 = arith.constant 0 : i32
    %dma_wait3A_425 = tpu.memref_slice %arg16[%mul3A_18, %dma_wait3A_422, %select_n3A_32, %dma_wait3A_423, %dma_wait3A_424] : memref<200x36x8x8x128xf32, #tpu.memory_space<hbm>> -> memref<1x4x1x8x128xf32, #tpu.memory_space<hbm>>
    %dma_wait3A_426 = tpu.memref_squeeze %dma_wait3A_425 : memref<1x4x1x8x128xf32, #tpu.memory_space<hbm>> -> memref<4x8x128xf32, #tpu.memory_space<hbm>>
    %dma_wait3A_427 = arith.constant 0 : i32
    %dma_wait3A_428 = arith.constant 0 : i32
    %dma_wait3A_429 = arith.constant 0 : i32
    %dma_wait3A_430 = tpu.memref_slice %arg50[%dma_wait3A_427, %dma_wait3A_428, %dma_wait3A_429] : memref<4x8x129xf32, #tpu.memory_space<vmem>> -> memref<4x8x128xf32, #tpu.memory_space<vmem>>
    tpu.wait_dma2 semaphore(%arg54 : memref<!tpu.dma_semaphore, #tpu.memory_space<semaphore_mem>>) src(%dma_wait3A_430 : memref<4x8x128xf32, #tpu.memory_space<vmem>>) dst(%dma_wait3A_426 : memref<4x8x128xf32, #tpu.memory_space<hbm>>)
    %dma_wait3A_431 = arith.constant 0 : i32
    %dma_wait3A_432 = arith.constant 0 : i32
    %dma_wait3A_433 = arith.constant 0 : i32
    %dma_wait3A_434 = tpu.memref_slice %arg51[%dma_wait3A_431, %dma_wait3A_432, %dma_wait3A_433] : memref<4x8x129xf32, #tpu.memory_space<vmem>> -> memref<4x8x128xf32, #tpu.memory_space<vmem>>
    %dma_wait3A_435 = arith.constant 32 : i32
    %dma_wait3A_436 = arith.constant 0 : i32
    %dma_wait3A_437 = arith.constant 0 : i32
    %dma_wait3A_438 = tpu.memref_slice %arg16[%mul3A_18, %dma_wait3A_435, %select_n3A_32, %dma_wait3A_436, %dma_wait3A_437] : memref<200x36x8x8x128xf32, #tpu.memory_space<hbm>> -> memref<1x4x1x8x128xf32, #tpu.memory_space<hbm>>
    %dma_wait3A_439 = tpu.memref_squeeze %dma_wait3A_438 : memref<1x4x1x8x128xf32, #tpu.memory_space<hbm>> -> memref<4x8x128xf32, #tpu.memory_space<hbm>>
    %dma_wait3A_440 = arith.constant 32 : i32
    %dma_wait3A_441 = arith.constant 0 : i32
    %dma_wait3A_442 = arith.constant 0 : i32
    %dma_wait3A_443 = tpu.memref_slice %arg16[%mul3A_18, %dma_wait3A_440, %select_n3A_32, %dma_wait3A_441, %dma_wait3A_442] : memref<200x36x8x8x128xf32, #tpu.memory_space<hbm>> -> memref<1x4x1x8x128xf32, #tpu.memory_space<hbm>>
    %dma_wait3A_444 = tpu.memref_squeeze %dma_wait3A_443 : memref<1x4x1x8x128xf32, #tpu.memory_space<hbm>> -> memref<4x8x128xf32, #tpu.memory_space<hbm>>
    %dma_wait3A_445 = arith.constant 0 : i32
    %dma_wait3A_446 = arith.constant 0 : i32
    %dma_wait3A_447 = arith.constant 0 : i32
    %dma_wait3A_448 = tpu.memref_slice %arg51[%dma_wait3A_445, %dma_wait3A_446, %dma_wait3A_447] : memref<4x8x129xf32, #tpu.memory_space<vmem>> -> memref<4x8x128xf32, #tpu.memory_space<vmem>>
    tpu.wait_dma2 semaphore(%arg54 : memref<!tpu.dma_semaphore, #tpu.memory_space<semaphore_mem>>) src(%dma_wait3A_448 : memref<4x8x128xf32, #tpu.memory_space<vmem>>) dst(%dma_wait3A_444 : memref<4x8x128xf32, #tpu.memory_space<hbm>>)
    return
  }
}

</mosaic_0001>

<sc_bundles>
// kernel: kernel.3.cloned.1.call-start
scs
__scs_entry_jumppad:
0x0: {  	(pc) =	sbr.rel $0x88, $3  }
0x1: {  	(tag) =	ssettag $0x0;
	lr =	simm.s32 $0x1  }
0x2: {  	[smem:$0x3F93] =	sst lr;
	_ =	strace $0xD0000000  }
0x3: {  	_ = 	snop  }
0x4: {  	_ = 	snop  }
0x5: {  	_ = 	snop  }
0x6: {  	_ = 	snop  }
0x7: {  	_ = 	snop  }
__scs_overlays_trampoline_lowered:
0x8: {  	[smem:$0x3FA2] =	sst s0  }
0x9: {  	[smem:$0x3FA3] =	sst s1  }
0xa: {  	[smem:$0x3FA4] =	sst s2  }
0xb: {  	[smem:$0x3FA5] =	sst s3  }
0xc: {  	[smem:$0x3FA6] =	sst s4  }
0xd: {  	[smem:$0x3FA7] =	sst s5  }
0xe: {  	[smem:$0x3FA8] =	sst s6  }
0xf: {  	[smem:$0x3FA9] =	sst s7  }
0x10: {  	[smem:$0x3FAA] =	sst s8  }
0x11: {  	[smem:$0x3FAB] =	sst s9;
	s0 =	simm.s32 @!p0 $0x0  }
0x12: {  	s1 =	sld [smem:$0x3F91];
	s0 =	simm.s32 @p0 $0x1  }
0x13: {  	[smem:$0x3FAC] =	sst s0;
	s0 =	simm.s32 @!p1 $0x0  }
0x14: {  	s2 =	sld [smem:$0x3F90];
	s0 =	simm.s32 @p1 $0x1  }
0x15: {  	[smem:$0x3FAD] =	sst s0;
	s0 =	simm.s32 @!p2 $0x0  }
0x16: {  	s3 =	sld [smem:$0x3FDB];
	s0 =	simm.s32 @p2 $0x1  }
0x17: {  	s4 =	simm.s32 $0x1BF5;
	[smem:$0x3FAF] =	sst s0  }
0x18: {  	s0 =	sld [smem:$0x3F92];
	_ =	swait.ge [sflag:s4], $0x0  }
0x19: {  	s7 =	sld [smem:$0x3F93]  }
0x1a: {  	s8 =	sadd.s32 $0xFFFFE003, lr  }
0x1b: {  	s9 =	sadd.s32 $0xFFFFFEF7, lr;
	s5 =	simm.s32 $0xFFFFFFFF;
	p2 =	slt.u32 s8, $0xFFFFF086  }
0x1c: {  	p1 =	slt.u32 s9, $0xF7A;
	s5 =	simm.s32 @!p2 $0x0  }
0x1d: {  	s5 =	simm.s32 @p1 $0x1;
	p0 =	seq.s32 s7, s2  }
0x1e: {  	s7 =	smul.u32 @!p0 $0xF7A, s2;
	p2 =	seq.s32 @!p0 s5, $0x0  }
0x1f: {  	s9 =	smul.u32 $0xF7A, s1;
	s8 =	simm.s32 @!p0 $0x1BF5;
	p2 =	por !p2, p0  }
0x20: {  	[sflag:s8] =	ssyncset.s32 @!p0 $0xFFFFF086;
	s6 =	sadd.s32 @!p0 s3, s7;
	s7 =	simm.s32 @!p0 $0x108  }
0x21: {  	s3 =	sadd.s32 s3, s9;
	s6 =	sadd.s32 @!p0 $0x88, s6;
	s7 =	simm.s32 @p2 $0x1082  }
0x22: {  	[simem:s7], [sflag:s8] =	dma.local @!p0 [hbm:s6], $0xF7A  }
0x23: {  	s9 =	sor.u32 $0xD0000000, s2;
	s6 =	simm.s32 $0x108;
	_ =	swait.ge @!p0 [sflag:s8], $0x0  }
0x24: {  	s3 =	sadd.s32 $0x88, s3;
	s6 =	simm.s32 @!p1 $0x1082;
	[sflag:s4] =	ssyncset.s32 $0xFFFFF086  }
0x25: {  	[simem:s6], [sflag:s4] =	dma.local [hbm:s3], $0xF7A  }
0x26: {  	[smem:$0x3F93] =	sst s1;
	(tag) =	ssettag s2;
	_ =	strace s9  }
0x27: {  	s1 =	sld [smem:$0x3FA3]  }
0x28: {  	s2 =	sld [smem:$0x3FA4]  }
0x29: {  	s4 =	sld [smem:$0x3FA6]  }
0x2a: {  	p0 =	seq.s32 s5, $0x0;
	s5 =	sld [smem:$0x3FA7]  }
0x2b: {  	s6 =	sld [smem:$0x3FA8]  }
0x2c: {  	s7 =	sld [smem:$0x3FA9]  }
0x2d: {  	s3 =	simm.s32 $0x108;
	s8 =	sld [smem:$0x3FAA]  }
0x2e: {  	s3 =	simm.s32 @!p0 $0x1082;
	s9 =	sld [smem:$0x3FAB]  }
0x2f: {  	lr =	sadd.s32 s0, s3;
	s0 =	sld [smem:$0x3FA2]  }
0x30: {  	s3 =	sld [smem:$0x3FA5]  }
0x31: {  	[smem:$0x3FAE] =	sst s10  }
0x32: {  	s10 =	sld [smem:$0x3FAC];
	_ =	sdelay $0x3  }
0x33: {  	p0 =	seq.s32 s10, $0x1;
	s10 =	sld [smem:$0x3FAE];
	_ =	sdelay $0x3  }
0x34: {  	[smem:$0x3FAE] =	sst s10  }
0x35: {  	s10 =	sld [smem:$0x3FAD];
	_ =	sdelay $0x3  }
0x36: {  	p1 =	seq.s32 s10, $0x1;
	s10 =	sld [smem:$0x3FAE];
	_ =	sdelay $0x3  }
0x37: {  	[smem:$0x3FAE] =	sst s10  }
0x38: {  	s10 =	sld [smem:$0x3FAF]  }
0x39: {  	_ = 	snop;
	(pc) =	sbr.ind lr, $3  }
0x3a: {  	_ = 	snop  }
0x3b: {  	_ = 	snop  }
0x3c: {  	p2 =	seq.s32 s10, $0x1;
	s10 =	sld [smem:$0x3FAE]  }
0x3d: {  	_ =	shalt  }
0x3e: {  	_ =	shalt  }
0x3f: {  	_ =	shalt  }
0x40: {  	_ =	shalt  }
0x41: {  	_ =	shalt  }
0x42: {  	_ =	shalt  }
0x43: {  	_ =	shalt  }
0x44: {  	_ =	shalt  }
0x45: {  	_ =	shalt  }
0x46: {  	_ =	shalt  }
0x47: {  	_ =	shalt  }
0x48: {  	_ =	shalt  }
0x49: {  	_ =	shalt  }
0x4a: {  	_ =	shalt  }
0x4b: {  	_ =	shalt  }
0x4c: {  	_ =	shalt  }
0x4d: {  	_ =	shalt  }
0x4e: {  	_ =	shalt  }
0x4f: {  	_ =	shalt  }
0x50: {  	_ =	shalt  }
0x51: {  	_ =	shalt  }
0x52: {  	_ =	shalt  }
0x53: {  	_ =	shalt  }
0x54: {  	_ =	shalt  }
0x55: {  	_ =	shalt  }
0x56: {  	_ =	shalt  }
0x57: {  	_ =	shalt  }
0x58: {  	_ =	shalt  }
0x59: {  	_ =	shalt  }
0x5a: {  	_ =	shalt  }
0x5b: {  	_ =	shalt  }
0x5c: {  	_ =	shalt  }
0x5d: {  	_ =	shalt  }
0x5e: {  	_ =	shalt  }
0x5f: {  	_ =	shalt  }
0x60: {  	_ =	shalt  }
0x61: {  	_ =	shalt  }
0x62: {  	_ =	shalt  }
0x63: {  	_ =	shalt  }
0x64: {  	_ =	shalt  }
0x65: {  	_ =	shalt  }
0x66: {  	_ =	shalt  }
0x67: {  	_ =	shalt  }
0x68: {  	_ =	shalt  }
0x69: {  	_ =	shalt  }
0x6a: {  	_ =	shalt  }
0x6b: {  	_ =	shalt  }
0x6c: {  	_ =	shalt  }
0x6d: {  	_ =	shalt  }
0x6e: {  	_ =	shalt  }
0x6f: {  	_ =	shalt  }
0x70: {  	_ =	shalt  }
0x71: {  	_ =	shalt  }
0x72: {  	_ =	shalt  }
0x73: {  	_ =	shalt  }
0x74: {  	_ =	shalt  }
0x75: {  	_ =	shalt  }
0x76: {  	_ =	shalt  }
0x77: {  	_ =	shalt  }
0x78: {  	_ =	shalt  }
0x79: {  	_ =	shalt  }
0x7a: {  	_ =	shalt  }
0x7b: {  	_ =	shalt  }
0x7c: {  	_ =	shalt  }
0x7d: {  	_ =	shalt  }
0x7e: {  	_ =	shalt  }
0x7f: {  	_ =	shalt  }
0x80: {  	_ =	shalt  }
0x81: {  	_ =	shalt  }
0x82: {  	_ =	shalt  }
0x83: {  	_ =	shalt  }
0x84: {  	_ =	shalt  }
0x85: {  	_ =	shalt  }
0x86: {  	_ =	shalt  }
0x87: {  	_ =	shalt  }
.Lfunc_end0:
.L_simem_size_0:
called_computation_lowered:
.L_overlay_start_0:
0x88: {  	s2 =	sld [smem:$0x3FD9]  }
0x89: {  	s3 =	sld [smem:$0x3FFE];
	_ =	sdelay $0x1  }
0x8a: {  	s1 =	srdreg.scid  }
0x8b: {  	s0 =	sand.u32 $0x1, s1  }
0x8c: {  	s17 =	sshll.u32 s0, $0xA;
	s2 =	sadd.s32 s3, s2  }
0x8d: {  	s2 =	sadd.s32 s2, s17  }
0x8e: {  	[smem:$0x3FBA] =	sst s2  }
0x8f: {  	_ = 	snop  }
0x90: {  	s2 =	sld [smem:$0x3FD0];
	(tm) =	ssettm $0x1  }
0x91: {  	s18 =	sld [smem:$0x3FFB];
	_ =	sdelay $0x3  }
0x92: {  	_ =	strace s18  }
0x93: {  	s3 =	sld [smem:$0x3FFC];
	_ =	sdelay $0x3  }
0x94: {  	_ =	strace s3  }
0x95: {  	s3 =	sld [smem:$0x3FFD];
	_ =	sdelay $0x3  }
0x96: {  	_ =	strace s3  }
0x97: {  	_ =	strace $0x8FFFFFFF  }
0x98: {  	s19 =	sld [smem:$0x3FDB];
	_ =	sdelay $0x1  }
0x99: {  	s4 =	simm.s32 $_scs_section_size  }
0x9a: {  	s5 =	simm.s32 $_size__tile_overlayer_lowered;
	s6 =	simm.s32 $_tile_overlayer_lowered  }
0x9b: {  	s22 =	simm.s32 $0x1BFF;
	s21 =	sshll.u32 s6, $0x1;
	s3 =	sadd.s32 s4, s19  }
0x9c: {  	s7 =	simm.s32 $0x0;
	s20 =	sshll.u32 s5, $0x1;
	s5 =	sadd.s32 s21, s3  }
0x9d: {  	[timem:s7], [sflag:s22] =	dma.local [hbm:s5], s20  }
0x9e: {  	_ =	swait.ge [sflag:s22], s20  }
0x9f: {  	s4 =	ssub.s32 $0x0, s20;
	[sflag:s22] =	ssyncset.done $0x0  }
0xa0: {  	[sflag:s22] =	ssyncadd.s32 s4;
	_ =	sdelay $0x1  }
0xa1: {  	s23 =	simm.s32 $0x1B8B  }
0xa2: {  	_ =	swait.ge [sflag:s23], $0x1  }
0xa3: {  	[sflag:s23] =	ssyncset.done $0x0  }
0xa4: {  	s25 =	simm.s32 $0x1B8E;
	s24 =	sld [smem:$0x3FFE];
	[sflag:s23] =	ssyncadd.s32 $0xFFFFFFFF  }
0xa5: {  	s26 =	simm.s32 $execute0_lowered;
	[smem:$0x3FD2] =	sst s25  }
0xa6: {  	s5 =	sshll.u32 s26, $0x1;
	_ =	strace $0x80000046;
	[dreg:$0x1] =	wrdreg $0xFFFFFFFF  }
0xa7: {  	s28 =	simm.s32 $_size_execute0_lowered;
	s3 =	sadd.s32 s3, s5;
	[dreg:$0x0] =	wrdreg $0x0  }
0xa8: {  	s5 =	sshll.u32 s28, $0x1;
	[dreg:$0x2] =	wrdreg s3  }
0xa9: {  	[dreg:$0x3] =	wrdreg s5  }
0xaa: {  	[dreg:$0x4] =	wrdreg $0xC0  }
0xab: {  	_ =	task [dreg:s7], $0x5FFFF  }
0xac: {  	[dreg:$0x1] =	wrdreg $0xFFFFFFFF  }
0xad: {  	[dreg:$0x0] =	wrdreg $0x60  }
0xae: {  	[dreg:$0x2] =	wrdreg s24  }
0xaf: {  	[dreg:$0x3] =	wrdreg s2  }
0xb0: {  	[dreg:$0x4] =	wrdreg $0x9  }
0xb1: {  	_ =	task.clear_ibuf [dreg:s7], $0x5FFFF;
	_ =	strace $0x90000046  }
0xb2: {  	s29 =	simm.s32 $0x9;
	_ =	strace $0x80000048  }
0xb3: {  	_ =	swait.ge [sflag:s29], $0x1  }
0xb4: {  	[sflag:s29] =	ssyncadd.s32 $0xFFFFFFFF  }
0xb5: {  	_ =	strace $0x90000048  }
0xb6: {  	_ =	sfence  }
0xb7: {  	s30 =	sld [smem:$0x0];
	_ =	sdelay $0x2  }
0xb8: {  	s31 =	sshll.u32 s1, $0xD;
	s1 =	sshrl.u32 s1, $0x2  }
0xb9: {  	s3 =	sand.u32 $0x4000, s31;
	s1 =	sadd.s32 s1, s30  }
0xba: {  	s0 =	sor.u32 s3, s0;
	s1 =	sshll.u32 s1, $0x11  }
0xbb: {  	s0 =	sor.u32 s1, s0  }
0xbc: {  	s0 =	sadd.s32 $0x8F2B, s0  }
0xbd: {  	[sflag:s0] =	ssyncadd.remote.s32 $0x1  }
0xbe: {  	_ =	sfence.sel $0xFFFF  }
0xbf: {  	[dreg:$0x0] =	wrdreg $0xFFFFFFFF;
	(pc) =	sbr.abs _section_cstart, $3  }
0xc0: {  	[dreg:$0x1] =	wrdreg $0xFFFFFFFF  }
0xc1: {  	_ =	task.clear_ibuf [dreg:s7], $0x2FFFF;
	_ =	strace $0x9FFFFFFF  }
0xc2: {  	(tm) =	ssettm $0x7FFFFFFF  }
0xc3: {  	_ =	shalt  }
tec
execute0_lowered:
.L_overlay_start_1:
0x0: {  	(tag) =	ssettag $0x1  }
0x1: {  	s0 =	rddreg [dreg:$0x0]  }
0x2: {  	s18 =	rddreg [dreg:$0x1];
	s2 =	simm.s32 $0x0  }
0x3: {  	s11 =	stileid.u32;
	[smem:$0x7FF] =	sst s2  }
0x4: {  	s22 =	srdreg.scid;
	s1 =	sadd.s32 $0x1034200, s0;
	s17 =	sadd.s32 $0xF44200, s0  }
0x5: {  	s19 =	sadd.s32 $0x1033E00, s0;
	_ =	strace $0x80000047;
	[dreg:$0x9] =	wrdreg s1  }
0x6: {  	s20 =	sadd.s32 $0x1033C00, s0;
	s21 =	sadd.s32 $0x1033400, s0;
	[dreg:$0xb] =	wrdreg s17  }
0x7: {  	s9 =	sadd.s32 $0x1033800, s0;
	s10 =	sadd.s32 $0x1034000, s0;
	[dreg:$0xd] =	wrdreg s19  }
0x8: {  	s13 =	sadd.s32 $0x102D000, s0;
	s14 =	sadd.s32 $0x1026C00, s0;
	[dreg:$0xe] =	wrdreg s20  }
0x9: {  	s7 =	sshll.u32 s11, $0x1;
	s11 =	sshrl.u32 s11, $0x2;
	[smem:$0x7FD] =	sst s21  }
0xa: {  	s15 =	sadd.s32 $0x1020800, s0;
	s16 =	sadd.s32 $0x101A400, s0;
	[dreg:$0x3] =	wrdreg s13  }
0xb: {  	s3 =	sadd.s32 $0x100DC00, s0;
	s4 =	sadd.s32 $0x1007800, s0;
	[dreg:$0x4] =	wrdreg s14  }
0xc: {  	s1 =	sand.u32 $0x1, s22;
	s7 =	sand.u32 $0x6, s7;
	[dreg:$0x5] =	wrdreg s15  }
0xd: {  	s12 =	smul.u32 $0xC800, s11;
	s17 =	sadd.s32 $0x1014000, s0;
	[dreg:$0x6] =	wrdreg s16  }
0xe: {  	[dreg:$0xa] =	wrdreg s3;
	s7 =	sor.u32 s1, s7;
	s1 =	ssub.s32 $0x2, s1  }
0xf: {  	[dreg:$0xc] =	wrdreg s4;
	s19 =	sshll.u32 s7, $0x7;
	s23 =	sshrl.u32 s1, $0x1  }
0x10: {  	[dreg:$0x7] =	wrdreg s17;
	s12 =	sor.u32 s12, s19;
	s0 =	ssub.s32 s1, s23  }
0x11: {  	[dreg:$0x8] =	wrdreg s19;
	s12 =	sshrl.u32 s12, $0x3;
	s0 =	smax.u32 s0, $0x1  }
0x12: {  	s24 =	sadd.s32 s13, s12;
	[dreg:$0x1d] =	wrdreg s0  }
0x13: {  	s25 =	sadd.s32 s14, s12;
	[dreg:$0xf] =	wrdreg s24  }
0x14: {  	s26 =	sadd.s32 s15, s12;
	[dreg:$0x10] =	wrdreg s25  }
0x15: {  	s6 =	sadd.s32 s16, s12;
	[dreg:$0x11] =	wrdreg s26  }
0x16: {  	s8 =	sadd.s32 s17, s12;
	[dreg:$0x12] =	wrdreg s6  }
0x17: {  	s5 =	smul.u32 $0x32, s11;
	s11 =	sadd.s32 s3, s12;
	[dreg:$0x13] =	wrdreg s8  }
0x18: {  	s19 =	sor.u32 $0x80, s12;
	[dreg:$0x14] =	wrdreg s11;
	s6 =	sadd.s32 s4, s12  }
0x19: {  	s20 =	sadd.s32 s13, s19;
	[dreg:$0x15] =	wrdreg s6  }
0x1a: {  	s28 =	simm.s32 $0x680;
	s21 =	sadd.s32 s14, s19;
	[dreg:$0x16] =	wrdreg s20  }
0x1b: {  	s29 =	simm.s32 $0x1DE00;
	s22 =	sadd.s32 s15, s19;
	[dreg:$0x17] =	wrdreg s21  }
0x1c: {  	s30 =	simm.s32 $0x1EF00;
	s23 =	sadd.s32 s16, s19;
	[dreg:$0x18] =	wrdreg s22  }
0x1d: {  	s31 =	simm.s32 $0x3;
	s24 =	sadd.s32 s17, s19;
	[dreg:$0x19] =	wrdreg s23  }
0x1e: {  	s0 =	simm.s32 $0x0;
	s3 =	sadd.s32 s3, s19;
	[dreg:$0x1a] =	wrdreg s24  }
0x1f: {  	s1 =	sadd.s32 s4, s19;
	s25 =	sadd.s32 $0x2, s5;
	[dreg:$0x1b] =	wrdreg s3  }
0x20: {  	s26 =	sadd.s32 $0x3, s5;
	s4 =	sor.u32 $0x1, s5;
	[dreg:$0x1c] =	wrdreg s1  }
0x21: {  	v0 =	vlaneseq.u32;
	s19 =	simm.s32 $0x380;
	s6 =	sshll.u32 s7, $0xA;
	[dreg:$0x1e] =	wrdreg s25  }
0x22: {  	v0 =	vmul.u32 $0x88, v0;
	[dreg:$0x1f] =	wrdreg s26;
	s21 =	simm.s32 $0x80;
	s26 =	simm.s32 $0x400  }
0x23: {  	s25 =	simm.s32 $0x1;
	s7 =	simm.s32 $0x16700;
	s22 =	simm.s32 $0x18900  }
0x24: {  	v1 =	vadd.s32 $0x880, v0;
	v2 =	vadd.s32 $0x1100, v0;
	v3 =	vadd.s32 $0x1980, v0;
	s20 =	simm.s32 $0x1AB00;
	s23 =	simm.s32 $0x1BC00;
	s24 =	simm.s32 $0x1CD00  }
.LBB2_1:
0x25: {  	[smem:$0x7FC] =	sst s0  }
0x26: {  	s1 =	rddreg [dreg:$0xf];
	s14 =	simm.s32 $0x4  }
0x27: {  	[tilespmem:s2], [sflag:$0x4] =	stream.linear.gather [hbm4b:s1+s2], $0x80, $0x38;
	v63 =	vld [tilespmem:$0x0]  }
0x28: {  	_ =	swait.ge [sflag:s14], $0x80  }
0x29: {  	[sflag:s14] =	ssyncset.done $0x0  }
0x2a: {  	s15 =	rddreg [dreg:$0x10];
	[sflag:s14] =	ssyncadd.s32 $0xFFFFFF80  }
0x2b: {  	[tilespmem:s21], [sflag:$0x4] =	stream.linear.gather [hbm4b:s15+s2], $0x80, $0x38;
	v63 =	vld [tilespmem:$0x0]  }
0x2c: {  	_ =	swait.ge [sflag:s14], $0x80  }
0x2d: {  	[sflag:s14] =	ssyncset.done $0x0  }
0x2e: {  	s3 =	simm.s32 $0x100;
	s16 =	rddreg [dreg:$0x11];
	[sflag:s14] =	ssyncadd.s32 $0xFFFFFF80  }
0x2f: {  	[tilespmem:s3], [sflag:$0x4] =	stream.linear.gather [hbm4b:s16+s2], $0x80, $0x38;
	v63 =	vld [tilespmem:$0x0]  }
0x30: {  	_ =	swait.ge [sflag:s14], $0x80  }
0x31: {  	[sflag:s14] =	ssyncset.done $0x0  }
0x32: {  	s8 =	simm.s32 $0x180;
	s17 =	rddreg [dreg:$0x12];
	[sflag:s14] =	ssyncadd.s32 $0xFFFFFF80  }
0x33: {  	[tilespmem:s8], [sflag:$0x4] =	stream.linear.gather [hbm4b:s17+s2], $0x80, $0x38;
	v63 =	vld [tilespmem:$0x0]  }
0x34: {  	_ =	swait.ge [sflag:s14], $0x80  }
0x35: {  	[sflag:s14] =	ssyncset.done $0x0  }
0x36: {  	s11 =	simm.s32 $0x200;
	s0 =	rddreg [dreg:$0x13];
	[sflag:s14] =	ssyncadd.s32 $0xFFFFFF80  }
0x37: {  	[tilespmem:s11], [sflag:$0x4] =	stream.linear.gather [hbm4b:s0+s2], $0x80, $0x38;
	v63 =	vld [tilespmem:$0x0]  }
0x38: {  	_ =	swait.ge [sflag:s14], $0x80  }
0x39: {  	[sflag:s14] =	ssyncset.done $0x0  }
0x3a: {  	s0 =	simm.s32 $0x280;
	s12 =	rddreg [dreg:$0x14];
	[sflag:s14] =	ssyncadd.s32 $0xFFFFFF80  }
0x3b: {  	[tilespmem:s0], [sflag:$0x4] =	stream.linear.gather [hbm4b:s12+s2], $0x80, $0x38;
	v63 =	vld [tilespmem:$0x0]  }
0x3c: {  	_ =	swait.ge [sflag:s14], $0x80  }
0x3d: {  	[sflag:s14] =	ssyncset.done $0x0  }
0x3e: {  	s12 =	simm.s32 $0x300;
	s13 =	rddreg [dreg:$0x15];
	[sflag:s14] =	ssyncadd.s32 $0xFFFFFF80  }
0x3f: {  	[tilespmem:s12], [sflag:$0x4] =	stream.linear.gather [hbm4b:s13+s2], $0x80, $0x38;
	v63 =	vld [tilespmem:$0x0]  }
0x40: {  	_ =	swait.ge [sflag:s14], $0x80  }
0x41: {  	[sflag:s14] =	ssyncset.done $0x0;
	s15 =	rddreg [dreg:$0x9]  }
0x42: {  	s13 =	simm.s32 $0x700;
	s16 =	rddreg [dreg:$0xb];
	[sflag:s14] =	ssyncadd.s32 $0xFFFFFF80  }
0x43: {  	[tilespmem:s13], [sflag:$0x1] =	stream.indirect.gather [hbm4b:s15+s21], $0x80, s2, s21, $0xb8;
	v63 =	vld [tilespmem:$0x0]  }
0x44: {  	s17 =	simm.s32 $0x4700;
	s13 =	rddreg [dreg:$0xd]  }
0x45: {  	[tilespmem:s17], [sflag:$0x1] =	stream.indirect.gather [hbm4b:s16+s21], $0x40, s21, s21, $0xb8;
	v63 =	vld [tilespmem:$0x0]  }
0x46: {  	s15 =	simm.s32 $0x6700;
	s16 =	rddreg [dreg:$0xe]  }
0x47: {  	[tilespmem:s15], [sflag:$0x1] =	stream.indirect.gather [hbm4b:s13+s21], $0x20, s3, s21, $0xb8;
	v63 =	vld [tilespmem:$0x0]  }
0x48: {  	s17 =	simm.s32 $0x7700;
	s3 =	sld [smem:$0x7FD]  }
0x49: {  	[tilespmem:s17], [sflag:$0x1] =	stream.indirect.gather [hbm4b:s16+s21], $0x20, s8, s21, $0xb8;
	v63 =	vld [tilespmem:$0x0]  }
0x4a: {  	s8 =	simm.s32 $0x8700  }
0x4b: {  	[tilespmem:s8], [sflag:$0x1] =	stream.indirect.gather [hbm4b:s3+s21], $0x20, s11, s21, $0xb8;
	v63 =	vld [tilespmem:$0x0]  }
0x4c: {  	s13 =	simm.s32 $0x9700  }
0x4d: {  	[tilespmem:s13], [sflag:$0x1] =	stream.indirect.gather [hbm4b:s9+s21], $0x20, s0, s21, $0xb8;
	v63 =	vld [tilespmem:$0x0]  }
0x4e: {  	s15 =	simm.s32 $0xA700  }
0x4f: {  	[tilespmem:s15], [sflag:$0x1] =	stream.indirect.gather [hbm4b:s10+s21], $0x20, s12, s21, $0xb8;
	v63 =	vld [tilespmem:$0x0]  }
0x50: {  	s16 =	rddreg [dreg:$0x16]  }
0x51: {  	[tilespmem:s19], [sflag:$0x4] =	stream.linear.gather [hbm4b:s16+s2], $0x80, $0x38;
	v63 =	vld [tilespmem:$0x0]  }
0x52: {  	_ =	swait.ge [sflag:s14], $0x80  }
0x53: {  	[sflag:s14] =	ssyncset.done $0x0  }
0x54: {  	s17 =	rddreg [dreg:$0x17];
	[sflag:s14] =	ssyncadd.s32 $0xFFFFFF80  }
0x55: {  	[tilespmem:s26], [sflag:$0x4] =	stream.linear.gather [hbm4b:s17+s2], $0x80, $0x38;
	v63 =	vld [tilespmem:$0x0]  }
0x56: {  	_ =	swait.ge [sflag:s14], $0x80  }
0x57: {  	[sflag:s14] =	ssyncset.done $0x0  }
0x58: {  	s0 =	simm.s32 $0x480;
	s3 =	rddreg [dreg:$0x18];
	[sflag:s14] =	ssyncadd.s32 $0xFFFFFF80  }
0x59: {  	[tilespmem:s0], [sflag:$0x4] =	stream.linear.gather [hbm4b:s3+s2], $0x80, $0x38;
	v63 =	vld [tilespmem:$0x0]  }
0x5a: {  	_ =	swait.ge [sflag:s14], $0x80  }
0x5b: {  	[sflag:s14] =	ssyncset.done $0x0  }
0x5c: {  	s11 =	simm.s32 $0x500;
	s8 =	rddreg [dreg:$0x19];
	[sflag:s14] =	ssyncadd.s32 $0xFFFFFF80  }
0x5d: {  	[tilespmem:s11], [sflag:$0x4] =	stream.linear.gather [hbm4b:s8+s2], $0x80, $0x38;
	v63 =	vld [tilespmem:$0x0]  }
0x5e: {  	_ =	swait.ge [sflag:s14], $0x80  }
0x5f: {  	[sflag:s14] =	ssyncset.done $0x0  }
0x60: {  	s13 =	simm.s32 $0x580;
	s12 =	rddreg [dreg:$0x1a];
	[sflag:s14] =	ssyncadd.s32 $0xFFFFFF80  }
0x61: {  	[tilespmem:s13], [sflag:$0x4] =	stream.linear.gather [hbm4b:s12+s2], $0x80, $0x38;
	v63 =	vld [tilespmem:$0x0]  }
0x62: {  	_ =	swait.ge [sflag:s14], $0x80  }
0x63: {  	[sflag:s14] =	ssyncset.done $0x0  }
0x64: {  	s16 =	simm.s32 $0x600;
	s15 =	rddreg [dreg:$0x1b];
	[sflag:s14] =	ssyncadd.s32 $0xFFFFFF80  }
0x65: {  	[tilespmem:s16], [sflag:$0x4] =	stream.linear.gather [hbm4b:s15+s2], $0x80, $0x38;
	v63 =	vld [tilespmem:$0x0]  }
0x66: {  	_ =	swait.ge [sflag:s14], $0x80  }
0x67: {  	[sflag:s14] =	ssyncset.done $0x0  }
0x68: {  	s17 =	rddreg [dreg:$0x1c];
	[sflag:s14] =	ssyncadd.s32 $0xFFFFFF80  }
0x69: {  	[tilespmem:s28], [sflag:$0x4] =	stream.linear.gather [hbm4b:s17+s2], $0x80, $0x38;
	v63 =	vld [tilespmem:$0x0]  }
0x6a: {  	_ =	swait.ge [sflag:s14], $0x80  }
0x6b: {  	[sflag:s14] =	ssyncset.done $0x0  }
0x6c: {  	s1 =	simm.s32 $0x500;
	s8 =	simm.s32 $0x0;
	[sflag:s14] =	ssyncadd.s32 $0xFFFFFF80  }
.LBB2_2:
0x6d: {  	[smem:$0x7FB] =	sst s8  }
0x6e: {  	_ =	swait.ge [sflag:s25], $0x4000  }
0x6f: {  	[sflag:s25] =	ssyncset.done $0x0  }
0x70: {  	[sflag:s25] =	ssyncadd.s32 $0xFFFFC000  }
0x71: {  	_ =	swait.ge [sflag:s25], $0x2000  }
0x72: {  	[sflag:s25] =	ssyncset.done $0x0  }
0x73: {  	[sflag:s25] =	ssyncadd.s32 $0xFFFFE000  }
0x74: {  	_ =	swait.ge [sflag:s25], $0x1000  }
0x75: {  	[sflag:s25] =	ssyncset.done $0x0  }
0x76: {  	[sflag:s25] =	ssyncadd.s32 $0xFFFFF000  }
0x77: {  	_ =	swait.ge [sflag:s25], $0x1000  }
0x78: {  	[sflag:s25] =	ssyncset.done $0x0  }
0x79: {  	[sflag:s25] =	ssyncadd.s32 $0xFFFFF000  }
0x7a: {  	_ =	swait.ge [sflag:s25], $0x1000  }
0x7b: {  	[sflag:s25] =	ssyncset.done $0x0  }
0x7c: {  	[sflag:s25] =	ssyncadd.s32 $0xFFFFF000  }
0x7d: {  	_ =	swait.ge [sflag:s25], $0x1000  }
0x7e: {  	[sflag:s25] =	ssyncset.done $0x0  }
0x7f: {  	[sflag:s25] =	ssyncadd.s32 $0xFFFFF000  }
0x80: {  	_ =	swait.ge [sflag:s25], $0x1000  }
0x81: {  	s3 =	rddreg [dreg:$0x9]  }
0x82: {  	[sflag:s25] =	ssyncset.done $0x0;
	s14 =	rddreg [dreg:$0xb]  }
0x83: {  	s13 =	simm.s32 $0xB700;
	s16 =	rddreg [dreg:$0xd];
	[sflag:s25] =	ssyncadd.s32 $0xFFFFF000  }
0x84: {  	[tilespmem:s13], [sflag:$0x2] =	stream.indirect.gather [hbm4b:s3+s21], $0x80, s19, s21, $0xb8;
	v63 =	vld [tilespmem:$0x0]  }
0x85: {  	s15 =	simm.s32 $0xF700;
	s11 =	rddreg [dreg:$0xe]  }
0x86: {  	[tilespmem:s15], [sflag:$0x2] =	stream.indirect.gather [hbm4b:s14+s21], $0x40, s26, s21, $0xb8;
	v63 =	vld [tilespmem:$0x0]  }
0x87: {  	s17 =	simm.s32 $0x11700;
	s8 =	sld [smem:$0x7FB]  }
0x88: {  	[tilespmem:s17], [sflag:$0x2] =	stream.indirect.gather [hbm4b:s16+s21], $0x20, s0, s21, $0xb8;
	v63 =	vld [tilespmem:$0x0]  }
0x89: {  	s12 =	simm.s32 $0x12700;
	s13 =	sld [smem:$0x7FD]  }
0x8a: {  	[tilespmem:s12], [sflag:$0x2] =	stream.indirect.gather [hbm4b:s11+s21], $0x20, s1, s21, $0xb8;
	v63 =	vld [tilespmem:$0x0]  }
0x8b: {  	s14 =	simm.s32 $0x580;
	s11 =	simm.s32 $0x13700  }
0x8c: {  	[tilespmem:s11], [sflag:$0x2] =	stream.indirect.gather [hbm4b:s13+s21], $0x20, s14, s21, $0xb8;
	v63 =	vld [tilespmem:$0x0]  }
0x8d: {  	p0 =	seq.s32 s8, $0x0;
	s15 =	simm.s32 $0x600;
	s16 =	simm.s32 $0x14700  }
0x8e: {  	[tilespmem:s16], [sflag:$0x2] =	stream.indirect.gather [hbm4b:s9+s21], $0x20, s15, s21, $0xb8;
	v63 =	vld [tilespmem:$0x0]  }
0x8f: {  	s17 =	simm.s32 $0x15700;
	s11 =	simm.s32 @!p0 $0x3  }
0x90: {  	[tilespmem:s17], [sflag:$0x2] =	stream.indirect.gather [hbm4b:s10+s21], $0x20, s28, s21, $0xb8;
	v63 =	vld [tilespmem:$0x0]  }
0x91: {  	_ =	swait.ge @!p0 [sflag:s11], $0x2000  }
0x92: {  	[sflag:s11] =	ssyncset.done @!p0 $0x0  }
0x93: {  	[sflag:s11] =	ssyncadd.s32 @!p0 $0xFFFFE000  }
0x94: {  	_ =	swait.ge @!p0 [sflag:s11], $0x2000  }
0x95: {  	[sflag:s11] =	ssyncset.done @!p0 $0x0  }
0x96: {  	[sflag:s11] =	ssyncadd.s32 @!p0 $0xFFFFE000  }
0x97: {  	_ =	swait.ge @!p0 [sflag:s11], $0x1000  }
0x98: {  	[sflag:s11] =	ssyncset.done @!p0 $0x0  }
0x99: {  	[sflag:s11] =	ssyncadd.s32 @!p0 $0xFFFFF000  }
0x9a: {  	_ =	swait.ge @!p0 [sflag:s11], $0x1000  }
0x9b: {  	[sflag:s11] =	ssyncset.done @!p0 $0x0  }
0x9c: {  	[sflag:s11] =	ssyncadd.s32 @!p0 $0xFFFFF000  }
0x9d: {  	_ =	swait.ge @!p0 [sflag:s11], $0x1000  }
0x9e: {  	[sflag:s11] =	ssyncset.done @!p0 $0x0  }
0x9f: {  	[sflag:s11] =	ssyncadd.s32 @!p0 $0xFFFFF000  }
0xa0: {  	_ =	swait.ge @!p0 [sflag:s11], $0x1000  }
0xa1: {  	[sflag:s11] =	ssyncset.done @!p0 $0x0  }
0xa2: {  	[sflag:s11] =	ssyncadd.s32 @!p0 $0xFFFFF000  }
0xa3: {  	v4 =	vimm.s32 $0x0;
	_ =	swait.ge @!p0 [sflag:s11], $0x1000  }
0xa4: {  	v5 =	vand.u32 $0xFFFFFFF8, v4;
	[sflag:s11] =	ssyncset.done @!p0 $0x0  }
0xa5: {  	v6 =	vand.u32 $0x6, v4;
	v11 =	vadd.s32 v0, v5;
	s12 =	simm.s32 $0x0;
	[sflag:s11] =	ssyncadd.s32 @!p0 $0xFFFFF000  }
0xa6: {  	v7 =	vor.u32 v6, v11;
	v8 =	vld [tilespmem:s12+$0x700];
	_ =	sdelay $0x4  }
0xa7: {  	v12 =	vadd.s32 v1, v5;
	[tilespmem:v7+s7+$0x0] =	vst.idx.msk $0xffff, v8  }
0xa8: {  	v8 =	vor.u32 v6, v12;
	v9 =	vld [tilespmem:s12+$0x710];
	_ =	sdelay $0x4  }
0xa9: {  	v13 =	vadd.s32 v2, v5;
	[tilespmem:v8+s7+$0x0] =	vst.idx.msk $0xffff, v9  }
0xaa: {  	v9 =	vor.u32 v6, v13;
	v10 =	vld [tilespmem:s12+$0x720];
	_ =	sdelay $0x4  }
0xab: {  	v5 =	vadd.s32 v3, v5;
	[tilespmem:v9+s7+$0x0] =	vst.idx.msk $0xffff, v10  }
0xac: {  	v10 =	vor.u32 v6, v5;
	v14 =	vld [tilespmem:s12+$0x730];
	_ =	sdelay $0x4  }
0xad: {  	v6 =	vor.u32 $0x1, v6;
	[tilespmem:v10+s7+$0x0] =	vst.idx.msk $0xffff, v14  }
0xae: {  	v11 =	vor.u32 v6, v11;
	v14 =	vld [tilespmem:s12+$0x780];
	_ =	sdelay $0x4  }
0xaf: {  	[tilespmem:v11+s7+$0x0] =	vst.idx.msk $0xffff, v14  }
0xb0: {  	v12 =	vor.u32 v6, v12;
	v14 =	vld [tilespmem:s12+$0x790];
	_ =	sdelay $0x4  }
0xb1: {  	[tilespmem:v12+s7+$0x0] =	vst.idx.msk $0xffff, v14  }
0xb2: {  	v13 =	vor.u32 v6, v13;
	v14 =	vld [tilespmem:s12+$0x7A0];
	_ =	sdelay $0x4  }
0xb3: {  	[tilespmem:v13+s7+$0x0] =	vst.idx.msk $0xffff, v14  }
0xb4: {  	v17 =	vor.u32 v6, v5;
	v16 =	vld [tilespmem:s12+$0x7B0];
	_ =	sdelay $0x2  }
0xb5: {  	v14 =	vadd.s32 $0x2, v4  }
0xb6: {  	s13 =	simm.s32 $0x400;
	s16 =	simm.s32 $0x800;
	s11 =	sshll.u32 s8, $0x1;
	v15 =	vand.u32 $0xFFFFFFF8, v14  }
.LBB2_3:
0xb7: {  	p0 =	sne.s32 s16, $0xFC00;
	s14 =	sshra.s32 s13, $0x2;
	v18 =	vand.u32 $0x6, v14;
	v19 =	vadd.s32 v0, v15;
	[tilespmem:v17+s7+$0x0] =	vst.idx.msk $0xffff, v16;
	s13 =	smov.u32 s16  }
0xb8: {  	v16 =	vld [tilespmem:s14+$0x700];
	v17 =	vor.u32 v18, v19;
	_ =	sdelay $0x4  }
0xb9: {  	[tilespmem:v17+s7+$0x0] =	vst.idx.msk $0xffff, v16;
	v16 =	vadd.s32 v1, v15  }
0xba: {  	v17 =	vld [tilespmem:s14+$0x710];
	v20 =	vor.u32 v18, v16;
	_ =	sdelay $0x4  }
0xbb: {  	[tilespmem:v20+s7+$0x0] =	vst.idx.msk $0xffff, v17;
	v17 =	vadd.s32 v2, v15  }
0xbc: {  	v20 =	vld [tilespmem:s14+$0x720];
	v21 =	vor.u32 v18, v17;
	_ =	sdelay $0x4  }
0xbd: {  	v15 =	vadd.s32 v3, v15;
	[tilespmem:v21+s7+$0x0] =	vst.idx.msk $0xffff, v20  }
0xbe: {  	v21 =	vor.u32 v18, v15;
	v20 =	vld [tilespmem:s14+$0x730];
	_ =	sdelay $0x4  }
0xbf: {  	v18 =	vor.u32 $0x1, v18;
	[tilespmem:v21+s7+$0x0] =	vst.idx.msk $0xffff, v20  }
0xc0: {  	v19 =	vor.u32 v18, v19;
	v20 =	vld [tilespmem:s14+$0x780];
	_ =	sdelay $0x4  }
0xc1: {  	[tilespmem:v19+s7+$0x0] =	vst.idx.msk $0xffff, v20  }
0xc2: {  	v16 =	vor.u32 v18, v16;
	v19 =	vld [tilespmem:s14+$0x790];
	_ =	sdelay $0x4  }
0xc3: {  	[tilespmem:v16+s7+$0x0] =	vst.idx.msk $0xffff, v19  }
0xc4: {  	v17 =	vor.u32 v18, v17;
	v16 =	vld [tilespmem:s14+$0x7A0];
	_ =	sdelay $0x4  }
0xc5: {  	[tilespmem:v17+s7+$0x0] =	vst.idx.msk $0xffff, v16  }
.Ltmp0:
0xc6: {  	v17 =	vor.u32 v18, v15;
	v16 =	vld [tilespmem:s14+$0x7B0];
	(pc) =	sbr.rel @p0 .LBB2_3-.Ltmp0, $3  }
0xc7: {  	_ =	sdelay $0x1  }
0xc8: {  	v14 =	vadd.s32 $0x2, v14  }
0xc9: {  	s16 =	sadd.s32 $0x400, s16;
	v15 =	vand.u32 $0xFFFFFFF8, v14  }
0xca: {  	_ =	sdelay $0x3  }
0xcb: {  	s13 =	sshra.s32 s13, $0x2;
	v14 =	vand.u32 $0x6, v14;
	v18 =	vadd.s32 v0, v15;
	[tilespmem:v17+s7+$0x0] =	vst.idx.msk $0xffff, v16  }
0xcc: {  	v16 =	vld [tilespmem:s13+$0x700];
	v58 =	vor.u32 v14, v18;
	_ =	sdelay $0x4  }
0xcd: {  	v59 =	vadd.s32 v1, v15;
	[tilespmem:v58+s7+$0x0] =	vst.idx.msk $0xffff, v16  }
0xce: {  	v19 =	vor.u32 v14, v59;
	v17 =	vld [tilespmem:s13+$0x710];
	_ =	sdelay $0x4  }
0xcf: {  	v60 =	vadd.s32 v2, v15;
	[tilespmem:v19+s7+$0x0] =	vst.idx.msk $0xffff, v17  }
0xd0: {  	v20 =	vor.u32 v14, v60;
	v19 =	vld [tilespmem:s13+$0x720];
	_ =	sdelay $0x4  }
0xd1: {  	v61 =	vadd.s32 v3, v15;
	[tilespmem:v20+s7+$0x0] =	vst.idx.msk $0xffff, v19  }
0xd2: {  	v62 =	vor.u32 v14, v61;
	v19 =	vld [tilespmem:s13+$0x730];
	_ =	sdelay $0x4  }
0xd3: {  	v14 =	vor.u32 $0x1, v14;
	[tilespmem:v62+s7+$0x0] =	vst.idx.msk $0xffff, v19  }
0xd4: {  	v18 =	vor.u32 v14, v18;
	v19 =	vld [tilespmem:s13+$0x780];
	_ =	sdelay $0x4  }
0xd5: {  	[tilespmem:v18+s7+$0x0] =	vst.idx.msk $0xffff, v19  }
0xd6: {  	v16 =	vor.u32 v14, v59;
	v18 =	vld [tilespmem:s13+$0x790];
	_ =	sdelay $0x4  }
0xd7: {  	[tilespmem:v16+s7+$0x0] =	vst.idx.msk $0xffff, v18  }
0xd8: {  	v17 =	vor.u32 v14, v60;
	v16 =	vld [tilespmem:s13+$0x7A0];
	_ =	sdelay $0x4  }
0xd9: {  	[tilespmem:v17+s7+$0x0] =	vst.idx.msk $0xffff, v16  }
0xda: {  	v14 =	vor.u32 v14, v61;
	v16 =	vld [tilespmem:s13+$0x7B0];
	_ =	sdelay $0x4  }
0xdb: {  	[tilespmem:v14+s7+$0x0] =	vst.idx.msk $0xffff, v16  }
0xdc: {  	v14 =	vld [tilespmem:s12+$0x4700];
	_ =	sdelay $0x4  }
0xdd: {  	[tilespmem:v7+s22+$0x0] =	vst.idx.msk $0xffff, v14  }
0xde: {  	v7 =	vld [tilespmem:s12+$0x4710];
	_ =	sdelay $0x4  }
0xdf: {  	[tilespmem:v8+s22+$0x0] =	vst.idx.msk $0xffff, v7  }
0xe0: {  	v7 =	vld [tilespmem:s12+$0x4720];
	_ =	sdelay $0x4  }
0xe1: {  	[tilespmem:v9+s22+$0x0] =	vst.idx.msk $0xffff, v7  }
0xe2: {  	v7 =	vld [tilespmem:s12+$0x4730];
	_ =	sdelay $0x4  }
0xe3: {  	[tilespmem:v10+s22+$0x0] =	vst.idx.msk $0xffff, v7  }
0xe4: {  	v7 =	vld [tilespmem:s12+$0x4740];
	_ =	sdelay $0x4  }
0xe5: {  	[tilespmem:v11+s22+$0x0] =	vst.idx.msk $0xffff, v7  }
0xe6: {  	v7 =	vld [tilespmem:s12+$0x4750];
	_ =	sdelay $0x4  }
0xe7: {  	[tilespmem:v12+s22+$0x0] =	vst.idx.msk $0xffff, v7  }
0xe8: {  	v7 =	vld [tilespmem:s12+$0x4760];
	_ =	sdelay $0x4  }
0xe9: {  	[tilespmem:v13+s22+$0x0] =	vst.idx.msk $0xffff, v7  }
0xea: {  	v6 =	vor.u32 v6, v5;
	v7 =	vld [tilespmem:s12+$0x4770];
	_ =	sdelay $0x2  }
0xeb: {  	v4 =	vadd.s32 $0x2, v4  }
0xec: {  	v5 =	vand.u32 $0xFFFFFFF8, v4;
	s13 =	simm.s32 $0x200;
	s12 =	simm.s32 $0x400  }
.LBB2_5:
0xed: {  	p0 =	sne.s32 s12, $0x7E00;
	s14 =	sshra.s32 s13, $0x2;
	v8 =	vand.u32 $0x6, v4;
	v9 =	vadd.s32 v0, v5;
	[tilespmem:v6+s22+$0x0] =	vst.idx.msk $0xffff, v7  }
0xee: {  	s13 =	smov.u32 s12;
	v6 =	vld [tilespmem:s14+$0x4700];
	v7 =	vor.u32 v8, v9;
	_ =	sdelay $0x4  }
0xef: {  	[tilespmem:v7+s22+$0x0] =	vst.idx.msk $0xffff, v6;
	v6 =	vadd.s32 v1, v5  }
0xf0: {  	v7 =	vld [tilespmem:s14+$0x4710];
	v10 =	vor.u32 v8, v6;
	_ =	sdelay $0x4  }
0xf1: {  	[tilespmem:v10+s22+$0x0] =	vst.idx.msk $0xffff, v7;
	v7 =	vadd.s32 v2, v5  }
0xf2: {  	v10 =	vld [tilespmem:s14+$0x4720];
	v11 =	vor.u32 v8, v7;
	_ =	sdelay $0x4  }
0xf3: {  	v5 =	vadd.s32 v3, v5;
	[tilespmem:v11+s22+$0x0] =	vst.idx.msk $0xffff, v10  }
0xf4: {  	v11 =	vor.u32 v8, v5;
	v10 =	vld [tilespmem:s14+$0x4730];
	_ =	sdelay $0x4  }
0xf5: {  	v8 =	vor.u32 $0x1, v8;
	[tilespmem:v11+s22+$0x0] =	vst.idx.msk $0xffff, v10  }
0xf6: {  	v9 =	vor.u32 v8, v9;
	v10 =	vld [tilespmem:s14+$0x4740];
	_ =	sdelay $0x4  }
0xf7: {  	[tilespmem:v9+s22+$0x0] =	vst.idx.msk $0xffff, v10  }
0xf8: {  	v6 =	vor.u32 v8, v6;
	v9 =	vld [tilespmem:s14+$0x4750];
	_ =	sdelay $0x4  }
0xf9: {  	[tilespmem:v6+s22+$0x0] =	vst.idx.msk $0xffff, v9  }
0xfa: {  	v7 =	vor.u32 v8, v7;
	v6 =	vld [tilespmem:s14+$0x4760];
	_ =	sdelay $0x4  }
0xfb: {  	[tilespmem:v7+s22+$0x0] =	vst.idx.msk $0xffff, v6  }
.Ltmp1:
0xfc: {  	v6 =	vor.u32 v8, v5;
	v7 =	vld [tilespmem:s14+$0x4770];
	(pc) =	sbr.rel @p0 .LBB2_5-.Ltmp1, $3  }
0xfd: {  	_ =	sdelay $0x1  }
0xfe: {  	v4 =	vadd.s32 $0x2, v4  }
0xff: {  	s12 =	sadd.s32 $0x200, s12;
	v5 =	vand.u32 $0xFFFFFFF8, v4  }
0x100: {  	_ =	sdelay $0x3  }
0x101: {  	s12 =	sshra.s32 s13, $0x2;
	v4 =	vand.u32 $0x6, v4;
	v8 =	vadd.s32 v0, v5;
	[tilespmem:v6+s22+$0x0] =	vst.idx.msk $0xffff, v7  }
0x102: {  	v6 =	vld [tilespmem:s12+$0x4700];
	v7 =	vor.u32 v4, v8;
	_ =	sdelay $0x4  }
0x103: {  	[tilespmem:v7+s22+$0x0] =	vst.idx.msk $0xffff, v6;
	v6 =	vadd.s32 v1, v5  }
0x104: {  	v7 =	vld [tilespmem:s12+$0x4710];
	v9 =	vor.u32 v4, v6;
	_ =	sdelay $0x4  }
0x105: {  	[tilespmem:v9+s22+$0x0] =	vst.idx.msk $0xffff, v7;
	v7 =	vadd.s32 v2, v5  }
0x106: {  	v9 =	vld [tilespmem:s12+$0x4720];
	v10 =	vor.u32 v4, v7;
	_ =	sdelay $0x4  }
0x107: {  	v5 =	vadd.s32 v3, v5;
	[tilespmem:v10+s22+$0x0] =	vst.idx.msk $0xffff, v9  }
0x108: {  	v10 =	vor.u32 v4, v5;
	v9 =	vld [tilespmem:s12+$0x4730];
	_ =	sdelay $0x4  }
0x109: {  	v4 =	vor.u32 $0x1, v4;
	[tilespmem:v10+s22+$0x0] =	vst.idx.msk $0xffff, v9  }
0x10a: {  	v8 =	vor.u32 v4, v8;
	v9 =	vld [tilespmem:s12+$0x4740];
	_ =	sdelay $0x4  }
0x10b: {  	[tilespmem:v8+s22+$0x0] =	vst.idx.msk $0xffff, v9  }
0x10c: {  	v6 =	vor.u32 v4, v6;
	v8 =	vld [tilespmem:s12+$0x4750];
	_ =	sdelay $0x4  }
0x10d: {  	[tilespmem:v6+s22+$0x0] =	vst.idx.msk $0xffff, v8  }
0x10e: {  	v7 =	vor.u32 v4, v7;
	v6 =	vld [tilespmem:s12+$0x4760];
	_ =	sdelay $0x4  }
0x10f: {  	[tilespmem:v7+s22+$0x0] =	vst.idx.msk $0xffff, v6  }
0x110: {  	v5 =	vor.u32 v4, v5;
	v6 =	vld [tilespmem:s12+$0x4770];
	_ =	sdelay $0x2  }
0x111: {  	v4 =	vimm.s32 $0x0  }
0x112: {  	v8 =	vand.u32 $0xFFFFFFF8, v4  }
0x113: {  	s13 =	simm.s32 $0x0;
	v9 =	vadd.s32 v0, v8;
	[tilespmem:v5+s22+$0x0] =	vst.idx.msk $0xffff, v6;
	v6 =	vand.u32 $0x6, v4  }
0x114: {  	v5 =	vld [tilespmem:s13+$0x6700];
	v7 =	vor.u32 v6, v9;
	_ =	sdelay $0x4  }
0x115: {  	[tilespmem:v7+s20+$0x0] =	vst.idx.msk $0xffff, v5;
	v5 =	vadd.s32 v1, v8  }
0x116: {  	v10 =	vld [tilespmem:s13+$0x6710];
	v8 =	vor.u32 v6, v5;
	_ =	sdelay $0x4  }
0x117: {  	v6 =	vor.u32 $0x1, v6;
	[tilespmem:v8+s20+$0x0] =	vst.idx.msk $0xffff, v10  }
0x118: {  	v9 =	vor.u32 v6, v9;
	v10 =	vld [tilespmem:s13+$0x6720];
	_ =	sdelay $0x4  }
0x119: {  	[tilespmem:v9+s20+$0x0] =	vst.idx.msk $0xffff, v10  }
0x11a: {  	v13 =	vor.u32 v6, v5;
	v12 =	vld [tilespmem:s13+$0x6730];
	_ =	sdelay $0x2  }
0x11b: {  	v10 =	vadd.s32 $0x2, v4  }
0x11c: {  	s14 =	simm.s32 $0x200;
	s16 =	simm.s32 $0x100;
	s12 =	simm.s32 $0x100;
	v11 =	vand.u32 $0xFFFFFFF8, v10  }
.LBB2_7:
0x11d: {  	p0 =	sne.s32 s14, $0x3F00;
	s15 =	sshra.s32 s16, $0x2;
	v14 =	vand.u32 $0x6, v10;
	v15 =	vadd.s32 v0, v11;
	[tilespmem:v13+s20+$0x0] =	vst.idx.msk $0xffff, v12;
	s16 =	smov.u32 s14  }
0x11e: {  	v12 =	vld [tilespmem:s15+$0x6700];
	v13 =	vor.u32 v14, v15;
	_ =	sdelay $0x4  }
0x11f: {  	v11 =	vadd.s32 v1, v11;
	[tilespmem:v13+s20+$0x0] =	vst.idx.msk $0xffff, v12  }
0x120: {  	v13 =	vor.u32 v14, v11;
	v12 =	vld [tilespmem:s15+$0x6710];
	_ =	sdelay $0x4  }
0x121: {  	[tilespmem:v13+s20+$0x0] =	vst.idx.msk $0xffff, v12;
	v13 =	vor.u32 $0x1, v14  }
0x122: {  	v12 =	vld [tilespmem:s15+$0x6720];
	v14 =	vor.u32 v13, v15;
	_ =	sdelay $0x4  }
0x123: {  	[tilespmem:v14+s20+$0x0] =	vst.idx.msk $0xffff, v12  }
.Ltmp2:
0x124: {  	v13 =	vor.u32 v13, v11;
	v12 =	vld [tilespmem:s15+$0x6730];
	(pc) =	sbr.rel @p0 .LBB2_7-.Ltmp2, $3  }
0x125: {  	_ =	sdelay $0x1  }
0x126: {  	v10 =	vadd.s32 $0x2, v10  }
0x127: {  	s14 =	sadd.s32 $0x100, s14;
	v11 =	vand.u32 $0xFFFFFFF8, v10  }
0x128: {  	_ =	sdelay $0x3  }
0x129: {  	s14 =	sshra.s32 s16, $0x2;
	v10 =	vand.u32 $0x6, v10;
	v14 =	vadd.s32 v0, v11;
	[tilespmem:v13+s20+$0x0] =	vst.idx.msk $0xffff, v12  }
0x12a: {  	v12 =	vld [tilespmem:s14+$0x6700];
	v59 =	vor.u32 v10, v14;
	_ =	sdelay $0x4  }
0x12b: {  	v60 =	vadd.s32 v1, v11;
	[tilespmem:v59+s20+$0x0] =	vst.idx.msk $0xffff, v12  }
0x12c: {  	v61 =	vor.u32 v10, v60;
	v12 =	vld [tilespmem:s14+$0x6710];
	_ =	sdelay $0x4  }
0x12d: {  	v10 =	vor.u32 $0x1, v10;
	[tilespmem:v61+s20+$0x0] =	vst.idx.msk $0xffff, v12  }
0x12e: {  	v62 =	vor.u32 v10, v14;
	v12 =	vld [tilespmem:s14+$0x6720];
	_ =	sdelay $0x4  }
0x12f: {  	[tilespmem:v62+s20+$0x0] =	vst.idx.msk $0xffff, v12  }
0x130: {  	v10 =	vor.u32 v10, v60;
	v12 =	vld [tilespmem:s14+$0x6730];
	_ =	sdelay $0x4  }
0x131: {  	[tilespmem:v10+s20+$0x0] =	vst.idx.msk $0xffff, v12  }
0x132: {  	v10 =	vld [tilespmem:s13+$0x7700];
	_ =	sdelay $0x4  }
0x133: {  	[tilespmem:v7+s23+$0x0] =	vst.idx.msk $0xffff, v10  }
0x134: {  	v7 =	vld [tilespmem:s13+$0x7710];
	_ =	sdelay $0x4  }
0x135: {  	[tilespmem:v8+s23+$0x0] =	vst.idx.msk $0xffff, v7  }
0x136: {  	v7 =	vld [tilespmem:s13+$0x7720];
	_ =	sdelay $0x4  }
0x137: {  	[tilespmem:v9+s23+$0x0] =	vst.idx.msk $0xffff, v7  }
0x138: {  	v6 =	vor.u32 v6, v5;
	v7 =	vld [tilespmem:s13+$0x7730];
	_ =	sdelay $0x2  }
0x139: {  	v4 =	vadd.s32 $0x2, v4  }
0x13a: {  	v5 =	vand.u32 $0xFFFFFFF8, v4;
	s13 =	simm.s32 $0x200  }
.LBB2_9:
0x13b: {  	p0 =	sne.s32 s13, $0x3F00;
	s14 =	sshra.s32 s12, $0x2;
	v8 =	vand.u32 $0x6, v4;
	v9 =	vadd.s32 v0, v5;
	[tilespmem:v6+s23+$0x0] =	vst.idx.msk $0xffff, v7  }
0x13c: {  	s12 =	smov.u32 s13;
	v6 =	vld [tilespmem:s14+$0x7700];
	v7 =	vor.u32 v8, v9;
	_ =	sdelay $0x4  }
0x13d: {  	v5 =	vadd.s32 v1, v5;
	[tilespmem:v7+s23+$0x0] =	vst.idx.msk $0xffff, v6  }
0x13e: {  	v7 =	vor.u32 v8, v5;
	v6 =	vld [tilespmem:s14+$0x7710];
	_ =	sdelay $0x4  }
0x13f: {  	[tilespmem:v7+s23+$0x0] =	vst.idx.msk $0xffff, v6;
	v6 =	vor.u32 $0x1, v8  }
0x140: {  	v7 =	vld [tilespmem:s14+$0x7720];
	v8 =	vor.u32 v6, v9;
	_ =	sdelay $0x4  }
0x141: {  	[tilespmem:v8+s23+$0x0] =	vst.idx.msk $0xffff, v7  }
.Ltmp3:
0x142: {  	v6 =	vor.u32 v6, v5;
	v7 =	vld [tilespmem:s14+$0x7730];
	(pc) =	sbr.rel @p0 .LBB2_9-.Ltmp3, $3  }
0x143: {  	_ =	sdelay $0x1  }
0x144: {  	v4 =	vadd.s32 $0x2, v4  }
0x145: {  	s13 =	sadd.s32 $0x100, s13;
	v5 =	vand.u32 $0xFFFFFFF8, v4  }
0x146: {  	_ =	sdelay $0x3  }
0x147: {  	s12 =	sshra.s32 s12, $0x2;
	v4 =	vand.u32 $0x6, v4;
	v8 =	vadd.s32 v0, v5;
	[tilespmem:v6+s23+$0x0] =	vst.idx.msk $0xffff, v7  }
0x148: {  	v6 =	vld [tilespmem:s12+$0x7700];
	v7 =	vor.u32 v4, v8;
	_ =	sdelay $0x4  }
0x149: {  	v5 =	vadd.s32 v1, v5;
	[tilespmem:v7+s23+$0x0] =	vst.idx.msk $0xffff, v6  }
0x14a: {  	v7 =	vor.u32 v4, v5;
	v6 =	vld [tilespmem:s12+$0x7710];
	_ =	sdelay $0x4  }
0x14b: {  	v4 =	vor.u32 $0x1, v4;
	[tilespmem:v7+s23+$0x0] =	vst.idx.msk $0xffff, v6  }
0x14c: {  	v7 =	vor.u32 v4, v8;
	v6 =	vld [tilespmem:s12+$0x7720];
	_ =	sdelay $0x4  }
0x14d: {  	[tilespmem:v7+s23+$0x0] =	vst.idx.msk $0xffff, v6  }
0x14e: {  	v5 =	vor.u32 v4, v5;
	v6 =	vld [tilespmem:s12+$0x7730];
	_ =	sdelay $0x2  }
0x14f: {  	v4 =	vimm.s32 $0x0  }
0x150: {  	v8 =	vand.u32 $0xFFFFFFF8, v4  }
0x151: {  	s13 =	simm.s32 $0x0;
	v9 =	vadd.s32 v0, v8;
	[tilespmem:v5+s23+$0x0] =	vst.idx.msk $0xffff, v6;
	v6 =	vand.u32 $0x6, v4  }
0x152: {  	v5 =	vld [tilespmem:s13+$0x8700];
	v7 =	vor.u32 v6, v9;
	_ =	sdelay $0x4  }
0x153: {  	[tilespmem:v7+s24+$0x0] =	vst.idx.msk $0xffff, v5;
	v5 =	vadd.s32 v1, v8  }
0x154: {  	v10 =	vld [tilespmem:s13+$0x8710];
	v8 =	vor.u32 v6, v5;
	_ =	sdelay $0x4  }
0x155: {  	v6 =	vor.u32 $0x1, v6;
	[tilespmem:v8+s24+$0x0] =	vst.idx.msk $0xffff, v10  }
0x156: {  	v9 =	vor.u32 v6, v9;
	v10 =	vld [tilespmem:s13+$0x8720];
	_ =	sdelay $0x4  }
0x157: {  	[tilespmem:v9+s24+$0x0] =	vst.idx.msk $0xffff, v10  }
0x158: {  	v13 =	vor.u32 v6, v5;
	v12 =	vld [tilespmem:s13+$0x8730];
	_ =	sdelay $0x2  }
0x159: {  	v10 =	vadd.s32 $0x2, v4  }
0x15a: {  	s14 =	simm.s32 $0x200;
	s16 =	simm.s32 $0x100;
	s12 =	simm.s32 $0x100;
	v11 =	vand.u32 $0xFFFFFFF8, v10  }
.LBB2_11:
0x15b: {  	p0 =	sne.s32 s14, $0x3F00;
	s15 =	sshra.s32 s16, $0x2;
	v14 =	vand.u32 $0x6, v10;
	v15 =	vadd.s32 v0, v11;
	[tilespmem:v13+s24+$0x0] =	vst.idx.msk $0xffff, v12;
	s16 =	smov.u32 s14  }
0x15c: {  	v12 =	vld [tilespmem:s15+$0x8700];
	v13 =	vor.u32 v14, v15;
	_ =	sdelay $0x4  }
0x15d: {  	v11 =	vadd.s32 v1, v11;
	[tilespmem:v13+s24+$0x0] =	vst.idx.msk $0xffff, v12  }
0x15e: {  	v13 =	vor.u32 v14, v11;
	v12 =	vld [tilespmem:s15+$0x8710];
	_ =	sdelay $0x4  }
0x15f: {  	[tilespmem:v13+s24+$0x0] =	vst.idx.msk $0xffff, v12;
	v13 =	vor.u32 $0x1, v14  }
0x160: {  	v12 =	vld [tilespmem:s15+$0x8720];
	v14 =	vor.u32 v13, v15;
	_ =	sdelay $0x4  }
0x161: {  	[tilespmem:v14+s24+$0x0] =	vst.idx.msk $0xffff, v12  }
.Ltmp4:
0x162: {  	v13 =	vor.u32 v13, v11;
	v12 =	vld [tilespmem:s15+$0x8730];
	(pc) =	sbr.rel @p0 .LBB2_11-.Ltmp4, $3  }
0x163: {  	_ =	sdelay $0x1  }
0x164: {  	v10 =	vadd.s32 $0x2, v10  }
0x165: {  	s14 =	sadd.s32 $0x100, s14;
	v11 =	vand.u32 $0xFFFFFFF8, v10  }
0x166: {  	_ =	sdelay $0x3  }
0x167: {  	s14 =	sshra.s32 s16, $0x2;
	v10 =	vand.u32 $0x6, v10;
	v14 =	vadd.s32 v0, v11;
	[tilespmem:v13+s24+$0x0] =	vst.idx.msk $0xffff, v12  }
0x168: {  	v12 =	vld [tilespmem:s14+$0x8700];
	v59 =	vor.u32 v10, v14;
	_ =	sdelay $0x4  }
0x169: {  	v60 =	vadd.s32 v1, v11;
	[tilespmem:v59+s24+$0x0] =	vst.idx.msk $0xffff, v12  }
0x16a: {  	v61 =	vor.u32 v10, v60;
	v12 =	vld [tilespmem:s14+$0x8710];
	_ =	sdelay $0x4  }
0x16b: {  	v10 =	vor.u32 $0x1, v10;
	[tilespmem:v61+s24+$0x0] =	vst.idx.msk $0xffff, v12  }
0x16c: {  	v62 =	vor.u32 v10, v14;
	v12 =	vld [tilespmem:s14+$0x8720];
	_ =	sdelay $0x4  }
0x16d: {  	[tilespmem:v62+s24+$0x0] =	vst.idx.msk $0xffff, v12  }
0x16e: {  	v10 =	vor.u32 v10, v60;
	v12 =	vld [tilespmem:s14+$0x8730];
	_ =	sdelay $0x4  }
0x16f: {  	[tilespmem:v10+s24+$0x0] =	vst.idx.msk $0xffff, v12  }
0x170: {  	v10 =	vld [tilespmem:s13+$0x9700];
	_ =	sdelay $0x4  }
0x171: {  	[tilespmem:v7+s29+$0x0] =	vst.idx.msk $0xffff, v10  }
0x172: {  	v7 =	vld [tilespmem:s13+$0x9710];
	_ =	sdelay $0x4  }
0x173: {  	[tilespmem:v8+s29+$0x0] =	vst.idx.msk $0xffff, v7  }
0x174: {  	v7 =	vld [tilespmem:s13+$0x9720];
	_ =	sdelay $0x4  }
0x175: {  	[tilespmem:v9+s29+$0x0] =	vst.idx.msk $0xffff, v7  }
0x176: {  	v6 =	vor.u32 v6, v5;
	v7 =	vld [tilespmem:s13+$0x9730];
	_ =	sdelay $0x2  }
0x177: {  	v4 =	vadd.s32 $0x2, v4  }
0x178: {  	v5 =	vand.u32 $0xFFFFFFF8, v4;
	s13 =	simm.s32 $0x200  }
.LBB2_13:
0x179: {  	p0 =	sne.s32 s13, $0x3F00;
	s14 =	sshra.s32 s12, $0x2;
	v8 =	vand.u32 $0x6, v4;
	v9 =	vadd.s32 v0, v5;
	[tilespmem:v6+s29+$0x0] =	vst.idx.msk $0xffff, v7;
	s12 =	smov.u32 s13  }
0x17a: {  	v6 =	vld [tilespmem:s14+$0x9700];
	v7 =	vor.u32 v8, v9;
	_ =	sdelay $0x4  }
0x17b: {  	v5 =	vadd.s32 v1, v5;
	[tilespmem:v7+s29+$0x0] =	vst.idx.msk $0xffff, v6  }
0x17c: {  	v7 =	vor.u32 v8, v5;
	v6 =	vld [tilespmem:s14+$0x9710];
	_ =	sdelay $0x4  }
0x17d: {  	[tilespmem:v7+s29+$0x0] =	vst.idx.msk $0xffff, v6;
	v6 =	vor.u32 $0x1, v8  }
0x17e: {  	v7 =	vld [tilespmem:s14+$0x9720];
	v8 =	vor.u32 v6, v9;
	_ =	sdelay $0x4  }
0x17f: {  	[tilespmem:v8+s29+$0x0] =	vst.idx.msk $0xffff, v7  }
.Ltmp5:
0x180: {  	v6 =	vor.u32 v6, v5;
	v7 =	vld [tilespmem:s14+$0x9730];
	(pc) =	sbr.rel @p0 .LBB2_13-.Ltmp5, $3  }
0x181: {  	_ =	sdelay $0x1  }
0x182: {  	v4 =	vadd.s32 $0x2, v4  }
0x183: {  	s13 =	sadd.s32 $0x100, s13;
	v5 =	vand.u32 $0xFFFFFFF8, v4  }
0x184: {  	_ =	sdelay $0x3  }
0x185: {  	s12 =	sshra.s32 s12, $0x2;
	v4 =	vand.u32 $0x6, v4;
	v8 =	vadd.s32 v0, v5;
	[tilespmem:v6+s29+$0x0] =	vst.idx.msk $0xffff, v7  }
0x186: {  	v6 =	vld [tilespmem:s12+$0x9700];
	v7 =	vor.u32 v4, v8;
	_ =	sdelay $0x4  }
0x187: {  	v5 =	vadd.s32 v1, v5;
	[tilespmem:v7+s29+$0x0] =	vst.idx.msk $0xffff, v6  }
0x188: {  	v7 =	vor.u32 v4, v5;
	v6 =	vld [tilespmem:s12+$0x9710];
	_ =	sdelay $0x4  }
0x189: {  	v4 =	vor.u32 $0x1, v4;
	[tilespmem:v7+s29+$0x0] =	vst.idx.msk $0xffff, v6  }
0x18a: {  	v7 =	vor.u32 v4, v8;
	v6 =	vld [tilespmem:s12+$0x9720];
	_ =	sdelay $0x4  }
0x18b: {  	[tilespmem:v7+s29+$0x0] =	vst.idx.msk $0xffff, v6  }
0x18c: {  	v4 =	vor.u32 v4, v5;
	v6 =	vld [tilespmem:s12+$0x9730];
	_ =	sdelay $0x2  }
0x18d: {  	v5 =	vimm.s32 $0x0  }
0x18e: {  	v7 =	vand.u32 $0xFFFFFFF8, v5  }
0x18f: {  	s13 =	simm.s32 $0x0;
	[tilespmem:v4+s29+$0x0] =	vst.idx.msk $0xffff, v6;
	v4 =	vand.u32 $0x6, v5;
	v6 =	vadd.s32 v0, v7  }
0x190: {  	v8 =	vld [tilespmem:s13+$0xA700];
	v9 =	vor.u32 v4, v6;
	_ =	sdelay $0x4  }
0x191: {  	v7 =	vadd.s32 v1, v7;
	[tilespmem:v9+s30+$0x0] =	vst.idx.msk $0xffff, v8  }
0x192: {  	v62 =	vor.u32 v4, v7;
	v8 =	vld [tilespmem:s13+$0xA710];
	_ =	sdelay $0x4  }
0x193: {  	[tilespmem:v62+s30+$0x0] =	vst.idx.msk $0xffff, v8;
	v8 =	vor.u32 $0x1, v4  }
0x194: {  	v4 =	vld [tilespmem:s13+$0xA720];
	v6 =	vor.u32 v8, v6;
	_ =	sdelay $0x4  }
0x195: {  	[tilespmem:v6+s30+$0x0] =	vst.idx.msk $0xffff, v4  }
0x196: {  	v7 =	vor.u32 v8, v7;
	v6 =	vld [tilespmem:s13+$0xA730];
	_ =	sdelay $0x2  }
0x197: {  	v4 =	vadd.s32 $0x2, v5  }
0x198: {  	s12 =	simm.s32 $0x100;
	v5 =	vand.u32 $0xFFFFFFF8, v4;
	s13 =	simm.s32 $0x200  }
.LBB2_15:
0x199: {  	p0 =	sne.s32 s13, $0x3F00;
	s14 =	sshra.s32 s12, $0x2;
	v8 =	vand.u32 $0x6, v4;
	v9 =	vadd.s32 v0, v5;
	[tilespmem:v7+s30+$0x0] =	vst.idx.msk $0xffff, v6;
	s12 =	smov.u32 s13  }
0x19a: {  	v6 =	vld [tilespmem:s14+$0xA700];
	v7 =	vor.u32 v8, v9;
	_ =	sdelay $0x4  }
0x19b: {  	v5 =	vadd.s32 v1, v5;
	[tilespmem:v7+s30+$0x0] =	vst.idx.msk $0xffff, v6  }
0x19c: {  	v7 =	vor.u32 v8, v5;
	v6 =	vld [tilespmem:s14+$0xA710];
	_ =	sdelay $0x4  }
0x19d: {  	[tilespmem:v7+s30+$0x0] =	vst.idx.msk $0xffff, v6;
	v7 =	vor.u32 $0x1, v8  }
0x19e: {  	v6 =	vld [tilespmem:s14+$0xA720];
	v8 =	vor.u32 v7, v9;
	_ =	sdelay $0x4  }
0x19f: {  	[tilespmem:v8+s30+$0x0] =	vst.idx.msk $0xffff, v6  }
.Ltmp6:
0x1a0: {  	v7 =	vor.u32 v7, v5;
	v6 =	vld [tilespmem:s14+$0xA730];
	(pc) =	sbr.rel @p0 .LBB2_15-.Ltmp6, $3  }
0x1a1: {  	_ =	sdelay $0x1  }
0x1a2: {  	v4 =	vadd.s32 $0x2, v4  }
0x1a3: {  	s13 =	sadd.s32 $0x100, s13;
	v5 =	vand.u32 $0xFFFFFFF8, v4  }
0x1a4: {  	_ =	sdelay $0x3  }
0x1a5: {  	s12 =	sshra.s32 s12, $0x2;
	v4 =	vand.u32 $0x6, v4;
	v8 =	vadd.s32 v0, v5;
	[tilespmem:v7+s30+$0x0] =	vst.idx.msk $0xffff, v6  }
0x1a6: {  	v6 =	vld [tilespmem:s12+$0xA700];
	v60 =	vor.u32 v4, v8;
	_ =	sdelay $0x4  }
0x1a7: {  	v5 =	vadd.s32 v1, v5;
	[tilespmem:v60+s30+$0x0] =	vst.idx.msk $0xffff, v6  }
0x1a8: {  	v61 =	vor.u32 v4, v5;
	v6 =	vld [tilespmem:s12+$0xA710];
	_ =	sdelay $0x4  }
0x1a9: {  	v4 =	vor.u32 $0x1, v4;
	[tilespmem:v61+s30+$0x0] =	vst.idx.msk $0xffff, v6  }
0x1aa: {  	v62 =	vor.u32 v4, v8;
	v6 =	vld [tilespmem:s12+$0xA720];
	_ =	sdelay $0x4  }
0x1ab: {  	[tilespmem:v62+s30+$0x0] =	vst.idx.msk $0xffff, v6  }
0x1ac: {  	s17 =	sadd.s32 s5, s11;
	v4 =	vor.u32 v4, v5;
	v6 =	vld [tilespmem:s12+$0xA730]  }
0x1ad: {  	s12 =	smul.u32 $0x48000, s17;
	_ =	sdelay $0x1  }
0x1ae: {  	s12 =	sor.u32 s6, s12  }
0x1af: {  	s12 =	sshrl.u32 s12, $0x3  }
0x1b0: {  	s13 =	simm.s32 $0x16700;
	s12 =	sadd.s32 s18, s12;
	[tilespmem:v4+s30+$0x0] =	vst.idx.msk $0xffff, v6  }
0x1b1: {  	[hbm4b:s12+s2] =	stream.linear.scatter [tilespmem:s13], [sflag:$0x3], $0x80, $0x38;
	v63 =	vld [tilespmem:$0x0]  }
0x1b2: {  	s3 =	simm.s32 $0x16788;
	s14 =	sadd.s32 $0x10, s12  }
0x1b3: {  	[hbm4b:s14+s2] =	stream.linear.scatter [tilespmem:s3], [sflag:$0x3], $0x80, $0x38;
	v63 =	vld [tilespmem:$0x0]  }
0x1b4: {  	s15 =	sadd.s32 $0x20, s12;
	s14 =	simm.s32 $0x16810  }
0x1b5: {  	[hbm4b:s15+s2] =	stream.linear.scatter [tilespmem:s14], [sflag:$0x3], $0x80, $0x38;
	v63 =	vld [tilespmem:$0x0]  }
0x1b6: {  	s16 =	simm.s32 $0x16898;
	s17 =	sadd.s32 $0x30, s12  }
0x1b7: {  	[hbm4b:s17+s2] =	stream.linear.scatter [tilespmem:s16], [sflag:$0x3], $0x80, $0x38;
	v63 =	vld [tilespmem:$0x0]  }
0x1b8: {  	s18 =	simm.s32 $0x16920;
	s3 =	sadd.s32 $0x40, s12  }
0x1b9: {  	[hbm4b:s3+s2] =	stream.linear.scatter [tilespmem:s18], [sflag:$0x3], $0x80, $0x38;
	v63 =	vld [tilespmem:$0x0]  }
0x1ba: {  	s13 =	simm.s32 $0x440;
	s15 =	simm.s32 $0x169A8;
	s16 =	sadd.s32 $0x50, s12  }
0x1bb: {  	[hbm4b:s16+s2] =	stream.linear.scatter [tilespmem:s15], [sflag:$0x3], $0x80, $0x38;
	v63 =	vld [tilespmem:$0x0]  }
0x1bc: {  	s14 =	sadd.s32 $0x400, s12;
	s17 =	simm.s32 $0x16A30;
	s18 =	sadd.s32 $0x60, s12  }
0x1bd: {  	[hbm4b:s18+s2] =	stream.linear.scatter [tilespmem:s17], [sflag:$0x3], $0x80, $0x38;
	v63 =	vld [tilespmem:$0x0]  }
0x1be: {  	s16 =	simm.s32 $0x2200;
	s15 =	simm.s32 $0x16AB8;
	s17 =	sadd.s32 $0x70, s12  }
.LBB2_17:
0x1bf: {  	[hbm4b:s17+s2] =	stream.linear.scatter [tilespmem:s15], [sflag:$0x3], $0x80, $0x38;
	v63 =	vld [tilespmem:$0x0]  }
0x1c0: {  	s15 =	smov.u32 s13;
	s13 =	smov.u32 s16  }
0x1c1: {  	s18 =	sadd.s32 $0x1100, s16;
	s13 =	sshra.s32 s13, $0x2;
	s17 =	sadd.s32 $0x16700, s15  }
0x1c2: {  	[hbm4b:s14+s2] =	stream.linear.scatter [tilespmem:s17], [sflag:$0x3], $0x80, $0x38;
	v63 =	vld [tilespmem:$0x0]  }
0x1c3: {  	p0 =	sne.s32 s16, $0x7700;
	s16 =	sadd.s32 $0x16788, s15;
	s17 =	sadd.s32 $0x10, s14  }
0x1c4: {  	[hbm4b:s17+s2] =	stream.linear.scatter [tilespmem:s16], [sflag:$0x3], $0x80, $0x38;
	v63 =	vld [tilespmem:$0x0]  }
0x1c5: {  	s16 =	sadd.s32 $0x16810, s15;
	s17 =	sadd.s32 $0x20, s14  }
0x1c6: {  	[hbm4b:s17+s2] =	stream.linear.scatter [tilespmem:s16], [sflag:$0x3], $0x80, $0x38;
	v63 =	vld [tilespmem:$0x0]  }
0x1c7: {  	s16 =	sadd.s32 $0x16898, s15;
	s17 =	sadd.s32 $0x30, s14  }
0x1c8: {  	[hbm4b:s17+s2] =	stream.linear.scatter [tilespmem:s16], [sflag:$0x3], $0x80, $0x38;
	v63 =	vld [tilespmem:$0x0]  }
0x1c9: {  	s16 =	sadd.s32 $0x16920, s15;
	s17 =	sadd.s32 $0x40, s14  }
0x1ca: {  	[hbm4b:s17+s2] =	stream.linear.scatter [tilespmem:s16], [sflag:$0x3], $0x80, $0x38;
	v63 =	vld [tilespmem:$0x0]  }
.Ltmp7:
0x1cb: {  	s16 =	sadd.s32 $0x169A8, s15;
	s17 =	sadd.s32 $0x50, s14;
	(pc) =	sbr.rel @p0 .LBB2_17-.Ltmp7, $4  }
0x1cc: {  	[hbm4b:s17+s2] =	stream.linear.scatter [tilespmem:s16], [sflag:$0x3], $0x80, $0x38;
	v63 =	vld [tilespmem:$0x0]  }
0x1cd: {  	s16 =	sadd.s32 $0x16A30, s15;
	s17 =	sadd.s32 $0x60, s14;
	s15 =	sadd.s32 $0x16AB8, s15  }
0x1ce: {  	[hbm4b:s17+s2] =	stream.linear.scatter [tilespmem:s16], [sflag:$0x3], $0x80, $0x38;
	v63 =	vld [tilespmem:$0x0]  }
0x1cf: {  	s17 =	sadd.s32 $0x70, s14;
	s14 =	sadd.s32 $0x400, s14;
	s16 =	smov.u32 s18  }
0x1d0: {  	[hbm4b:s17+s2] =	stream.linear.scatter [tilespmem:s15], [sflag:$0x3], $0x80, $0x38;
	v63 =	vld [tilespmem:$0x0]  }
0x1d1: {  	s18 =	sadd.s32 $0x16700, s13  }
0x1d2: {  	[hbm4b:s14+s2] =	stream.linear.scatter [tilespmem:s18], [sflag:$0x3], $0x80, $0x38;
	v63 =	vld [tilespmem:$0x0]  }
0x1d3: {  	s3 =	sadd.s32 $0x16788, s13;
	s16 =	sadd.s32 $0x10, s14  }
0x1d4: {  	[hbm4b:s16+s2] =	stream.linear.scatter [tilespmem:s3], [sflag:$0x3], $0x80, $0x38;
	v63 =	vld [tilespmem:$0x0]  }
0x1d5: {  	s17 =	sadd.s32 $0x20, s14;
	s16 =	sadd.s32 $0x16810, s13  }
0x1d6: {  	[hbm4b:s17+s2] =	stream.linear.scatter [tilespmem:s16], [sflag:$0x3], $0x80, $0x38;
	v63 =	vld [tilespmem:$0x0]  }
0x1d7: {  	s18 =	sadd.s32 $0x16898, s13;
	s3 =	sadd.s32 $0x30, s14  }
0x1d8: {  	[hbm4b:s3+s2] =	stream.linear.scatter [tilespmem:s18], [sflag:$0x3], $0x80, $0x38;
	v63 =	vld [tilespmem:$0x0]  }
0x1d9: {  	s16 =	sadd.s32 $0x16920, s13;
	s17 =	sadd.s32 $0x40, s14  }
0x1da: {  	[hbm4b:s17+s2] =	stream.linear.scatter [tilespmem:s16], [sflag:$0x3], $0x80, $0x38;
	v63 =	vld [tilespmem:$0x0]  }
0x1db: {  	s18 =	sadd.s32 $0x169A8, s13;
	s3 =	sadd.s32 $0x50, s14  }
0x1dc: {  	[hbm4b:s3+s2] =	stream.linear.scatter [tilespmem:s18], [sflag:$0x3], $0x80, $0x38;
	v63 =	vld [tilespmem:$0x0]  }
0x1dd: {  	s16 =	sadd.s32 $0x16A30, s13;
	s17 =	sadd.s32 $0x60, s14  }
0x1de: {  	[hbm4b:s17+s2] =	stream.linear.scatter [tilespmem:s16], [sflag:$0x3], $0x80, $0x38;
	v63 =	vld [tilespmem:$0x0]  }
0x1df: {  	s18 =	sadd.s32 $0x16AB8, s13;
	s3 =	sadd.s32 $0x70, s14  }
0x1e0: {  	[hbm4b:s3+s2] =	stream.linear.scatter [tilespmem:s18], [sflag:$0x3], $0x80, $0x38;
	v63 =	vld [tilespmem:$0x0]  }
0x1e1: {  	s15 =	simm.s32 $0x18900;
	s14 =	sadd.s32 $0x2000, s12  }
0x1e2: {  	[hbm4b:s14+s2] =	stream.linear.scatter [tilespmem:s15], [sflag:$0x3], $0x80, $0x38;
	v63 =	vld [tilespmem:$0x0]  }
0x1e3: {  	s16 =	simm.s32 $0x18988;
	s17 =	sadd.s32 $0x10, s14  }
0x1e4: {  	[hbm4b:s17+s2] =	stream.linear.scatter [tilespmem:s16], [sflag:$0x3], $0x80, $0x38;
	v63 =	vld [tilespmem:$0x0]  }
0x1e5: {  	s18 =	simm.s32 $0x18A10;
	s3 =	sadd.s32 $0x20, s14  }
0x1e6: {  	[hbm4b:s3+s2] =	stream.linear.scatter [tilespmem:s18], [sflag:$0x3], $0x80, $0x38;
	v63 =	vld [tilespmem:$0x0]  }
0x1e7: {  	s16 =	simm.s32 $0x18A98;
	s17 =	sadd.s32 $0x30, s14  }
0x1e8: {  	[hbm4b:s17+s2] =	stream.linear.scatter [tilespmem:s16], [sflag:$0x3], $0x80, $0x38;
	v63 =	vld [tilespmem:$0x0]  }
0x1e9: {  	s18 =	simm.s32 $0x18B20;
	s3 =	sadd.s32 $0x40, s14  }
0x1ea: {  	[hbm4b:s3+s2] =	stream.linear.scatter [tilespmem:s18], [sflag:$0x3], $0x80, $0x38;
	v63 =	vld [tilespmem:$0x0]  }
0x1eb: {  	s13 =	simm.s32 $0x440;
	s15 =	simm.s32 $0x18BA8;
	s16 =	sadd.s32 $0x50, s14  }
0x1ec: {  	[hbm4b:s16+s2] =	stream.linear.scatter [tilespmem:s15], [sflag:$0x3], $0x80, $0x38;
	v63 =	vld [tilespmem:$0x0]  }
0x1ed: {  	s17 =	simm.s32 $0x18C30;
	s18 =	sadd.s32 $0x60, s14;
	s16 =	simm.s32 $0x2200  }
0x1ee: {  	[hbm4b:s18+s2] =	stream.linear.scatter [tilespmem:s17], [sflag:$0x3], $0x80, $0x38;
	v63 =	vld [tilespmem:$0x0]  }
0x1ef: {  	s15 =	simm.s32 $0x18CB8;
	s17 =	sadd.s32 $0x70, s14;
	s14 =	sadd.s32 $0x400, s14  }
.LBB2_19:
0x1f0: {  	[hbm4b:s17+s2] =	stream.linear.scatter [tilespmem:s15], [sflag:$0x3], $0x80, $0x38;
	v63 =	vld [tilespmem:$0x0]  }
0x1f1: {  	s15 =	smov.u32 s13;
	s13 =	smov.u32 s16  }
0x1f2: {  	s18 =	sadd.s32 $0x1100, s16;
	s13 =	sshra.s32 s13, $0x2;
	s17 =	sadd.s32 $0x18900, s15  }
0x1f3: {  	[hbm4b:s14+s2] =	stream.linear.scatter [tilespmem:s17], [sflag:$0x3], $0x80, $0x38;
	v63 =	vld [tilespmem:$0x0]  }
0x1f4: {  	p0 =	sne.s32 s16, $0x7700;
	s16 =	sadd.s32 $0x18988, s15;
	s17 =	sadd.s32 $0x10, s14  }
0x1f5: {  	[hbm4b:s17+s2] =	stream.linear.scatter [tilespmem:s16], [sflag:$0x3], $0x80, $0x38;
	v63 =	vld [tilespmem:$0x0]  }
0x1f6: {  	s16 =	sadd.s32 $0x18A10, s15;
	s17 =	sadd.s32 $0x20, s14  }
0x1f7: {  	[hbm4b:s17+s2] =	stream.linear.scatter [tilespmem:s16], [sflag:$0x3], $0x80, $0x38;
	v63 =	vld [tilespmem:$0x0]  }
0x1f8: {  	s16 =	sadd.s32 $0x18A98, s15;
	s17 =	sadd.s32 $0x30, s14  }
0x1f9: {  	[hbm4b:s17+s2] =	stream.linear.scatter [tilespmem:s16], [sflag:$0x3], $0x80, $0x38;
	v63 =	vld [tilespmem:$0x0]  }
0x1fa: {  	s16 =	sadd.s32 $0x18B20, s15;
	s17 =	sadd.s32 $0x40, s14  }
0x1fb: {  	[hbm4b:s17+s2] =	stream.linear.scatter [tilespmem:s16], [sflag:$0x3], $0x80, $0x38;
	v63 =	vld [tilespmem:$0x0]  }
.Ltmp8:
0x1fc: {  	s16 =	sadd.s32 $0x18BA8, s15;
	s17 =	sadd.s32 $0x50, s14;
	(pc) =	sbr.rel @p0 .LBB2_19-.Ltmp8, $4  }
0x1fd: {  	[hbm4b:s17+s2] =	stream.linear.scatter [tilespmem:s16], [sflag:$0x3], $0x80, $0x38;
	v63 =	vld [tilespmem:$0x0]  }
0x1fe: {  	s16 =	sadd.s32 $0x18C30, s15;
	s17 =	sadd.s32 $0x60, s14;
	s15 =	sadd.s32 $0x18CB8, s15  }
0x1ff: {  	[hbm4b:s17+s2] =	stream.linear.scatter [tilespmem:s16], [sflag:$0x3], $0x80, $0x38;
	v63 =	vld [tilespmem:$0x0]  }
0x200: {  	s17 =	sadd.s32 $0x70, s14;
	s14 =	sadd.s32 $0x400, s14;
	s16 =	smov.u32 s18  }
0x201: {  	[hbm4b:s17+s2] =	stream.linear.scatter [tilespmem:s15], [sflag:$0x3], $0x80, $0x38;
	v63 =	vld [tilespmem:$0x0]  }
0x202: {  	s16 =	sadd.s32 $0x18900, s13  }
0x203: {  	[hbm4b:s14+s2] =	stream.linear.scatter [tilespmem:s16], [sflag:$0x3], $0x80, $0x38;
	v63 =	vld [tilespmem:$0x0]  }
0x204: {  	s17 =	sadd.s32 $0x18988, s13;
	s16 =	sadd.s32 $0x10, s14  }
0x205: {  	[hbm4b:s16+s2] =	stream.linear.scatter [tilespmem:s17], [sflag:$0x3], $0x80, $0x38;
	v63 =	vld [tilespmem:$0x0]  }
0x206: {  	s18 =	sadd.s32 $0x18A10, s13;
	s3 =	sadd.s32 $0x20, s14  }
0x207: {  	[hbm4b:s3+s2] =	stream.linear.scatter [tilespmem:s18], [sflag:$0x3], $0x80, $0x38;
	v63 =	vld [tilespmem:$0x0]  }
0x208: {  	s16 =	sadd.s32 $0x18A98, s13;
	s17 =	sadd.s32 $0x30, s14  }
0x209: {  	[hbm4b:s17+s2] =	stream.linear.scatter [tilespmem:s16], [sflag:$0x3], $0x80, $0x38;
	v63 =	vld [tilespmem:$0x0]  }
0x20a: {  	s18 =	sadd.s32 $0x18B20, s13;
	s3 =	sadd.s32 $0x40, s14  }
0x20b: {  	[hbm4b:s3+s2] =	stream.linear.scatter [tilespmem:s18], [sflag:$0x3], $0x80, $0x38;
	v63 =	vld [tilespmem:$0x0]  }
0x20c: {  	s16 =	sadd.s32 $0x18BA8, s13;
	s17 =	sadd.s32 $0x50, s14  }
0x20d: {  	[hbm4b:s17+s2] =	stream.linear.scatter [tilespmem:s16], [sflag:$0x3], $0x80, $0x38;
	v63 =	vld [tilespmem:$0x0]  }
0x20e: {  	s18 =	sadd.s32 $0x18C30, s13;
	s3 =	sadd.s32 $0x60, s14  }
0x20f: {  	[hbm4b:s3+s2] =	stream.linear.scatter [tilespmem:s18], [sflag:$0x3], $0x80, $0x38;
	v63 =	vld [tilespmem:$0x0]  }
0x210: {  	s15 =	sadd.s32 $0x18CB8, s13;
	s16 =	sadd.s32 $0x70, s14  }
0x211: {  	[hbm4b:s16+s2] =	stream.linear.scatter [tilespmem:s15], [sflag:$0x3], $0x80, $0x38;
	v63 =	vld [tilespmem:$0x0]  }
0x212: {  	s17 =	sadd.s32 $0x4000, s12  }
0x213: {  	[hbm4b:s17+s2] =	stream.linear.scatter [tilespmem:s20], [sflag:$0x3], $0x80, $0x38;
	v63 =	vld [tilespmem:$0x0]  }
0x214: {  	s18 =	sadd.s32 $0x4010, s12;
	s3 =	simm.s32 $0x1AB88  }
0x215: {  	[hbm4b:s18+s2] =	stream.linear.scatter [tilespmem:s3], [sflag:$0x3], $0x80, $0x38;
	v63 =	vld [tilespmem:$0x0]  }
0x216: {  	s14 =	simm.s32 $0x1AC10;
	s3 =	sadd.s32 $0x4020, s12  }
0x217: {  	[hbm4b:s3+s2] =	stream.linear.scatter [tilespmem:s14], [sflag:$0x3], $0x80, $0x38;
	v63 =	vld [tilespmem:$0x0]  }
0x218: {  	s15 =	sadd.s32 $0x4030, s12;
	s16 =	simm.s32 $0x1AC98  }
0x219: {  	[hbm4b:s15+s2] =	stream.linear.scatter [tilespmem:s16], [sflag:$0x3], $0x80, $0x38;
	v63 =	vld [tilespmem:$0x0]  }
0x21a: {  	s17 =	sadd.s32 $0x4040, s12;
	s18 =	simm.s32 $0x1AD20  }
0x21b: {  	[hbm4b:s17+s2] =	stream.linear.scatter [tilespmem:s18], [sflag:$0x3], $0x80, $0x38;
	v63 =	vld [tilespmem:$0x0]  }
0x21c: {  	s3 =	sadd.s32 $0x4050, s12;
	s14 =	simm.s32 $0x1ADA8  }
0x21d: {  	[hbm4b:s3+s2] =	stream.linear.scatter [tilespmem:s14], [sflag:$0x3], $0x80, $0x38;
	v63 =	vld [tilespmem:$0x0]  }
0x21e: {  	s15 =	sadd.s32 $0x4060, s12;
	s16 =	simm.s32 $0x1AE30  }
0x21f: {  	[hbm4b:s15+s2] =	stream.linear.scatter [tilespmem:s16], [sflag:$0x3], $0x80, $0x38;
	v63 =	vld [tilespmem:$0x0]  }
0x220: {  	s17 =	sadd.s32 $0x4070, s12;
	s18 =	simm.s32 $0x1AEB8  }
0x221: {  	[hbm4b:s17+s2] =	stream.linear.scatter [tilespmem:s18], [sflag:$0x3], $0x80, $0x38;
	v63 =	vld [tilespmem:$0x0]  }
0x222: {  	s3 =	sadd.s32 $0x4400, s12;
	s14 =	simm.s32 $0x1AF40  }
0x223: {  	[hbm4b:s3+s2] =	stream.linear.scatter [tilespmem:s14], [sflag:$0x3], $0x80, $0x38;
	v63 =	vld [tilespmem:$0x0]  }
0x224: {  	s15 =	sadd.s32 $0x4410, s12;
	s16 =	simm.s32 $0x1AFC8  }
0x225: {  	[hbm4b:s15+s2] =	stream.linear.scatter [tilespmem:s16], [sflag:$0x3], $0x80, $0x38;
	v63 =	vld [tilespmem:$0x0]  }
0x226: {  	s17 =	sadd.s32 $0x4420, s12;
	s18 =	simm.s32 $0x1B050  }
0x227: {  	[hbm4b:s17+s2] =	stream.linear.scatter [tilespmem:s18], [sflag:$0x3], $0x80, $0x38;
	v63 =	vld [tilespmem:$0x0]  }
0x228: {  	s3 =	sadd.s32 $0x4430, s12;
	s14 =	simm.s32 $0x1B0D8  }
0x229: {  	[hbm4b:s3+s2] =	stream.linear.scatter [tilespmem:s14], [sflag:$0x3], $0x80, $0x38;
	v63 =	vld [tilespmem:$0x0]  }
0x22a: {  	s15 =	sadd.s32 $0x4440, s12;
	s16 =	simm.s32 $0x1B160  }
0x22b: {  	[hbm4b:s15+s2] =	stream.linear.scatter [tilespmem:s16], [sflag:$0x3], $0x80, $0x38;
	v63 =	vld [tilespmem:$0x0]  }
0x22c: {  	s17 =	sadd.s32 $0x4450, s12;
	s18 =	simm.s32 $0x1B1E8  }
0x22d: {  	[hbm4b:s17+s2] =	stream.linear.scatter [tilespmem:s18], [sflag:$0x3], $0x80, $0x38;
	v63 =	vld [tilespmem:$0x0]  }
0x22e: {  	s3 =	sadd.s32 $0x4460, s12;
	s14 =	simm.s32 $0x1B270  }
0x22f: {  	[hbm4b:s3+s2] =	stream.linear.scatter [tilespmem:s14], [sflag:$0x3], $0x80, $0x38;
	v63 =	vld [tilespmem:$0x0]  }
0x230: {  	s15 =	sadd.s32 $0x4470, s12;
	s16 =	simm.s32 $0x1B2F8  }
0x231: {  	[hbm4b:s15+s2] =	stream.linear.scatter [tilespmem:s16], [sflag:$0x3], $0x80, $0x38;
	v63 =	vld [tilespmem:$0x0]  }
0x232: {  	s17 =	sadd.s32 $0x4800, s12;
	s18 =	simm.s32 $0x1B380  }
0x233: {  	[hbm4b:s17+s2] =	stream.linear.scatter [tilespmem:s18], [sflag:$0x3], $0x80, $0x38;
	v63 =	vld [tilespmem:$0x0]  }
0x234: {  	s3 =	sadd.s32 $0x4810, s12;
	s14 =	simm.s32 $0x1B408  }
0x235: {  	[hbm4b:s3+s2] =	stream.linear.scatter [tilespmem:s14], [sflag:$0x3], $0x80, $0x38;
	v63 =	vld [tilespmem:$0x0]  }
0x236: {  	s15 =	sadd.s32 $0x4820, s12;
	s16 =	simm.s32 $0x1B490  }
0x237: {  	[hbm4b:s15+s2] =	stream.linear.scatter [tilespmem:s16], [sflag:$0x3], $0x80, $0x38;
	v63 =	vld [tilespmem:$0x0]  }
0x238: {  	s17 =	sadd.s32 $0x4830, s12;
	s18 =	simm.s32 $0x1B518  }
0x239: {  	[hbm4b:s17+s2] =	stream.linear.scatter [tilespmem:s18], [sflag:$0x3], $0x80, $0x38;
	v63 =	vld [tilespmem:$0x0]  }
0x23a: {  	s3 =	sadd.s32 $0x4840, s12;
	s14 =	simm.s32 $0x1B5A0  }
0x23b: {  	[hbm4b:s3+s2] =	stream.linear.scatter [tilespmem:s14], [sflag:$0x3], $0x80, $0x38;
	v63 =	vld [tilespmem:$0x0]  }
0x23c: {  	s15 =	sadd.s32 $0x4850, s12;
	s16 =	simm.s32 $0x1B628  }
0x23d: {  	[hbm4b:s15+s2] =	stream.linear.scatter [tilespmem:s16], [sflag:$0x3], $0x80, $0x38;
	v63 =	vld [tilespmem:$0x0]  }
0x23e: {  	s17 =	sadd.s32 $0x4860, s12;
	s18 =	simm.s32 $0x1B6B0  }
0x23f: {  	[hbm4b:s17+s2] =	stream.linear.scatter [tilespmem:s18], [sflag:$0x3], $0x80, $0x38;
	v63 =	vld [tilespmem:$0x0]  }
0x240: {  	s3 =	sadd.s32 $0x4870, s12;
	s14 =	simm.s32 $0x1B738  }
0x241: {  	[hbm4b:s3+s2] =	stream.linear.scatter [tilespmem:s14], [sflag:$0x3], $0x80, $0x38;
	v63 =	vld [tilespmem:$0x0]  }
0x242: {  	s15 =	sadd.s32 $0x4C00, s12;
	s16 =	simm.s32 $0x1B7C0  }
0x243: {  	[hbm4b:s15+s2] =	stream.linear.scatter [tilespmem:s16], [sflag:$0x3], $0x80, $0x38;
	v63 =	vld [tilespmem:$0x0]  }
0x244: {  	s17 =	sadd.s32 $0x4C10, s12;
	s18 =	simm.s32 $0x1B848  }
0x245: {  	[hbm4b:s17+s2] =	stream.linear.scatter [tilespmem:s18], [sflag:$0x3], $0x80, $0x38;
	v63 =	vld [tilespmem:$0x0]  }
0x246: {  	s3 =	sadd.s32 $0x4C20, s12;
	s14 =	simm.s32 $0x1B8D0  }
0x247: {  	[hbm4b:s3+s2] =	stream.linear.scatter [tilespmem:s14], [sflag:$0x3], $0x80, $0x38;
	v63 =	vld [tilespmem:$0x0]  }
0x248: {  	s15 =	sadd.s32 $0x4C30, s12;
	s16 =	simm.s32 $0x1B958  }
0x249: {  	[hbm4b:s15+s2] =	stream.linear.scatter [tilespmem:s16], [sflag:$0x3], $0x80, $0x38;
	v63 =	vld [tilespmem:$0x0]  }
0x24a: {  	s17 =	sadd.s32 $0x4C40, s12;
	s18 =	simm.s32 $0x1B9E0  }
0x24b: {  	[hbm4b:s17+s2] =	stream.linear.scatter [tilespmem:s18], [sflag:$0x3], $0x80, $0x38;
	v63 =	vld [tilespmem:$0x0]  }
0x24c: {  	s3 =	sadd.s32 $0x4C50, s12;
	s14 =	simm.s32 $0x1BA68  }
0x24d: {  	[hbm4b:s3+s2] =	stream.linear.scatter [tilespmem:s14], [sflag:$0x3], $0x80, $0x38;
	v63 =	vld [tilespmem:$0x0]  }
0x24e: {  	s15 =	sadd.s32 $0x4C60, s12;
	s16 =	simm.s32 $0x1BAF0  }
0x24f: {  	[hbm4b:s15+s2] =	stream.linear.scatter [tilespmem:s16], [sflag:$0x3], $0x80, $0x38;
	v63 =	vld [tilespmem:$0x0]  }
0x250: {  	s17 =	sadd.s32 $0x4C70, s12;
	s18 =	simm.s32 $0x1BB78  }
0x251: {  	[hbm4b:s17+s2] =	stream.linear.scatter [tilespmem:s18], [sflag:$0x3], $0x80, $0x38;
	v63 =	vld [tilespmem:$0x0]  }
0x252: {  	s14 =	sadd.s32 $0x5000, s12  }
0x253: {  	[hbm4b:s14+s2] =	stream.linear.scatter [tilespmem:s23], [sflag:$0x3], $0x80, $0x38;
	v63 =	vld [tilespmem:$0x0]  }
0x254: {  	s15 =	sadd.s32 $0x5010, s12;
	s16 =	simm.s32 $0x1BC88  }
0x255: {  	[hbm4b:s15+s2] =	stream.linear.scatter [tilespmem:s16], [sflag:$0x3], $0x80, $0x38;
	v63 =	vld [tilespmem:$0x0]  }
0x256: {  	s17 =	sadd.s32 $0x5020, s12;
	s18 =	simm.s32 $0x1BD10  }
0x257: {  	[hbm4b:s17+s2] =	stream.linear.scatter [tilespmem:s18], [sflag:$0x3], $0x80, $0x38;
	v63 =	vld [tilespmem:$0x0]  }
0x258: {  	s3 =	sadd.s32 $0x5030, s12;
	s14 =	simm.s32 $0x1BD98  }
0x259: {  	[hbm4b:s3+s2] =	stream.linear.scatter [tilespmem:s14], [sflag:$0x3], $0x80, $0x38;
	v63 =	vld [tilespmem:$0x0]  }
0x25a: {  	s15 =	sadd.s32 $0x5040, s12;
	s16 =	simm.s32 $0x1BE20  }
0x25b: {  	[hbm4b:s15+s2] =	stream.linear.scatter [tilespmem:s16], [sflag:$0x3], $0x80, $0x38;
	v63 =	vld [tilespmem:$0x0]  }
0x25c: {  	s17 =	sadd.s32 $0x5050, s12;
	s18 =	simm.s32 $0x1BEA8  }
0x25d: {  	[hbm4b:s17+s2] =	stream.linear.scatter [tilespmem:s18], [sflag:$0x3], $0x80, $0x38;
	v63 =	vld [tilespmem:$0x0]  }
0x25e: {  	s3 =	sadd.s32 $0x5060, s12;
	s14 =	simm.s32 $0x1BF30  }
0x25f: {  	[hbm4b:s3+s2] =	stream.linear.scatter [tilespmem:s14], [sflag:$0x3], $0x80, $0x38;
	v63 =	vld [tilespmem:$0x0]  }
0x260: {  	s15 =	sadd.s32 $0x5070, s12;
	s16 =	simm.s32 $0x1BFB8  }
0x261: {  	[hbm4b:s15+s2] =	stream.linear.scatter [tilespmem:s16], [sflag:$0x3], $0x80, $0x38;
	v63 =	vld [tilespmem:$0x0]  }
0x262: {  	s17 =	sadd.s32 $0x5400, s12;
	s18 =	simm.s32 $0x1C040  }
0x263: {  	[hbm4b:s17+s2] =	stream.linear.scatter [tilespmem:s18], [sflag:$0x3], $0x80, $0x38;
	v63 =	vld [tilespmem:$0x0]  }
0x264: {  	s3 =	sadd.s32 $0x5410, s12;
	s14 =	simm.s32 $0x1C0C8  }
0x265: {  	[hbm4b:s3+s2] =	stream.linear.scatter [tilespmem:s14], [sflag:$0x3], $0x80, $0x38;
	v63 =	vld [tilespmem:$0x0]  }
0x266: {  	s15 =	sadd.s32 $0x5420, s12;
	s16 =	simm.s32 $0x1C150  }
0x267: {  	[hbm4b:s15+s2] =	stream.linear.scatter [tilespmem:s16], [sflag:$0x3], $0x80, $0x38;
	v63 =	vld [tilespmem:$0x0]  }
0x268: {  	s17 =	sadd.s32 $0x5430, s12;
	s18 =	simm.s32 $0x1C1D8  }
0x269: {  	[hbm4b:s17+s2] =	stream.linear.scatter [tilespmem:s18], [sflag:$0x3], $0x80, $0x38;
	v63 =	vld [tilespmem:$0x0]  }
0x26a: {  	s3 =	sadd.s32 $0x5440, s12;
	s14 =	simm.s32 $0x1C260  }
0x26b: {  	[hbm4b:s3+s2] =	stream.linear.scatter [tilespmem:s14], [sflag:$0x3], $0x80, $0x38;
	v63 =	vld [tilespmem:$0x0]  }
0x26c: {  	s15 =	sadd.s32 $0x5450, s12;
	s16 =	simm.s32 $0x1C2E8  }
0x26d: {  	[hbm4b:s15+s2] =	stream.linear.scatter [tilespmem:s16], [sflag:$0x3], $0x80, $0x38;
	v63 =	vld [tilespmem:$0x0]  }
0x26e: {  	s17 =	sadd.s32 $0x5460, s12;
	s18 =	simm.s32 $0x1C370  }
0x26f: {  	[hbm4b:s17+s2] =	stream.linear.scatter [tilespmem:s18], [sflag:$0x3], $0x80, $0x38;
	v63 =	vld [tilespmem:$0x0]  }
0x270: {  	s3 =	sadd.s32 $0x5470, s12;
	s14 =	simm.s32 $0x1C3F8  }
0x271: {  	[hbm4b:s3+s2] =	stream.linear.scatter [tilespmem:s14], [sflag:$0x3], $0x80, $0x38;
	v63 =	vld [tilespmem:$0x0]  }
0x272: {  	s15 =	sadd.s32 $0x5800, s12;
	s16 =	simm.s32 $0x1C480  }
0x273: {  	[hbm4b:s15+s2] =	stream.linear.scatter [tilespmem:s16], [sflag:$0x3], $0x80, $0x38;
	v63 =	vld [tilespmem:$0x0]  }
0x274: {  	s17 =	sadd.s32 $0x5810, s12;
	s18 =	simm.s32 $0x1C508  }
0x275: {  	[hbm4b:s17+s2] =	stream.linear.scatter [tilespmem:s18], [sflag:$0x3], $0x80, $0x38;
	v63 =	vld [tilespmem:$0x0]  }
0x276: {  	s3 =	sadd.s32 $0x5820, s12;
	s14 =	simm.s32 $0x1C590  }
0x277: {  	[hbm4b:s3+s2] =	stream.linear.scatter [tilespmem:s14], [sflag:$0x3], $0x80, $0x38;
	v63 =	vld [tilespmem:$0x0]  }
0x278: {  	s15 =	sadd.s32 $0x5830, s12;
	s16 =	simm.s32 $0x1C618  }
0x279: {  	[hbm4b:s15+s2] =	stream.linear.scatter [tilespmem:s16], [sflag:$0x3], $0x80, $0x38;
	v63 =	vld [tilespmem:$0x0]  }
0x27a: {  	s17 =	sadd.s32 $0x5840, s12;
	s18 =	simm.s32 $0x1C6A0  }
0x27b: {  	[hbm4b:s17+s2] =	stream.linear.scatter [tilespmem:s18], [sflag:$0x3], $0x80, $0x38;
	v63 =	vld [tilespmem:$0x0]  }
0x27c: {  	s3 =	sadd.s32 $0x5850, s12;
	s14 =	simm.s32 $0x1C728  }
0x27d: {  	[hbm4b:s3+s2] =	stream.linear.scatter [tilespmem:s14], [sflag:$0x3], $0x80, $0x38;
	v63 =	vld [tilespmem:$0x0]  }
0x27e: {  	s15 =	sadd.s32 $0x5860, s12;
	s16 =	simm.s32 $0x1C7B0  }
0x27f: {  	[hbm4b:s15+s2] =	stream.linear.scatter [tilespmem:s16], [sflag:$0x3], $0x80, $0x38;
	v63 =	vld [tilespmem:$0x0]  }
0x280: {  	s17 =	sadd.s32 $0x5870, s12;
	s18 =	simm.s32 $0x1C838  }
0x281: {  	[hbm4b:s17+s2] =	stream.linear.scatter [tilespmem:s18], [sflag:$0x3], $0x80, $0x38;
	v63 =	vld [tilespmem:$0x0]  }
0x282: {  	s3 =	sadd.s32 $0x5C00, s12;
	s14 =	simm.s32 $0x1C8C0  }
0x283: {  	[hbm4b:s3+s2] =	stream.linear.scatter [tilespmem:s14], [sflag:$0x3], $0x80, $0x38;
	v63 =	vld [tilespmem:$0x0]  }
0x284: {  	s15 =	sadd.s32 $0x5C10, s12;
	s16 =	simm.s32 $0x1C948  }
0x285: {  	[hbm4b:s15+s2] =	stream.linear.scatter [tilespmem:s16], [sflag:$0x3], $0x80, $0x38;
	v63 =	vld [tilespmem:$0x0]  }
0x286: {  	s17 =	sadd.s32 $0x5C20, s12;
	s18 =	simm.s32 $0x1C9D0  }
0x287: {  	[hbm4b:s17+s2] =	stream.linear.scatter [tilespmem:s18], [sflag:$0x3], $0x80, $0x38;
	v63 =	vld [tilespmem:$0x0]  }
0x288: {  	s3 =	sadd.s32 $0x5C30, s12;
	s14 =	simm.s32 $0x1CA58  }
0x289: {  	[hbm4b:s3+s2] =	stream.linear.scatter [tilespmem:s14], [sflag:$0x3], $0x80, $0x38;
	v63 =	vld [tilespmem:$0x0]  }
0x28a: {  	s15 =	sadd.s32 $0x5C40, s12;
	s16 =	simm.s32 $0x1CAE0  }
0x28b: {  	[hbm4b:s15+s2] =	stream.linear.scatter [tilespmem:s16], [sflag:$0x3], $0x80, $0x38;
	v63 =	vld [tilespmem:$0x0]  }
0x28c: {  	s17 =	sadd.s32 $0x5C50, s12;
	s18 =	simm.s32 $0x1CB68  }
0x28d: {  	[hbm4b:s17+s2] =	stream.linear.scatter [tilespmem:s18], [sflag:$0x3], $0x80, $0x38;
	v63 =	vld [tilespmem:$0x0]  }
0x28e: {  	s14 =	sadd.s32 $0x5C60, s12;
	s15 =	simm.s32 $0x1CBF0  }
0x28f: {  	[hbm4b:s14+s2] =	stream.linear.scatter [tilespmem:s15], [sflag:$0x3], $0x80, $0x38;
	v63 =	vld [tilespmem:$0x0]  }
0x290: {  	s16 =	sadd.s32 $0x5C70, s12;
	s17 =	simm.s32 $0x1CC78  }
0x291: {  	[hbm4b:s16+s2] =	stream.linear.scatter [tilespmem:s17], [sflag:$0x3], $0x80, $0x38;
	v63 =	vld [tilespmem:$0x0]  }
0x292: {  	s18 =	sadd.s32 $0x6000, s12  }
0x293: {  	[hbm4b:s18+s2] =	stream.linear.scatter [tilespmem:s24], [sflag:$0x3], $0x80, $0x38;
	v63 =	vld [tilespmem:$0x0]  }
0x294: {  	s3 =	sadd.s32 $0x6010, s12;
	s14 =	simm.s32 $0x1CD88  }
0x295: {  	[hbm4b:s3+s2] =	stream.linear.scatter [tilespmem:s14], [sflag:$0x3], $0x80, $0x38;
	v63 =	vld [tilespmem:$0x0]  }
0x296: {  	s15 =	sadd.s32 $0x6020, s12;
	s16 =	simm.s32 $0x1CE10  }
0x297: {  	[hbm4b:s15+s2] =	stream.linear.scatter [tilespmem:s16], [sflag:$0x3], $0x80, $0x38;
	v63 =	vld [tilespmem:$0x0]  }
0x298: {  	s17 =	sadd.s32 $0x6030, s12;
	s18 =	simm.s32 $0x1CE98  }
0x299: {  	[hbm4b:s17+s2] =	stream.linear.scatter [tilespmem:s18], [sflag:$0x3], $0x80, $0x38;
	v63 =	vld [tilespmem:$0x0]  }
0x29a: {  	s3 =	sadd.s32 $0x6040, s12;
	s14 =	simm.s32 $0x1CF20  }
0x29b: {  	[hbm4b:s3+s2] =	stream.linear.scatter [tilespmem:s14], [sflag:$0x3], $0x80, $0x38;
	v63 =	vld [tilespmem:$0x0]  }
0x29c: {  	s15 =	sadd.s32 $0x6050, s12;
	s16 =	simm.s32 $0x1CFA8  }
0x29d: {  	[hbm4b:s15+s2] =	stream.linear.scatter [tilespmem:s16], [sflag:$0x3], $0x80, $0x38;
	v63 =	vld [tilespmem:$0x0]  }
0x29e: {  	s17 =	sadd.s32 $0x6060, s12;
	s18 =	simm.s32 $0x1D030  }
0x29f: {  	[hbm4b:s17+s2] =	stream.linear.scatter [tilespmem:s18], [sflag:$0x3], $0x80, $0x38;
	v63 =	vld [tilespmem:$0x0]  }
0x2a0: {  	s3 =	sadd.s32 $0x6070, s12;
	s14 =	simm.s32 $0x1D0B8  }
0x2a1: {  	[hbm4b:s3+s2] =	stream.linear.scatter [tilespmem:s14], [sflag:$0x3], $0x80, $0x38;
	v63 =	vld [tilespmem:$0x0]  }
0x2a2: {  	s15 =	sadd.s32 $0x6400, s12;
	s16 =	simm.s32 $0x1D140  }
0x2a3: {  	[hbm4b:s15+s2] =	stream.linear.scatter [tilespmem:s16], [sflag:$0x3], $0x80, $0x38;
	v63 =	vld [tilespmem:$0x0]  }
0x2a4: {  	s17 =	sadd.s32 $0x6410, s12;
	s18 =	simm.s32 $0x1D1C8  }
0x2a5: {  	[hbm4b:s17+s2] =	stream.linear.scatter [tilespmem:s18], [sflag:$0x3], $0x80, $0x38;
	v63 =	vld [tilespmem:$0x0]  }
0x2a6: {  	s3 =	sadd.s32 $0x6420, s12;
	s14 =	simm.s32 $0x1D250  }
0x2a7: {  	[hbm4b:s3+s2] =	stream.linear.scatter [tilespmem:s14], [sflag:$0x3], $0x80, $0x38;
	v63 =	vld [tilespmem:$0x0]  }
0x2a8: {  	s15 =	sadd.s32 $0x6430, s12;
	s16 =	simm.s32 $0x1D2D8  }
0x2a9: {  	[hbm4b:s15+s2] =	stream.linear.scatter [tilespmem:s16], [sflag:$0x3], $0x80, $0x38;
	v63 =	vld [tilespmem:$0x0]  }
0x2aa: {  	s17 =	sadd.s32 $0x6440, s12;
	s18 =	simm.s32 $0x1D360  }
0x2ab: {  	[hbm4b:s17+s2] =	stream.linear.scatter [tilespmem:s18], [sflag:$0x3], $0x80, $0x38;
	v63 =	vld [tilespmem:$0x0]  }
0x2ac: {  	s3 =	sadd.s32 $0x6450, s12;
	s14 =	simm.s32 $0x1D3E8  }
0x2ad: {  	[hbm4b:s3+s2] =	stream.linear.scatter [tilespmem:s14], [sflag:$0x3], $0x80, $0x38;
	v63 =	vld [tilespmem:$0x0]  }
0x2ae: {  	s15 =	sadd.s32 $0x6460, s12;
	s16 =	simm.s32 $0x1D470  }
0x2af: {  	[hbm4b:s15+s2] =	stream.linear.scatter [tilespmem:s16], [sflag:$0x3], $0x80, $0x38;
	v63 =	vld [tilespmem:$0x0]  }
0x2b0: {  	s17 =	sadd.s32 $0x6470, s12;
	s18 =	simm.s32 $0x1D4F8  }
0x2b1: {  	[hbm4b:s17+s2] =	stream.linear.scatter [tilespmem:s18], [sflag:$0x3], $0x80, $0x38;
	v63 =	vld [tilespmem:$0x0]  }
0x2b2: {  	s3 =	sadd.s32 $0x6800, s12;
	s14 =	simm.s32 $0x1D580  }
0x2b3: {  	[hbm4b:s3+s2] =	stream.linear.scatter [tilespmem:s14], [sflag:$0x3], $0x80, $0x38;
	v63 =	vld [tilespmem:$0x0]  }
0x2b4: {  	s15 =	sadd.s32 $0x6810, s12;
	s16 =	simm.s32 $0x1D608  }
0x2b5: {  	[hbm4b:s15+s2] =	stream.linear.scatter [tilespmem:s16], [sflag:$0x3], $0x80, $0x38;
	v63 =	vld [tilespmem:$0x0]  }
0x2b6: {  	s17 =	sadd.s32 $0x6820, s12;
	s18 =	simm.s32 $0x1D690  }
0x2b7: {  	[hbm4b:s17+s2] =	stream.linear.scatter [tilespmem:s18], [sflag:$0x3], $0x80, $0x38;
	v63 =	vld [tilespmem:$0x0]  }
0x2b8: {  	s3 =	sadd.s32 $0x6830, s12;
	s14 =	simm.s32 $0x1D718  }
0x2b9: {  	[hbm4b:s3+s2] =	stream.linear.scatter [tilespmem:s14], [sflag:$0x3], $0x80, $0x38;
	v63 =	vld [tilespmem:$0x0]  }
0x2ba: {  	s15 =	sadd.s32 $0x6840, s12;
	s16 =	simm.s32 $0x1D7A0  }
0x2bb: {  	[hbm4b:s15+s2] =	stream.linear.scatter [tilespmem:s16], [sflag:$0x3], $0x80, $0x38;
	v63 =	vld [tilespmem:$0x0]  }
0x2bc: {  	s17 =	sadd.s32 $0x6850, s12;
	s18 =	simm.s32 $0x1D828  }
0x2bd: {  	[hbm4b:s17+s2] =	stream.linear.scatter [tilespmem:s18], [sflag:$0x3], $0x80, $0x38;
	v63 =	vld [tilespmem:$0x0]  }
0x2be: {  	s3 =	sadd.s32 $0x6860, s12;
	s14 =	simm.s32 $0x1D8B0  }
0x2bf: {  	[hbm4b:s3+s2] =	stream.linear.scatter [tilespmem:s14], [sflag:$0x3], $0x80, $0x38;
	v63 =	vld [tilespmem:$0x0]  }
0x2c0: {  	s15 =	sadd.s32 $0x6870, s12;
	s16 =	simm.s32 $0x1D938  }
0x2c1: {  	[hbm4b:s15+s2] =	stream.linear.scatter [tilespmem:s16], [sflag:$0x3], $0x80, $0x38;
	v63 =	vld [tilespmem:$0x0]  }
0x2c2: {  	s17 =	sadd.s32 $0x6C00, s12;
	s18 =	simm.s32 $0x1D9C0  }
0x2c3: {  	[hbm4b:s17+s2] =	stream.linear.scatter [tilespmem:s18], [sflag:$0x3], $0x80, $0x38;
	v63 =	vld [tilespmem:$0x0]  }
0x2c4: {  	s3 =	sadd.s32 $0x6C10, s12;
	s14 =	simm.s32 $0x1DA48  }
0x2c5: {  	[hbm4b:s3+s2] =	stream.linear.scatter [tilespmem:s14], [sflag:$0x3], $0x80, $0x38;
	v63 =	vld [tilespmem:$0x0]  }
0x2c6: {  	s15 =	sadd.s32 $0x6C20, s12;
	s16 =	simm.s32 $0x1DAD0  }
0x2c7: {  	[hbm4b:s15+s2] =	stream.linear.scatter [tilespmem:s16], [sflag:$0x3], $0x80, $0x38;
	v63 =	vld [tilespmem:$0x0]  }
0x2c8: {  	s17 =	sadd.s32 $0x6C30, s12;
	s18 =	simm.s32 $0x1DB58  }
0x2c9: {  	[hbm4b:s17+s2] =	stream.linear.scatter [tilespmem:s18], [sflag:$0x3], $0x80, $0x38;
	v63 =	vld [tilespmem:$0x0]  }
0x2ca: {  	s3 =	sadd.s32 $0x6C40, s12;
	s14 =	simm.s32 $0x1DBE0  }
0x2cb: {  	[hbm4b:s3+s2] =	stream.linear.scatter [tilespmem:s14], [sflag:$0x3], $0x80, $0x38;
	v63 =	vld [tilespmem:$0x0]  }
0x2cc: {  	s15 =	sadd.s32 $0x6C50, s12;
	s16 =	simm.s32 $0x1DC68  }
0x2cd: {  	[hbm4b:s15+s2] =	stream.linear.scatter [tilespmem:s16], [sflag:$0x3], $0x80, $0x38;
	v63 =	vld [tilespmem:$0x0]  }
0x2ce: {  	s17 =	sadd.s32 $0x6C60, s12;
	s18 =	simm.s32 $0x1DCF0  }
0x2cf: {  	[hbm4b:s17+s2] =	stream.linear.scatter [tilespmem:s18], [sflag:$0x3], $0x80, $0x38;
	v63 =	vld [tilespmem:$0x0]  }
0x2d0: {  	s14 =	sadd.s32 $0x6C70, s12;
	s15 =	simm.s32 $0x1DD78  }
0x2d1: {  	[hbm4b:s14+s2] =	stream.linear.scatter [tilespmem:s15], [sflag:$0x3], $0x80, $0x38;
	v63 =	vld [tilespmem:$0x0]  }
0x2d2: {  	s16 =	sadd.s32 $0x7000, s12  }
0x2d3: {  	[hbm4b:s16+s2] =	stream.linear.scatter [tilespmem:s29], [sflag:$0x3], $0x80, $0x38;
	v63 =	vld [tilespmem:$0x0]  }
0x2d4: {  	s17 =	sadd.s32 $0x7010, s12;
	s18 =	simm.s32 $0x1DE88  }
0x2d5: {  	[hbm4b:s17+s2] =	stream.linear.scatter [tilespmem:s18], [sflag:$0x3], $0x80, $0x38;
	v63 =	vld [tilespmem:$0x0]  }
0x2d6: {  	s3 =	sadd.s32 $0x7020, s12;
	s14 =	simm.s32 $0x1DF10  }
0x2d7: {  	[hbm4b:s3+s2] =	stream.linear.scatter [tilespmem:s14], [sflag:$0x3], $0x80, $0x38;
	v63 =	vld [tilespmem:$0x0]  }
0x2d8: {  	s15 =	sadd.s32 $0x7030, s12;
	s16 =	simm.s32 $0x1DF98  }
0x2d9: {  	[hbm4b:s15+s2] =	stream.linear.scatter [tilespmem:s16], [sflag:$0x3], $0x80, $0x38;
	v63 =	vld [tilespmem:$0x0]  }
0x2da: {  	s17 =	sadd.s32 $0x7040, s12;
	s18 =	simm.s32 $0x1E020  }
0x2db: {  	[hbm4b:s17+s2] =	stream.linear.scatter [tilespmem:s18], [sflag:$0x3], $0x80, $0x38;
	v63 =	vld [tilespmem:$0x0]  }
0x2dc: {  	s3 =	sadd.s32 $0x7050, s12;
	s14 =	simm.s32 $0x1E0A8  }
0x2dd: {  	[hbm4b:s3+s2] =	stream.linear.scatter [tilespmem:s14], [sflag:$0x3], $0x80, $0x38;
	v63 =	vld [tilespmem:$0x0]  }
0x2de: {  	s15 =	sadd.s32 $0x7060, s12;
	s16 =	simm.s32 $0x1E130  }
0x2df: {  	[hbm4b:s15+s2] =	stream.linear.scatter [tilespmem:s16], [sflag:$0x3], $0x80, $0x38;
	v63 =	vld [tilespmem:$0x0]  }
0x2e0: {  	s17 =	sadd.s32 $0x7070, s12;
	s18 =	simm.s32 $0x1E1B8  }
0x2e1: {  	[hbm4b:s17+s2] =	stream.linear.scatter [tilespmem:s18], [sflag:$0x3], $0x80, $0x38;
	v63 =	vld [tilespmem:$0x0]  }
0x2e2: {  	s3 =	sadd.s32 $0x7400, s12;
	s14 =	simm.s32 $0x1E240  }
0x2e3: {  	[hbm4b:s3+s2] =	stream.linear.scatter [tilespmem:s14], [sflag:$0x3], $0x80, $0x38;
	v63 =	vld [tilespmem:$0x0]  }
0x2e4: {  	s15 =	sadd.s32 $0x7410, s12;
	s16 =	simm.s32 $0x1E2C8  }
0x2e5: {  	[hbm4b:s15+s2] =	stream.linear.scatter [tilespmem:s16], [sflag:$0x3], $0x80, $0x38;
	v63 =	vld [tilespmem:$0x0]  }
0x2e6: {  	s17 =	sadd.s32 $0x7420, s12;
	s18 =	simm.s32 $0x1E350  }
0x2e7: {  	[hbm4b:s17+s2] =	stream.linear.scatter [tilespmem:s18], [sflag:$0x3], $0x80, $0x38;
	v63 =	vld [tilespmem:$0x0]  }
0x2e8: {  	s3 =	sadd.s32 $0x7430, s12;
	s14 =	simm.s32 $0x1E3D8  }
0x2e9: {  	[hbm4b:s3+s2] =	stream.linear.scatter [tilespmem:s14], [sflag:$0x3], $0x80, $0x38;
	v63 =	vld [tilespmem:$0x0]  }
0x2ea: {  	s15 =	sadd.s32 $0x7440, s12;
	s16 =	simm.s32 $0x1E460  }
0x2eb: {  	[hbm4b:s15+s2] =	stream.linear.scatter [tilespmem:s16], [sflag:$0x3], $0x80, $0x38;
	v63 =	vld [tilespmem:$0x0]  }
0x2ec: {  	s17 =	sadd.s32 $0x7450, s12;
	s18 =	simm.s32 $0x1E4E8  }
0x2ed: {  	[hbm4b:s17+s2] =	stream.linear.scatter [tilespmem:s18], [sflag:$0x3], $0x80, $0x38;
	v63 =	vld [tilespmem:$0x0]  }
0x2ee: {  	s3 =	sadd.s32 $0x7460, s12;
	s14 =	simm.s32 $0x1E570  }
0x2ef: {  	[hbm4b:s3+s2] =	stream.linear.scatter [tilespmem:s14], [sflag:$0x3], $0x80, $0x38;
	v63 =	vld [tilespmem:$0x0]  }
0x2f0: {  	s15 =	sadd.s32 $0x7470, s12;
	s16 =	simm.s32 $0x1E5F8  }
0x2f1: {  	[hbm4b:s15+s2] =	stream.linear.scatter [tilespmem:s16], [sflag:$0x3], $0x80, $0x38;
	v63 =	vld [tilespmem:$0x0]  }
0x2f2: {  	s17 =	sadd.s32 $0x7800, s12;
	s18 =	simm.s32 $0x1E680  }
0x2f3: {  	[hbm4b:s17+s2] =	stream.linear.scatter [tilespmem:s18], [sflag:$0x3], $0x80, $0x38;
	v63 =	vld [tilespmem:$0x0]  }
0x2f4: {  	s3 =	sadd.s32 $0x7810, s12;
	s14 =	simm.s32 $0x1E708  }
0x2f5: {  	[hbm4b:s3+s2] =	stream.linear.scatter [tilespmem:s14], [sflag:$0x3], $0x80, $0x38;
	v63 =	vld [tilespmem:$0x0]  }
0x2f6: {  	s15 =	sadd.s32 $0x7820, s12;
	s16 =	simm.s32 $0x1E790  }
0x2f7: {  	[hbm4b:s15+s2] =	stream.linear.scatter [tilespmem:s16], [sflag:$0x3], $0x80, $0x38;
	v63 =	vld [tilespmem:$0x0]  }
0x2f8: {  	s17 =	sadd.s32 $0x7830, s12;
	s18 =	simm.s32 $0x1E818  }
0x2f9: {  	[hbm4b:s17+s2] =	stream.linear.scatter [tilespmem:s18], [sflag:$0x3], $0x80, $0x38;
	v63 =	vld [tilespmem:$0x0]  }
0x2fa: {  	s3 =	sadd.s32 $0x7840, s12;
	s14 =	simm.s32 $0x1E8A0  }
0x2fb: {  	[hbm4b:s3+s2] =	stream.linear.scatter [tilespmem:s14], [sflag:$0x3], $0x80, $0x38;
	v63 =	vld [tilespmem:$0x0]  }
0x2fc: {  	s15 =	sadd.s32 $0x7850, s12;
	s16 =	simm.s32 $0x1E928  }
0x2fd: {  	[hbm4b:s15+s2] =	stream.linear.scatter [tilespmem:s16], [sflag:$0x3], $0x80, $0x38;
	v63 =	vld [tilespmem:$0x0]  }
0x2fe: {  	s17 =	sadd.s32 $0x7860, s12;
	s18 =	simm.s32 $0x1E9B0  }
0x2ff: {  	[hbm4b:s17+s2] =	stream.linear.scatter [tilespmem:s18], [sflag:$0x3], $0x80, $0x38;
	v63 =	vld [tilespmem:$0x0]  }
0x300: {  	s3 =	sadd.s32 $0x7870, s12;
	s14 =	simm.s32 $0x1EA38  }
0x301: {  	[hbm4b:s3+s2] =	stream.linear.scatter [tilespmem:s14], [sflag:$0x3], $0x80, $0x38;
	v63 =	vld [tilespmem:$0x0]  }
0x302: {  	s15 =	sadd.s32 $0x7C00, s12;
	s16 =	simm.s32 $0x1EAC0  }
0x303: {  	[hbm4b:s15+s2] =	stream.linear.scatter [tilespmem:s16], [sflag:$0x3], $0x80, $0x38;
	v63 =	vld [tilespmem:$0x0]  }
0x304: {  	s17 =	sadd.s32 $0x7C10, s12;
	s18 =	simm.s32 $0x1EB48  }
0x305: {  	[hbm4b:s17+s2] =	stream.linear.scatter [tilespmem:s18], [sflag:$0x3], $0x80, $0x38;
	v63 =	vld [tilespmem:$0x0]  }
0x306: {  	s3 =	sadd.s32 $0x7C20, s12;
	s14 =	simm.s32 $0x1EBD0  }
0x307: {  	[hbm4b:s3+s2] =	stream.linear.scatter [tilespmem:s14], [sflag:$0x3], $0x80, $0x38;
	v63 =	vld [tilespmem:$0x0]  }
0x308: {  	s15 =	sadd.s32 $0x7C30, s12;
	s16 =	simm.s32 $0x1EC58  }
0x309: {  	[hbm4b:s15+s2] =	stream.linear.scatter [tilespmem:s16], [sflag:$0x3], $0x80, $0x38;
	v63 =	vld [tilespmem:$0x0]  }
0x30a: {  	s17 =	sadd.s32 $0x7C40, s12;
	s18 =	simm.s32 $0x1ECE0  }
0x30b: {  	[hbm4b:s17+s2] =	stream.linear.scatter [tilespmem:s18], [sflag:$0x3], $0x80, $0x38;
	v63 =	vld [tilespmem:$0x0]  }
0x30c: {  	s3 =	sadd.s32 $0x7C50, s12;
	s14 =	simm.s32 $0x1ED68  }
0x30d: {  	[hbm4b:s3+s2] =	stream.linear.scatter [tilespmem:s14], [sflag:$0x3], $0x80, $0x38;
	v63 =	vld [tilespmem:$0x0]  }
0x30e: {  	s15 =	sadd.s32 $0x7C60, s12;
	s16 =	simm.s32 $0x1EDF0  }
0x30f: {  	[hbm4b:s15+s2] =	stream.linear.scatter [tilespmem:s16], [sflag:$0x3], $0x80, $0x38;
	v63 =	vld [tilespmem:$0x0]  }
0x310: {  	s17 =	sadd.s32 $0x7C70, s12;
	s18 =	simm.s32 $0x1EE78  }
0x311: {  	[hbm4b:s17+s2] =	stream.linear.scatter [tilespmem:s18], [sflag:$0x3], $0x80, $0x38;
	v63 =	vld [tilespmem:$0x0]  }
0x312: {  	s14 =	sadd.s32 $0x8000, s12  }
0x313: {  	[hbm4b:s14+s2] =	stream.linear.scatter [tilespmem:s30], [sflag:$0x3], $0x80, $0x38;
	v63 =	vld [tilespmem:$0x0]  }
0x314: {  	s15 =	sadd.s32 $0x8010, s12;
	s16 =	simm.s32 $0x1EF88  }
0x315: {  	[hbm4b:s15+s2] =	stream.linear.scatter [tilespmem:s16], [sflag:$0x3], $0x80, $0x38;
	v63 =	vld [tilespmem:$0x0]  }
0x316: {  	s17 =	sadd.s32 $0x8020, s12;
	s18 =	simm.s32 $0x1F010  }
0x317: {  	[hbm4b:s17+s2] =	stream.linear.scatter [tilespmem:s18], [sflag:$0x3], $0x80, $0x38;
	v63 =	vld [tilespmem:$0x0]  }
0x318: {  	s3 =	sadd.s32 $0x8030, s12;
	s14 =	simm.s32 $0x1F098  }
0x319: {  	[hbm4b:s3+s2] =	stream.linear.scatter [tilespmem:s14], [sflag:$0x3], $0x80, $0x38;
	v63 =	vld [tilespmem:$0x0]  }
0x31a: {  	s15 =	sadd.s32 $0x8040, s12;
	s16 =	simm.s32 $0x1F120  }
0x31b: {  	[hbm4b:s15+s2] =	stream.linear.scatter [tilespmem:s16], [sflag:$0x3], $0x80, $0x38;
	v63 =	vld [tilespmem:$0x0]  }
0x31c: {  	s17 =	sadd.s32 $0x8050, s12;
	s18 =	simm.s32 $0x1F1A8  }
0x31d: {  	[hbm4b:s17+s2] =	stream.linear.scatter [tilespmem:s18], [sflag:$0x3], $0x80, $0x38;
	v63 =	vld [tilespmem:$0x0]  }
0x31e: {  	s3 =	sadd.s32 $0x8060, s12;
	s14 =	simm.s32 $0x1F230  }
0x31f: {  	[hbm4b:s3+s2] =	stream.linear.scatter [tilespmem:s14], [sflag:$0x3], $0x80, $0x38;
	v63 =	vld [tilespmem:$0x0]  }
0x320: {  	s15 =	sadd.s32 $0x8070, s12;
	s16 =	simm.s32 $0x1F2B8  }
0x321: {  	[hbm4b:s15+s2] =	stream.linear.scatter [tilespmem:s16], [sflag:$0x3], $0x80, $0x38;
	v63 =	vld [tilespmem:$0x0]  }
0x322: {  	s17 =	sadd.s32 $0x8400, s12;
	s18 =	simm.s32 $0x1F340  }
0x323: {  	[hbm4b:s17+s2] =	stream.linear.scatter [tilespmem:s18], [sflag:$0x3], $0x80, $0x38;
	v63 =	vld [tilespmem:$0x0]  }
0x324: {  	s3 =	sadd.s32 $0x8410, s12;
	s14 =	simm.s32 $0x1F3C8  }
0x325: {  	[hbm4b:s3+s2] =	stream.linear.scatter [tilespmem:s14], [sflag:$0x3], $0x80, $0x38;
	v63 =	vld [tilespmem:$0x0]  }
0x326: {  	s15 =	sadd.s32 $0x8420, s12;
	s16 =	simm.s32 $0x1F450  }
0x327: {  	[hbm4b:s15+s2] =	stream.linear.scatter [tilespmem:s16], [sflag:$0x3], $0x80, $0x38;
	v63 =	vld [tilespmem:$0x0]  }
0x328: {  	s17 =	sadd.s32 $0x8430, s12;
	s18 =	simm.s32 $0x1F4D8  }
0x329: {  	[hbm4b:s17+s2] =	stream.linear.scatter [tilespmem:s18], [sflag:$0x3], $0x80, $0x38;
	v63 =	vld [tilespmem:$0x0]  }
0x32a: {  	s3 =	sadd.s32 $0x8440, s12;
	s14 =	simm.s32 $0x1F560  }
0x32b: {  	[hbm4b:s3+s2] =	stream.linear.scatter [tilespmem:s14], [sflag:$0x3], $0x80, $0x38;
	v63 =	vld [tilespmem:$0x0]  }
0x32c: {  	s15 =	sadd.s32 $0x8450, s12;
	s16 =	simm.s32 $0x1F5E8  }
0x32d: {  	[hbm4b:s15+s2] =	stream.linear.scatter [tilespmem:s16], [sflag:$0x3], $0x80, $0x38;
	v63 =	vld [tilespmem:$0x0]  }
0x32e: {  	s17 =	sadd.s32 $0x8460, s12;
	s18 =	simm.s32 $0x1F670  }
0x32f: {  	[hbm4b:s17+s2] =	stream.linear.scatter [tilespmem:s18], [sflag:$0x3], $0x80, $0x38;
	v63 =	vld [tilespmem:$0x0]  }
0x330: {  	s3 =	sadd.s32 $0x8470, s12;
	s14 =	simm.s32 $0x1F6F8  }
0x331: {  	[hbm4b:s3+s2] =	stream.linear.scatter [tilespmem:s14], [sflag:$0x3], $0x80, $0x38;
	v63 =	vld [tilespmem:$0x0]  }
0x332: {  	s15 =	sadd.s32 $0x8800, s12;
	s16 =	simm.s32 $0x1F780  }
0x333: {  	[hbm4b:s15+s2] =	stream.linear.scatter [tilespmem:s16], [sflag:$0x3], $0x80, $0x38;
	v63 =	vld [tilespmem:$0x0]  }
0x334: {  	s17 =	sadd.s32 $0x8810, s12;
	s18 =	simm.s32 $0x1F808  }
0x335: {  	[hbm4b:s17+s2] =	stream.linear.scatter [tilespmem:s18], [sflag:$0x3], $0x80, $0x38;
	v63 =	vld [tilespmem:$0x0]  }
0x336: {  	s3 =	sadd.s32 $0x8820, s12;
	s14 =	simm.s32 $0x1F890  }
0x337: {  	[hbm4b:s3+s2] =	stream.linear.scatter [tilespmem:s14], [sflag:$0x3], $0x80, $0x38;
	v63 =	vld [tilespmem:$0x0]  }
0x338: {  	s15 =	sadd.s32 $0x8830, s12;
	s16 =	simm.s32 $0x1F918  }
0x339: {  	[hbm4b:s15+s2] =	stream.linear.scatter [tilespmem:s16], [sflag:$0x3], $0x80, $0x38;
	v63 =	vld [tilespmem:$0x0]  }
0x33a: {  	s17 =	sadd.s32 $0x8840, s12;
	s18 =	simm.s32 $0x1F9A0  }
0x33b: {  	[hbm4b:s17+s2] =	stream.linear.scatter [tilespmem:s18], [sflag:$0x3], $0x80, $0x38;
	v63 =	vld [tilespmem:$0x0]  }
0x33c: {  	s3 =	sadd.s32 $0x8850, s12;
	s14 =	simm.s32 $0x1FA28  }
0x33d: {  	[hbm4b:s3+s2] =	stream.linear.scatter [tilespmem:s14], [sflag:$0x3], $0x80, $0x38;
	v63 =	vld [tilespmem:$0x0]  }
0x33e: {  	s15 =	sadd.s32 $0x8860, s12;
	s16 =	simm.s32 $0x1FAB0  }
0x33f: {  	[hbm4b:s15+s2] =	stream.linear.scatter [tilespmem:s16], [sflag:$0x3], $0x80, $0x38;
	v63 =	vld [tilespmem:$0x0]  }
0x340: {  	s17 =	sadd.s32 $0x8870, s12;
	s18 =	simm.s32 $0x1FB38  }
0x341: {  	[hbm4b:s17+s2] =	stream.linear.scatter [tilespmem:s18], [sflag:$0x3], $0x80, $0x38;
	v63 =	vld [tilespmem:$0x0]  }
0x342: {  	s3 =	sadd.s32 $0x8C00, s12;
	s14 =	simm.s32 $0x1FBC0  }
0x343: {  	[hbm4b:s3+s2] =	stream.linear.scatter [tilespmem:s14], [sflag:$0x3], $0x80, $0x38;
	v63 =	vld [tilespmem:$0x0]  }
0x344: {  	s15 =	sadd.s32 $0x8C10, s12;
	s16 =	simm.s32 $0x1FC48  }
0x345: {  	[hbm4b:s15+s2] =	stream.linear.scatter [tilespmem:s16], [sflag:$0x3], $0x80, $0x38;
	v63 =	vld [tilespmem:$0x0]  }
0x346: {  	s17 =	sadd.s32 $0x8C20, s12;
	s18 =	simm.s32 $0x1FCD0  }
0x347: {  	[hbm4b:s17+s2] =	stream.linear.scatter [tilespmem:s18], [sflag:$0x3], $0x80, $0x38;
	v63 =	vld [tilespmem:$0x0]  }
0x348: {  	s3 =	sadd.s32 $0x8C30, s12;
	s14 =	simm.s32 $0x1FD58  }
0x349: {  	[hbm4b:s3+s2] =	stream.linear.scatter [tilespmem:s14], [sflag:$0x3], $0x80, $0x38;
	v63 =	vld [tilespmem:$0x0]  }
0x34a: {  	s15 =	sadd.s32 $0x8C40, s12;
	s16 =	simm.s32 $0x1FDE0  }
0x34b: {  	[hbm4b:s15+s2] =	stream.linear.scatter [tilespmem:s16], [sflag:$0x3], $0x80, $0x38;
	v63 =	vld [tilespmem:$0x0]  }
0x34c: {  	s17 =	sadd.s32 $0x8C50, s12;
	s18 =	simm.s32 $0x1FE68  }
0x34d: {  	[hbm4b:s17+s2] =	stream.linear.scatter [tilespmem:s18], [sflag:$0x3], $0x80, $0x38;
	v63 =	vld [tilespmem:$0x0]  }
0x34e: {  	s14 =	sadd.s32 $0x8C60, s12;
	s15 =	simm.s32 $0x1FEF0  }
0x34f: {  	[hbm4b:s14+s2] =	stream.linear.scatter [tilespmem:s15], [sflag:$0x3], $0x80, $0x38;
	v63 =	vld [tilespmem:$0x0]  }
0x350: {  	s16 =	sadd.s32 $0x8C70, s12;
	s17 =	simm.s32 $0x1FF78;
	s18 =	simm.s32 $0x2  }
0x351: {  	[hbm4b:s16+s2] =	stream.linear.scatter [tilespmem:s17], [sflag:$0x3], $0x80, $0x38;
	v63 =	vld [tilespmem:$0x0]  }
0x352: {  	_ =	swait.ge [sflag:s18], $0x4000  }
0x353: {  	[sflag:s18] =	ssyncset.done $0x0  }
0x354: {  	[sflag:s18] =	ssyncadd.s32 $0xFFFFC000  }
0x355: {  	_ =	swait.ge [sflag:s18], $0x2000  }
0x356: {  	[sflag:s18] =	ssyncset.done $0x0  }
0x357: {  	[sflag:s18] =	ssyncadd.s32 $0xFFFFE000  }
0x358: {  	_ =	swait.ge [sflag:s18], $0x1000  }
0x359: {  	[sflag:s18] =	ssyncset.done $0x0  }
0x35a: {  	[sflag:s18] =	ssyncadd.s32 $0xFFFFF000  }
0x35b: {  	_ =	swait.ge [sflag:s18], $0x1000  }
0x35c: {  	[sflag:s18] =	ssyncset.done $0x0  }
0x35d: {  	[sflag:s18] =	ssyncadd.s32 $0xFFFFF000  }
0x35e: {  	_ =	swait.ge [sflag:s18], $0x1000  }
0x35f: {  	[sflag:s18] =	ssyncset.done $0x0  }
0x360: {  	[sflag:s18] =	ssyncadd.s32 $0xFFFFF000  }
0x361: {  	p0 =	seq.s32 s8, $0x18;
	_ =	swait.ge [sflag:s18], $0x1000  }
.Ltmp9:
0x362: {  	[sflag:s18] =	ssyncset.done $0x0;
	(pc) =	sbr.rel @p0 .LBB2_22-.Ltmp9, $4  }
0x363: {  	[sflag:s18] =	ssyncadd.s32 $0xFFFFF000  }
0x364: {  	_ =	swait.ge [sflag:s18], $0x1000  }
0x365: {  	[sflag:s18] =	ssyncset.done $0x0  }
0x366: {  	[sflag:s18] =	ssyncadd.s32 $0xFFFFF000  }
0x367: {  	s3 =	rddreg [dreg:$0x1e]  }
0x368: {  	s12 =	sadd.s32 s11, s3  }
0x369: {  	s3 =	rddreg [dreg:$0x8];
	s12 =	sshll.u32 s12, $0xA  }
0x36a: {  	s12 =	sor.u32 s3, s12  }
0x36b: {  	s14 =	rddreg [dreg:$0x3];
	s12 =	sshrl.u32 s12, $0x3  }
0x36c: {  	s25 =	simm.s32 $0x4;
	s13 =	sadd.s32 s14, s12  }
0x36d: {  	[tilespmem:s2], [sflag:$0x4] =	stream.linear.gather [hbm4b:s13+s2], $0x80, $0x38;
	v63 =	vld [tilespmem:$0x0]  }
0x36e: {  	_ =	swait.ge [sflag:s25], $0x80  }
0x36f: {  	[sflag:s25] =	ssyncset.done $0x0;
	s15 =	rddreg [dreg:$0x4]  }
0x370: {  	[sflag:s25] =	ssyncadd.s32 $0xFFFFFF80;
	s26 =	sadd.s32 s15, s12  }
0x371: {  	[tilespmem:s21], [sflag:$0x4] =	stream.linear.gather [hbm4b:s26+s2], $0x80, $0x38;
	v63 =	vld [tilespmem:$0x0]  }
0x372: {  	_ =	swait.ge [sflag:s25], $0x80  }
0x373: {  	[sflag:s25] =	ssyncset.done $0x0;
	s16 =	rddreg [dreg:$0x5]  }
0x374: {  	s21 =	simm.s32 $0x100;
	[sflag:s25] =	ssyncadd.s32 $0xFFFFFF80;
	s0 =	sadd.s32 s16, s12  }
0x375: {  	[tilespmem:s21], [sflag:$0x4] =	stream.linear.gather [hbm4b:s0+s2], $0x80, $0x38;
	v63 =	vld [tilespmem:$0x0]  }
0x376: {  	_ =	swait.ge [sflag:s25], $0x80  }
0x377: {  	[sflag:s25] =	ssyncset.done $0x0;
	s17 =	rddreg [dreg:$0x6]  }
0x378: {  	s19 =	simm.s32 $0x180;
	[sflag:s25] =	ssyncadd.s32 $0xFFFFFF80;
	s1 =	sadd.s32 s17, s12  }
0x379: {  	[tilespmem:s19], [sflag:$0x4] =	stream.linear.gather [hbm4b:s1+s2], $0x80, $0x38;
	v63 =	vld [tilespmem:$0x0]  }
0x37a: {  	_ =	swait.ge [sflag:s25], $0x80  }
0x37b: {  	[sflag:s25] =	ssyncset.done $0x0;
	s18 =	rddreg [dreg:$0x7]  }
0x37c: {  	s0 =	simm.s32 $0x200;
	[sflag:s25] =	ssyncadd.s32 $0xFFFFFF80;
	s8 =	sadd.s32 s18, s12  }
0x37d: {  	[tilespmem:s0], [sflag:$0x4] =	stream.linear.gather [hbm4b:s8+s2], $0x80, $0x38;
	v63 =	vld [tilespmem:$0x0]  }
0x37e: {  	_ =	swait.ge [sflag:s25], $0x80  }
0x37f: {  	s8 =	smov.u32 s4;
	[sflag:s25] =	ssyncset.done $0x0;
	s4 =	rddreg [dreg:$0xa]  }
0x380: {  	s1 =	simm.s32 $0x280;
	[sflag:s25] =	ssyncadd.s32 $0xFFFFFF80;
	s26 =	sadd.s32 s4, s12  }
0x381: {  	[tilespmem:s1], [sflag:$0x4] =	stream.linear.gather [hbm4b:s26+s2], $0x80, $0x38;
	v63 =	vld [tilespmem:$0x0]  }
0x382: {  	s28 =	smov.u32 s6;
	_ =	swait.ge [sflag:s25], $0x80  }
0x383: {  	s6 =	smov.u32 s5;
	[sflag:s25] =	ssyncset.done $0x0;
	s5 =	rddreg [dreg:$0xc]  }
0x384: {  	s13 =	simm.s32 $0x300;
	[sflag:s25] =	ssyncadd.s32 $0xFFFFFF80;
	s12 =	sadd.s32 s5, s12  }
0x385: {  	[tilespmem:s13], [sflag:$0x4] =	stream.linear.gather [hbm4b:s12+s2], $0x80, $0x38;
	v63 =	vld [tilespmem:$0x0]  }
0x386: {  	_ =	swait.ge [sflag:s25], $0x80  }
0x387: {  	s31 =	smov.u32 s11;
	s11 =	simm.s32 $0x80;
	[sflag:s25] =	ssyncset.done $0x0  }
0x388: {  	s26 =	simm.s32 $0x700;
	s12 =	rddreg [dreg:$0x9];
	[sflag:s25] =	ssyncadd.s32 $0xFFFFFF80  }
0x389: {  	[tilespmem:s26], [sflag:$0x1] =	stream.indirect.gather [hbm4b:s12+s11], $0x80, s2, s11, $0xb8;
	v63 =	vld [tilespmem:$0x0]  }
0x38a: {  	s12 =	rddreg [dreg:$0xb];
	s26 =	simm.s32 $0x4700  }
0x38b: {  	[tilespmem:s26], [sflag:$0x1] =	stream.indirect.gather [hbm4b:s12+s11], $0x40, s11, s11, $0xb8;
	v63 =	vld [tilespmem:$0x0]  }
0x38c: {  	s12 =	rddreg [dreg:$0xd];
	s26 =	simm.s32 $0x6700  }
0x38d: {  	[tilespmem:s26], [sflag:$0x1] =	stream.indirect.gather [hbm4b:s12+s11], $0x20, s21, s11, $0xb8;
	v63 =	vld [tilespmem:$0x0]  }
0x38e: {  	s21 =	simm.s32 $0x80;
	s12 =	rddreg [dreg:$0xe];
	s11 =	simm.s32 $0x7700  }
0x38f: {  	[tilespmem:s11], [sflag:$0x1] =	stream.indirect.gather [hbm4b:s12+s21], $0x20, s19, s21, $0xb8;
	v63 =	vld [tilespmem:$0x0]  }
0x390: {  	s12 =	sld [smem:$0x7FD];
	_ =	sdelay $0x1  }
0x391: {  	s11 =	simm.s32 $0x8700  }
0x392: {  	[tilespmem:s11], [sflag:$0x1] =	stream.indirect.gather [hbm4b:s12+s21], $0x20, s0, s21, $0xb8;
	v63 =	vld [tilespmem:$0x0]  }
0x393: {  	s12 =	simm.s32 $0x9700  }
0x394: {  	[tilespmem:s12], [sflag:$0x1] =	stream.indirect.gather [hbm4b:s9+s21], $0x20, s1, s21, $0xb8;
	v63 =	vld [tilespmem:$0x0]  }
0x395: {  	s12 =	simm.s32 $0xA700  }
0x396: {  	[tilespmem:s12], [sflag:$0x1] =	stream.indirect.gather [hbm4b:s10+s21], $0x20, s13, s21, $0xb8;
	v63 =	vld [tilespmem:$0x0]  }
0x397: {  	s11 =	smov.u32 s31;
	s13 =	rddreg [dreg:$0x1f]  }
0x398: {  	s12 =	sadd.s32 s11, s13  }
0x399: {  	s12 =	sshll.u32 s12, $0xA  }
0x39a: {  	s12 =	sor.u32 s3, s12  }
0x39b: {  	s12 =	sshrl.u32 s12, $0x3  }
0x39c: {  	s19 =	simm.s32 $0x380;
	s14 =	sadd.s32 s14, s12  }
0x39d: {  	[tilespmem:s19], [sflag:$0x4] =	stream.linear.gather [hbm4b:s14+s2], $0x80, $0x38;
	v63 =	vld [tilespmem:$0x0]  }
0x39e: {  	_ =	swait.ge [sflag:s25], $0x80  }
0x39f: {  	[sflag:s25] =	ssyncset.done $0x0  }
0x3a0: {  	s26 =	simm.s32 $0x400;
	s15 =	sadd.s32 s15, s12;
	[sflag:s25] =	ssyncadd.s32 $0xFFFFFF80  }
0x3a1: {  	[tilespmem:s26], [sflag:$0x4] =	stream.linear.gather [hbm4b:s15+s2], $0x80, $0x38;
	v63 =	vld [tilespmem:$0x0]  }
0x3a2: {  	_ =	swait.ge [sflag:s25], $0x80  }
0x3a3: {  	[sflag:s25] =	ssyncset.done $0x0  }
0x3a4: {  	s0 =	simm.s32 $0x480;
	s3 =	sadd.s32 s16, s12;
	[sflag:s25] =	ssyncadd.s32 $0xFFFFFF80  }
0x3a5: {  	[tilespmem:s0], [sflag:$0x4] =	stream.linear.gather [hbm4b:s3+s2], $0x80, $0x38;
	v63 =	vld [tilespmem:$0x0]  }
0x3a6: {  	_ =	swait.ge [sflag:s25], $0x80  }
0x3a7: {  	[sflag:s25] =	ssyncset.done $0x0  }
0x3a8: {  	s1 =	simm.s32 $0x500;
	s14 =	sadd.s32 s17, s12;
	[sflag:s25] =	ssyncadd.s32 $0xFFFFFF80  }
0x3a9: {  	[tilespmem:s1], [sflag:$0x4] =	stream.linear.gather [hbm4b:s14+s2], $0x80, $0x38;
	v63 =	vld [tilespmem:$0x0]  }
0x3aa: {  	_ =	swait.ge [sflag:s25], $0x80  }
0x3ab: {  	[sflag:s25] =	ssyncset.done $0x0  }
0x3ac: {  	s16 =	simm.s32 $0x580;
	s15 =	sadd.s32 s18, s12;
	[sflag:s25] =	ssyncadd.s32 $0xFFFFFF80  }
0x3ad: {  	[tilespmem:s16], [sflag:$0x4] =	stream.linear.gather [hbm4b:s15+s2], $0x80, $0x38;
	v63 =	vld [tilespmem:$0x0]  }
0x3ae: {  	_ =	swait.ge [sflag:s25], $0x80  }
0x3af: {  	[sflag:s25] =	ssyncset.done $0x0  }
0x3b0: {  	s17 =	sadd.s32 s4, s12;
	s18 =	simm.s32 $0x600;
	[sflag:s25] =	ssyncadd.s32 $0xFFFFFF80  }
0x3b1: {  	[tilespmem:s18], [sflag:$0x4] =	stream.linear.gather [hbm4b:s17+s2], $0x80, $0x38;
	v63 =	vld [tilespmem:$0x0]  }
0x3b2: {  	s4 =	smov.u32 s8;
	s8 =	sld [smem:$0x7FB];
	_ =	swait.ge [sflag:s25], $0x80  }
0x3b3: {  	s12 =	sadd.s32 s5, s12;
	s5 =	smov.u32 s6;
	[sflag:s25] =	ssyncset.done $0x0  }
0x3b4: {  	s6 =	smov.u32 s28;
	s28 =	simm.s32 $0x680;
	[sflag:s25] =	ssyncadd.s32 $0xFFFFFF80  }
0x3b5: {  	[tilespmem:s28], [sflag:$0x4] =	stream.linear.gather [hbm4b:s12+s2], $0x80, $0x38;
	v63 =	vld [tilespmem:$0x0]  }
0x3b6: {  	_ =	swait.ge [sflag:s25], $0x80  }
0x3b7: {  	[sflag:s25] =	ssyncset.done $0x0  }
0x3b8: {  	s31 =	simm.s32 $0x3;
	[sflag:s25] =	ssyncadd.s32 $0xFFFFFF80;
	s25 =	simm.s32 $0x1  }
.LBB2_22:
0x3b9: {  	_ =	swait.ge [sflag:s31], $0x2000  }
0x3ba: {  	[sflag:s31] =	ssyncset.done $0x0  }
0x3bb: {  	[sflag:s31] =	ssyncadd.s32 $0xFFFFE000  }
0x3bc: {  	_ =	swait.ge [sflag:s31], $0x2000  }
0x3bd: {  	[sflag:s31] =	ssyncset.done $0x0  }
0x3be: {  	[sflag:s31] =	ssyncadd.s32 $0xFFFFE000  }
0x3bf: {  	_ =	swait.ge [sflag:s31], $0x1000  }
0x3c0: {  	[sflag:s31] =	ssyncset.done $0x0  }
0x3c1: {  	[sflag:s31] =	ssyncadd.s32 $0xFFFFF000  }
0x3c2: {  	_ =	swait.ge [sflag:s31], $0x1000  }
0x3c3: {  	[sflag:s31] =	ssyncset.done $0x0  }
0x3c4: {  	[sflag:s31] =	ssyncadd.s32 $0xFFFFF000  }
0x3c5: {  	_ =	swait.ge [sflag:s31], $0x1000  }
0x3c6: {  	[sflag:s31] =	ssyncset.done $0x0  }
0x3c7: {  	[sflag:s31] =	ssyncadd.s32 $0xFFFFF000  }
0x3c8: {  	_ =	swait.ge [sflag:s31], $0x1000  }
0x3c9: {  	[sflag:s31] =	ssyncset.done $0x0  }
0x3ca: {  	[sflag:s31] =	ssyncadd.s32 $0xFFFFF000  }
0x3cb: {  	v4 =	vimm.s32 $0x0;
	_ =	swait.ge [sflag:s31], $0x1000  }
0x3cc: {  	v5 =	vand.u32 $0xFFFFFFF8, v4;
	[sflag:s31] =	ssyncset.done $0x0  }
0x3cd: {  	s12 =	simm.s32 $0x0;
	v6 =	vand.u32 $0x6, v4;
	v11 =	vadd.s32 v0, v5;
	[sflag:s31] =	ssyncadd.s32 $0xFFFFF000  }
0x3ce: {  	v7 =	vor.u32 v6, v11;
	v8 =	vld [tilespmem:s12+$0xB700];
	_ =	sdelay $0x4  }
0x3cf: {  	v12 =	vadd.s32 v1, v5;
	[tilespmem:v7+s7+$0x0] =	vst.idx.msk $0xffff, v8  }
0x3d0: {  	v8 =	vor.u32 v6, v12;
	v9 =	vld [tilespmem:s12+$0xB710];
	_ =	sdelay $0x4  }
0x3d1: {  	v13 =	vadd.s32 v2, v5;
	[tilespmem:v8+s7+$0x0] =	vst.idx.msk $0xffff, v9  }
0x3d2: {  	v9 =	vor.u32 v6, v13;
	v10 =	vld [tilespmem:s12+$0xB720];
	_ =	sdelay $0x4  }
0x3d3: {  	v5 =	vadd.s32 v3, v5;
	[tilespmem:v9+s7+$0x0] =	vst.idx.msk $0xffff, v10  }
0x3d4: {  	v10 =	vor.u32 v6, v5;
	v14 =	vld [tilespmem:s12+$0xB730];
	_ =	sdelay $0x4  }
0x3d5: {  	v6 =	vor.u32 $0x1, v6;
	[tilespmem:v10+s7+$0x0] =	vst.idx.msk $0xffff, v14  }
0x3d6: {  	v11 =	vor.u32 v6, v11;
	v14 =	vld [tilespmem:s12+$0xB780];
	_ =	sdelay $0x4  }
0x3d7: {  	[tilespmem:v11+s7+$0x0] =	vst.idx.msk $0xffff, v14  }
0x3d8: {  	v12 =	vor.u32 v6, v12;
	v14 =	vld [tilespmem:s12+$0xB790];
	_ =	sdelay $0x4  }
0x3d9: {  	[tilespmem:v12+s7+$0x0] =	vst.idx.msk $0xffff, v14  }
0x3da: {  	v13 =	vor.u32 v6, v13;
	v14 =	vld [tilespmem:s12+$0xB7A0];
	_ =	sdelay $0x4  }
0x3db: {  	[tilespmem:v13+s7+$0x0] =	vst.idx.msk $0xffff, v14  }
0x3dc: {  	v17 =	vor.u32 v6, v5;
	v16 =	vld [tilespmem:s12+$0xB7B0];
	_ =	sdelay $0x2  }
0x3dd: {  	v14 =	vadd.s32 $0x2, v4  }
0x3de: {  	s13 =	simm.s32 $0x400;
	s16 =	simm.s32 $0x800;
	v15 =	vand.u32 $0xFFFFFFF8, v14  }
.LBB2_23:
0x3df: {  	p0 =	sne.s32 s16, $0xFC00;
	s14 =	sshra.s32 s13, $0x2;
	v18 =	vand.u32 $0x6, v14;
	v19 =	vadd.s32 v0, v15;
	[tilespmem:v17+s7+$0x0] =	vst.idx.msk $0xffff, v16;
	s13 =	smov.u32 s16  }
0x3e0: {  	v16 =	vld [tilespmem:s14+$0xB700];
	v17 =	vor.u32 v18, v19;
	_ =	sdelay $0x4  }
0x3e1: {  	[tilespmem:v17+s7+$0x0] =	vst.idx.msk $0xffff, v16;
	v16 =	vadd.s32 v1, v15  }
0x3e2: {  	v17 =	vld [tilespmem:s14+$0xB710];
	v20 =	vor.u32 v18, v16;
	_ =	sdelay $0x4  }
0x3e3: {  	[tilespmem:v20+s7+$0x0] =	vst.idx.msk $0xffff, v17;
	v17 =	vadd.s32 v2, v15  }
0x3e4: {  	v20 =	vld [tilespmem:s14+$0xB720];
	v21 =	vor.u32 v18, v17;
	_ =	sdelay $0x4  }
0x3e5: {  	v15 =	vadd.s32 v3, v15;
	[tilespmem:v21+s7+$0x0] =	vst.idx.msk $0xffff, v20  }
0x3e6: {  	v21 =	vor.u32 v18, v15;
	v20 =	vld [tilespmem:s14+$0xB730];
	_ =	sdelay $0x4  }
0x3e7: {  	v18 =	vor.u32 $0x1, v18;
	[tilespmem:v21+s7+$0x0] =	vst.idx.msk $0xffff, v20  }
0x3e8: {  	v19 =	vor.u32 v18, v19;
	v20 =	vld [tilespmem:s14+$0xB780];
	_ =	sdelay $0x4  }
0x3e9: {  	[tilespmem:v19+s7+$0x0] =	vst.idx.msk $0xffff, v20  }
0x3ea: {  	v16 =	vor.u32 v18, v16;
	v19 =	vld [tilespmem:s14+$0xB790];
	_ =	sdelay $0x4  }
0x3eb: {  	[tilespmem:v16+s7+$0x0] =	vst.idx.msk $0xffff, v19  }
0x3ec: {  	v17 =	vor.u32 v18, v17;
	v16 =	vld [tilespmem:s14+$0xB7A0];
	_ =	sdelay $0x4  }
0x3ed: {  	[tilespmem:v17+s7+$0x0] =	vst.idx.msk $0xffff, v16  }
.Ltmp10:
0x3ee: {  	v17 =	vor.u32 v18, v15;
	v16 =	vld [tilespmem:s14+$0xB7B0];
	(pc) =	sbr.rel @p0 .LBB2_23-.Ltmp10, $3  }
0x3ef: {  	_ =	sdelay $0x1  }
0x3f0: {  	v14 =	vadd.s32 $0x2, v14  }
0x3f1: {  	s16 =	sadd.s32 $0x400, s16;
	v15 =	vand.u32 $0xFFFFFFF8, v14  }
0x3f2: {  	_ =	sdelay $0x3  }
0x3f3: {  	s13 =	sshra.s32 s13, $0x2;
	v14 =	vand.u32 $0x6, v14;
	v18 =	vadd.s32 v0, v15;
	[tilespmem:v17+s7+$0x0] =	vst.idx.msk $0xffff, v16  }
0x3f4: {  	v16 =	vld [tilespmem:s13+$0xB700];
	v58 =	vor.u32 v14, v18;
	_ =	sdelay $0x4  }
0x3f5: {  	v59 =	vadd.s32 v1, v15;
	[tilespmem:v58+s7+$0x0] =	vst.idx.msk $0xffff, v16  }
0x3f6: {  	v19 =	vor.u32 v14, v59;
	v17 =	vld [tilespmem:s13+$0xB710];
	_ =	sdelay $0x4  }
0x3f7: {  	v60 =	vadd.s32 v2, v15;
	[tilespmem:v19+s7+$0x0] =	vst.idx.msk $0xffff, v17  }
0x3f8: {  	v20 =	vor.u32 v14, v60;
	v19 =	vld [tilespmem:s13+$0xB720];
	_ =	sdelay $0x4  }
0x3f9: {  	v61 =	vadd.s32 v3, v15;
	[tilespmem:v20+s7+$0x0] =	vst.idx.msk $0xffff, v19  }
0x3fa: {  	v62 =	vor.u32 v14, v61;
	v19 =	vld [tilespmem:s13+$0xB730];
	_ =	sdelay $0x4  }
0x3fb: {  	v14 =	vor.u32 $0x1, v14;
	[tilespmem:v62+s7+$0x0] =	vst.idx.msk $0xffff, v19  }
0x3fc: {  	v18 =	vor.u32 v14, v18;
	v19 =	vld [tilespmem:s13+$0xB780];
	_ =	sdelay $0x4  }
0x3fd: {  	[tilespmem:v18+s7+$0x0] =	vst.idx.msk $0xffff, v19  }
0x3fe: {  	v16 =	vor.u32 v14, v59;
	v18 =	vld [tilespmem:s13+$0xB790];
	_ =	sdelay $0x4  }
0x3ff: {  	[tilespmem:v16+s7+$0x0] =	vst.idx.msk $0xffff, v18  }
0x400: {  	v17 =	vor.u32 v14, v60;
	v16 =	vld [tilespmem:s13+$0xB7A0];
	_ =	sdelay $0x4  }
0x401: {  	[tilespmem:v17+s7+$0x0] =	vst.idx.msk $0xffff, v16  }
0x402: {  	v14 =	vor.u32 v14, v61;
	v16 =	vld [tilespmem:s13+$0xB7B0];
	_ =	sdelay $0x4  }
0x403: {  	[tilespmem:v14+s7+$0x0] =	vst.idx.msk $0xffff, v16  }
0x404: {  	v14 =	vld [tilespmem:s12+$0xF700];
	_ =	sdelay $0x4  }
0x405: {  	[tilespmem:v7+s22+$0x0] =	vst.idx.msk $0xffff, v14  }
0x406: {  	v7 =	vld [tilespmem:s12+$0xF710];
	_ =	sdelay $0x4  }
0x407: {  	[tilespmem:v8+s22+$0x0] =	vst.idx.msk $0xffff, v7  }
0x408: {  	v7 =	vld [tilespmem:s12+$0xF720];
	_ =	sdelay $0x4  }
0x409: {  	[tilespmem:v9+s22+$0x0] =	vst.idx.msk $0xffff, v7  }
0x40a: {  	v7 =	vld [tilespmem:s12+$0xF730];
	_ =	sdelay $0x4  }
0x40b: {  	[tilespmem:v10+s22+$0x0] =	vst.idx.msk $0xffff, v7  }
0x40c: {  	v7 =	vld [tilespmem:s12+$0xF740];
	_ =	sdelay $0x4  }
0x40d: {  	[tilespmem:v11+s22+$0x0] =	vst.idx.msk $0xffff, v7  }
0x40e: {  	v7 =	vld [tilespmem:s12+$0xF750];
	_ =	sdelay $0x4  }
0x40f: {  	[tilespmem:v12+s22+$0x0] =	vst.idx.msk $0xffff, v7  }
0x410: {  	v7 =	vld [tilespmem:s12+$0xF760];
	_ =	sdelay $0x4  }
0x411: {  	[tilespmem:v13+s22+$0x0] =	vst.idx.msk $0xffff, v7  }
0x412: {  	v6 =	vor.u32 v6, v5;
	v7 =	vld [tilespmem:s12+$0xF770];
	_ =	sdelay $0x2  }
0x413: {  	v4 =	vadd.s32 $0x2, v4  }
0x414: {  	s18 =	rddreg [dreg:$0x1];
	v5 =	vand.u32 $0xFFFFFFF8, v4;
	s13 =	simm.s32 $0x200;
	s12 =	simm.s32 $0x400  }
.LBB2_25:
0x415: {  	p0 =	sne.s32 s12, $0x7E00;
	s14 =	sshra.s32 s13, $0x2;
	v8 =	vand.u32 $0x6, v4;
	v9 =	vadd.s32 v0, v5;
	[tilespmem:v6+s22+$0x0] =	vst.idx.msk $0xffff, v7  }
0x416: {  	s13 =	smov.u32 s12;
	v6 =	vld [tilespmem:s14+$0xF700];
	v7 =	vor.u32 v8, v9;
	_ =	sdelay $0x4  }
0x417: {  	[tilespmem:v7+s22+$0x0] =	vst.idx.msk $0xffff, v6;
	v6 =	vadd.s32 v1, v5  }
0x418: {  	v7 =	vld [tilespmem:s14+$0xF710];
	v10 =	vor.u32 v8, v6;
	_ =	sdelay $0x4  }
0x419: {  	[tilespmem:v10+s22+$0x0] =	vst.idx.msk $0xffff, v7;
	v7 =	vadd.s32 v2, v5  }
0x41a: {  	v10 =	vld [tilespmem:s14+$0xF720];
	v11 =	vor.u32 v8, v7;
	_ =	sdelay $0x4  }
0x41b: {  	v5 =	vadd.s32 v3, v5;
	[tilespmem:v11+s22+$0x0] =	vst.idx.msk $0xffff, v10  }
0x41c: {  	v11 =	vor.u32 v8, v5;
	v10 =	vld [tilespmem:s14+$0xF730];
	_ =	sdelay $0x4  }
0x41d: {  	v8 =	vor.u32 $0x1, v8;
	[tilespmem:v11+s22+$0x0] =	vst.idx.msk $0xffff, v10  }
0x41e: {  	v9 =	vor.u32 v8, v9;
	v10 =	vld [tilespmem:s14+$0xF740];
	_ =	sdelay $0x4  }
0x41f: {  	[tilespmem:v9+s22+$0x0] =	vst.idx.msk $0xffff, v10  }
0x420: {  	v6 =	vor.u32 v8, v6;
	v9 =	vld [tilespmem:s14+$0xF750];
	_ =	sdelay $0x4  }
0x421: {  	[tilespmem:v6+s22+$0x0] =	vst.idx.msk $0xffff, v9  }
0x422: {  	v7 =	vor.u32 v8, v7;
	v6 =	vld [tilespmem:s14+$0xF760];
	_ =	sdelay $0x4  }
0x423: {  	[tilespmem:v7+s22+$0x0] =	vst.idx.msk $0xffff, v6  }
.Ltmp11:
0x424: {  	v6 =	vor.u32 v8, v5;
	v7 =	vld [tilespmem:s14+$0xF770];
	(pc) =	sbr.rel @p0 .LBB2_25-.Ltmp11, $3  }
0x425: {  	_ =	sdelay $0x1  }
0x426: {  	v4 =	vadd.s32 $0x2, v4  }
0x427: {  	s12 =	sadd.s32 $0x200, s12;
	v5 =	vand.u32 $0xFFFFFFF8, v4  }
0x428: {  	_ =	sdelay $0x3  }
0x429: {  	s12 =	sshra.s32 s13, $0x2;
	v4 =	vand.u32 $0x6, v4;
	v8 =	vadd.s32 v0, v5;
	[tilespmem:v6+s22+$0x0] =	vst.idx.msk $0xffff, v7  }
0x42a: {  	v6 =	vld [tilespmem:s12+$0xF700];
	v7 =	vor.u32 v4, v8;
	_ =	sdelay $0x4  }
0x42b: {  	[tilespmem:v7+s22+$0x0] =	vst.idx.msk $0xffff, v6;
	v6 =	vadd.s32 v1, v5  }
0x42c: {  	v7 =	vld [tilespmem:s12+$0xF710];
	v9 =	vor.u32 v4, v6;
	_ =	sdelay $0x4  }
0x42d: {  	[tilespmem:v9+s22+$0x0] =	vst.idx.msk $0xffff, v7;
	v7 =	vadd.s32 v2, v5  }
0x42e: {  	v9 =	vld [tilespmem:s12+$0xF720];
	v10 =	vor.u32 v4, v7;
	_ =	sdelay $0x4  }
0x42f: {  	v5 =	vadd.s32 v3, v5;
	[tilespmem:v10+s22+$0x0] =	vst.idx.msk $0xffff, v9  }
0x430: {  	v10 =	vor.u32 v4, v5;
	v9 =	vld [tilespmem:s12+$0xF730];
	_ =	sdelay $0x4  }
0x431: {  	v4 =	vor.u32 $0x1, v4;
	[tilespmem:v10+s22+$0x0] =	vst.idx.msk $0xffff, v9  }
0x432: {  	v8 =	vor.u32 v4, v8;
	v9 =	vld [tilespmem:s12+$0xF740];
	_ =	sdelay $0x4  }
0x433: {  	[tilespmem:v8+s22+$0x0] =	vst.idx.msk $0xffff, v9  }
0x434: {  	v6 =	vor.u32 v4, v6;
	v8 =	vld [tilespmem:s12+$0xF750];
	_ =	sdelay $0x4  }
0x435: {  	[tilespmem:v6+s22+$0x0] =	vst.idx.msk $0xffff, v8  }
0x436: {  	v7 =	vor.u32 v4, v7;
	v6 =	vld [tilespmem:s12+$0xF760];
	_ =	sdelay $0x4  }
0x437: {  	[tilespmem:v7+s22+$0x0] =	vst.idx.msk $0xffff, v6  }
0x438: {  	v5 =	vor.u32 v4, v5;
	v6 =	vld [tilespmem:s12+$0xF770];
	_ =	sdelay $0x2  }
0x439: {  	v4 =	vimm.s32 $0x0  }
0x43a: {  	v8 =	vand.u32 $0xFFFFFFF8, v4  }
0x43b: {  	s13 =	simm.s32 $0x0;
	v9 =	vadd.s32 v0, v8;
	[tilespmem:v5+s22+$0x0] =	vst.idx.msk $0xffff, v6;
	v6 =	vand.u32 $0x6, v4  }
0x43c: {  	v5 =	vld [tilespmem:s13+$0x11700];
	v7 =	vor.u32 v6, v9;
	_ =	sdelay $0x4  }
0x43d: {  	[tilespmem:v7+s20+$0x0] =	vst.idx.msk $0xffff, v5;
	v5 =	vadd.s32 v1, v8  }
0x43e: {  	v10 =	vld [tilespmem:s13+$0x11710];
	v8 =	vor.u32 v6, v5;
	_ =	sdelay $0x4  }
0x43f: {  	v6 =	vor.u32 $0x1, v6;
	[tilespmem:v8+s20+$0x0] =	vst.idx.msk $0xffff, v10  }
0x440: {  	v9 =	vor.u32 v6, v9;
	v10 =	vld [tilespmem:s13+$0x11720];
	_ =	sdelay $0x4  }
0x441: {  	[tilespmem:v9+s20+$0x0] =	vst.idx.msk $0xffff, v10  }
0x442: {  	v13 =	vor.u32 v6, v5;
	v12 =	vld [tilespmem:s13+$0x11730];
	_ =	sdelay $0x2  }
0x443: {  	v10 =	vadd.s32 $0x2, v4  }
0x444: {  	s14 =	simm.s32 $0x200;
	s16 =	simm.s32 $0x100;
	s12 =	simm.s32 $0x100;
	v11 =	vand.u32 $0xFFFFFFF8, v10  }
.LBB2_27:
0x445: {  	p0 =	sne.s32 s14, $0x3F00;
	s15 =	sshra.s32 s16, $0x2;
	v14 =	vand.u32 $0x6, v10;
	v15 =	vadd.s32 v0, v11;
	[tilespmem:v13+s20+$0x0] =	vst.idx.msk $0xffff, v12;
	s16 =	smov.u32 s14  }
0x446: {  	v12 =	vld [tilespmem:s15+$0x11700];
	v13 =	vor.u32 v14, v15;
	_ =	sdelay $0x4  }
0x447: {  	v11 =	vadd.s32 v1, v11;
	[tilespmem:v13+s20+$0x0] =	vst.idx.msk $0xffff, v12  }
0x448: {  	v13 =	vor.u32 v14, v11;
	v12 =	vld [tilespmem:s15+$0x11710];
	_ =	sdelay $0x4  }
0x449: {  	[tilespmem:v13+s20+$0x0] =	vst.idx.msk $0xffff, v12;
	v13 =	vor.u32 $0x1, v14  }
0x44a: {  	v12 =	vld [tilespmem:s15+$0x11720];
	v14 =	vor.u32 v13, v15;
	_ =	sdelay $0x4  }
0x44b: {  	[tilespmem:v14+s20+$0x0] =	vst.idx.msk $0xffff, v12  }
.Ltmp12:
0x44c: {  	v13 =	vor.u32 v13, v11;
	v12 =	vld [tilespmem:s15+$0x11730];
	(pc) =	sbr.rel @p0 .LBB2_27-.Ltmp12, $3  }
0x44d: {  	_ =	sdelay $0x1  }
0x44e: {  	v10 =	vadd.s32 $0x2, v10  }
0x44f: {  	s14 =	sadd.s32 $0x100, s14;
	v11 =	vand.u32 $0xFFFFFFF8, v10  }
0x450: {  	_ =	sdelay $0x3  }
0x451: {  	s14 =	sshra.s32 s16, $0x2;
	v10 =	vand.u32 $0x6, v10;
	v14 =	vadd.s32 v0, v11;
	[tilespmem:v13+s20+$0x0] =	vst.idx.msk $0xffff, v12  }
0x452: {  	v12 =	vld [tilespmem:s14+$0x11700];
	v59 =	vor.u32 v10, v14;
	_ =	sdelay $0x4  }
0x453: {  	v60 =	vadd.s32 v1, v11;
	[tilespmem:v59+s20+$0x0] =	vst.idx.msk $0xffff, v12  }
0x454: {  	v61 =	vor.u32 v10, v60;
	v12 =	vld [tilespmem:s14+$0x11710];
	_ =	sdelay $0x4  }
0x455: {  	v10 =	vor.u32 $0x1, v10;
	[tilespmem:v61+s20+$0x0] =	vst.idx.msk $0xffff, v12  }
0x456: {  	v62 =	vor.u32 v10, v14;
	v12 =	vld [tilespmem:s14+$0x11720];
	_ =	sdelay $0x4  }
0x457: {  	[tilespmem:v62+s20+$0x0] =	vst.idx.msk $0xffff, v12  }
0x458: {  	v10 =	vor.u32 v10, v60;
	v12 =	vld [tilespmem:s14+$0x11730];
	_ =	sdelay $0x4  }
0x459: {  	[tilespmem:v10+s20+$0x0] =	vst.idx.msk $0xffff, v12  }
0x45a: {  	v10 =	vld [tilespmem:s13+$0x12700];
	_ =	sdelay $0x4  }
0x45b: {  	[tilespmem:v7+s23+$0x0] =	vst.idx.msk $0xffff, v10  }
0x45c: {  	v7 =	vld [tilespmem:s13+$0x12710];
	_ =	sdelay $0x4  }
0x45d: {  	[tilespmem:v8+s23+$0x0] =	vst.idx.msk $0xffff, v7  }
0x45e: {  	v7 =	vld [tilespmem:s13+$0x12720];
	_ =	sdelay $0x4  }
0x45f: {  	[tilespmem:v9+s23+$0x0] =	vst.idx.msk $0xffff, v7  }
0x460: {  	v6 =	vor.u32 v6, v5;
	v7 =	vld [tilespmem:s13+$0x12730];
	_ =	sdelay $0x2  }
0x461: {  	v4 =	vadd.s32 $0x2, v4  }
0x462: {  	v5 =	vand.u32 $0xFFFFFFF8, v4;
	s13 =	simm.s32 $0x200  }
.LBB2_29:
0x463: {  	p0 =	sne.s32 s13, $0x3F00;
	s14 =	sshra.s32 s12, $0x2;
	v8 =	vand.u32 $0x6, v4;
	v9 =	vadd.s32 v0, v5;
	[tilespmem:v6+s23+$0x0] =	vst.idx.msk $0xffff, v7  }
0x464: {  	s12 =	smov.u32 s13;
	v6 =	vld [tilespmem:s14+$0x12700];
	v7 =	vor.u32 v8, v9;
	_ =	sdelay $0x4  }
0x465: {  	v5 =	vadd.s32 v1, v5;
	[tilespmem:v7+s23+$0x0] =	vst.idx.msk $0xffff, v6  }
0x466: {  	v7 =	vor.u32 v8, v5;
	v6 =	vld [tilespmem:s14+$0x12710];
	_ =	sdelay $0x4  }
0x467: {  	[tilespmem:v7+s23+$0x0] =	vst.idx.msk $0xffff, v6;
	v6 =	vor.u32 $0x1, v8  }
0x468: {  	v7 =	vld [tilespmem:s14+$0x12720];
	v8 =	vor.u32 v6, v9;
	_ =	sdelay $0x4  }
0x469: {  	[tilespmem:v8+s23+$0x0] =	vst.idx.msk $0xffff, v7  }
.Ltmp13:
0x46a: {  	v6 =	vor.u32 v6, v5;
	v7 =	vld [tilespmem:s14+$0x12730];
	(pc) =	sbr.rel @p0 .LBB2_29-.Ltmp13, $3  }
0x46b: {  	_ =	sdelay $0x1  }
0x46c: {  	v4 =	vadd.s32 $0x2, v4  }
0x46d: {  	s13 =	sadd.s32 $0x100, s13;
	v5 =	vand.u32 $0xFFFFFFF8, v4  }
0x46e: {  	_ =	sdelay $0x3  }
0x46f: {  	s12 =	sshra.s32 s12, $0x2;
	v4 =	vand.u32 $0x6, v4;
	v8 =	vadd.s32 v0, v5;
	[tilespmem:v6+s23+$0x0] =	vst.idx.msk $0xffff, v7  }
0x470: {  	v6 =	vld [tilespmem:s12+$0x12700];
	v7 =	vor.u32 v4, v8;
	_ =	sdelay $0x4  }
0x471: {  	v5 =	vadd.s32 v1, v5;
	[tilespmem:v7+s23+$0x0] =	vst.idx.msk $0xffff, v6  }
0x472: {  	v7 =	vor.u32 v4, v5;
	v6 =	vld [tilespmem:s12+$0x12710];
	_ =	sdelay $0x4  }
0x473: {  	v4 =	vor.u32 $0x1, v4;
	[tilespmem:v7+s23+$0x0] =	vst.idx.msk $0xffff, v6  }
0x474: {  	v7 =	vor.u32 v4, v8;
	v6 =	vld [tilespmem:s12+$0x12720];
	_ =	sdelay $0x4  }
0x475: {  	[tilespmem:v7+s23+$0x0] =	vst.idx.msk $0xffff, v6  }
0x476: {  	v5 =	vor.u32 v4, v5;
	v6 =	vld [tilespmem:s12+$0x12730];
	_ =	sdelay $0x2  }
0x477: {  	v4 =	vimm.s32 $0x0  }
0x478: {  	v8 =	vand.u32 $0xFFFFFFF8, v4  }
0x479: {  	s13 =	simm.s32 $0x0;
	v9 =	vadd.s32 v0, v8;
	[tilespmem:v5+s23+$0x0] =	vst.idx.msk $0xffff, v6;
	v6 =	vand.u32 $0x6, v4  }
0x47a: {  	v5 =	vld [tilespmem:s13+$0x13700];
	v7 =	vor.u32 v6, v9;
	_ =	sdelay $0x4  }
0x47b: {  	[tilespmem:v7+s24+$0x0] =	vst.idx.msk $0xffff, v5;
	v5 =	vadd.s32 v1, v8  }
0x47c: {  	v10 =	vld [tilespmem:s13+$0x13710];
	v8 =	vor.u32 v6, v5;
	_ =	sdelay $0x4  }
0x47d: {  	v6 =	vor.u32 $0x1, v6;
	[tilespmem:v8+s24+$0x0] =	vst.idx.msk $0xffff, v10  }
0x47e: {  	v9 =	vor.u32 v6, v9;
	v10 =	vld [tilespmem:s13+$0x13720];
	_ =	sdelay $0x4  }
0x47f: {  	[tilespmem:v9+s24+$0x0] =	vst.idx.msk $0xffff, v10  }
0x480: {  	v13 =	vor.u32 v6, v5;
	v12 =	vld [tilespmem:s13+$0x13730];
	_ =	sdelay $0x2  }
0x481: {  	v10 =	vadd.s32 $0x2, v4  }
0x482: {  	s14 =	simm.s32 $0x200;
	s16 =	simm.s32 $0x100;
	s12 =	simm.s32 $0x100;
	v11 =	vand.u32 $0xFFFFFFF8, v10  }
.LBB2_31:
0x483: {  	p0 =	sne.s32 s14, $0x3F00;
	s15 =	sshra.s32 s16, $0x2;
	v14 =	vand.u32 $0x6, v10;
	v15 =	vadd.s32 v0, v11;
	[tilespmem:v13+s24+$0x0] =	vst.idx.msk $0xffff, v12;
	s16 =	smov.u32 s14  }
0x484: {  	v12 =	vld [tilespmem:s15+$0x13700];
	v13 =	vor.u32 v14, v15;
	_ =	sdelay $0x4  }
0x485: {  	v11 =	vadd.s32 v1, v11;
	[tilespmem:v13+s24+$0x0] =	vst.idx.msk $0xffff, v12  }
0x486: {  	v13 =	vor.u32 v14, v11;
	v12 =	vld [tilespmem:s15+$0x13710];
	_ =	sdelay $0x4  }
0x487: {  	[tilespmem:v13+s24+$0x0] =	vst.idx.msk $0xffff, v12;
	v13 =	vor.u32 $0x1, v14  }
0x488: {  	v12 =	vld [tilespmem:s15+$0x13720];
	v14 =	vor.u32 v13, v15;
	_ =	sdelay $0x4  }
0x489: {  	[tilespmem:v14+s24+$0x0] =	vst.idx.msk $0xffff, v12  }
.Ltmp14:
0x48a: {  	v13 =	vor.u32 v13, v11;
	v12 =	vld [tilespmem:s15+$0x13730];
	(pc) =	sbr.rel @p0 .LBB2_31-.Ltmp14, $3  }
0x48b: {  	_ =	sdelay $0x1  }
0x48c: {  	v10 =	vadd.s32 $0x2, v10  }
0x48d: {  	s14 =	sadd.s32 $0x100, s14;
	v11 =	vand.u32 $0xFFFFFFF8, v10  }
0x48e: {  	_ =	sdelay $0x3  }
0x48f: {  	s14 =	sshra.s32 s16, $0x2;
	v10 =	vand.u32 $0x6, v10;
	v14 =	vadd.s32 v0, v11;
	[tilespmem:v13+s24+$0x0] =	vst.idx.msk $0xffff, v12  }
0x490: {  	v12 =	vld [tilespmem:s14+$0x13700];
	v59 =	vor.u32 v10, v14;
	_ =	sdelay $0x4  }
0x491: {  	v60 =	vadd.s32 v1, v11;
	[tilespmem:v59+s24+$0x0] =	vst.idx.msk $0xffff, v12  }
0x492: {  	v61 =	vor.u32 v10, v60;
	v12 =	vld [tilespmem:s14+$0x13710];
	_ =	sdelay $0x4  }
0x493: {  	v10 =	vor.u32 $0x1, v10;
	[tilespmem:v61+s24+$0x0] =	vst.idx.msk $0xffff, v12  }
0x494: {  	v62 =	vor.u32 v10, v14;
	v12 =	vld [tilespmem:s14+$0x13720];
	_ =	sdelay $0x4  }
0x495: {  	[tilespmem:v62+s24+$0x0] =	vst.idx.msk $0xffff, v12  }
0x496: {  	v10 =	vor.u32 v10, v60;
	v12 =	vld [tilespmem:s14+$0x13730];
	_ =	sdelay $0x4  }
0x497: {  	[tilespmem:v10+s24+$0x0] =	vst.idx.msk $0xffff, v12  }
0x498: {  	v10 =	vld [tilespmem:s13+$0x14700];
	_ =	sdelay $0x4  }
0x499: {  	[tilespmem:v7+s29+$0x0] =	vst.idx.msk $0xffff, v10  }
0x49a: {  	v7 =	vld [tilespmem:s13+$0x14710];
	_ =	sdelay $0x4  }
0x49b: {  	[tilespmem:v8+s29+$0x0] =	vst.idx.msk $0xffff, v7  }
0x49c: {  	v7 =	vld [tilespmem:s13+$0x14720];
	_ =	sdelay $0x4  }
0x49d: {  	[tilespmem:v9+s29+$0x0] =	vst.idx.msk $0xffff, v7  }
0x49e: {  	v6 =	vor.u32 v6, v5;
	v7 =	vld [tilespmem:s13+$0x14730];
	_ =	sdelay $0x2  }
0x49f: {  	v4 =	vadd.s32 $0x2, v4  }
0x4a0: {  	v5 =	vand.u32 $0xFFFFFFF8, v4;
	s13 =	simm.s32 $0x200  }
.LBB2_33:
0x4a1: {  	p0 =	sne.s32 s13, $0x3F00;
	s14 =	sshra.s32 s12, $0x2;
	v8 =	vand.u32 $0x6, v4;
	v9 =	vadd.s32 v0, v5;
	[tilespmem:v6+s29+$0x0] =	vst.idx.msk $0xffff, v7;
	s12 =	smov.u32 s13  }
0x4a2: {  	v6 =	vld [tilespmem:s14+$0x14700];
	v7 =	vor.u32 v8, v9;
	_ =	sdelay $0x4  }
0x4a3: {  	v5 =	vadd.s32 v1, v5;
	[tilespmem:v7+s29+$0x0] =	vst.idx.msk $0xffff, v6  }
0x4a4: {  	v7 =	vor.u32 v8, v5;
	v6 =	vld [tilespmem:s14+$0x14710];
	_ =	sdelay $0x4  }
0x4a5: {  	[tilespmem:v7+s29+$0x0] =	vst.idx.msk $0xffff, v6;
	v6 =	vor.u32 $0x1, v8  }
0x4a6: {  	v7 =	vld [tilespmem:s14+$0x14720];
	v8 =	vor.u32 v6, v9;
	_ =	sdelay $0x4  }
0x4a7: {  	[tilespmem:v8+s29+$0x0] =	vst.idx.msk $0xffff, v7  }
.Ltmp15:
0x4a8: {  	v6 =	vor.u32 v6, v5;
	v7 =	vld [tilespmem:s14+$0x14730];
	(pc) =	sbr.rel @p0 .LBB2_33-.Ltmp15, $3  }
0x4a9: {  	_ =	sdelay $0x1  }
0x4aa: {  	v4 =	vadd.s32 $0x2, v4  }
0x4ab: {  	s13 =	sadd.s32 $0x100, s13;
	v5 =	vand.u32 $0xFFFFFFF8, v4  }
0x4ac: {  	_ =	sdelay $0x3  }
0x4ad: {  	s12 =	sshra.s32 s12, $0x2;
	v4 =	vand.u32 $0x6, v4;
	v8 =	vadd.s32 v0, v5;
	[tilespmem:v6+s29+$0x0] =	vst.idx.msk $0xffff, v7  }
0x4ae: {  	v6 =	vld [tilespmem:s12+$0x14700];
	v7 =	vor.u32 v4, v8;
	_ =	sdelay $0x4  }
0x4af: {  	v5 =	vadd.s32 v1, v5;
	[tilespmem:v7+s29+$0x0] =	vst.idx.msk $0xffff, v6  }
0x4b0: {  	v7 =	vor.u32 v4, v5;
	v6 =	vld [tilespmem:s12+$0x14710];
	_ =	sdelay $0x4  }
0x4b1: {  	v4 =	vor.u32 $0x1, v4;
	[tilespmem:v7+s29+$0x0] =	vst.idx.msk $0xffff, v6  }
0x4b2: {  	v7 =	vor.u32 v4, v8;
	v6 =	vld [tilespmem:s12+$0x14720];
	_ =	sdelay $0x4  }
0x4b3: {  	[tilespmem:v7+s29+$0x0] =	vst.idx.msk $0xffff, v6  }
0x4b4: {  	v4 =	vor.u32 v4, v5;
	v6 =	vld [tilespmem:s12+$0x14730];
	_ =	sdelay $0x2  }
0x4b5: {  	v5 =	vimm.s32 $0x0  }
0x4b6: {  	v7 =	vand.u32 $0xFFFFFFF8, v5  }
0x4b7: {  	s13 =	simm.s32 $0x0;
	[tilespmem:v4+s29+$0x0] =	vst.idx.msk $0xffff, v6;
	v4 =	vand.u32 $0x6, v5;
	v6 =	vadd.s32 v0, v7  }
0x4b8: {  	v8 =	vld [tilespmem:s13+$0x15700];
	v9 =	vor.u32 v4, v6;
	_ =	sdelay $0x4  }
0x4b9: {  	v7 =	vadd.s32 v1, v7;
	[tilespmem:v9+s30+$0x0] =	vst.idx.msk $0xffff, v8  }
0x4ba: {  	v62 =	vor.u32 v4, v7;
	v8 =	vld [tilespmem:s13+$0x15710];
	_ =	sdelay $0x4  }
0x4bb: {  	[tilespmem:v62+s30+$0x0] =	vst.idx.msk $0xffff, v8;
	v8 =	vor.u32 $0x1, v4  }
0x4bc: {  	v4 =	vld [tilespmem:s13+$0x15720];
	v6 =	vor.u32 v8, v6;
	_ =	sdelay $0x4  }
0x4bd: {  	[tilespmem:v6+s30+$0x0] =	vst.idx.msk $0xffff, v4  }
0x4be: {  	v7 =	vor.u32 v8, v7;
	v6 =	vld [tilespmem:s13+$0x15730];
	_ =	sdelay $0x2  }
0x4bf: {  	v4 =	vadd.s32 $0x2, v5  }
0x4c0: {  	s12 =	simm.s32 $0x100;
	v5 =	vand.u32 $0xFFFFFFF8, v4;
	s13 =	simm.s32 $0x200  }
.LBB2_35:
0x4c1: {  	p0 =	sne.s32 s13, $0x3F00;
	s14 =	sshra.s32 s12, $0x2;
	v8 =	vand.u32 $0x6, v4;
	v9 =	vadd.s32 v0, v5;
	[tilespmem:v7+s30+$0x0] =	vst.idx.msk $0xffff, v6;
	s12 =	smov.u32 s13  }
0x4c2: {  	v6 =	vld [tilespmem:s14+$0x15700];
	v7 =	vor.u32 v8, v9;
	_ =	sdelay $0x4  }
0x4c3: {  	v5 =	vadd.s32 v1, v5;
	[tilespmem:v7+s30+$0x0] =	vst.idx.msk $0xffff, v6  }
0x4c4: {  	v7 =	vor.u32 v8, v5;
	v6 =	vld [tilespmem:s14+$0x15710];
	_ =	sdelay $0x4  }
0x4c5: {  	[tilespmem:v7+s30+$0x0] =	vst.idx.msk $0xffff, v6;
	v7 =	vor.u32 $0x1, v8  }
0x4c6: {  	v6 =	vld [tilespmem:s14+$0x15720];
	v8 =	vor.u32 v7, v9;
	_ =	sdelay $0x4  }
0x4c7: {  	[tilespmem:v8+s30+$0x0] =	vst.idx.msk $0xffff, v6  }
.Ltmp16:
0x4c8: {  	v7 =	vor.u32 v7, v5;
	v6 =	vld [tilespmem:s14+$0x15730];
	(pc) =	sbr.rel @p0 .LBB2_35-.Ltmp16, $3  }
0x4c9: {  	_ =	sdelay $0x1  }
0x4ca: {  	v4 =	vadd.s32 $0x2, v4  }
0x4cb: {  	s13 =	sadd.s32 $0x100, s13;
	v5 =	vand.u32 $0xFFFFFFF8, v4  }
0x4cc: {  	_ =	sdelay $0x3  }
0x4cd: {  	s12 =	sshra.s32 s12, $0x2;
	v4 =	vand.u32 $0x6, v4;
	v8 =	vadd.s32 v0, v5;
	[tilespmem:v7+s30+$0x0] =	vst.idx.msk $0xffff, v6  }
0x4ce: {  	v6 =	vld [tilespmem:s12+$0x15700];
	v60 =	vor.u32 v4, v8;
	_ =	sdelay $0x4  }
0x4cf: {  	v5 =	vadd.s32 v1, v5;
	[tilespmem:v60+s30+$0x0] =	vst.idx.msk $0xffff, v6  }
0x4d0: {  	v61 =	vor.u32 v4, v5;
	v6 =	vld [tilespmem:s12+$0x15710];
	_ =	sdelay $0x4  }
0x4d1: {  	v4 =	vor.u32 $0x1, v4;
	[tilespmem:v61+s30+$0x0] =	vst.idx.msk $0xffff, v6  }
0x4d2: {  	v62 =	vor.u32 v4, v8;
	v6 =	vld [tilespmem:s12+$0x15720];
	_ =	sdelay $0x4  }
0x4d3: {  	[tilespmem:v62+s30+$0x0] =	vst.idx.msk $0xffff, v6  }
0x4d4: {  	s11 =	sadd.s32 s11, s4;
	v4 =	vor.u32 v4, v5;
	v6 =	vld [tilespmem:s12+$0x15730]  }
0x4d5: {  	s11 =	smul.u32 $0x48000, s11;
	_ =	sdelay $0x1  }
0x4d6: {  	s11 =	sor.u32 s6, s11  }
0x4d7: {  	s11 =	sshrl.u32 s11, $0x3  }
0x4d8: {  	s17 =	simm.s32 $0x16700;
	s11 =	sadd.s32 s18, s11;
	[tilespmem:v4+s30+$0x0] =	vst.idx.msk $0xffff, v6  }
0x4d9: {  	[hbm4b:s11+s2] =	stream.linear.scatter [tilespmem:s17], [sflag:$0x3], $0x80, $0x38;
	v63 =	vld [tilespmem:$0x0]  }
0x4da: {  	s3 =	simm.s32 $0x16788;
	s13 =	sadd.s32 $0x10, s11  }
0x4db: {  	[hbm4b:s13+s2] =	stream.linear.scatter [tilespmem:s3], [sflag:$0x3], $0x80, $0x38;
	v63 =	vld [tilespmem:$0x0]  }
0x4dc: {  	s14 =	sadd.s32 $0x20, s11;
	s13 =	simm.s32 $0x16810  }
0x4dd: {  	[hbm4b:s14+s2] =	stream.linear.scatter [tilespmem:s13], [sflag:$0x3], $0x80, $0x38;
	v63 =	vld [tilespmem:$0x0]  }
0x4de: {  	s15 =	simm.s32 $0x16898;
	s16 =	sadd.s32 $0x30, s11  }
0x4df: {  	[hbm4b:s16+s2] =	stream.linear.scatter [tilespmem:s15], [sflag:$0x3], $0x80, $0x38;
	v63 =	vld [tilespmem:$0x0]  }
0x4e0: {  	s17 =	simm.s32 $0x16920;
	s3 =	sadd.s32 $0x40, s11  }
0x4e1: {  	[hbm4b:s3+s2] =	stream.linear.scatter [tilespmem:s17], [sflag:$0x3], $0x80, $0x38;
	v63 =	vld [tilespmem:$0x0]  }
0x4e2: {  	s12 =	simm.s32 $0x440;
	s14 =	simm.s32 $0x169A8;
	s15 =	sadd.s32 $0x50, s11  }
0x4e3: {  	[hbm4b:s15+s2] =	stream.linear.scatter [tilespmem:s14], [sflag:$0x3], $0x80, $0x38;
	v63 =	vld [tilespmem:$0x0]  }
0x4e4: {  	s13 =	sadd.s32 $0x400, s11;
	s16 =	simm.s32 $0x16A30;
	s17 =	sadd.s32 $0x60, s11  }
0x4e5: {  	[hbm4b:s17+s2] =	stream.linear.scatter [tilespmem:s16], [sflag:$0x3], $0x80, $0x38;
	v63 =	vld [tilespmem:$0x0]  }
0x4e6: {  	s14 =	simm.s32 $0x2200;
	s15 =	simm.s32 $0x16AB8;
	s16 =	sadd.s32 $0x70, s11  }
.LBB2_37:
0x4e7: {  	[hbm4b:s16+s2] =	stream.linear.scatter [tilespmem:s15], [sflag:$0x3], $0x80, $0x38;
	v63 =	vld [tilespmem:$0x0]  }
0x4e8: {  	s15 =	smov.u32 s12;
	s12 =	smov.u32 s14  }
0x4e9: {  	s17 =	sadd.s32 $0x1100, s14;
	s12 =	sshra.s32 s12, $0x2;
	s16 =	sadd.s32 $0x16700, s15  }
0x4ea: {  	[hbm4b:s13+s2] =	stream.linear.scatter [tilespmem:s16], [sflag:$0x3], $0x80, $0x38;
	v63 =	vld [tilespmem:$0x0]  }
0x4eb: {  	p0 =	sne.s32 s14, $0x7700;
	s14 =	sadd.s32 $0x16788, s15;
	s16 =	sadd.s32 $0x10, s13  }
0x4ec: {  	[hbm4b:s16+s2] =	stream.linear.scatter [tilespmem:s14], [sflag:$0x3], $0x80, $0x38;
	v63 =	vld [tilespmem:$0x0]  }
0x4ed: {  	s14 =	sadd.s32 $0x16810, s15;
	s16 =	sadd.s32 $0x20, s13  }
0x4ee: {  	[hbm4b:s16+s2] =	stream.linear.scatter [tilespmem:s14], [sflag:$0x3], $0x80, $0x38;
	v63 =	vld [tilespmem:$0x0]  }
0x4ef: {  	s14 =	sadd.s32 $0x16898, s15;
	s16 =	sadd.s32 $0x30, s13  }
0x4f0: {  	[hbm4b:s16+s2] =	stream.linear.scatter [tilespmem:s14], [sflag:$0x3], $0x80, $0x38;
	v63 =	vld [tilespmem:$0x0]  }
0x4f1: {  	s14 =	sadd.s32 $0x16920, s15;
	s16 =	sadd.s32 $0x40, s13  }
0x4f2: {  	[hbm4b:s16+s2] =	stream.linear.scatter [tilespmem:s14], [sflag:$0x3], $0x80, $0x38;
	v63 =	vld [tilespmem:$0x0]  }
.Ltmp17:
0x4f3: {  	s14 =	sadd.s32 $0x169A8, s15;
	s16 =	sadd.s32 $0x50, s13;
	(pc) =	sbr.rel @p0 .LBB2_37-.Ltmp17, $4  }
0x4f4: {  	[hbm4b:s16+s2] =	stream.linear.scatter [tilespmem:s14], [sflag:$0x3], $0x80, $0x38;
	v63 =	vld [tilespmem:$0x0]  }
0x4f5: {  	s14 =	sadd.s32 $0x16A30, s15;
	s16 =	sadd.s32 $0x60, s13;
	s15 =	sadd.s32 $0x16AB8, s15  }
0x4f6: {  	[hbm4b:s16+s2] =	stream.linear.scatter [tilespmem:s14], [sflag:$0x3], $0x80, $0x38;
	v63 =	vld [tilespmem:$0x0]  }
0x4f7: {  	s16 =	sadd.s32 $0x70, s13;
	s13 =	sadd.s32 $0x400, s13;
	s14 =	smov.u32 s17  }
0x4f8: {  	[hbm4b:s16+s2] =	stream.linear.scatter [tilespmem:s15], [sflag:$0x3], $0x80, $0x38;
	v63 =	vld [tilespmem:$0x0]  }
0x4f9: {  	s14 =	sadd.s32 $0x16700, s12  }
0x4fa: {  	[hbm4b:s13+s2] =	stream.linear.scatter [tilespmem:s14], [sflag:$0x3], $0x80, $0x38;
	v63 =	vld [tilespmem:$0x0]  }
0x4fb: {  	s17 =	sadd.s32 $0x16788, s12;
	s3 =	sadd.s32 $0x10, s13  }
0x4fc: {  	[hbm4b:s3+s2] =	stream.linear.scatter [tilespmem:s17], [sflag:$0x3], $0x80, $0x38;
	v63 =	vld [tilespmem:$0x0]  }
0x4fd: {  	s15 =	sadd.s32 $0x16810, s12;
	s16 =	sadd.s32 $0x20, s13  }
0x4fe: {  	[hbm4b:s16+s2] =	stream.linear.scatter [tilespmem:s15], [sflag:$0x3], $0x80, $0x38;
	v63 =	vld [tilespmem:$0x0]  }
0x4ff: {  	s17 =	sadd.s32 $0x16898, s12;
	s3 =	sadd.s32 $0x30, s13  }
0x500: {  	[hbm4b:s3+s2] =	stream.linear.scatter [tilespmem:s17], [sflag:$0x3], $0x80, $0x38;
	v63 =	vld [tilespmem:$0x0]  }
0x501: {  	s15 =	sadd.s32 $0x16920, s12;
	s16 =	sadd.s32 $0x40, s13  }
0x502: {  	[hbm4b:s16+s2] =	stream.linear.scatter [tilespmem:s15], [sflag:$0x3], $0x80, $0x38;
	v63 =	vld [tilespmem:$0x0]  }
0x503: {  	s17 =	sadd.s32 $0x169A8, s12;
	s3 =	sadd.s32 $0x50, s13  }
0x504: {  	[hbm4b:s3+s2] =	stream.linear.scatter [tilespmem:s17], [sflag:$0x3], $0x80, $0x38;
	v63 =	vld [tilespmem:$0x0]  }
0x505: {  	s15 =	sadd.s32 $0x16A30, s12;
	s16 =	sadd.s32 $0x60, s13  }
0x506: {  	[hbm4b:s16+s2] =	stream.linear.scatter [tilespmem:s15], [sflag:$0x3], $0x80, $0x38;
	v63 =	vld [tilespmem:$0x0]  }
0x507: {  	s17 =	sadd.s32 $0x16AB8, s12;
	s3 =	sadd.s32 $0x70, s13  }
0x508: {  	[hbm4b:s3+s2] =	stream.linear.scatter [tilespmem:s17], [sflag:$0x3], $0x80, $0x38;
	v63 =	vld [tilespmem:$0x0]  }
0x509: {  	s14 =	simm.s32 $0x18900;
	s13 =	sadd.s32 $0x2000, s11  }
0x50a: {  	[hbm4b:s13+s2] =	stream.linear.scatter [tilespmem:s14], [sflag:$0x3], $0x80, $0x38;
	v63 =	vld [tilespmem:$0x0]  }
0x50b: {  	s15 =	simm.s32 $0x18988;
	s16 =	sadd.s32 $0x10, s13  }
0x50c: {  	[hbm4b:s16+s2] =	stream.linear.scatter [tilespmem:s15], [sflag:$0x3], $0x80, $0x38;
	v63 =	vld [tilespmem:$0x0]  }
0x50d: {  	s17 =	simm.s32 $0x18A10;
	s3 =	sadd.s32 $0x20, s13  }
0x50e: {  	[hbm4b:s3+s2] =	stream.linear.scatter [tilespmem:s17], [sflag:$0x3], $0x80, $0x38;
	v63 =	vld [tilespmem:$0x0]  }
0x50f: {  	s15 =	simm.s32 $0x18A98;
	s16 =	sadd.s32 $0x30, s13  }
0x510: {  	[hbm4b:s16+s2] =	stream.linear.scatter [tilespmem:s15], [sflag:$0x3], $0x80, $0x38;
	v63 =	vld [tilespmem:$0x0]  }
0x511: {  	s17 =	simm.s32 $0x18B20;
	s3 =	sadd.s32 $0x40, s13  }
0x512: {  	[hbm4b:s3+s2] =	stream.linear.scatter [tilespmem:s17], [sflag:$0x3], $0x80, $0x38;
	v63 =	vld [tilespmem:$0x0]  }
0x513: {  	s12 =	simm.s32 $0x440;
	s14 =	simm.s32 $0x18BA8;
	s15 =	sadd.s32 $0x50, s13  }
0x514: {  	[hbm4b:s15+s2] =	stream.linear.scatter [tilespmem:s14], [sflag:$0x3], $0x80, $0x38;
	v63 =	vld [tilespmem:$0x0]  }
0x515: {  	s16 =	simm.s32 $0x18C30;
	s17 =	sadd.s32 $0x60, s13;
	s14 =	simm.s32 $0x2200  }
0x516: {  	[hbm4b:s17+s2] =	stream.linear.scatter [tilespmem:s16], [sflag:$0x3], $0x80, $0x38;
	v63 =	vld [tilespmem:$0x0]  }
0x517: {  	s15 =	simm.s32 $0x18CB8;
	s16 =	sadd.s32 $0x70, s13;
	s13 =	sadd.s32 $0x400, s13  }
.LBB2_39:
0x518: {  	[hbm4b:s16+s2] =	stream.linear.scatter [tilespmem:s15], [sflag:$0x3], $0x80, $0x38;
	v63 =	vld [tilespmem:$0x0]  }
0x519: {  	s15 =	smov.u32 s12;
	s12 =	smov.u32 s14  }
0x51a: {  	s17 =	sadd.s32 $0x1100, s14;
	s12 =	sshra.s32 s12, $0x2;
	s16 =	sadd.s32 $0x18900, s15  }
0x51b: {  	[hbm4b:s13+s2] =	stream.linear.scatter [tilespmem:s16], [sflag:$0x3], $0x80, $0x38;
	v63 =	vld [tilespmem:$0x0]  }
0x51c: {  	p0 =	sne.s32 s14, $0x7700;
	s14 =	sadd.s32 $0x18988, s15;
	s16 =	sadd.s32 $0x10, s13  }
0x51d: {  	[hbm4b:s16+s2] =	stream.linear.scatter [tilespmem:s14], [sflag:$0x3], $0x80, $0x38;
	v63 =	vld [tilespmem:$0x0]  }
0x51e: {  	s14 =	sadd.s32 $0x18A10, s15;
	s16 =	sadd.s32 $0x20, s13  }
0x51f: {  	[hbm4b:s16+s2] =	stream.linear.scatter [tilespmem:s14], [sflag:$0x3], $0x80, $0x38;
	v63 =	vld [tilespmem:$0x0]  }
0x520: {  	s14 =	sadd.s32 $0x18A98, s15;
	s16 =	sadd.s32 $0x30, s13  }
0x521: {  	[hbm4b:s16+s2] =	stream.linear.scatter [tilespmem:s14], [sflag:$0x3], $0x80, $0x38;
	v63 =	vld [tilespmem:$0x0]  }
0x522: {  	s14 =	sadd.s32 $0x18B20, s15;
	s16 =	sadd.s32 $0x40, s13  }
0x523: {  	[hbm4b:s16+s2] =	stream.linear.scatter [tilespmem:s14], [sflag:$0x3], $0x80, $0x38;
	v63 =	vld [tilespmem:$0x0]  }
.Ltmp18:
0x524: {  	s14 =	sadd.s32 $0x18BA8, s15;
	s16 =	sadd.s32 $0x50, s13;
	(pc) =	sbr.rel @p0 .LBB2_39-.Ltmp18, $4  }
0x525: {  	[hbm4b:s16+s2] =	stream.linear.scatter [tilespmem:s14], [sflag:$0x3], $0x80, $0x38;
	v63 =	vld [tilespmem:$0x0]  }
0x526: {  	s14 =	sadd.s32 $0x18C30, s15;
	s16 =	sadd.s32 $0x60, s13;
	s15 =	sadd.s32 $0x18CB8, s15  }
0x527: {  	[hbm4b:s16+s2] =	stream.linear.scatter [tilespmem:s14], [sflag:$0x3], $0x80, $0x38;
	v63 =	vld [tilespmem:$0x0]  }
0x528: {  	s16 =	sadd.s32 $0x70, s13;
	s13 =	sadd.s32 $0x400, s13;
	s14 =	smov.u32 s17  }
0x529: {  	[hbm4b:s16+s2] =	stream.linear.scatter [tilespmem:s15], [sflag:$0x3], $0x80, $0x38;
	v63 =	vld [tilespmem:$0x0]  }
0x52a: {  	s14 =	sadd.s32 $0x18900, s12  }
0x52b: {  	[hbm4b:s13+s2] =	stream.linear.scatter [tilespmem:s14], [sflag:$0x3], $0x80, $0x38;
	v63 =	vld [tilespmem:$0x0]  }
0x52c: {  	s15 =	sadd.s32 $0x18988, s12;
	s16 =	sadd.s32 $0x10, s13  }
0x52d: {  	[hbm4b:s16+s2] =	stream.linear.scatter [tilespmem:s15], [sflag:$0x3], $0x80, $0x38;
	v63 =	vld [tilespmem:$0x0]  }
0x52e: {  	s17 =	sadd.s32 $0x18A10, s12;
	s3 =	sadd.s32 $0x20, s13  }
0x52f: {  	[hbm4b:s3+s2] =	stream.linear.scatter [tilespmem:s17], [sflag:$0x3], $0x80, $0x38;
	v63 =	vld [tilespmem:$0x0]  }
0x530: {  	s15 =	sadd.s32 $0x18A98, s12;
	s16 =	sadd.s32 $0x30, s13  }
0x531: {  	[hbm4b:s16+s2] =	stream.linear.scatter [tilespmem:s15], [sflag:$0x3], $0x80, $0x38;
	v63 =	vld [tilespmem:$0x0]  }
0x532: {  	s17 =	sadd.s32 $0x18B20, s12;
	s3 =	sadd.s32 $0x40, s13  }
0x533: {  	[hbm4b:s3+s2] =	stream.linear.scatter [tilespmem:s17], [sflag:$0x3], $0x80, $0x38;
	v63 =	vld [tilespmem:$0x0]  }
0x534: {  	s15 =	sadd.s32 $0x18BA8, s12;
	s16 =	sadd.s32 $0x50, s13  }
0x535: {  	[hbm4b:s16+s2] =	stream.linear.scatter [tilespmem:s15], [sflag:$0x3], $0x80, $0x38;
	v63 =	vld [tilespmem:$0x0]  }
0x536: {  	s17 =	sadd.s32 $0x18C30, s12;
	s3 =	sadd.s32 $0x60, s13  }
0x537: {  	[hbm4b:s3+s2] =	stream.linear.scatter [tilespmem:s17], [sflag:$0x3], $0x80, $0x38;
	v63 =	vld [tilespmem:$0x0]  }
0x538: {  	s16 =	sadd.s32 $0x18CB8, s12;
	s17 =	sadd.s32 $0x70, s13  }
0x539: {  	[hbm4b:s17+s2] =	stream.linear.scatter [tilespmem:s16], [sflag:$0x3], $0x80, $0x38;
	v63 =	vld [tilespmem:$0x0]  }
0x53a: {  	s3 =	sadd.s32 $0x4000, s11  }
0x53b: {  	[hbm4b:s3+s2] =	stream.linear.scatter [tilespmem:s20], [sflag:$0x3], $0x80, $0x38;
	v63 =	vld [tilespmem:$0x0]  }
0x53c: {  	s13 =	sadd.s32 $0x4010, s11;
	s3 =	simm.s32 $0x1AB88  }
0x53d: {  	[hbm4b:s13+s2] =	stream.linear.scatter [tilespmem:s3], [sflag:$0x3], $0x80, $0x38;
	v63 =	vld [tilespmem:$0x0]  }
0x53e: {  	s14 =	sadd.s32 $0x4020, s11;
	s15 =	simm.s32 $0x1AC10  }
0x53f: {  	[hbm4b:s14+s2] =	stream.linear.scatter [tilespmem:s15], [sflag:$0x3], $0x80, $0x38;
	v63 =	vld [tilespmem:$0x0]  }
0x540: {  	s16 =	sadd.s32 $0x4030, s11;
	s17 =	simm.s32 $0x1AC98  }
0x541: {  	[hbm4b:s16+s2] =	stream.linear.scatter [tilespmem:s17], [sflag:$0x3], $0x80, $0x38;
	v63 =	vld [tilespmem:$0x0]  }
0x542: {  	s3 =	sadd.s32 $0x4040, s11;
	s13 =	simm.s32 $0x1AD20  }
0x543: {  	[hbm4b:s3+s2] =	stream.linear.scatter [tilespmem:s13], [sflag:$0x3], $0x80, $0x38;
	v63 =	vld [tilespmem:$0x0]  }
0x544: {  	s14 =	sadd.s32 $0x4050, s11;
	s15 =	simm.s32 $0x1ADA8  }
0x545: {  	[hbm4b:s14+s2] =	stream.linear.scatter [tilespmem:s15], [sflag:$0x3], $0x80, $0x38;
	v63 =	vld [tilespmem:$0x0]  }
0x546: {  	s16 =	sadd.s32 $0x4060, s11;
	s17 =	simm.s32 $0x1AE30  }
0x547: {  	[hbm4b:s16+s2] =	stream.linear.scatter [tilespmem:s17], [sflag:$0x3], $0x80, $0x38;
	v63 =	vld [tilespmem:$0x0]  }
0x548: {  	s3 =	sadd.s32 $0x4070, s11;
	s13 =	simm.s32 $0x1AEB8  }
0x549: {  	[hbm4b:s3+s2] =	stream.linear.scatter [tilespmem:s13], [sflag:$0x3], $0x80, $0x38;
	v63 =	vld [tilespmem:$0x0]  }
0x54a: {  	s14 =	sadd.s32 $0x4400, s11;
	s15 =	simm.s32 $0x1AF40  }
0x54b: {  	[hbm4b:s14+s2] =	stream.linear.scatter [tilespmem:s15], [sflag:$0x3], $0x80, $0x38;
	v63 =	vld [tilespmem:$0x0]  }
0x54c: {  	s16 =	sadd.s32 $0x4410, s11;
	s17 =	simm.s32 $0x1AFC8  }
0x54d: {  	[hbm4b:s16+s2] =	stream.linear.scatter [tilespmem:s17], [sflag:$0x3], $0x80, $0x38;
	v63 =	vld [tilespmem:$0x0]  }
0x54e: {  	s3 =	sadd.s32 $0x4420, s11;
	s13 =	simm.s32 $0x1B050  }
0x54f: {  	[hbm4b:s3+s2] =	stream.linear.scatter [tilespmem:s13], [sflag:$0x3], $0x80, $0x38;
	v63 =	vld [tilespmem:$0x0]  }
0x550: {  	s14 =	sadd.s32 $0x4430, s11;
	s15 =	simm.s32 $0x1B0D8  }
0x551: {  	[hbm4b:s14+s2] =	stream.linear.scatter [tilespmem:s15], [sflag:$0x3], $0x80, $0x38;
	v63 =	vld [tilespmem:$0x0]  }
0x552: {  	s16 =	sadd.s32 $0x4440, s11;
	s17 =	simm.s32 $0x1B160  }
0x553: {  	[hbm4b:s16+s2] =	stream.linear.scatter [tilespmem:s17], [sflag:$0x3], $0x80, $0x38;
	v63 =	vld [tilespmem:$0x0]  }
0x554: {  	s3 =	sadd.s32 $0x4450, s11;
	s13 =	simm.s32 $0x1B1E8  }
0x555: {  	[hbm4b:s3+s2] =	stream.linear.scatter [tilespmem:s13], [sflag:$0x3], $0x80, $0x38;
	v63 =	vld [tilespmem:$0x0]  }
0x556: {  	s14 =	sadd.s32 $0x4460, s11;
	s15 =	simm.s32 $0x1B270  }
0x557: {  	[hbm4b:s14+s2] =	stream.linear.scatter [tilespmem:s15], [sflag:$0x3], $0x80, $0x38;
	v63 =	vld [tilespmem:$0x0]  }
0x558: {  	s16 =	sadd.s32 $0x4470, s11;
	s17 =	simm.s32 $0x1B2F8  }
0x559: {  	[hbm4b:s16+s2] =	stream.linear.scatter [tilespmem:s17], [sflag:$0x3], $0x80, $0x38;
	v63 =	vld [tilespmem:$0x0]  }
0x55a: {  	s3 =	sadd.s32 $0x4800, s11;
	s13 =	simm.s32 $0x1B380  }
0x55b: {  	[hbm4b:s3+s2] =	stream.linear.scatter [tilespmem:s13], [sflag:$0x3], $0x80, $0x38;
	v63 =	vld [tilespmem:$0x0]  }
0x55c: {  	s14 =	sadd.s32 $0x4810, s11;
	s15 =	simm.s32 $0x1B408  }
0x55d: {  	[hbm4b:s14+s2] =	stream.linear.scatter [tilespmem:s15], [sflag:$0x3], $0x80, $0x38;
	v63 =	vld [tilespmem:$0x0]  }
0x55e: {  	s16 =	sadd.s32 $0x4820, s11;
	s17 =	simm.s32 $0x1B490  }
0x55f: {  	[hbm4b:s16+s2] =	stream.linear.scatter [tilespmem:s17], [sflag:$0x3], $0x80, $0x38;
	v63 =	vld [tilespmem:$0x0]  }
0x560: {  	s3 =	sadd.s32 $0x4830, s11;
	s13 =	simm.s32 $0x1B518  }
0x561: {  	[hbm4b:s3+s2] =	stream.linear.scatter [tilespmem:s13], [sflag:$0x3], $0x80, $0x38;
	v63 =	vld [tilespmem:$0x0]  }
0x562: {  	s14 =	sadd.s32 $0x4840, s11;
	s15 =	simm.s32 $0x1B5A0  }
0x563: {  	[hbm4b:s14+s2] =	stream.linear.scatter [tilespmem:s15], [sflag:$0x3], $0x80, $0x38;
	v63 =	vld [tilespmem:$0x0]  }
0x564: {  	s16 =	sadd.s32 $0x4850, s11;
	s17 =	simm.s32 $0x1B628  }
0x565: {  	[hbm4b:s16+s2] =	stream.linear.scatter [tilespmem:s17], [sflag:$0x3], $0x80, $0x38;
	v63 =	vld [tilespmem:$0x0]  }
0x566: {  	s3 =	sadd.s32 $0x4860, s11;
	s13 =	simm.s32 $0x1B6B0  }
0x567: {  	[hbm4b:s3+s2] =	stream.linear.scatter [tilespmem:s13], [sflag:$0x3], $0x80, $0x38;
	v63 =	vld [tilespmem:$0x0]  }
0x568: {  	s14 =	sadd.s32 $0x4870, s11;
	s15 =	simm.s32 $0x1B738  }
0x569: {  	[hbm4b:s14+s2] =	stream.linear.scatter [tilespmem:s15], [sflag:$0x3], $0x80, $0x38;
	v63 =	vld [tilespmem:$0x0]  }
0x56a: {  	s16 =	sadd.s32 $0x4C00, s11;
	s17 =	simm.s32 $0x1B7C0  }
0x56b: {  	[hbm4b:s16+s2] =	stream.linear.scatter [tilespmem:s17], [sflag:$0x3], $0x80, $0x38;
	v63 =	vld [tilespmem:$0x0]  }
0x56c: {  	s3 =	sadd.s32 $0x4C10, s11;
	s13 =	simm.s32 $0x1B848  }
0x56d: {  	[hbm4b:s3+s2] =	stream.linear.scatter [tilespmem:s13], [sflag:$0x3], $0x80, $0x38;
	v63 =	vld [tilespmem:$0x0]  }
0x56e: {  	s14 =	sadd.s32 $0x4C20, s11;
	s15 =	simm.s32 $0x1B8D0  }
0x56f: {  	[hbm4b:s14+s2] =	stream.linear.scatter [tilespmem:s15], [sflag:$0x3], $0x80, $0x38;
	v63 =	vld [tilespmem:$0x0]  }
0x570: {  	s16 =	sadd.s32 $0x4C30, s11;
	s17 =	simm.s32 $0x1B958  }
0x571: {  	[hbm4b:s16+s2] =	stream.linear.scatter [tilespmem:s17], [sflag:$0x3], $0x80, $0x38;
	v63 =	vld [tilespmem:$0x0]  }
0x572: {  	s3 =	sadd.s32 $0x4C40, s11;
	s13 =	simm.s32 $0x1B9E0  }
0x573: {  	[hbm4b:s3+s2] =	stream.linear.scatter [tilespmem:s13], [sflag:$0x3], $0x80, $0x38;
	v63 =	vld [tilespmem:$0x0]  }
0x574: {  	s14 =	sadd.s32 $0x4C50, s11;
	s15 =	simm.s32 $0x1BA68  }
0x575: {  	[hbm4b:s14+s2] =	stream.linear.scatter [tilespmem:s15], [sflag:$0x3], $0x80, $0x38;
	v63 =	vld [tilespmem:$0x0]  }
0x576: {  	s16 =	sadd.s32 $0x4C60, s11;
	s17 =	simm.s32 $0x1BAF0  }
0x577: {  	[hbm4b:s16+s2] =	stream.linear.scatter [tilespmem:s17], [sflag:$0x3], $0x80, $0x38;
	v63 =	vld [tilespmem:$0x0]  }
0x578: {  	s13 =	sadd.s32 $0x4C70, s11;
	s14 =	simm.s32 $0x1BB78  }
0x579: {  	[hbm4b:s13+s2] =	stream.linear.scatter [tilespmem:s14], [sflag:$0x3], $0x80, $0x38;
	v63 =	vld [tilespmem:$0x0]  }
0x57a: {  	s15 =	sadd.s32 $0x5000, s11  }
0x57b: {  	[hbm4b:s15+s2] =	stream.linear.scatter [tilespmem:s23], [sflag:$0x3], $0x80, $0x38;
	v63 =	vld [tilespmem:$0x0]  }
0x57c: {  	s16 =	sadd.s32 $0x5010, s11;
	s17 =	simm.s32 $0x1BC88  }
0x57d: {  	[hbm4b:s16+s2] =	stream.linear.scatter [tilespmem:s17], [sflag:$0x3], $0x80, $0x38;
	v63 =	vld [tilespmem:$0x0]  }
0x57e: {  	s3 =	sadd.s32 $0x5020, s11;
	s13 =	simm.s32 $0x1BD10  }
0x57f: {  	[hbm4b:s3+s2] =	stream.linear.scatter [tilespmem:s13], [sflag:$0x3], $0x80, $0x38;
	v63 =	vld [tilespmem:$0x0]  }
0x580: {  	s14 =	sadd.s32 $0x5030, s11;
	s15 =	simm.s32 $0x1BD98  }
0x581: {  	[hbm4b:s14+s2] =	stream.linear.scatter [tilespmem:s15], [sflag:$0x3], $0x80, $0x38;
	v63 =	vld [tilespmem:$0x0]  }
0x582: {  	s16 =	sadd.s32 $0x5040, s11;
	s17 =	simm.s32 $0x1BE20  }
0x583: {  	[hbm4b:s16+s2] =	stream.linear.scatter [tilespmem:s17], [sflag:$0x3], $0x80, $0x38;
	v63 =	vld [tilespmem:$0x0]  }
0x584: {  	s3 =	sadd.s32 $0x5050, s11;
	s13 =	simm.s32 $0x1BEA8  }
0x585: {  	[hbm4b:s3+s2] =	stream.linear.scatter [tilespmem:s13], [sflag:$0x3], $0x80, $0x38;
	v63 =	vld [tilespmem:$0x0]  }
0x586: {  	s14 =	sadd.s32 $0x5060, s11;
	s15 =	simm.s32 $0x1BF30  }
0x587: {  	[hbm4b:s14+s2] =	stream.linear.scatter [tilespmem:s15], [sflag:$0x3], $0x80, $0x38;
	v63 =	vld [tilespmem:$0x0]  }
0x588: {  	s16 =	sadd.s32 $0x5070, s11;
	s17 =	simm.s32 $0x1BFB8  }
0x589: {  	[hbm4b:s16+s2] =	stream.linear.scatter [tilespmem:s17], [sflag:$0x3], $0x80, $0x38;
	v63 =	vld [tilespmem:$0x0]  }
0x58a: {  	s3 =	sadd.s32 $0x5400, s11;
	s13 =	simm.s32 $0x1C040  }
0x58b: {  	[hbm4b:s3+s2] =	stream.linear.scatter [tilespmem:s13], [sflag:$0x3], $0x80, $0x38;
	v63 =	vld [tilespmem:$0x0]  }
0x58c: {  	s14 =	sadd.s32 $0x5410, s11;
	s15 =	simm.s32 $0x1C0C8  }
0x58d: {  	[hbm4b:s14+s2] =	stream.linear.scatter [tilespmem:s15], [sflag:$0x3], $0x80, $0x38;
	v63 =	vld [tilespmem:$0x0]  }
0x58e: {  	s16 =	sadd.s32 $0x5420, s11;
	s17 =	simm.s32 $0x1C150  }
0x58f: {  	[hbm4b:s16+s2] =	stream.linear.scatter [tilespmem:s17], [sflag:$0x3], $0x80, $0x38;
	v63 =	vld [tilespmem:$0x0]  }
0x590: {  	s3 =	sadd.s32 $0x5430, s11;
	s13 =	simm.s32 $0x1C1D8  }
0x591: {  	[hbm4b:s3+s2] =	stream.linear.scatter [tilespmem:s13], [sflag:$0x3], $0x80, $0x38;
	v63 =	vld [tilespmem:$0x0]  }
0x592: {  	s14 =	sadd.s32 $0x5440, s11;
	s15 =	simm.s32 $0x1C260  }
0x593: {  	[hbm4b:s14+s2] =	stream.linear.scatter [tilespmem:s15], [sflag:$0x3], $0x80, $0x38;
	v63 =	vld [tilespmem:$0x0]  }
0x594: {  	s16 =	sadd.s32 $0x5450, s11;
	s17 =	simm.s32 $0x1C2E8  }
0x595: {  	[hbm4b:s16+s2] =	stream.linear.scatter [tilespmem:s17], [sflag:$0x3], $0x80, $0x38;
	v63 =	vld [tilespmem:$0x0]  }
0x596: {  	s3 =	sadd.s32 $0x5460, s11;
	s13 =	simm.s32 $0x1C370  }
0x597: {  	[hbm4b:s3+s2] =	stream.linear.scatter [tilespmem:s13], [sflag:$0x3], $0x80, $0x38;
	v63 =	vld [tilespmem:$0x0]  }
0x598: {  	s14 =	sadd.s32 $0x5470, s11;
	s15 =	simm.s32 $0x1C3F8  }
0x599: {  	[hbm4b:s14+s2] =	stream.linear.scatter [tilespmem:s15], [sflag:$0x3], $0x80, $0x38;
	v63 =	vld [tilespmem:$0x0]  }
0x59a: {  	s16 =	sadd.s32 $0x5800, s11;
	s17 =	simm.s32 $0x1C480  }
0x59b: {  	[hbm4b:s16+s2] =	stream.linear.scatter [tilespmem:s17], [sflag:$0x3], $0x80, $0x38;
	v63 =	vld [tilespmem:$0x0]  }
0x59c: {  	s3 =	sadd.s32 $0x5810, s11;
	s13 =	simm.s32 $0x1C508  }
0x59d: {  	[hbm4b:s3+s2] =	stream.linear.scatter [tilespmem:s13], [sflag:$0x3], $0x80, $0x38;
	v63 =	vld [tilespmem:$0x0]  }
0x59e: {  	s14 =	sadd.s32 $0x5820, s11;
	s15 =	simm.s32 $0x1C590  }
0x59f: {  	[hbm4b:s14+s2] =	stream.linear.scatter [tilespmem:s15], [sflag:$0x3], $0x80, $0x38;
	v63 =	vld [tilespmem:$0x0]  }
0x5a0: {  	s16 =	sadd.s32 $0x5830, s11;
	s17 =	simm.s32 $0x1C618  }
0x5a1: {  	[hbm4b:s16+s2] =	stream.linear.scatter [tilespmem:s17], [sflag:$0x3], $0x80, $0x38;
	v63 =	vld [tilespmem:$0x0]  }
0x5a2: {  	s3 =	sadd.s32 $0x5840, s11;
	s13 =	simm.s32 $0x1C6A0  }
0x5a3: {  	[hbm4b:s3+s2] =	stream.linear.scatter [tilespmem:s13], [sflag:$0x3], $0x80, $0x38;
	v63 =	vld [tilespmem:$0x0]  }
0x5a4: {  	s14 =	sadd.s32 $0x5850, s11;
	s15 =	simm.s32 $0x1C728  }
0x5a5: {  	[hbm4b:s14+s2] =	stream.linear.scatter [tilespmem:s15], [sflag:$0x3], $0x80, $0x38;
	v63 =	vld [tilespmem:$0x0]  }
0x5a6: {  	s16 =	sadd.s32 $0x5860, s11;
	s17 =	simm.s32 $0x1C7B0  }
0x5a7: {  	[hbm4b:s16+s2] =	stream.linear.scatter [tilespmem:s17], [sflag:$0x3], $0x80, $0x38;
	v63 =	vld [tilespmem:$0x0]  }
0x5a8: {  	s3 =	sadd.s32 $0x5870, s11;
	s13 =	simm.s32 $0x1C838  }
0x5a9: {  	[hbm4b:s3+s2] =	stream.linear.scatter [tilespmem:s13], [sflag:$0x3], $0x80, $0x38;
	v63 =	vld [tilespmem:$0x0]  }
0x5aa: {  	s14 =	sadd.s32 $0x5C00, s11;
	s15 =	simm.s32 $0x1C8C0  }
0x5ab: {  	[hbm4b:s14+s2] =	stream.linear.scatter [tilespmem:s15], [sflag:$0x3], $0x80, $0x38;
	v63 =	vld [tilespmem:$0x0]  }
0x5ac: {  	s16 =	sadd.s32 $0x5C10, s11;
	s17 =	simm.s32 $0x1C948  }
0x5ad: {  	[hbm4b:s16+s2] =	stream.linear.scatter [tilespmem:s17], [sflag:$0x3], $0x80, $0x38;
	v63 =	vld [tilespmem:$0x0]  }
0x5ae: {  	s3 =	sadd.s32 $0x5C20, s11;
	s13 =	simm.s32 $0x1C9D0  }
0x5af: {  	[hbm4b:s3+s2] =	stream.linear.scatter [tilespmem:s13], [sflag:$0x3], $0x80, $0x38;
	v63 =	vld [tilespmem:$0x0]  }
0x5b0: {  	s14 =	sadd.s32 $0x5C30, s11;
	s15 =	simm.s32 $0x1CA58  }
0x5b1: {  	[hbm4b:s14+s2] =	stream.linear.scatter [tilespmem:s15], [sflag:$0x3], $0x80, $0x38;
	v63 =	vld [tilespmem:$0x0]  }
0x5b2: {  	s16 =	sadd.s32 $0x5C40, s11;
	s17 =	simm.s32 $0x1CAE0  }
0x5b3: {  	[hbm4b:s16+s2] =	stream.linear.scatter [tilespmem:s17], [sflag:$0x3], $0x80, $0x38;
	v63 =	vld [tilespmem:$0x0]  }
0x5b4: {  	s3 =	sadd.s32 $0x5C50, s11;
	s13 =	simm.s32 $0x1CB68  }
0x5b5: {  	[hbm4b:s3+s2] =	stream.linear.scatter [tilespmem:s13], [sflag:$0x3], $0x80, $0x38;
	v63 =	vld [tilespmem:$0x0]  }
0x5b6: {  	s14 =	sadd.s32 $0x5C60, s11;
	s15 =	simm.s32 $0x1CBF0  }
0x5b7: {  	[hbm4b:s14+s2] =	stream.linear.scatter [tilespmem:s15], [sflag:$0x3], $0x80, $0x38;
	v63 =	vld [tilespmem:$0x0]  }
0x5b8: {  	s16 =	sadd.s32 $0x5C70, s11;
	s17 =	simm.s32 $0x1CC78  }
0x5b9: {  	[hbm4b:s16+s2] =	stream.linear.scatter [tilespmem:s17], [sflag:$0x3], $0x80, $0x38;
	v63 =	vld [tilespmem:$0x0]  }
0x5ba: {  	s13 =	sadd.s32 $0x6000, s11  }
0x5bb: {  	[hbm4b:s13+s2] =	stream.linear.scatter [tilespmem:s24], [sflag:$0x3], $0x80, $0x38;
	v63 =	vld [tilespmem:$0x0]  }
0x5bc: {  	s14 =	sadd.s32 $0x6010, s11;
	s15 =	simm.s32 $0x1CD88  }
0x5bd: {  	[hbm4b:s14+s2] =	stream.linear.scatter [tilespmem:s15], [sflag:$0x3], $0x80, $0x38;
	v63 =	vld [tilespmem:$0x0]  }
0x5be: {  	s16 =	sadd.s32 $0x6020, s11;
	s17 =	simm.s32 $0x1CE10  }
0x5bf: {  	[hbm4b:s16+s2] =	stream.linear.scatter [tilespmem:s17], [sflag:$0x3], $0x80, $0x38;
	v63 =	vld [tilespmem:$0x0]  }
0x5c0: {  	s3 =	sadd.s32 $0x6030, s11;
	s13 =	simm.s32 $0x1CE98  }
0x5c1: {  	[hbm4b:s3+s2] =	stream.linear.scatter [tilespmem:s13], [sflag:$0x3], $0x80, $0x38;
	v63 =	vld [tilespmem:$0x0]  }
0x5c2: {  	s14 =	sadd.s32 $0x6040, s11;
	s15 =	simm.s32 $0x1CF20  }
0x5c3: {  	[hbm4b:s14+s2] =	stream.linear.scatter [tilespmem:s15], [sflag:$0x3], $0x80, $0x38;
	v63 =	vld [tilespmem:$0x0]  }
0x5c4: {  	s16 =	sadd.s32 $0x6050, s11;
	s17 =	simm.s32 $0x1CFA8  }
0x5c5: {  	[hbm4b:s16+s2] =	stream.linear.scatter [tilespmem:s17], [sflag:$0x3], $0x80, $0x38;
	v63 =	vld [tilespmem:$0x0]  }
0x5c6: {  	s3 =	sadd.s32 $0x6060, s11;
	s13 =	simm.s32 $0x1D030  }
0x5c7: {  	[hbm4b:s3+s2] =	stream.linear.scatter [tilespmem:s13], [sflag:$0x3], $0x80, $0x38;
	v63 =	vld [tilespmem:$0x0]  }
0x5c8: {  	s14 =	sadd.s32 $0x6070, s11;
	s15 =	simm.s32 $0x1D0B8  }
0x5c9: {  	[hbm4b:s14+s2] =	stream.linear.scatter [tilespmem:s15], [sflag:$0x3], $0x80, $0x38;
	v63 =	vld [tilespmem:$0x0]  }
0x5ca: {  	s16 =	sadd.s32 $0x6400, s11;
	s17 =	simm.s32 $0x1D140  }
0x5cb: {  	[hbm4b:s16+s2] =	stream.linear.scatter [tilespmem:s17], [sflag:$0x3], $0x80, $0x38;
	v63 =	vld [tilespmem:$0x0]  }
0x5cc: {  	s3 =	sadd.s32 $0x6410, s11;
	s13 =	simm.s32 $0x1D1C8  }
0x5cd: {  	[hbm4b:s3+s2] =	stream.linear.scatter [tilespmem:s13], [sflag:$0x3], $0x80, $0x38;
	v63 =	vld [tilespmem:$0x0]  }
0x5ce: {  	s14 =	sadd.s32 $0x6420, s11;
	s15 =	simm.s32 $0x1D250  }
0x5cf: {  	[hbm4b:s14+s2] =	stream.linear.scatter [tilespmem:s15], [sflag:$0x3], $0x80, $0x38;
	v63 =	vld [tilespmem:$0x0]  }
0x5d0: {  	s16 =	sadd.s32 $0x6430, s11;
	s17 =	simm.s32 $0x1D2D8  }
0x5d1: {  	[hbm4b:s16+s2] =	stream.linear.scatter [tilespmem:s17], [sflag:$0x3], $0x80, $0x38;
	v63 =	vld [tilespmem:$0x0]  }
0x5d2: {  	s3 =	sadd.s32 $0x6440, s11;
	s13 =	simm.s32 $0x1D360  }
0x5d3: {  	[hbm4b:s3+s2] =	stream.linear.scatter [tilespmem:s13], [sflag:$0x3], $0x80, $0x38;
	v63 =	vld [tilespmem:$0x0]  }
0x5d4: {  	s14 =	sadd.s32 $0x6450, s11;
	s15 =	simm.s32 $0x1D3E8  }
0x5d5: {  	[hbm4b:s14+s2] =	stream.linear.scatter [tilespmem:s15], [sflag:$0x3], $0x80, $0x38;
	v63 =	vld [tilespmem:$0x0]  }
0x5d6: {  	s16 =	sadd.s32 $0x6460, s11;
	s17 =	simm.s32 $0x1D470  }
0x5d7: {  	[hbm4b:s16+s2] =	stream.linear.scatter [tilespmem:s17], [sflag:$0x3], $0x80, $0x38;
	v63 =	vld [tilespmem:$0x0]  }
0x5d8: {  	s3 =	sadd.s32 $0x6470, s11;
	s13 =	simm.s32 $0x1D4F8  }
0x5d9: {  	[hbm4b:s3+s2] =	stream.linear.scatter [tilespmem:s13], [sflag:$0x3], $0x80, $0x38;
	v63 =	vld [tilespmem:$0x0]  }
0x5da: {  	s14 =	sadd.s32 $0x6800, s11;
	s15 =	simm.s32 $0x1D580  }
0x5db: {  	[hbm4b:s14+s2] =	stream.linear.scatter [tilespmem:s15], [sflag:$0x3], $0x80, $0x38;
	v63 =	vld [tilespmem:$0x0]  }
0x5dc: {  	s16 =	sadd.s32 $0x6810, s11;
	s17 =	simm.s32 $0x1D608  }
0x5dd: {  	[hbm4b:s16+s2] =	stream.linear.scatter [tilespmem:s17], [sflag:$0x3], $0x80, $0x38;
	v63 =	vld [tilespmem:$0x0]  }
0x5de: {  	s3 =	sadd.s32 $0x6820, s11;
	s13 =	simm.s32 $0x1D690  }
0x5df: {  	[hbm4b:s3+s2] =	stream.linear.scatter [tilespmem:s13], [sflag:$0x3], $0x80, $0x38;
	v63 =	vld [tilespmem:$0x0]  }
0x5e0: {  	s14 =	sadd.s32 $0x6830, s11;
	s15 =	simm.s32 $0x1D718  }
0x5e1: {  	[hbm4b:s14+s2] =	stream.linear.scatter [tilespmem:s15], [sflag:$0x3], $0x80, $0x38;
	v63 =	vld [tilespmem:$0x0]  }
0x5e2: {  	s16 =	sadd.s32 $0x6840, s11;
	s17 =	simm.s32 $0x1D7A0  }
0x5e3: {  	[hbm4b:s16+s2] =	stream.linear.scatter [tilespmem:s17], [sflag:$0x3], $0x80, $0x38;
	v63 =	vld [tilespmem:$0x0]  }
0x5e4: {  	s3 =	sadd.s32 $0x6850, s11;
	s13 =	simm.s32 $0x1D828  }
0x5e5: {  	[hbm4b:s3+s2] =	stream.linear.scatter [tilespmem:s13], [sflag:$0x3], $0x80, $0x38;
	v63 =	vld [tilespmem:$0x0]  }
0x5e6: {  	s14 =	sadd.s32 $0x6860, s11;
	s15 =	simm.s32 $0x1D8B0  }
0x5e7: {  	[hbm4b:s14+s2] =	stream.linear.scatter [tilespmem:s15], [sflag:$0x3], $0x80, $0x38;
	v63 =	vld [tilespmem:$0x0]  }
0x5e8: {  	s16 =	sadd.s32 $0x6870, s11;
	s17 =	simm.s32 $0x1D938  }
0x5e9: {  	[hbm4b:s16+s2] =	stream.linear.scatter [tilespmem:s17], [sflag:$0x3], $0x80, $0x38;
	v63 =	vld [tilespmem:$0x0]  }
0x5ea: {  	s3 =	sadd.s32 $0x6C00, s11;
	s13 =	simm.s32 $0x1D9C0  }
0x5eb: {  	[hbm4b:s3+s2] =	stream.linear.scatter [tilespmem:s13], [sflag:$0x3], $0x80, $0x38;
	v63 =	vld [tilespmem:$0x0]  }
0x5ec: {  	s14 =	sadd.s32 $0x6C10, s11;
	s15 =	simm.s32 $0x1DA48  }
0x5ed: {  	[hbm4b:s14+s2] =	stream.linear.scatter [tilespmem:s15], [sflag:$0x3], $0x80, $0x38;
	v63 =	vld [tilespmem:$0x0]  }
0x5ee: {  	s16 =	sadd.s32 $0x6C20, s11;
	s17 =	simm.s32 $0x1DAD0  }
0x5ef: {  	[hbm4b:s16+s2] =	stream.linear.scatter [tilespmem:s17], [sflag:$0x3], $0x80, $0x38;
	v63 =	vld [tilespmem:$0x0]  }
0x5f0: {  	s3 =	sadd.s32 $0x6C30, s11;
	s13 =	simm.s32 $0x1DB58  }
0x5f1: {  	[hbm4b:s3+s2] =	stream.linear.scatter [tilespmem:s13], [sflag:$0x3], $0x80, $0x38;
	v63 =	vld [tilespmem:$0x0]  }
0x5f2: {  	s14 =	sadd.s32 $0x6C40, s11;
	s15 =	simm.s32 $0x1DBE0  }
0x5f3: {  	[hbm4b:s14+s2] =	stream.linear.scatter [tilespmem:s15], [sflag:$0x3], $0x80, $0x38;
	v63 =	vld [tilespmem:$0x0]  }
0x5f4: {  	s16 =	sadd.s32 $0x6C50, s11;
	s17 =	simm.s32 $0x1DC68  }
0x5f5: {  	[hbm4b:s16+s2] =	stream.linear.scatter [tilespmem:s17], [sflag:$0x3], $0x80, $0x38;
	v63 =	vld [tilespmem:$0x0]  }
0x5f6: {  	s13 =	sadd.s32 $0x6C60, s11;
	s14 =	simm.s32 $0x1DCF0  }
0x5f7: {  	[hbm4b:s13+s2] =	stream.linear.scatter [tilespmem:s14], [sflag:$0x3], $0x80, $0x38;
	v63 =	vld [tilespmem:$0x0]  }
0x5f8: {  	s15 =	sadd.s32 $0x6C70, s11;
	s16 =	simm.s32 $0x1DD78  }
0x5f9: {  	[hbm4b:s15+s2] =	stream.linear.scatter [tilespmem:s16], [sflag:$0x3], $0x80, $0x38;
	v63 =	vld [tilespmem:$0x0]  }
0x5fa: {  	s17 =	sadd.s32 $0x7000, s11  }
0x5fb: {  	[hbm4b:s17+s2] =	stream.linear.scatter [tilespmem:s29], [sflag:$0x3], $0x80, $0x38;
	v63 =	vld [tilespmem:$0x0]  }
0x5fc: {  	s3 =	sadd.s32 $0x7010, s11;
	s13 =	simm.s32 $0x1DE88  }
0x5fd: {  	[hbm4b:s3+s2] =	stream.linear.scatter [tilespmem:s13], [sflag:$0x3], $0x80, $0x38;
	v63 =	vld [tilespmem:$0x0]  }
0x5fe: {  	s14 =	sadd.s32 $0x7020, s11;
	s15 =	simm.s32 $0x1DF10  }
0x5ff: {  	[hbm4b:s14+s2] =	stream.linear.scatter [tilespmem:s15], [sflag:$0x3], $0x80, $0x38;
	v63 =	vld [tilespmem:$0x0]  }
0x600: {  	s16 =	sadd.s32 $0x7030, s11;
	s17 =	simm.s32 $0x1DF98  }
0x601: {  	[hbm4b:s16+s2] =	stream.linear.scatter [tilespmem:s17], [sflag:$0x3], $0x80, $0x38;
	v63 =	vld [tilespmem:$0x0]  }
0x602: {  	s3 =	sadd.s32 $0x7040, s11;
	s13 =	simm.s32 $0x1E020  }
0x603: {  	[hbm4b:s3+s2] =	stream.linear.scatter [tilespmem:s13], [sflag:$0x3], $0x80, $0x38;
	v63 =	vld [tilespmem:$0x0]  }
0x604: {  	s14 =	sadd.s32 $0x7050, s11;
	s15 =	simm.s32 $0x1E0A8  }
0x605: {  	[hbm4b:s14+s2] =	stream.linear.scatter [tilespmem:s15], [sflag:$0x3], $0x80, $0x38;
	v63 =	vld [tilespmem:$0x0]  }
0x606: {  	s16 =	sadd.s32 $0x7060, s11;
	s17 =	simm.s32 $0x1E130  }
0x607: {  	[hbm4b:s16+s2] =	stream.linear.scatter [tilespmem:s17], [sflag:$0x3], $0x80, $0x38;
	v63 =	vld [tilespmem:$0x0]  }
0x608: {  	s3 =	sadd.s32 $0x7070, s11;
	s13 =	simm.s32 $0x1E1B8  }
0x609: {  	[hbm4b:s3+s2] =	stream.linear.scatter [tilespmem:s13], [sflag:$0x3], $0x80, $0x38;
	v63 =	vld [tilespmem:$0x0]  }
0x60a: {  	s14 =	sadd.s32 $0x7400, s11;
	s15 =	simm.s32 $0x1E240  }
0x60b: {  	[hbm4b:s14+s2] =	stream.linear.scatter [tilespmem:s15], [sflag:$0x3], $0x80, $0x38;
	v63 =	vld [tilespmem:$0x0]  }
0x60c: {  	s16 =	sadd.s32 $0x7410, s11;
	s17 =	simm.s32 $0x1E2C8  }
0x60d: {  	[hbm4b:s16+s2] =	stream.linear.scatter [tilespmem:s17], [sflag:$0x3], $0x80, $0x38;
	v63 =	vld [tilespmem:$0x0]  }
0x60e: {  	s3 =	sadd.s32 $0x7420, s11;
	s13 =	simm.s32 $0x1E350  }
0x60f: {  	[hbm4b:s3+s2] =	stream.linear.scatter [tilespmem:s13], [sflag:$0x3], $0x80, $0x38;
	v63 =	vld [tilespmem:$0x0]  }
0x610: {  	s14 =	sadd.s32 $0x7430, s11;
	s15 =	simm.s32 $0x1E3D8  }
0x611: {  	[hbm4b:s14+s2] =	stream.linear.scatter [tilespmem:s15], [sflag:$0x3], $0x80, $0x38;
	v63 =	vld [tilespmem:$0x0]  }
0x612: {  	s16 =	sadd.s32 $0x7440, s11;
	s17 =	simm.s32 $0x1E460  }
0x613: {  	[hbm4b:s16+s2] =	stream.linear.scatter [tilespmem:s17], [sflag:$0x3], $0x80, $0x38;
	v63 =	vld [tilespmem:$0x0]  }
0x614: {  	s3 =	sadd.s32 $0x7450, s11;
	s13 =	simm.s32 $0x1E4E8  }
0x615: {  	[hbm4b:s3+s2] =	stream.linear.scatter [tilespmem:s13], [sflag:$0x3], $0x80, $0x38;
	v63 =	vld [tilespmem:$0x0]  }
0x616: {  	s14 =	sadd.s32 $0x7460, s11;
	s15 =	simm.s32 $0x1E570  }
0x617: {  	[hbm4b:s14+s2] =	stream.linear.scatter [tilespmem:s15], [sflag:$0x3], $0x80, $0x38;
	v63 =	vld [tilespmem:$0x0]  }
0x618: {  	s16 =	sadd.s32 $0x7470, s11;
	s17 =	simm.s32 $0x1E5F8  }
0x619: {  	[hbm4b:s16+s2] =	stream.linear.scatter [tilespmem:s17], [sflag:$0x3], $0x80, $0x38;
	v63 =	vld [tilespmem:$0x0]  }
0x61a: {  	s3 =	sadd.s32 $0x7800, s11;
	s13 =	simm.s32 $0x1E680  }
0x61b: {  	[hbm4b:s3+s2] =	stream.linear.scatter [tilespmem:s13], [sflag:$0x3], $0x80, $0x38;
	v63 =	vld [tilespmem:$0x0]  }
0x61c: {  	s14 =	sadd.s32 $0x7810, s11;
	s15 =	simm.s32 $0x1E708  }
0x61d: {  	[hbm4b:s14+s2] =	stream.linear.scatter [tilespmem:s15], [sflag:$0x3], $0x80, $0x38;
	v63 =	vld [tilespmem:$0x0]  }
0x61e: {  	s16 =	sadd.s32 $0x7820, s11;
	s17 =	simm.s32 $0x1E790  }
0x61f: {  	[hbm4b:s16+s2] =	stream.linear.scatter [tilespmem:s17], [sflag:$0x3], $0x80, $0x38;
	v63 =	vld [tilespmem:$0x0]  }
0x620: {  	s3 =	sadd.s32 $0x7830, s11;
	s13 =	simm.s32 $0x1E818  }
0x621: {  	[hbm4b:s3+s2] =	stream.linear.scatter [tilespmem:s13], [sflag:$0x3], $0x80, $0x38;
	v63 =	vld [tilespmem:$0x0]  }
0x622: {  	s14 =	sadd.s32 $0x7840, s11;
	s15 =	simm.s32 $0x1E8A0  }
0x623: {  	[hbm4b:s14+s2] =	stream.linear.scatter [tilespmem:s15], [sflag:$0x3], $0x80, $0x38;
	v63 =	vld [tilespmem:$0x0]  }
0x624: {  	s16 =	sadd.s32 $0x7850, s11;
	s17 =	simm.s32 $0x1E928  }
0x625: {  	[hbm4b:s16+s2] =	stream.linear.scatter [tilespmem:s17], [sflag:$0x3], $0x80, $0x38;
	v63 =	vld [tilespmem:$0x0]  }
0x626: {  	s3 =	sadd.s32 $0x7860, s11;
	s13 =	simm.s32 $0x1E9B0  }
0x627: {  	[hbm4b:s3+s2] =	stream.linear.scatter [tilespmem:s13], [sflag:$0x3], $0x80, $0x38;
	v63 =	vld [tilespmem:$0x0]  }
0x628: {  	s14 =	sadd.s32 $0x7870, s11;
	s15 =	simm.s32 $0x1EA38  }
0x629: {  	[hbm4b:s14+s2] =	stream.linear.scatter [tilespmem:s15], [sflag:$0x3], $0x80, $0x38;
	v63 =	vld [tilespmem:$0x0]  }
0x62a: {  	s16 =	sadd.s32 $0x7C00, s11;
	s17 =	simm.s32 $0x1EAC0  }
0x62b: {  	[hbm4b:s16+s2] =	stream.linear.scatter [tilespmem:s17], [sflag:$0x3], $0x80, $0x38;
	v63 =	vld [tilespmem:$0x0]  }
0x62c: {  	s3 =	sadd.s32 $0x7C10, s11;
	s13 =	simm.s32 $0x1EB48  }
0x62d: {  	[hbm4b:s3+s2] =	stream.linear.scatter [tilespmem:s13], [sflag:$0x3], $0x80, $0x38;
	v63 =	vld [tilespmem:$0x0]  }
0x62e: {  	s14 =	sadd.s32 $0x7C20, s11;
	s15 =	simm.s32 $0x1EBD0  }
0x62f: {  	[hbm4b:s14+s2] =	stream.linear.scatter [tilespmem:s15], [sflag:$0x3], $0x80, $0x38;
	v63 =	vld [tilespmem:$0x0]  }
0x630: {  	s16 =	sadd.s32 $0x7C30, s11;
	s17 =	simm.s32 $0x1EC58  }
0x631: {  	[hbm4b:s16+s2] =	stream.linear.scatter [tilespmem:s17], [sflag:$0x3], $0x80, $0x38;
	v63 =	vld [tilespmem:$0x0]  }
0x632: {  	s3 =	sadd.s32 $0x7C40, s11;
	s13 =	simm.s32 $0x1ECE0  }
0x633: {  	[hbm4b:s3+s2] =	stream.linear.scatter [tilespmem:s13], [sflag:$0x3], $0x80, $0x38;
	v63 =	vld [tilespmem:$0x0]  }
0x634: {  	s14 =	sadd.s32 $0x7C50, s11;
	s15 =	simm.s32 $0x1ED68  }
0x635: {  	[hbm4b:s14+s2] =	stream.linear.scatter [tilespmem:s15], [sflag:$0x3], $0x80, $0x38;
	v63 =	vld [tilespmem:$0x0]  }
0x636: {  	s16 =	sadd.s32 $0x7C60, s11;
	s17 =	simm.s32 $0x1EDF0  }
0x637: {  	[hbm4b:s16+s2] =	stream.linear.scatter [tilespmem:s17], [sflag:$0x3], $0x80, $0x38;
	v63 =	vld [tilespmem:$0x0]  }
0x638: {  	s13 =	sadd.s32 $0x7C70, s11;
	s14 =	simm.s32 $0x1EE78  }
0x639: {  	[hbm4b:s13+s2] =	stream.linear.scatter [tilespmem:s14], [sflag:$0x3], $0x80, $0x38;
	v63 =	vld [tilespmem:$0x0]  }
0x63a: {  	s15 =	sadd.s32 $0x8000, s11  }
0x63b: {  	[hbm4b:s15+s2] =	stream.linear.scatter [tilespmem:s30], [sflag:$0x3], $0x80, $0x38;
	v63 =	vld [tilespmem:$0x0]  }
0x63c: {  	s16 =	sadd.s32 $0x8010, s11;
	s17 =	simm.s32 $0x1EF88  }
0x63d: {  	[hbm4b:s16+s2] =	stream.linear.scatter [tilespmem:s17], [sflag:$0x3], $0x80, $0x38;
	v63 =	vld [tilespmem:$0x0]  }
0x63e: {  	s3 =	sadd.s32 $0x8020, s11;
	s13 =	simm.s32 $0x1F010  }
0x63f: {  	[hbm4b:s3+s2] =	stream.linear.scatter [tilespmem:s13], [sflag:$0x3], $0x80, $0x38;
	v63 =	vld [tilespmem:$0x0]  }
0x640: {  	s14 =	sadd.s32 $0x8030, s11;
	s15 =	simm.s32 $0x1F098  }
0x641: {  	[hbm4b:s14+s2] =	stream.linear.scatter [tilespmem:s15], [sflag:$0x3], $0x80, $0x38;
	v63 =	vld [tilespmem:$0x0]  }
0x642: {  	s16 =	sadd.s32 $0x8040, s11;
	s17 =	simm.s32 $0x1F120  }
0x643: {  	[hbm4b:s16+s2] =	stream.linear.scatter [tilespmem:s17], [sflag:$0x3], $0x80, $0x38;
	v63 =	vld [tilespmem:$0x0]  }
0x644: {  	s3 =	sadd.s32 $0x8050, s11;
	s13 =	simm.s32 $0x1F1A8  }
0x645: {  	[hbm4b:s3+s2] =	stream.linear.scatter [tilespmem:s13], [sflag:$0x3], $0x80, $0x38;
	v63 =	vld [tilespmem:$0x0]  }
0x646: {  	s14 =	sadd.s32 $0x8060, s11;
	s15 =	simm.s32 $0x1F230  }
0x647: {  	[hbm4b:s14+s2] =	stream.linear.scatter [tilespmem:s15], [sflag:$0x3], $0x80, $0x38;
	v63 =	vld [tilespmem:$0x0]  }
0x648: {  	s16 =	sadd.s32 $0x8070, s11;
	s17 =	simm.s32 $0x1F2B8  }
0x649: {  	[hbm4b:s16+s2] =	stream.linear.scatter [tilespmem:s17], [sflag:$0x3], $0x80, $0x38;
	v63 =	vld [tilespmem:$0x0]  }
0x64a: {  	s3 =	sadd.s32 $0x8400, s11;
	s13 =	simm.s32 $0x1F340  }
0x64b: {  	[hbm4b:s3+s2] =	stream.linear.scatter [tilespmem:s13], [sflag:$0x3], $0x80, $0x38;
	v63 =	vld [tilespmem:$0x0]  }
0x64c: {  	s14 =	sadd.s32 $0x8410, s11;
	s15 =	simm.s32 $0x1F3C8  }
0x64d: {  	[hbm4b:s14+s2] =	stream.linear.scatter [tilespmem:s15], [sflag:$0x3], $0x80, $0x38;
	v63 =	vld [tilespmem:$0x0]  }
0x64e: {  	s16 =	sadd.s32 $0x8420, s11;
	s17 =	simm.s32 $0x1F450  }
0x64f: {  	[hbm4b:s16+s2] =	stream.linear.scatter [tilespmem:s17], [sflag:$0x3], $0x80, $0x38;
	v63 =	vld [tilespmem:$0x0]  }
0x650: {  	s3 =	sadd.s32 $0x8430, s11;
	s13 =	simm.s32 $0x1F4D8  }
0x651: {  	[hbm4b:s3+s2] =	stream.linear.scatter [tilespmem:s13], [sflag:$0x3], $0x80, $0x38;
	v63 =	vld [tilespmem:$0x0]  }
0x652: {  	s14 =	sadd.s32 $0x8440, s11;
	s15 =	simm.s32 $0x1F560  }
0x653: {  	[hbm4b:s14+s2] =	stream.linear.scatter [tilespmem:s15], [sflag:$0x3], $0x80, $0x38;
	v63 =	vld [tilespmem:$0x0]  }
0x654: {  	s16 =	sadd.s32 $0x8450, s11;
	s17 =	simm.s32 $0x1F5E8  }
0x655: {  	[hbm4b:s16+s2] =	stream.linear.scatter [tilespmem:s17], [sflag:$0x3], $0x80, $0x38;
	v63 =	vld [tilespmem:$0x0]  }
0x656: {  	s3 =	sadd.s32 $0x8460, s11;
	s13 =	simm.s32 $0x1F670  }
0x657: {  	[hbm4b:s3+s2] =	stream.linear.scatter [tilespmem:s13], [sflag:$0x3], $0x80, $0x38;
	v63 =	vld [tilespmem:$0x0]  }
0x658: {  	s14 =	sadd.s32 $0x8470, s11;
	s15 =	simm.s32 $0x1F6F8  }
0x659: {  	[hbm4b:s14+s2] =	stream.linear.scatter [tilespmem:s15], [sflag:$0x3], $0x80, $0x38;
	v63 =	vld [tilespmem:$0x0]  }
0x65a: {  	s16 =	sadd.s32 $0x8800, s11;
	s17 =	simm.s32 $0x1F780  }
0x65b: {  	[hbm4b:s16+s2] =	stream.linear.scatter [tilespmem:s17], [sflag:$0x3], $0x80, $0x38;
	v63 =	vld [tilespmem:$0x0]  }
0x65c: {  	s3 =	sadd.s32 $0x8810, s11;
	s13 =	simm.s32 $0x1F808  }
0x65d: {  	[hbm4b:s3+s2] =	stream.linear.scatter [tilespmem:s13], [sflag:$0x3], $0x80, $0x38;
	v63 =	vld [tilespmem:$0x0]  }
0x65e: {  	s14 =	sadd.s32 $0x8820, s11;
	s15 =	simm.s32 $0x1F890  }
0x65f: {  	[hbm4b:s14+s2] =	stream.linear.scatter [tilespmem:s15], [sflag:$0x3], $0x80, $0x38;
	v63 =	vld [tilespmem:$0x0]  }
0x660: {  	s16 =	sadd.s32 $0x8830, s11;
	s17 =	simm.s32 $0x1F918  }
0x661: {  	[hbm4b:s16+s2] =	stream.linear.scatter [tilespmem:s17], [sflag:$0x3], $0x80, $0x38;
	v63 =	vld [tilespmem:$0x0]  }
0x662: {  	s3 =	sadd.s32 $0x8840, s11;
	s13 =	simm.s32 $0x1F9A0  }
0x663: {  	[hbm4b:s3+s2] =	stream.linear.scatter [tilespmem:s13], [sflag:$0x3], $0x80, $0x38;
	v63 =	vld [tilespmem:$0x0]  }
0x664: {  	s14 =	sadd.s32 $0x8850, s11;
	s15 =	simm.s32 $0x1FA28  }
0x665: {  	[hbm4b:s14+s2] =	stream.linear.scatter [tilespmem:s15], [sflag:$0x3], $0x80, $0x38;
	v63 =	vld [tilespmem:$0x0]  }
0x666: {  	s16 =	sadd.s32 $0x8860, s11;
	s17 =	simm.s32 $0x1FAB0  }
0x667: {  	[hbm4b:s16+s2] =	stream.linear.scatter [tilespmem:s17], [sflag:$0x3], $0x80, $0x38;
	v63 =	vld [tilespmem:$0x0]  }
0x668: {  	s3 =	sadd.s32 $0x8870, s11;
	s13 =	simm.s32 $0x1FB38  }
0x669: {  	[hbm4b:s3+s2] =	stream.linear.scatter [tilespmem:s13], [sflag:$0x3], $0x80, $0x38;
	v63 =	vld [tilespmem:$0x0]  }
0x66a: {  	s14 =	sadd.s32 $0x8C00, s11;
	s15 =	simm.s32 $0x1FBC0  }
0x66b: {  	[hbm4b:s14+s2] =	stream.linear.scatter [tilespmem:s15], [sflag:$0x3], $0x80, $0x38;
	v63 =	vld [tilespmem:$0x0]  }
0x66c: {  	s16 =	sadd.s32 $0x8C10, s11;
	s17 =	simm.s32 $0x1FC48  }
0x66d: {  	[hbm4b:s16+s2] =	stream.linear.scatter [tilespmem:s17], [sflag:$0x3], $0x80, $0x38;
	v63 =	vld [tilespmem:$0x0]  }
0x66e: {  	s3 =	sadd.s32 $0x8C20, s11;
	s13 =	simm.s32 $0x1FCD0  }
0x66f: {  	[hbm4b:s3+s2] =	stream.linear.scatter [tilespmem:s13], [sflag:$0x3], $0x80, $0x38;
	v63 =	vld [tilespmem:$0x0]  }
0x670: {  	s14 =	sadd.s32 $0x8C30, s11;
	s15 =	simm.s32 $0x1FD58  }
0x671: {  	[hbm4b:s14+s2] =	stream.linear.scatter [tilespmem:s15], [sflag:$0x3], $0x80, $0x38;
	v63 =	vld [tilespmem:$0x0]  }
0x672: {  	s8 =	sadd.s32 $0x1, s8;
	s16 =	sadd.s32 $0x8C40, s11;
	s17 =	simm.s32 $0x1FDE0  }
0x673: {  	[hbm4b:s16+s2] =	stream.linear.scatter [tilespmem:s17], [sflag:$0x3], $0x80, $0x38;
	v63 =	vld [tilespmem:$0x0]  }
0x674: {  	p0 =	sne.s32 s8, $0x19;
	s3 =	sadd.s32 $0x8C50, s11;
	s13 =	simm.s32 $0x1FE68  }
0x675: {  	[hbm4b:s3+s2] =	stream.linear.scatter [tilespmem:s13], [sflag:$0x3], $0x80, $0x38;
	v63 =	vld [tilespmem:$0x0]  }
.Ltmp19:
0x676: {  	_ = 	snop;
	(pc) =	sbr.rel @p0 .LBB2_2-.Ltmp19, $4  }
0x677: {  	s14 =	sadd.s32 $0x8C60, s11;
	s15 =	simm.s32 $0x1FEF0  }
0x678: {  	[hbm4b:s14+s2] =	stream.linear.scatter [tilespmem:s15], [sflag:$0x3], $0x80, $0x38;
	v63 =	vld [tilespmem:$0x0]  }
0x679: {  	s16 =	sadd.s32 $0x8C70, s11;
	s17 =	simm.s32 $0x1FF78  }
0x67a: {  	[hbm4b:s16+s2] =	stream.linear.scatter [tilespmem:s17], [sflag:$0x3], $0x80, $0x38;
	v63 =	vld [tilespmem:$0x0]  }
0x67b: {  	_ =	swait.ge [sflag:s31], $0x2000  }
0x67c: {  	[sflag:s31] =	ssyncset.done $0x0  }
0x67d: {  	[sflag:s31] =	ssyncadd.s32 $0xFFFFE000  }
0x67e: {  	_ =	swait.ge [sflag:s31], $0x2000  }
0x67f: {  	[sflag:s31] =	ssyncset.done $0x0  }
0x680: {  	[sflag:s31] =	ssyncadd.s32 $0xFFFFE000  }
0x681: {  	_ =	swait.ge [sflag:s31], $0x1000  }
0x682: {  	[sflag:s31] =	ssyncset.done $0x0  }
0x683: {  	[sflag:s31] =	ssyncadd.s32 $0xFFFFF000  }
0x684: {  	_ =	swait.ge [sflag:s31], $0x1000  }
0x685: {  	[sflag:s31] =	ssyncset.done $0x0  }
0x686: {  	[sflag:s31] =	ssyncadd.s32 $0xFFFFF000  }
0x687: {  	_ =	swait.ge [sflag:s31], $0x1000  }
0x688: {  	[sflag:s31] =	ssyncset.done $0x0  }
0x689: {  	[sflag:s31] =	ssyncadd.s32 $0xFFFFF000  }
0x68a: {  	_ =	swait.ge [sflag:s31], $0x1000  }
0x68b: {  	[sflag:s31] =	ssyncset.done $0x0  }
0x68c: {  	[sflag:s31] =	ssyncadd.s32 $0xFFFFF000  }
0x68d: {  	_ =	swait.ge [sflag:s31], $0x1000  }
0x68e: {  	s0 =	sld [smem:$0x7FC];
	_ =	sdelay $0x2  }
0x68f: {  	s1 =	rddreg [dreg:$0x1d];
	s0 =	sadd.s32 $0x1, s0  }
0x690: {  	p0 =	sne.s32 s0, s1  }
.Ltmp20:
0x691: {  	_ = 	snop;
	(pc) =	sbr.rel @p0 .LBB2_1-.Ltmp20, $3  }
0x692: {  	_ =	sdelay $0x1  }
0x693: {  	[sflag:s31] =	ssyncset.done $0x0  }
0x694: {  	[sflag:s31] =	ssyncadd.s32 $0xFFFFF000  }
0x695: {  	_ =	sfence.sel $0x180000  }
0x696: {  	[bflag:$0x0] =	sbarrier.arrive $0xFFFF  }
0x697: {  	_ =	strace $0x90000047  }
0x698: {  	s0 =	stileid.u32;
	[bflag:$0x2] =	sbarrier.arrive $0xFFFF  }
0x699: {  	p0 =	sne.s32 s0, $0x0;
	s0 =	rddreg [dreg:$0x2]  }
0x69a: {  	s0 =	sadd.s32 @!p0 $0x100000, s0  }
0x69b: {  	[sflag:s0] =	ssyncadd.tile.s32 @!p0 $0x1;
	_ =	shalt  }
.Lfunc_end2:
_tile_overlayer_lowered:
.L_overlay_start_2:
0x69c: {  	(tag) =	ssettag $0x2  }
0x69d: {  	s0 =	rddreg [dreg:$0x0];
	s2 =	stileid.u32  }
0x69e: {  	s1 =	rddreg [dreg:$0x1];
	p0 =	sne.s32 s2, $0x0  }
0x69f: {  	s3 =	rddreg [dreg:$0x2];
	[bflag:$0x3] =	sbarrier.arrive $0xFFFF;
	s2 =	simm.s32 @!p0 $0x1C04  }
0x6a0: {  	[timem:s3], [sflag:s2] =	dma.local @!p0 [hbm:s0], s1  }
0x6a1: {  	s0 =	simm.s32 @!p0 $0x4  }
0x6a2: {  	_ =	swait.ge @!p0 [sflag:s0], s1  }
0x6a3: {  	s1 =	ssub.s32 @!p0 $0x0, s1;
	[sflag:s0] =	ssyncset.done @!p0 $0x0  }
0x6a4: {  	[sflag:s0] =	ssyncadd.s32 @!p0 s1  }
0x6a5: {  	[bflag:$0x3] =	sbarrier.arrive $0xFFFF  }
0x6a6: {  	_ =	shalt  }

</sc_bundles>
